<compile_context>
chip_gen: v7x
topology: tpu7x:2x2x1
jax: 0.10.2.dev20260603
libtpu: 0.0.44.dev20260713+nightly
codegen_flags: <defaults>
</compile_context>

<pallas_src>
import functools

import jax
import jax.numpy as jnp
from jax import lax
from jax.experimental import pallas as pl
from jax.experimental.pallas import tpu as pltpu
from jax.experimental.pallas import tpu_sc as plsc

N = 100000
E = 1600000
F = 30
NC = 2
NS = 16
SUB = 128
STRIPE = 6400
N_PAD = NS * STRIPE
PROWS = N_PAD * 16 // 128

E_T2 = 100352
E2 = NS * E_T2
ER = E2 // SUB
R_T2 = E_T2 // SUB
K2 = 2
CH2 = K2 * SUB
NCH2 = R_T2 // K2
NSLOT = 4
NBODY2 = NCH2 // NSLOT

E_T1 = E2 // (NC * NS)
R_T1 = E_T1 // SUB
K1 = 7
CH1 = K1 * SUB
NCH1 = R_T1 // K1
NBODY1 = NCH1 // NSLOT

_mesh = plsc.VectorSubcoreMesh(core_axis_name="c", subcore_axis_name="s")


@functools.partial(
    pl.kernel,
    out_type=jax.ShapeDtypeStruct((NC * N_PAD,), jnp.float32),
    mesh=_mesh,
    compiler_params=pltpu.CompilerParams(use_tc_tiling_on_sc=False),
    scratch_types=[
        pltpu.VMEM((K1, SUB), jnp.int32),
        pltpu.VMEM((K1, SUB), jnp.int32),
        pltpu.VMEM((K1, SUB), jnp.int32),
        pltpu.VMEM((K1, SUB), jnp.int32),
        pltpu.VMEM((SUB,), jnp.float32),
        pltpu.VMEM((STRIPE,), jnp.float32),
        pltpu.VMEM_SHARED((N_PAD,), jnp.float32),
        pltpu.SemaphoreType.DMA,
        pltpu.SemaphoreType.DMA,
        pltpu.SemaphoreType.DMA,
        pltpu.SemaphoreType.DMA,
        pltpu.SemaphoreType.DMA,
    ],
)
def _deg_kernel(edges3, out, i0, i1, i2, i3, ones_v, zbuf, deg_sh,
                l0, l1, l2, l3, ssem):
    c = lax.axis_index("c")
    s = lax.axis_index("s")
    idxs = [i0, i1, i2, i3]
    lsems = [l0, l1, l2, l3]

    def zbody(i, _):
        zbuf[pl.ds(i * 16, 16)] = jnp.zeros((16,), jnp.float32)
        return 0
    lax.fori_loop(0, STRIPE // 16, zbody, 0)
    for i in range(SUB // 16):
        ones_v[pl.ds(i * 16, 16)] = jnp.ones((16,), jnp.float32)
    pltpu.sync_copy(zbuf, deg_sh.at[pl.ds(s * STRIPE, STRIPE)])
    plsc.subcore_barrier()

    row0 = (c * NS + s) * R_T1

    def start_load(chunk, idx, lsem):
        pltpu.async_copy(edges3.at[0, pl.ds(row0 + chunk * K1, K1)], idx, lsem)

    def wait_load(idx, lsem):
        pltpu.make_async_copy(edges3.at[0, pl.ds(0, K1)], idx, lsem).wait()

    def scatter_chunk(idx):
        descs = [pltpu.async_copy(ones_v, deg_sh.at[idx.at[j]], ssem, add=True)
                 for j in range(K1)]
        for d in descs:
            d.wait()

    for t in range(NSLOT):
        start_load(t, idxs[t], lsems[t])

    def body(k, _):
        for t in range(NSLOT):
            wait_load(idxs[t], lsems[t])
            scatter_chunk(idxs[t])

            @pl.when(k < NBODY1 - 1)
            def _():
                start_load(NSLOT * k + t + NSLOT, idxs[t], lsems[t])
        return 0
    lax.fori_loop(0, NBODY1, body, 0)
    plsc.subcore_barrier()
    pltpu.sync_copy(deg_sh.at[pl.ds(s * STRIPE, STRIPE)], zbuf)
    pltpu.sync_copy(zbuf, out.at[pl.ds(c * N_PAD + s * STRIPE, STRIPE)])


@functools.partial(
    pl.kernel,
    out_type=jax.ShapeDtypeStruct((NC, N_PAD, 16), jnp.float32),
    mesh=_mesh,
    compiler_params=pltpu.CompilerParams(use_tc_tiling_on_sc=False),
    scratch_types=[
        pltpu.VMEM((CH2,), jnp.int32),
        pltpu.VMEM((CH2,), jnp.int32),
        pltpu.VMEM((CH2,), jnp.int32),
        pltpu.VMEM((CH2,), jnp.int32),
        pltpu.VMEM((K2, SUB), jnp.int32),
        pltpu.VMEM((K2, SUB), jnp.int32),
        pltpu.VMEM((K2, SUB), jnp.int32),
        pltpu.VMEM((K2, SUB), jnp.int32),
        pltpu.VMEM((CH2, 16), jnp.float32),
        pltpu.VMEM((CH2, 16), jnp.float32),
        pltpu.VMEM((CH2, 16), jnp.float32),
        pltpu.VMEM((CH2, 16), jnp.float32),
        pltpu.VMEM_SHARED((N_PAD, 16), jnp.float32),
        pltpu.SemaphoreType.DMA,
        pltpu.SemaphoreType.DMA,
        pltpu.SemaphoreType.DMA,
        pltpu.SemaphoreType.DMA,
        pltpu.SemaphoreType.DMA,
        pltpu.SemaphoreType.DMA,
        pltpu.SemaphoreType.DMA,
        pltpu.SemaphoreType.DMA,
        pltpu.SemaphoreType.DMA,
    ],
)
def _agg_kernel(tables, epflat, edges3, out, s0, s1, s2, s3, d0, d1, d2, d3,
                r0, r1, r2, r3, agg_sh, g0, g1, g2, g3, l0, l1, l2, l3, ssem):
    c = lax.axis_index("c")
    s = lax.axis_index("s")
    sidxs = [s0, s1, s2, s3]
    didxs = [d0, d1, d2, d3]
    rows = [r0, r1, r2, r3]
    gsems = [g0, g1, g2, g3]
    lsems = [l0, l1, l2, l3]

    def zrow(i, _):
        r0[i] = jnp.zeros((16,), jnp.float32)
        return 0
    lax.fori_loop(0, CH2, zrow, 0)
    nfull = STRIPE // CH2
    for t in range(nfull):
        pltpu.sync_copy(r0, agg_sh.at[pl.ds(s * STRIPE + t * CH2, CH2)])
    plsc.subcore_barrier()

    base = s * E_T2
    row_base = s * R_T2
    tab = tables.at[c]

    def start_load(chunk, sidx, didx, lsem):
        pltpu.async_copy(epflat.at[pl.ds(base + chunk * CH2, CH2)], sidx, lsem)
        pltpu.async_copy(edges3.at[1, pl.ds(row_base + chunk * K2, K2)],
                         didx, lsem)

    def wait_loads(sidx, didx, lsem):
        pltpu.make_async_copy(epflat.at[pl.ds(0, CH2)], sidx, lsem).wait()
        pltpu.make_async_copy(edges3.at[1, pl.ds(0, K2)], didx, lsem).wait()

    def wait_gather(rows_t, gsem):
        pltpu.make_async_copy(tab.at[pl.ds(0, CH2)], rows_t, gsem).wait()

    def scatter_chunk(rows_t, didx):
        descs = [pltpu.async_copy(rows_t.at[pl.ds(j * SUB, SUB)],
                                  agg_sh.at[didx.at[j]], ssem, add=True)
                 for j in range(K2)]
        for d in descs:
            d.wait()

    for t in range(NSLOT):
        start_load(t, sidxs[t], didxs[t], lsems[t])
    for t in range(NSLOT):
        wait_loads(sidxs[t], didxs[t], lsems[t])
        pltpu.async_copy(tab.at[sidxs[t]], rows[t], gsems[t])

    def body(k, _):
        for t in range(NSLOT):
            wait_gather(rows[t], gsems[t])
            scatter_chunk(rows[t], didxs[t])

            @pl.when(k < NBODY2 - 1)
            def _():
                nxt = NSLOT * k + t + NSLOT
                start_load(nxt, sidxs[t], didxs[t], lsems[t])
                wait_loads(sidxs[t], didxs[t], lsems[t])
                pltpu.async_copy(tab.at[sidxs[t]], rows[t], gsems[t])
        return 0
    lax.fori_loop(0, NBODY2, body, 0)
    plsc.subcore_barrier()
    for t in range(nfull):
        pltpu.sync_copy(agg_sh.at[pl.ds(s * STRIPE + t * CH2, CH2)], r0)
        pltpu.sync_copy(r0, out.at[c, pl.ds(s * STRIPE + t * CH2, CH2)])


_XB = 2048
_XG = N_PAD // _XB
_XB1 = 2000
_XG1 = N // _XB1


def _xbuild_body(f_ref, deg_ref, out_ref):
    dT = deg_ref[...]
    d = dT[:, 0:1] + dT[:, 1:2]
    scale = lax.rsqrt(jnp.maximum(d, 1.0))
    x = f_ref[...] * scale
    ones = jnp.ones((_XB1, 1), jnp.float32)
    zeros = jnp.zeros((_XB1, 1), jnp.float32)
    out_ref[0] = jnp.concatenate([x[:, :15], ones], axis=1)
    out_ref[1] = jnp.concatenate([x[:, 15:], zeros], axis=1)


def _silu(x):
    return x * jax.nn.sigmoid(x)


def _head_body(agg_ref, w1_ref, b1_ref, w2_ref, b2_ref, w3_ref, b3_ref,
               out_ref, cmin_ref, cmax_ref):
    i = pl.program_id(0)

    @pl.when(i == 0)
    def _():
        cmin_ref[...] = jnp.full((1, 500), jnp.inf, jnp.float32)
        cmax_ref[...] = jnp.full((1, 500), -jnp.inf, jnp.float32)

    a = agg_ref[0]
    b = agg_ref[1]
    scale = lax.rsqrt(jnp.maximum(a[:, 15:16], 1.0))
    ab = jnp.concatenate([a * scale, b * scale], axis=1)
    h = jnp.dot(ab, w1_ref[...], preferred_element_type=jnp.float32)
    h = h + b1_ref[...]
    node = lax.broadcasted_iota(jnp.int32, (_XB, 1), 0) + i * _XB
    valid = node < N
    hmin = jnp.where(valid, h, jnp.inf)
    hmax = jnp.where(valid, h, -jnp.inf)
    cmin_ref[...] = jnp.minimum(cmin_ref[...],
                                jnp.min(hmin, axis=0, keepdims=True))
    cmax_ref[...] = jnp.maximum(cmax_ref[...],
                                jnp.max(hmax, axis=0, keepdims=True))

    @pl.when(i == _XG - 1)
    def _():
        pooled = jnp.maximum(_silu(cmin_ref[...]), _silu(cmax_ref[...]))
        z = _silu(jnp.dot(pooled, w2_ref[...],
                          preferred_element_type=jnp.float32) + b2_ref[...])
        out_ref[...] = jax.nn.sigmoid(
            jnp.dot(z, w3_ref[...], preferred_element_type=jnp.float32)
            + b3_ref[...])


def kernel(features, edge_index, W1, b1, W2, b2, W3, b3):
    epad = jnp.pad(edge_index, ((0, 0), (0, E2 - E)), constant_values=N)
    edges3 = lax.optimization_barrier(epad.reshape(2, ER, SUB))
    epflat = lax.optimization_barrier(epad.reshape(2 * E2))

    degs = _deg_kernel(edges3)
    degs2 = jnp.transpose(degs.reshape(2, N_PAD))

    xbuild = pl.pallas_call(
        _xbuild_body,
        grid=(_XG1,),
        in_specs=[
            pl.BlockSpec((_XB1, F), lambda i: (i, 0)),
            pl.BlockSpec((_XB1, 2), lambda i: (i, 0)),
        ],
        out_specs=pl.BlockSpec((NC, _XB1, 16), lambda i: (0, i, 0)),
        out_shape=jax.ShapeDtypeStruct((NC, N_PAD, 16), jnp.float32),
    )
    tables = xbuild(features, degs2)

    aggP = _agg_kernel(tables, epflat, edges3)

    W1p = jnp.zeros((32, 500), jnp.float32)
    W1p = W1p.at[0:15].set(W1[0:15])
    W1p = W1p.at[16:31].set(W1[15:30])

    head = pl.pallas_call(
        _head_body,
        grid=(_XG,),
        in_specs=[
            pl.BlockSpec((NC, _XB, 16), lambda i: (0, i, 0)),
            pl.BlockSpec((32, 500), lambda i: (0, 0)),
            pl.BlockSpec((1, 500), lambda i: (0, 0)),
            pl.BlockSpec((500, 20), lambda i: (0, 0)),
            pl.BlockSpec((1, 20), lambda i: (0, 0)),
            pl.BlockSpec((20, 4), lambda i: (0, 0)),
            pl.BlockSpec((1, 4), lambda i: (0, 0)),
        ],
        out_specs=pl.BlockSpec((1, 4), lambda i: (0, 0)),
        out_shape=jax.ShapeDtypeStruct((1, 4), jnp.float32),
        scratch_shapes=[
            pltpu.VMEM((1, 500), jnp.float32),
            pltpu.VMEM((1, 500), jnp.float32),
        ],
    )
    return head(aggP, W1p, b1.reshape(1, 500), W2, b2.reshape(1, 20),
                W3, b3.reshape(1, 4))

# --- scband reference (transcript-rebuilt; emitter-appended) ---
"""Pipeline reference for scband-gconv-net-big-graph-26310969655871 (READ-ONLY COPY).

The authoritative reference and input builder live on the scoring server;
editing this copy changes nothing except your own understanding.
"""

import jax, jax.numpy as jnp
import numpy as np

N_NODES = 100000
N_EDGES = 1600000
F_IN = 30
H1 = 500
H2 = 20
OUT = 4


def setup_inputs(seed: int = 0) -> dict:
    key = jax.random.key(seed)
    ks = jax.random.split(key, 8)
    features = jax.random.normal(ks[0], (N_NODES, F_IN), dtype=jnp.float32)
    edge_index = jax.random.randint(ks[1], (2, N_EDGES), 0, N_NODES, dtype=jnp.int32)
    W1 = jax.random.normal(ks[2], (F_IN, H1), dtype=jnp.float32) * (1.0 / np.sqrt(F_IN))
    b1 = jnp.zeros((H1,), dtype=jnp.float32)
    W2 = jax.random.normal(ks[3], (H1, H2), dtype=jnp.float32) * (1.0 / np.sqrt(H1))
    b2 = jnp.zeros((H2,), dtype=jnp.float32)
    W3 = jax.random.normal(ks[4], (H2, OUT), dtype=jnp.float32) * (1.0 / np.sqrt(H2))
    b3 = jnp.zeros((OUT,), dtype=jnp.float32)
    return {"features": features, "edge_index": edge_index, "W1": W1, "b1": b1, "W2": W2, "b2": b2, "W3": W3, "b3": b3}


def reference(features, edge_index, W1, b1, W2, b2, W3, b3):
    # DGL GraphConv with norm='both', activation=SiLU; in_feats < out_feats so
    # aggregate first, then project.
    src = edge_index[0]
    dst = edge_index[1]
    n = features.shape[0]
    ones = jnp.ones((src.shape[0],), dtype=features.dtype)
    deg_out = jax.ops.segment_sum(ones, src, num_segments=n)
    deg_in = jax.ops.segment_sum(ones, dst, num_segments=n)
    norm_src = jnp.power(jnp.maximum(deg_out, 1.0), -0.5)
    norm_dst = jnp.power(jnp.maximum(deg_in, 1.0), -0.5)
    x = features * norm_src[:, None]
    msg = jnp.take(x, src, axis=0)
    agg = jax.ops.segment_sum(msg, dst, num_segments=n)
    h = agg * norm_dst[:, None]
    h = h @ W1 + b1
    h = jax.nn.silu(h)
    # dgl.nn.MaxPooling over a single graph -> [1, H1]
    pooled = jnp.max(h, axis=0, keepdims=True)
    z = pooled @ W2 + b2
    z = jax.nn.silu(z)
    # Dropout(p=0.2) skipped (deterministic / eval mode)
    out = z @ W3 + b3
    out = jax.nn.sigmoid(out)
    return out

if __name__ == "__main__":
    import jax
    _d = setup_inputs()
    print(jax.jit(kernel)(*tuple(_d.values())))

</pallas_src>

<mosaic_0001>
#map = affine_map<(d0, d1) -> (0, 0, 0)>
#map1 = affine_map<(d0, d1) -> (0)>
module attributes {stable_mosaic.version = 14 : i64} {
  func.func @_deg_kernel(%arg0: i32, %arg1: i32, %arg2: memref<2x12544x128xi32, #tpu.memory_space<hbm>>, %arg3: memref<204800xf32, #tpu.memory_space<hbm>>, %arg4: memref<7x128xi32, #tpu.memory_space<vmem>>, %arg5: memref<7x128xi32, #tpu.memory_space<vmem>>, %arg6: memref<7x128xi32, #tpu.memory_space<vmem>>, %arg7: memref<7x128xi32, #tpu.memory_space<vmem>>, %arg8: memref<128xf32, #tpu.memory_space<vmem>>, %arg9: memref<6400xf32, #tpu.memory_space<vmem>>, %arg10: memref<102400xf32, #tpu.memory_space<vmem_shared>>, %arg11: memref<!tpu.dma_semaphore, #tpu.memory_space<semaphore_mem>>, %arg12: memref<!tpu.dma_semaphore, #tpu.memory_space<semaphore_mem>>, %arg13: memref<!tpu.dma_semaphore, #tpu.memory_space<semaphore_mem>>, %arg14: memref<!tpu.dma_semaphore, #tpu.memory_space<semaphore_mem>>, %arg15: memref<!tpu.dma_semaphore, #tpu.memory_space<semaphore_mem>>) attributes {dimension_semantics = [#tpu.dimension_semantics<core_parallel>, #tpu.dimension_semantics<subcore_parallel>], iteration_bounds = array<i64: 2, 16>, scalar_prefetch = 0 : i64, scratch_operands = 12 : i64, tpu.core_type = #tpu.core_type<sc_vector_subcore>, window_params = [{transform_indices = #map}, {transform_indices = #map1}]} {
    %scan3A = arith.constant 0 : i32
    %scan3A_0 = arith.constant 0 : i32
    %scan3A_1 = arith.constant 400 : i32
    %scan3A_2 = arith.addi %scan3A_0, %scan3A_1 : i32
    %scan3A_3 = arith.constant 1 : i32
    %scan3A_4 = scf.for %scan3A_107 = %scan3A_0 to %scan3A_2 step %scan3A_3 iter_args(%scan3A_108 = %scan3A) -> (i32)  : i32 {
      %broadcast_in_dim3A_109 = arith.constant 0.000000e+00 : f32
      %broadcast_in_dim3A_110 = vector.broadcast %broadcast_in_dim3A_109 : f32 to vector<16xf32>
      %mul3A_111 = arith.constant 16 : i32
      %mul3A_112 = arith.muli %scan3A_107, %mul3A_111 : i32
      %swap3A_113 = arith.index_cast %mul3A_112 : i32 to index
      %swap3A_114 = tpu.vector_load %arg9[%swap3A_113] {strides = array<i32>} : memref<6400xf32, #tpu.memory_space<vmem>>, vector<16xf32>,
      %swap3A_115 = vector.shape_cast %swap3A_114 : vector<16xf32> to vector<16xf32>
      %swap3A_116 = vector.shape_cast %broadcast_in_dim3A_110 : vector<16xf32> to vector<16xf32>
      tpu.vector_store %arg9[%swap3A_113], %swap3A_116 {strides = array<i32>} : memref<6400xf32, #tpu.memory_space<vmem>>, vector<16xf32>,
      %scan3A_117 = arith.constant 0 : i32
      scf.yield %scan3A_117 : i32
    }
    %scan3A_5 = arith.constant 400 : i32
    %broadcast_in_dim3A = arith.constant 1.000000e+00 : f32
    %broadcast_in_dim3A_6 = vector.broadcast %broadcast_in_dim3A : f32 to vector<16xf32>
    %swap3A = arith.constant 0 : index
    %swap3A_7 = tpu.vector_load %arg8[%swap3A] {strides = array<i32>} : memref<128xf32, #tpu.memory_space<vmem>>, vector<16xf32>,
    %swap3A_8 = vector.shape_cast %swap3A_7 : vector<16xf32> to vector<16xf32>
    %swap3A_9 = vector.shape_cast %broadcast_in_dim3A_6 : vector<16xf32> to vector<16xf32>
    tpu.vector_store %arg8[%swap3A], %swap3A_9 {strides = array<i32>} : memref<128xf32, #tpu.memory_space<vmem>>, vector<16xf32>,
    %broadcast_in_dim3A_10 = arith.constant 1.000000e+00 : f32
    %broadcast_in_dim3A_11 = vector.broadcast %broadcast_in_dim3A_10 : f32 to vector<16xf32>
    %swap3A_12 = arith.constant 16 : index
    %swap3A_13 = tpu.vector_load %arg8[%swap3A_12] {strides = array<i32>} : memref<128xf32, #tpu.memory_space<vmem>>, vector<16xf32>,
    %swap3A_14 = vector.shape_cast %swap3A_13 : vector<16xf32> to vector<16xf32>
    %swap3A_15 = vector.shape_cast %broadcast_in_dim3A_11 : vector<16xf32> to vector<16xf32>
    tpu.vector_store %arg8[%swap3A_12], %swap3A_15 {strides = array<i32>} : memref<128xf32, #tpu.memory_space<vmem>>, vector<16xf32>,
    %broadcast_in_dim3A_16 = arith.constant 1.000000e+00 : f32
    %broadcast_in_dim3A_17 = vector.broadcast %broadcast_in_dim3A_16 : f32 to vector<16xf32>
    %swap3A_18 = arith.constant 32 : index
    %swap3A_19 = tpu.vector_load %arg8[%swap3A_18] {strides = array<i32>} : memref<128xf32, #tpu.memory_space<vmem>>, vector<16xf32>,
    %swap3A_20 = vector.shape_cast %swap3A_19 : vector<16xf32> to vector<16xf32>
    %swap3A_21 = vector.shape_cast %broadcast_in_dim3A_17 : vector<16xf32> to vector<16xf32>
    tpu.vector_store %arg8[%swap3A_18], %swap3A_21 {strides = array<i32>} : memref<128xf32, #tpu.memory_space<vmem>>, vector<16xf32>,
    %broadcast_in_dim3A_22 = arith.constant 1.000000e+00 : f32
    %broadcast_in_dim3A_23 = vector.broadcast %broadcast_in_dim3A_22 : f32 to vector<16xf32>
    %swap3A_24 = arith.constant 48 : index
    %swap3A_25 = tpu.vector_load %arg8[%swap3A_24] {strides = array<i32>} : memref<128xf32, #tpu.memory_space<vmem>>, vector<16xf32>,
    %swap3A_26 = vector.shape_cast %swap3A_25 : vector<16xf32> to vector<16xf32>
    %swap3A_27 = vector.shape_cast %broadcast_in_dim3A_23 : vector<16xf32> to vector<16xf32>
    tpu.vector_store %arg8[%swap3A_24], %swap3A_27 {strides = array<i32>} : memref<128xf32, #tpu.memory_space<vmem>>, vector<16xf32>,
    %broadcast_in_dim3A_28 = arith.constant 1.000000e+00 : f32
    %broadcast_in_dim3A_29 = vector.broadcast %broadcast_in_dim3A_28 : f32 to vector<16xf32>
    %swap3A_30 = arith.constant 64 : index
    %swap3A_31 = tpu.vector_load %arg8[%swap3A_30] {strides = array<i32>} : memref<128xf32, #tpu.memory_space<vmem>>, vector<16xf32>,
    %swap3A_32 = vector.shape_cast %swap3A_31 : vector<16xf32> to vector<16xf32>
    %swap3A_33 = vector.shape_cast %broadcast_in_dim3A_29 : vector<16xf32> to vector<16xf32>
    tpu.vector_store %arg8[%swap3A_30], %swap3A_33 {strides = array<i32>} : memref<128xf32, #tpu.memory_space<vmem>>, vector<16xf32>,
    %broadcast_in_dim3A_34 = arith.constant 1.000000e+00 : f32
    %broadcast_in_dim3A_35 = vector.broadcast %broadcast_in_dim3A_34 : f32 to vector<16xf32>
    %swap3A_36 = arith.constant 80 : index
    %swap3A_37 = tpu.vector_load %arg8[%swap3A_36] {strides = array<i32>} : memref<128xf32, #tpu.memory_space<vmem>>, vector<16xf32>,
    %swap3A_38 = vector.shape_cast %swap3A_37 : vector<16xf32> to vector<16xf32>
    %swap3A_39 = vector.shape_cast %broadcast_in_dim3A_35 : vector<16xf32> to vector<16xf32>
    tpu.vector_store %arg8[%swap3A_36], %swap3A_39 {strides = array<i32>} : memref<128xf32, #tpu.memory_space<vmem>>, vector<16xf32>,
    %broadcast_in_dim3A_40 = arith.constant 1.000000e+00 : f32
    %broadcast_in_dim3A_41 = vector.broadcast %broadcast_in_dim3A_40 : f32 to vector<16xf32>
    %swap3A_42 = arith.constant 96 : index
    %swap3A_43 = tpu.vector_load %arg8[%swap3A_42] {strides = array<i32>} : memref<128xf32, #tpu.memory_space<vmem>>, vector<16xf32>,
    %swap3A_44 = vector.shape_cast %swap3A_43 : vector<16xf32> to vector<16xf32>
    %swap3A_45 = vector.shape_cast %broadcast_in_dim3A_41 : vector<16xf32> to vector<16xf32>
    tpu.vector_store %arg8[%swap3A_42], %swap3A_45 {strides = array<i32>} : memref<128xf32, #tpu.memory_space<vmem>>, vector<16xf32>,
    %broadcast_in_dim3A_46 = arith.constant 1.000000e+00 : f32
    %broadcast_in_dim3A_47 = vector.broadcast %broadcast_in_dim3A_46 : f32 to vector<16xf32>
    %swap3A_48 = arith.constant 112 : index
    %swap3A_49 = tpu.vector_load %arg8[%swap3A_48] {strides = array<i32>} : memref<128xf32, #tpu.memory_space<vmem>>, vector<16xf32>,
    %swap3A_50 = vector.shape_cast %swap3A_49 : vector<16xf32> to vector<16xf32>
    %swap3A_51 = vector.shape_cast %broadcast_in_dim3A_47 : vector<16xf32> to vector<16xf32>
    tpu.vector_store %arg8[%swap3A_48], %swap3A_51 {strides = array<i32>} : memref<128xf32, #tpu.memory_space<vmem>>, vector<16xf32>,
    %mul3A = arith.constant 6400 : i32
    %mul3A_52 = arith.muli %arg1, %mul3A : i32
    "tpu.region"() ({
      %run_scoped3A = tpu.sem_alloc : memref<!tpu.dma_semaphore, #tpu.memory_space<semaphore_mem>>
      %dma_start3A_107 = tpu.memref_slice %arg10[%mul3A_52] : memref<102400xf32, #tpu.memory_space<vmem_shared>> -> memref<6400xf32, #tpu.memory_space<vmem_shared>>
      %dma_start3A_108 = tpu.memref_slice %arg10[%mul3A_52] : memref<102400xf32, #tpu.memory_space<vmem_shared>> -> memref<6400xf32, #tpu.memory_space<vmem_shared>>
      tpu.enqueue_dma source(%arg9 : memref<6400xf32, #tpu.memory_space<vmem>>) target(%dma_start3A_108 : memref<6400xf32, #tpu.memory_space<vmem_shared>>) target_semaphore(%run_scoped3A : memref<!tpu.dma_semaphore, #tpu.memory_space<semaphore_mem>>)
      %dma_wait3A = tpu.memref_slice %arg10[%mul3A_52] : memref<102400xf32, #tpu.memory_space<vmem_shared>> -> memref<6400xf32, #tpu.memory_space<vmem_shared>>
      %dma_wait3A_109 = tpu.memref_slice %arg10[%mul3A_52] : memref<102400xf32, #tpu.memory_space<vmem_shared>> -> memref<6400xf32, #tpu.memory_space<vmem_shared>>
      tpu.wait_dma2 semaphore(%run_scoped3A : memref<!tpu.dma_semaphore, #tpu.memory_space<semaphore_mem>>) src(%arg9 : memref<6400xf32, #tpu.memory_space<vmem>>) dst(%dma_wait3A_109 : memref<6400xf32, #tpu.memory_space<vmem_shared>>)
      tpu.yield
    }) : () -> ()
    %barrier3A = arith.constant 0 : index
    tpu.barrier barrier_id(%barrier3A)
    %mul3A_53 = arith.constant 16 : i32
    %mul3A_54 = arith.muli %arg0, %mul3A_53 : i32
    %add3A = arith.addi %mul3A_54, %arg1 : i32
    %mul3A_55 = arith.constant 392 : i32
    %mul3A_56 = arith.muli %add3A, %mul3A_55 : i32
    %add3A_57 = arith.constant 0 : i32
    %add3A_58 = arith.addi %mul3A_56, %add3A_57 : i32
    %dma_start3A = arith.constant 0 : i32
    %dma_start3A_59 = arith.constant 0 : i32
    %dma_start3A_60 = tpu.memref_slice %arg2[%dma_start3A, %add3A_58, %dma_start3A_59] : memref<2x12544x128xi32, #tpu.memory_space<hbm>> -> memref<1x7x128xi32, #tpu.memory_space<hbm>>
    %dma_start3A_61 = tpu.memref_squeeze %dma_start3A_60 : memref<1x7x128xi32, #tpu.memory_space<hbm>> -> memref<7x128xi32, #tpu.memory_space<hbm>>
    %dma_start3A_62 = arith.constant 0 : i32
    %dma_start3A_63 = tpu.memref_slice %arg2[%dma_start3A, %add3A_58, %dma_start3A_62] : memref<2x12544x128xi32, #tpu.memory_space<hbm>> -> memref<1x7x128xi32, #tpu.memory_space<hbm>>
    %dma_start3A_64 = tpu.memref_squeeze %dma_start3A_63 : memref<1x7x128xi32, #tpu.memory_space<hbm>> -> memref<7x128xi32, #tpu.memory_space<hbm>>
    tpu.enqueue_dma source(%dma_start3A_64 : memref<7x128xi32, #tpu.memory_space<hbm>>) target(%arg4 : memref<7x128xi32, #tpu.memory_space<vmem>>) target_semaphore(%arg11 : memref<!tpu.dma_semaphore, #tpu.memory_space<semaphore_mem>>)
    %add3A_65 = arith.constant 7 : i32
    %add3A_66 = arith.addi %mul3A_56, %add3A_65 : i32
    %dma_start3A_67 = arith.constant 0 : i32
    %dma_start3A_68 = arith.constant 0 : i32
    %dma_start3A_69 = tpu.memref_slice %arg2[%dma_start3A_67, %add3A_66, %dma_start3A_68] : memref<2x12544x128xi32, #tpu.memory_space<hbm>> -> memref<1x7x128xi32, #tpu.memory_space<hbm>>
    %dma_start3A_70 = tpu.memref_squeeze %dma_start3A_69 : memref<1x7x128xi32, #tpu.memory_space<hbm>> -> memref<7x128xi32, #tpu.memory_space<hbm>>
    %dma_start3A_71 = arith.constant 0 : i32
    %dma_start3A_72 = tpu.memref_slice %arg2[%dma_start3A_67, %add3A_66, %dma_start3A_71] : memref<2x12544x128xi32, #tpu.memory_space<hbm>> -> memref<1x7x128xi32, #tpu.memory_space<hbm>>
    %dma_start3A_73 = tpu.memref_squeeze %dma_start3A_72 : memref<1x7x128xi32, #tpu.memory_space<hbm>> -> memref<7x128xi32, #tpu.memory_space<hbm>>
    tpu.enqueue_dma source(%dma_start3A_73 : memref<7x128xi32, #tpu.memory_space<hbm>>) target(%arg5 : memref<7x128xi32, #tpu.memory_space<vmem>>) target_semaphore(%arg12 : memref<!tpu.dma_semaphore, #tpu.memory_space<semaphore_mem>>)
    %add3A_74 = arith.constant 14 : i32
    %add3A_75 = arith.addi %mul3A_56, %add3A_74 : i32
    %dma_start3A_76 = arith.constant 0 : i32
    %dma_start3A_77 = arith.constant 0 : i32
    %dma_start3A_78 = tpu.memref_slice %arg2[%dma_start3A_76, %add3A_75, %dma_start3A_77] : memref<2x12544x128xi32, #tpu.memory_space<hbm>> -> memref<1x7x128xi32, #tpu.memory_space<hbm>>
    %dma_start3A_79 = tpu.memref_squeeze %dma_start3A_78 : memref<1x7x128xi32, #tpu.memory_space<hbm>> -> memref<7x128xi32, #tpu.memory_space<hbm>>
    %dma_start3A_80 = arith.constant 0 : i32
    %dma_start3A_81 = tpu.memref_slice %arg2[%dma_start3A_76, %add3A_75, %dma_start3A_80] : memref<2x12544x128xi32, #tpu.memory_space<hbm>> -> memref<1x7x128xi32, #tpu.memory_space<hbm>>
    %dma_start3A_82 = tpu.memref_squeeze %dma_start3A_81 : memref<1x7x128xi32, #tpu.memory_space<hbm>> -> memref<7x128xi32, #tpu.memory_space<hbm>>
    tpu.enqueue_dma source(%dma_start3A_82 : memref<7x128xi32, #tpu.memory_space<hbm>>) target(%arg6 : memref<7x128xi32, #tpu.memory_space<vmem>>) target_semaphore(%arg13 : memref<!tpu.dma_semaphore, #tpu.memory_space<semaphore_mem>>)
    %add3A_83 = arith.constant 21 : i32
    %add3A_84 = arith.addi %mul3A_56, %add3A_83 : i32
    %dma_start3A_85 = arith.constant 0 : i32
    %dma_start3A_86 = arith.constant 0 : i32
    %dma_start3A_87 = tpu.memref_slice %arg2[%dma_start3A_85, %add3A_84, %dma_start3A_86] : memref<2x12544x128xi32, #tpu.memory_space<hbm>> -> memref<1x7x128xi32, #tpu.memory_space<hbm>>
    %dma_start3A_88 = tpu.memref_squeeze %dma_start3A_87 : memref<1x7x128xi32, #tpu.memory_space<hbm>> -> memref<7x128xi32, #tpu.memory_space<hbm>>
    %dma_start3A_89 = arith.constant 0 : i32
    %dma_start3A_90 = tpu.memref_slice %arg2[%dma_start3A_85, %add3A_84, %dma_start3A_89] : memref<2x12544x128xi32, #tpu.memory_space<hbm>> -> memref<1x7x128xi32, #tpu.memory_space<hbm>>
    %dma_start3A_91 = tpu.memref_squeeze %dma_start3A_90 : memref<1x7x128xi32, #tpu.memory_space<hbm>> -> memref<7x128xi32, #tpu.memory_space<hbm>>
    tpu.enqueue_dma source(%dma_start3A_91 : memref<7x128xi32, #tpu.memory_space<hbm>>) target(%arg7 : memref<7x128xi32, #tpu.memory_space<vmem>>) target_semaphore(%arg14 : memref<!tpu.dma_semaphore, #tpu.memory_space<semaphore_mem>>)
    %scan3A_92 = arith.constant 0 : i32
    %scan3A_93 = arith.constant 0 : i32
    %scan3A_94 = arith.constant 14 : i32
    %scan3A_95 = arith.addi %scan3A_93, %scan3A_94 : i32
    %scan3A_96 = arith.constant 1 : i32
    %scan3A_97 = scf.for %scan3A_107 = %scan3A_93 to %scan3A_95 step %scan3A_96 iter_args(%scan3A_108 = %scan3A_92) -> (i32)  : i32 {
      %dma_wait3A = arith.constant 0 : i32
      %dma_wait3A_109 = arith.constant 0 : i32
      %dma_wait3A_110 = arith.constant 0 : i32
      %dma_wait3A_111 = tpu.memref_slice %arg2[%dma_wait3A, %dma_wait3A_109, %dma_wait3A_110] : memref<2x12544x128xi32, #tpu.memory_space<hbm>> -> memref<1x7x128xi32, #tpu.memory_space<hbm>>
      %dma_wait3A_112 = tpu.memref_squeeze %dma_wait3A_111 : memref<1x7x128xi32, #tpu.memory_space<hbm>> -> memref<7x128xi32, #tpu.memory_space<hbm>>
      %dma_wait3A_113 = arith.constant 0 : i32
      %dma_wait3A_114 = arith.constant 0 : i32
      %dma_wait3A_115 = tpu.memref_slice %arg2[%dma_wait3A, %dma_wait3A_113, %dma_wait3A_114] : memref<2x12544x128xi32, #tpu.memory_space<hbm>> -> memref<1x7x128xi32, #tpu.memory_space<hbm>>
      %dma_wait3A_116 = tpu.memref_squeeze %dma_wait3A_115 : memref<1x7x128xi32, #tpu.memory_space<hbm>> -> memref<7x128xi32, #tpu.memory_space<hbm>>
      tpu.wait_dma2 semaphore(%arg11 : memref<!tpu.dma_semaphore, #tpu.memory_space<semaphore_mem>>) src(%dma_wait3A_116 : memref<7x128xi32, #tpu.memory_space<hbm>>) dst(%arg4 : memref<7x128xi32, #tpu.memory_space<vmem>>)
      %dma_start3A_117 = arith.constant 0 : i32
      %dma_start3A_118 = arith.constant 0 : i32
      %dma_start3A_119 = tpu.memref_slice %arg4[%dma_start3A_117, %dma_start3A_118] : memref<7x128xi32, #tpu.memory_space<vmem>> -> memref<1x128xi32, #tpu.memory_space<vmem>>
      %dma_start3A_120 = tpu.memref_squeeze %dma_start3A_119 : memref<1x128xi32, #tpu.memory_space<vmem>> -> memref<128xi32, #tpu.memory_space<vmem>>
      %dma_start3A_121 = arith.constant 0 : i32
      %dma_start3A_122 = tpu.memref_slice %arg10[%dma_start3A_121] : memref<102400xf32, #tpu.memory_space<vmem_shared>> -> memref<102400xf32, #tpu.memory_space<vmem_shared>>
      tpu.enqueue_indirect_dma source(%arg8 : memref<128xf32, #tpu.memory_space<vmem>>) target(%dma_start3A_122 : memref<102400xf32, #tpu.memory_space<vmem_shared>>) offsets(%dma_start3A_120 : memref<128xi32, #tpu.memory_space<vmem>>) semaphore(%arg15 : memref<!tpu.dma_semaphore, #tpu.memory_space<semaphore_mem>>) {add = true}
      %dma_start3A_123 = arith.constant 1 : i32
      %dma_start3A_124 = arith.constant 0 : i32
      %dma_start3A_125 = tpu.memref_slice %arg4[%dma_start3A_123, %dma_start3A_124] : memref<7x128xi32, #tpu.memory_space<vmem>> -> memref<1x128xi32, #tpu.memory_space<vmem>>
      %dma_start3A_126 = tpu.memref_squeeze %dma_start3A_125 : memref<1x128xi32, #tpu.memory_space<vmem>> -> memref<128xi32, #tpu.memory_space<vmem>>
      %dma_start3A_127 = arith.constant 0 : i32
      %dma_start3A_128 = tpu.memref_slice %arg10[%dma_start3A_127] : memref<102400xf32, #tpu.memory_space<vmem_shared>> -> memref<102400xf32, #tpu.memory_space<vmem_shared>>
      tpu.enqueue_indirect_dma source(%arg8 : memref<128xf32, #tpu.memory_space<vmem>>) target(%dma_start3A_128 : memref<102400xf32, #tpu.memory_space<vmem_shared>>) offsets(%dma_start3A_126 : memref<128xi32, #tpu.memory_space<vmem>>) semaphore(%arg15 : memref<!tpu.dma_semaphore, #tpu.memory_space<semaphore_mem>>) {add = true}
      %dma_start3A_129 = arith.constant 2 : i32
      %dma_start3A_130 = arith.constant 0 : i32
      %dma_start3A_131 = tpu.memref_slice %arg4[%dma_start3A_129, %dma_start3A_130] : memref<7x128xi32, #tpu.memory_space<vmem>> -> memref<1x128xi32, #tpu.memory_space<vmem>>
      %dma_start3A_132 = tpu.memref_squeeze %dma_start3A_131 : memref<1x128xi32, #tpu.memory_space<vmem>> -> memref<128xi32, #tpu.memory_space<vmem>>
      %dma_start3A_133 = arith.constant 0 : i32
      %dma_start3A_134 = tpu.memref_slice %arg10[%dma_start3A_133] : memref<102400xf32, #tpu.memory_space<vmem_shared>> -> memref<102400xf32, #tpu.memory_space<vmem_shared>>
      tpu.enqueue_indirect_dma source(%arg8 : memref<128xf32, #tpu.memory_space<vmem>>) target(%dma_start3A_134 : memref<102400xf32, #tpu.memory_space<vmem_shared>>) offsets(%dma_start3A_132 : memref<128xi32, #tpu.memory_space<vmem>>) semaphore(%arg15 : memref<!tpu.dma_semaphore, #tpu.memory_space<semaphore_mem>>) {add = true}
      %dma_start3A_135 = arith.constant 3 : i32
      %dma_start3A_136 = arith.constant 0 : i32
      %dma_start3A_137 = tpu.memref_slice %arg4[%dma_start3A_135, %dma_start3A_136] : memref<7x128xi32, #tpu.memory_space<vmem>> -> memref<1x128xi32, #tpu.memory_space<vmem>>
      %dma_start3A_138 = tpu.memref_squeeze %dma_start3A_137 : memref<1x128xi32, #tpu.memory_space<vmem>> -> memref<128xi32, #tpu.memory_space<vmem>>
      %dma_start3A_139 = arith.constant 0 : i32
      %dma_start3A_140 = tpu.memref_slice %arg10[%dma_start3A_139] : memref<102400xf32, #tpu.memory_space<vmem_shared>> -> memref<102400xf32, #tpu.memory_space<vmem_shared>>
      tpu.enqueue_indirect_dma source(%arg8 : memref<128xf32, #tpu.memory_space<vmem>>) target(%dma_start3A_140 : memref<102400xf32, #tpu.memory_space<vmem_shared>>) offsets(%dma_start3A_138 : memref<128xi32, #tpu.memory_space<vmem>>) semaphore(%arg15 : memref<!tpu.dma_semaphore, #tpu.memory_space<semaphore_mem>>) {add = true}
      %dma_start3A_141 = arith.constant 4 : i32
      %dma_start3A_142 = arith.constant 0 : i32
      %dma_start3A_143 = tpu.memref_slice %arg4[%dma_start3A_141, %dma_start3A_142] : memref<7x128xi32, #tpu.memory_space<vmem>> -> memref<1x128xi32, #tpu.memory_space<vmem>>
      %dma_start3A_144 = tpu.memref_squeeze %dma_start3A_143 : memref<1x128xi32, #tpu.memory_space<vmem>> -> memref<128xi32, #tpu.memory_space<vmem>>
      %dma_start3A_145 = arith.constant 0 : i32
      %dma_start3A_146 = tpu.memref_slice %arg10[%dma_start3A_145] : memref<102400xf32, #tpu.memory_space<vmem_shared>> -> memref<102400xf32, #tpu.memory_space<vmem_shared>>
      tpu.enqueue_indirect_dma source(%arg8 : memref<128xf32, #tpu.memory_space<vmem>>) target(%dma_start3A_146 : memref<102400xf32, #tpu.memory_space<vmem_shared>>) offsets(%dma_start3A_144 : memref<128xi32, #tpu.memory_space<vmem>>) semaphore(%arg15 : memref<!tpu.dma_semaphore, #tpu.memory_space<semaphore_mem>>) {add = true}
      %dma_start3A_147 = arith.constant 5 : i32
      %dma_start3A_148 = arith.constant 0 : i32
      %dma_start3A_149 = tpu.memref_slice %arg4[%dma_start3A_147, %dma_start3A_148] : memref<7x128xi32, #tpu.memory_space<vmem>> -> memref<1x128xi32, #tpu.memory_space<vmem>>
      %dma_start3A_150 = tpu.memref_squeeze %dma_start3A_149 : memref<1x128xi32, #tpu.memory_space<vmem>> -> memref<128xi32, #tpu.memory_space<vmem>>
      %dma_start3A_151 = arith.constant 0 : i32
      %dma_start3A_152 = tpu.memref_slice %arg10[%dma_start3A_151] : memref<102400xf32, #tpu.memory_space<vmem_shared>> -> memref<102400xf32, #tpu.memory_space<vmem_shared>>
      tpu.enqueue_indirect_dma source(%arg8 : memref<128xf32, #tpu.memory_space<vmem>>) target(%dma_start3A_152 : memref<102400xf32, #tpu.memory_space<vmem_shared>>) offsets(%dma_start3A_150 : memref<128xi32, #tpu.memory_space<vmem>>) semaphore(%arg15 : memref<!tpu.dma_semaphore, #tpu.memory_space<semaphore_mem>>) {add = true}
      %dma_start3A_153 = arith.constant 6 : i32
      %dma_start3A_154 = arith.constant 0 : i32
      %dma_start3A_155 = tpu.memref_slice %arg4[%dma_start3A_153, %dma_start3A_154] : memref<7x128xi32, #tpu.memory_space<vmem>> -> memref<1x128xi32, #tpu.memory_space<vmem>>
      %dma_start3A_156 = tpu.memref_squeeze %dma_start3A_155 : memref<1x128xi32, #tpu.memory_space<vmem>> -> memref<128xi32, #tpu.memory_space<vmem>>
      %dma_start3A_157 = arith.constant 0 : i32
      %dma_start3A_158 = tpu.memref_slice %arg10[%dma_start3A_157] : memref<102400xf32, #tpu.memory_space<vmem_shared>> -> memref<102400xf32, #tpu.memory_space<vmem_shared>>
      tpu.enqueue_indirect_dma source(%arg8 : memref<128xf32, #tpu.memory_space<vmem>>) target(%dma_start3A_158 : memref<102400xf32, #tpu.memory_space<vmem_shared>>) offsets(%dma_start3A_156 : memref<128xi32, #tpu.memory_space<vmem>>) semaphore(%arg15 : memref<!tpu.dma_semaphore, #tpu.memory_space<semaphore_mem>>) {add = true}
      %dma_wait3A_159 = arith.constant 0 : i32
      %dma_wait3A_160 = arith.constant 0 : i32
      %dma_wait3A_161 = tpu.memref_slice %arg4[%dma_wait3A_159, %dma_wait3A_160] : memref<7x128xi32, #tpu.memory_space<vmem>> -> memref<1x128xi32, #tpu.memory_space<vmem>>
      %dma_wait3A_162 = tpu.memref_squeeze %dma_wait3A_161 : memref<1x128xi32, #tpu.memory_space<vmem>> -> memref<128xi32, #tpu.memory_space<vmem>>
      %dma_wait3A_163 = arith.constant 0 : i32
      %dma_wait3A_164 = tpu.memref_slice %arg10[%dma_wait3A_163] : memref<102400xf32, #tpu.memory_space<vmem_shared>> -> memref<102400xf32, #tpu.memory_space<vmem_shared>>
      tpu.wait_indirect_dma semaphore(%arg15 : memref<!tpu.dma_semaphore, #tpu.memory_space<semaphore_mem>>) src(%arg8 : memref<128xf32, #tpu.memory_space<vmem>>) dst(%dma_wait3A_164 : memref<102400xf32, #tpu.memory_space<vmem_shared>>)
      %dma_wait3A_165 = arith.constant 1 : i32
      %dma_wait3A_166 = arith.constant 0 : i32
      %dma_wait3A_167 = tpu.memref_slice %arg4[%dma_wait3A_165, %dma_wait3A_166] : memref<7x128xi32, #tpu.memory_space<vmem>> -> memref<1x128xi32, #tpu.memory_space<vmem>>
      %dma_wait3A_168 = tpu.memref_squeeze %dma_wait3A_167 : memref<1x128xi32, #tpu.memory_space<vmem>> -> memref<128xi32, #tpu.memory_space<vmem>>
      %dma_wait3A_169 = arith.constant 0 : i32
      %dma_wait3A_170 = tpu.memref_slice %arg10[%dma_wait3A_169] : memref<102400xf32, #tpu.memory_space<vmem_shared>> -> memref<102400xf32, #tpu.memory_space<vmem_shared>>
      tpu.wait_indirect_dma semaphore(%arg15 : memref<!tpu.dma_semaphore, #tpu.memory_space<semaphore_mem>>) src(%arg8 : memref<128xf32, #tpu.memory_space<vmem>>) dst(%dma_wait3A_170 : memref<102400xf32, #tpu.memory_space<vmem_shared>>)
      %dma_wait3A_171 = arith.constant 2 : i32
      %dma_wait3A_172 = arith.constant 0 : i32
      %dma_wait3A_173 = tpu.memref_slice %arg4[%dma_wait3A_171, %dma_wait3A_172] : memref<7x128xi32, #tpu.memory_space<vmem>> -> memref<1x128xi32, #tpu.memory_space<vmem>>
      %dma_wait3A_174 = tpu.memref_squeeze %dma_wait3A_173 : memref<1x128xi32, #tpu.memory_space<vmem>> -> memref<128xi32, #tpu.memory_space<vmem>>
      %dma_wait3A_175 = arith.constant 0 : i32
      %dma_wait3A_176 = tpu.memref_slice %arg10[%dma_wait3A_175] : memref<102400xf32, #tpu.memory_space<vmem_shared>> -> memref<102400xf32, #tpu.memory_space<vmem_shared>>
      tpu.wait_indirect_dma semaphore(%arg15 : memref<!tpu.dma_semaphore, #tpu.memory_space<semaphore_mem>>) src(%arg8 : memref<128xf32, #tpu.memory_space<vmem>>) dst(%dma_wait3A_176 : memref<102400xf32, #tpu.memory_space<vmem_shared>>)
      %dma_wait3A_177 = arith.constant 3 : i32
      %dma_wait3A_178 = arith.constant 0 : i32
      %dma_wait3A_179 = tpu.memref_slice %arg4[%dma_wait3A_177, %dma_wait3A_178] : memref<7x128xi32, #tpu.memory_space<vmem>> -> memref<1x128xi32, #tpu.memory_space<vmem>>
      %dma_wait3A_180 = tpu.memref_squeeze %dma_wait3A_179 : memref<1x128xi32, #tpu.memory_space<vmem>> -> memref<128xi32, #tpu.memory_space<vmem>>
      %dma_wait3A_181 = arith.constant 0 : i32
      %dma_wait3A_182 = tpu.memref_slice %arg10[%dma_wait3A_181] : memref<102400xf32, #tpu.memory_space<vmem_shared>> -> memref<102400xf32, #tpu.memory_space<vmem_shared>>
      tpu.wait_indirect_dma semaphore(%arg15 : memref<!tpu.dma_semaphore, #tpu.memory_space<semaphore_mem>>) src(%arg8 : memref<128xf32, #tpu.memory_space<vmem>>) dst(%dma_wait3A_182 : memref<102400xf32, #tpu.memory_space<vmem_shared>>)
      %dma_wait3A_183 = arith.constant 4 : i32
      %dma_wait3A_184 = arith.constant 0 : i32
      %dma_wait3A_185 = tpu.memref_slice %arg4[%dma_wait3A_183, %dma_wait3A_184] : memref<7x128xi32, #tpu.memory_space<vmem>> -> memref<1x128xi32, #tpu.memory_space<vmem>>
      %dma_wait3A_186 = tpu.memref_squeeze %dma_wait3A_185 : memref<1x128xi32, #tpu.memory_space<vmem>> -> memref<128xi32, #tpu.memory_space<vmem>>
      %dma_wait3A_187 = arith.constant 0 : i32
      %dma_wait3A_188 = tpu.memref_slice %arg10[%dma_wait3A_187] : memref<102400xf32, #tpu.memory_space<vmem_shared>> -> memref<102400xf32, #tpu.memory_space<vmem_shared>>
      tpu.wait_indirect_dma semaphore(%arg15 : memref<!tpu.dma_semaphore, #tpu.memory_space<semaphore_mem>>) src(%arg8 : memref<128xf32, #tpu.memory_space<vmem>>) dst(%dma_wait3A_188 : memref<102400xf32, #tpu.memory_space<vmem_shared>>)
      %dma_wait3A_189 = arith.constant 5 : i32
      %dma_wait3A_190 = arith.constant 0 : i32
      %dma_wait3A_191 = tpu.memref_slice %arg4[%dma_wait3A_189, %dma_wait3A_190] : memref<7x128xi32, #tpu.memory_space<vmem>> -> memref<1x128xi32, #tpu.memory_space<vmem>>
      %dma_wait3A_192 = tpu.memref_squeeze %dma_wait3A_191 : memref<1x128xi32, #tpu.memory_space<vmem>> -> memref<128xi32, #tpu.memory_space<vmem>>
      %dma_wait3A_193 = arith.constant 0 : i32
      %dma_wait3A_194 = tpu.memref_slice %arg10[%dma_wait3A_193] : memref<102400xf32, #tpu.memory_space<vmem_shared>> -> memref<102400xf32, #tpu.memory_space<vmem_shared>>
      tpu.wait_indirect_dma semaphore(%arg15 : memref<!tpu.dma_semaphore, #tpu.memory_space<semaphore_mem>>) src(%arg8 : memref<128xf32, #tpu.memory_space<vmem>>) dst(%dma_wait3A_194 : memref<102400xf32, #tpu.memory_space<vmem_shared>>)
      %dma_wait3A_195 = arith.constant 6 : i32
      %dma_wait3A_196 = arith.constant 0 : i32
      %dma_wait3A_197 = tpu.memref_slice %arg4[%dma_wait3A_195, %dma_wait3A_196] : memref<7x128xi32, #tpu.memory_space<vmem>> -> memref<1x128xi32, #tpu.memory_space<vmem>>
      %dma_wait3A_198 = tpu.memref_squeeze %dma_wait3A_197 : memref<1x128xi32, #tpu.memory_space<vmem>> -> memref<128xi32, #tpu.memory_space<vmem>>
      %dma_wait3A_199 = arith.constant 0 : i32
      %dma_wait3A_200 = tpu.memref_slice %arg10[%dma_wait3A_199] : memref<102400xf32, #tpu.memory_space<vmem_shared>> -> memref<102400xf32, #tpu.memory_space<vmem_shared>>
      tpu.wait_indirect_dma semaphore(%arg15 : memref<!tpu.dma_semaphore, #tpu.memory_space<semaphore_mem>>) src(%arg8 : memref<128xf32, #tpu.memory_space<vmem>>) dst(%dma_wait3A_200 : memref<102400xf32, #tpu.memory_space<vmem_shared>>)
      %lt3A = arith.constant 13 : i32
      %lt3A_201 = arith.cmpi slt, %scan3A_107, %lt3A : i32
      %convert_element_type3A = arith.extui %lt3A_201 : i1 to i32
      %cond3A = arith.constant 0 : i32
      %cond3A_202 = arith.cmpi ne, %convert_element_type3A, %cond3A : i32
      scf.if %cond3A_202 {
        %mul3A_498 = arith.constant 4 : i32
        %mul3A_499 = arith.muli %mul3A_498, %scan3A_107 : i32
        %add3A_500 = arith.constant 0 : i32
        %add3A_501 = arith.addi %mul3A_499, %add3A_500 : i32
        %add3A_502 = arith.constant 4 : i32
        %add3A_503 = arith.addi %add3A_501, %add3A_502 : i32
        %mul3A_504 = arith.constant 7 : i32
        %mul3A_505 = arith.muli %add3A_503, %mul3A_504 : i32
        %add3A_506 = arith.addi %mul3A_56, %mul3A_505 : i32
        %dma_start3A_507 = arith.constant 0 : i32
        %dma_start3A_508 = arith.constant 0 : i32
        %dma_start3A_509 = tpu.memref_slice %arg2[%dma_start3A_507, %add3A_506, %dma_start3A_508] : memref<2x12544x128xi32, #tpu.memory_space<hbm>> -> memref<1x7x128xi32, #tpu.memory_space<hbm>>
        %dma_start3A_510 = tpu.memref_squeeze %dma_start3A_509 : memref<1x7x128xi32, #tpu.memory_space<hbm>> -> memref<7x128xi32, #tpu.memory_space<hbm>>
        %dma_start3A_511 = arith.constant 0 : i32
        %dma_start3A_512 = tpu.memref_slice %arg2[%dma_start3A_507, %add3A_506, %dma_start3A_511] : memref<2x12544x128xi32, #tpu.memory_space<hbm>> -> memref<1x7x128xi32, #tpu.memory_space<hbm>>
        %dma_start3A_513 = tpu.memref_squeeze %dma_start3A_512 : memref<1x7x128xi32, #tpu.memory_space<hbm>> -> memref<7x128xi32, #tpu.memory_space<hbm>>
        tpu.enqueue_dma source(%dma_start3A_513 : memref<7x128xi32, #tpu.memory_space<hbm>>) target(%arg4 : memref<7x128xi32, #tpu.memory_space<vmem>>) target_semaphore(%arg11 : memref<!tpu.dma_semaphore, #tpu.memory_space<semaphore_mem>>)
      } else {
      }
      %dma_wait3A_203 = arith.constant 0 : i32
      %dma_wait3A_204 = arith.constant 0 : i32
      %dma_wait3A_205 = arith.constant 0 : i32
      %dma_wait3A_206 = tpu.memref_slice %arg2[%dma_wait3A_203, %dma_wait3A_204, %dma_wait3A_205] : memref<2x12544x128xi32, #tpu.memory_space<hbm>> -> memref<1x7x128xi32, #tpu.memory_space<hbm>>
      %dma_wait3A_207 = tpu.memref_squeeze %dma_wait3A_206 : memref<1x7x128xi32, #tpu.memory_space<hbm>> -> memref<7x128xi32, #tpu.memory_space<hbm>>
      %dma_wait3A_208 = arith.constant 0 : i32
      %dma_wait3A_209 = arith.constant 0 : i32
      %dma_wait3A_210 = tpu.memref_slice %arg2[%dma_wait3A_203, %dma_wait3A_208, %dma_wait3A_209] : memref<2x12544x128xi32, #tpu.memory_space<hbm>> -> memref<1x7x128xi32, #tpu.memory_space<hbm>>
      %dma_wait3A_211 = tpu.memref_squeeze %dma_wait3A_210 : memref<1x7x128xi32, #tpu.memory_space<hbm>> -> memref<7x128xi32, #tpu.memory_space<hbm>>
      tpu.wait_dma2 semaphore(%arg12 : memref<!tpu.dma_semaphore, #tpu.memory_space<semaphore_mem>>) src(%dma_wait3A_211 : memref<7x128xi32, #tpu.memory_space<hbm>>) dst(%arg5 : memref<7x128xi32, #tpu.memory_space<vmem>>)
      %dma_start3A_212 = arith.constant 0 : i32
      %dma_start3A_213 = arith.constant 0 : i32
      %dma_start3A_214 = tpu.memref_slice %arg5[%dma_start3A_212, %dma_start3A_213] : memref<7x128xi32, #tpu.memory_space<vmem>> -> memref<1x128xi32, #tpu.memory_space<vmem>>
      %dma_start3A_215 = tpu.memref_squeeze %dma_start3A_214 : memref<1x128xi32, #tpu.memory_space<vmem>> -> memref<128xi32, #tpu.memory_space<vmem>>
      %dma_start3A_216 = arith.constant 0 : i32
      %dma_start3A_217 = tpu.memref_slice %arg10[%dma_start3A_216] : memref<102400xf32, #tpu.memory_space<vmem_shared>> -> memref<102400xf32, #tpu.memory_space<vmem_shared>>
      tpu.enqueue_indirect_dma source(%arg8 : memref<128xf32, #tpu.memory_space<vmem>>) target(%dma_start3A_217 : memref<102400xf32, #tpu.memory_space<vmem_shared>>) offsets(%dma_start3A_215 : memref<128xi32, #tpu.memory_space<vmem>>) semaphore(%arg15 : memref<!tpu.dma_semaphore, #tpu.memory_space<semaphore_mem>>) {add = true}
      %dma_start3A_218 = arith.constant 1 : i32
      %dma_start3A_219 = arith.constant 0 : i32
      %dma_start3A_220 = tpu.memref_slice %arg5[%dma_start3A_218, %dma_start3A_219] : memref<7x128xi32, #tpu.memory_space<vmem>> -> memref<1x128xi32, #tpu.memory_space<vmem>>
      %dma_start3A_221 = tpu.memref_squeeze %dma_start3A_220 : memref<1x128xi32, #tpu.memory_space<vmem>> -> memref<128xi32, #tpu.memory_space<vmem>>
      %dma_start3A_222 = arith.constant 0 : i32
      %dma_start3A_223 = tpu.memref_slice %arg10[%dma_start3A_222] : memref<102400xf32, #tpu.memory_space<vmem_shared>> -> memref<102400xf32, #tpu.memory_space<vmem_shared>>
      tpu.enqueue_indirect_dma source(%arg8 : memref<128xf32, #tpu.memory_space<vmem>>) target(%dma_start3A_223 : memref<102400xf32, #tpu.memory_space<vmem_shared>>) offsets(%dma_start3A_221 : memref<128xi32, #tpu.memory_space<vmem>>) semaphore(%arg15 : memref<!tpu.dma_semaphore, #tpu.memory_space<semaphore_mem>>) {add = true}
      %dma_start3A_224 = arith.constant 2 : i32
      %dma_start3A_225 = arith.constant 0 : i32
      %dma_start3A_226 = tpu.memref_slice %arg5[%dma_start3A_224, %dma_start3A_225] : memref<7x128xi32, #tpu.memory_space<vmem>> -> memref<1x128xi32, #tpu.memory_space<vmem>>
      %dma_start3A_227 = tpu.memref_squeeze %dma_start3A_226 : memref<1x128xi32, #tpu.memory_space<vmem>> -> memref<128xi32, #tpu.memory_space<vmem>>
      %dma_start3A_228 = arith.constant 0 : i32
      %dma_start3A_229 = tpu.memref_slice %arg10[%dma_start3A_228] : memref<102400xf32, #tpu.memory_space<vmem_shared>> -> memref<102400xf32, #tpu.memory_space<vmem_shared>>
      tpu.enqueue_indirect_dma source(%arg8 : memref<128xf32, #tpu.memory_space<vmem>>) target(%dma_start3A_229 : memref<102400xf32, #tpu.memory_space<vmem_shared>>) offsets(%dma_start3A_227 : memref<128xi32, #tpu.memory_space<vmem>>) semaphore(%arg15 : memref<!tpu.dma_semaphore, #tpu.memory_space<semaphore_mem>>) {add = true}
      %dma_start3A_230 = arith.constant 3 : i32
      %dma_start3A_231 = arith.constant 0 : i32
      %dma_start3A_232 = tpu.memref_slice %arg5[%dma_start3A_230, %dma_start3A_231] : memref<7x128xi32, #tpu.memory_space<vmem>> -> memref<1x128xi32, #tpu.memory_space<vmem>>
      %dma_start3A_233 = tpu.memref_squeeze %dma_start3A_232 : memref<1x128xi32, #tpu.memory_space<vmem>> -> memref<128xi32, #tpu.memory_space<vmem>>
      %dma_start3A_234 = arith.constant 0 : i32
      %dma_start3A_235 = tpu.memref_slice %arg10[%dma_start3A_234] : memref<102400xf32, #tpu.memory_space<vmem_shared>> -> memref<102400xf32, #tpu.memory_space<vmem_shared>>
      tpu.enqueue_indirect_dma source(%arg8 : memref<128xf32, #tpu.memory_space<vmem>>) target(%dma_start3A_235 : memref<102400xf32, #tpu.memory_space<vmem_shared>>) offsets(%dma_start3A_233 : memref<128xi32, #tpu.memory_space<vmem>>) semaphore(%arg15 : memref<!tpu.dma_semaphore, #tpu.memory_space<semaphore_mem>>) {add = true}
      %dma_start3A_236 = arith.constant 4 : i32
      %dma_start3A_237 = arith.constant 0 : i32
      %dma_start3A_238 = tpu.memref_slice %arg5[%dma_start3A_236, %dma_start3A_237] : memref<7x128xi32, #tpu.memory_space<vmem>> -> memref<1x128xi32, #tpu.memory_space<vmem>>
      %dma_start3A_239 = tpu.memref_squeeze %dma_start3A_238 : memref<1x128xi32, #tpu.memory_space<vmem>> -> memref<128xi32, #tpu.memory_space<vmem>>
      %dma_start3A_240 = arith.constant 0 : i32
      %dma_start3A_241 = tpu.memref_slice %arg10[%dma_start3A_240] : memref<102400xf32, #tpu.memory_space<vmem_shared>> -> memref<102400xf32, #tpu.memory_space<vmem_shared>>
      tpu.enqueue_indirect_dma source(%arg8 : memref<128xf32, #tpu.memory_space<vmem>>) target(%dma_start3A_241 : memref<102400xf32, #tpu.memory_space<vmem_shared>>) offsets(%dma_start3A_239 : memref<128xi32, #tpu.memory_space<vmem>>) semaphore(%arg15 : memref<!tpu.dma_semaphore, #tpu.memory_space<semaphore_mem>>) {add = true}
      %dma_start3A_242 = arith.constant 5 : i32
      %dma_start3A_243 = arith.constant 0 : i32
      %dma_start3A_244 = tpu.memref_slice %arg5[%dma_start3A_242, %dma_start3A_243] : memref<7x128xi32, #tpu.memory_space<vmem>> -> memref<1x128xi32, #tpu.memory_space<vmem>>
      %dma_start3A_245 = tpu.memref_squeeze %dma_start3A_244 : memref<1x128xi32, #tpu.memory_space<vmem>> -> memref<128xi32, #tpu.memory_space<vmem>>
      %dma_start3A_246 = arith.constant 0 : i32
      %dma_start3A_247 = tpu.memref_slice %arg10[%dma_start3A_246] : memref<102400xf32, #tpu.memory_space<vmem_shared>> -> memref<102400xf32, #tpu.memory_space<vmem_shared>>
      tpu.enqueue_indirect_dma source(%arg8 : memref<128xf32, #tpu.memory_space<vmem>>) target(%dma_start3A_247 : memref<102400xf32, #tpu.memory_space<vmem_shared>>) offsets(%dma_start3A_245 : memref<128xi32, #tpu.memory_space<vmem>>) semaphore(%arg15 : memref<!tpu.dma_semaphore, #tpu.memory_space<semaphore_mem>>) {add = true}
      %dma_start3A_248 = arith.constant 6 : i32
      %dma_start3A_249 = arith.constant 0 : i32
      %dma_start3A_250 = tpu.memref_slice %arg5[%dma_start3A_248, %dma_start3A_249] : memref<7x128xi32, #tpu.memory_space<vmem>> -> memref<1x128xi32, #tpu.memory_space<vmem>>
      %dma_start3A_251 = tpu.memref_squeeze %dma_start3A_250 : memref<1x128xi32, #tpu.memory_space<vmem>> -> memref<128xi32, #tpu.memory_space<vmem>>
      %dma_start3A_252 = arith.constant 0 : i32
      %dma_start3A_253 = tpu.memref_slice %arg10[%dma_start3A_252] : memref<102400xf32, #tpu.memory_space<vmem_shared>> -> memref<102400xf32, #tpu.memory_space<vmem_shared>>
      tpu.enqueue_indirect_dma source(%arg8 : memref<128xf32, #tpu.memory_space<vmem>>) target(%dma_start3A_253 : memref<102400xf32, #tpu.memory_space<vmem_shared>>) offsets(%dma_start3A_251 : memref<128xi32, #tpu.memory_space<vmem>>) semaphore(%arg15 : memref<!tpu.dma_semaphore, #tpu.memory_space<semaphore_mem>>) {add = true}
      %dma_wait3A_254 = arith.constant 0 : i32
      %dma_wait3A_255 = arith.constant 0 : i32
      %dma_wait3A_256 = tpu.memref_slice %arg5[%dma_wait3A_254, %dma_wait3A_255] : memref<7x128xi32, #tpu.memory_space<vmem>> -> memref<1x128xi32, #tpu.memory_space<vmem>>
      %dma_wait3A_257 = tpu.memref_squeeze %dma_wait3A_256 : memref<1x128xi32, #tpu.memory_space<vmem>> -> memref<128xi32, #tpu.memory_space<vmem>>
      %dma_wait3A_258 = arith.constant 0 : i32
      %dma_wait3A_259 = tpu.memref_slice %arg10[%dma_wait3A_258] : memref<102400xf32, #tpu.memory_space<vmem_shared>> -> memref<102400xf32, #tpu.memory_space<vmem_shared>>
      tpu.wait_indirect_dma semaphore(%arg15 : memref<!tpu.dma_semaphore, #tpu.memory_space<semaphore_mem>>) src(%arg8 : memref<128xf32, #tpu.memory_space<vmem>>) dst(%dma_wait3A_259 : memref<102400xf32, #tpu.memory_space<vmem_shared>>)
      %dma_wait3A_260 = arith.constant 1 : i32
      %dma_wait3A_261 = arith.constant 0 : i32
      %dma_wait3A_262 = tpu.memref_slice %arg5[%dma_wait3A_260, %dma_wait3A_261] : memref<7x128xi32, #tpu.memory_space<vmem>> -> memref<1x128xi32, #tpu.memory_space<vmem>>
      %dma_wait3A_263 = tpu.memref_squeeze %dma_wait3A_262 : memref<1x128xi32, #tpu.memory_space<vmem>> -> memref<128xi32, #tpu.memory_space<vmem>>
      %dma_wait3A_264 = arith.constant 0 : i32
      %dma_wait3A_265 = tpu.memref_slice %arg10[%dma_wait3A_264] : memref<102400xf32, #tpu.memory_space<vmem_shared>> -> memref<102400xf32, #tpu.memory_space<vmem_shared>>
      tpu.wait_indirect_dma semaphore(%arg15 : memref<!tpu.dma_semaphore, #tpu.memory_space<semaphore_mem>>) src(%arg8 : memref<128xf32, #tpu.memory_space<vmem>>) dst(%dma_wait3A_265 : memref<102400xf32, #tpu.memory_space<vmem_shared>>)
      %dma_wait3A_266 = arith.constant 2 : i32
      %dma_wait3A_267 = arith.constant 0 : i32
      %dma_wait3A_268 = tpu.memref_slice %arg5[%dma_wait3A_266, %dma_wait3A_267] : memref<7x128xi32, #tpu.memory_space<vmem>> -> memref<1x128xi32, #tpu.memory_space<vmem>>
      %dma_wait3A_269 = tpu.memref_squeeze %dma_wait3A_268 : memref<1x128xi32, #tpu.memory_space<vmem>> -> memref<128xi32, #tpu.memory_space<vmem>>
      %dma_wait3A_270 = arith.constant 0 : i32
      %dma_wait3A_271 = tpu.memref_slice %arg10[%dma_wait3A_270] : memref<102400xf32, #tpu.memory_space<vmem_shared>> -> memref<102400xf32, #tpu.memory_space<vmem_shared>>
      tpu.wait_indirect_dma semaphore(%arg15 : memref<!tpu.dma_semaphore, #tpu.memory_space<semaphore_mem>>) src(%arg8 : memref<128xf32, #tpu.memory_space<vmem>>) dst(%dma_wait3A_271 : memref<102400xf32, #tpu.memory_space<vmem_shared>>)
      %dma_wait3A_272 = arith.constant 3 : i32
      %dma_wait3A_273 = arith.constant 0 : i32
      %dma_wait3A_274 = tpu.memref_slice %arg5[%dma_wait3A_272, %dma_wait3A_273] : memref<7x128xi32, #tpu.memory_space<vmem>> -> memref<1x128xi32, #tpu.memory_space<vmem>>
      %dma_wait3A_275 = tpu.memref_squeeze %dma_wait3A_274 : memref<1x128xi32, #tpu.memory_space<vmem>> -> memref<128xi32, #tpu.memory_space<vmem>>
      %dma_wait3A_276 = arith.constant 0 : i32
      %dma_wait3A_277 = tpu.memref_slice %arg10[%dma_wait3A_276] : memref<102400xf32, #tpu.memory_space<vmem_shared>> -> memref<102400xf32, #tpu.memory_space<vmem_shared>>
      tpu.wait_indirect_dma semaphore(%arg15 : memref<!tpu.dma_semaphore, #tpu.memory_space<semaphore_mem>>) src(%arg8 : memref<128xf32, #tpu.memory_space<vmem>>) dst(%dma_wait3A_277 : memref<102400xf32, #tpu.memory_space<vmem_shared>>)
      %dma_wait3A_278 = arith.constant 4 : i32
      %dma_wait3A_279 = arith.constant 0 : i32
      %dma_wait3A_280 = tpu.memref_slice %arg5[%dma_wait3A_278, %dma_wait3A_279] : memref<7x128xi32, #tpu.memory_space<vmem>> -> memref<1x128xi32, #tpu.memory_space<vmem>>
      %dma_wait3A_281 = tpu.memref_squeeze %dma_wait3A_280 : memref<1x128xi32, #tpu.memory_space<vmem>> -> memref<128xi32, #tpu.memory_space<vmem>>
      %dma_wait3A_282 = arith.constant 0 : i32
      %dma_wait3A_283 = tpu.memref_slice %arg10[%dma_wait3A_282] : memref<102400xf32, #tpu.memory_space<vmem_shared>> -> memref<102400xf32, #tpu.memory_space<vmem_shared>>
      tpu.wait_indirect_dma semaphore(%arg15 : memref<!tpu.dma_semaphore, #tpu.memory_space<semaphore_mem>>) src(%arg8 : memref<128xf32, #tpu.memory_space<vmem>>) dst(%dma_wait3A_283 : memref<102400xf32, #tpu.memory_space<vmem_shared>>)
      %dma_wait3A_284 = arith.constant 5 : i32
      %dma_wait3A_285 = arith.constant 0 : i32
      %dma_wait3A_286 = tpu.memref_slice %arg5[%dma_wait3A_284, %dma_wait3A_285] : memref<7x128xi32, #tpu.memory_space<vmem>> -> memref<1x128xi32, #tpu.memory_space<vmem>>
      %dma_wait3A_287 = tpu.memref_squeeze %dma_wait3A_286 : memref<1x128xi32, #tpu.memory_space<vmem>> -> memref<128xi32, #tpu.memory_space<vmem>>
      %dma_wait3A_288 = arith.constant 0 : i32
      %dma_wait3A_289 = tpu.memref_slice %arg10[%dma_wait3A_288] : memref<102400xf32, #tpu.memory_space<vmem_shared>> -> memref<102400xf32, #tpu.memory_space<vmem_shared>>
      tpu.wait_indirect_dma semaphore(%arg15 : memref<!tpu.dma_semaphore, #tpu.memory_space<semaphore_mem>>) src(%arg8 : memref<128xf32, #tpu.memory_space<vmem>>) dst(%dma_wait3A_289 : memref<102400xf32, #tpu.memory_space<vmem_shared>>)
      %dma_wait3A_290 = arith.constant 6 : i32
      %dma_wait3A_291 = arith.constant 0 : i32
      %dma_wait3A_292 = tpu.memref_slice %arg5[%dma_wait3A_290, %dma_wait3A_291] : memref<7x128xi32, #tpu.memory_space<vmem>> -> memref<1x128xi32, #tpu.memory_space<vmem>>
      %dma_wait3A_293 = tpu.memref_squeeze %dma_wait3A_292 : memref<1x128xi32, #tpu.memory_space<vmem>> -> memref<128xi32, #tpu.memory_space<vmem>>
      %dma_wait3A_294 = arith.constant 0 : i32
      %dma_wait3A_295 = tpu.memref_slice %arg10[%dma_wait3A_294] : memref<102400xf32, #tpu.memory_space<vmem_shared>> -> memref<102400xf32, #tpu.memory_space<vmem_shared>>
      tpu.wait_indirect_dma semaphore(%arg15 : memref<!tpu.dma_semaphore, #tpu.memory_space<semaphore_mem>>) src(%arg8 : memref<128xf32, #tpu.memory_space<vmem>>) dst(%dma_wait3A_295 : memref<102400xf32, #tpu.memory_space<vmem_shared>>)
      %lt3A_296 = arith.constant 13 : i32
      %lt3A_297 = arith.cmpi slt, %scan3A_107, %lt3A_296 : i32
      %convert_element_type3A_298 = arith.extui %lt3A_297 : i1 to i32
      %cond3A_299 = arith.constant 0 : i32
      %cond3A_300 = arith.cmpi ne, %convert_element_type3A_298, %cond3A_299 : i32
      scf.if %cond3A_300 {
        %mul3A_498 = arith.constant 4 : i32
        %mul3A_499 = arith.muli %mul3A_498, %scan3A_107 : i32
        %add3A_500 = arith.constant 1 : i32
        %add3A_501 = arith.addi %mul3A_499, %add3A_500 : i32
        %add3A_502 = arith.constant 4 : i32
        %add3A_503 = arith.addi %add3A_501, %add3A_502 : i32
        %mul3A_504 = arith.constant 7 : i32
        %mul3A_505 = arith.muli %add3A_503, %mul3A_504 : i32
        %add3A_506 = arith.addi %mul3A_56, %mul3A_505 : i32
        %dma_start3A_507 = arith.constant 0 : i32
        %dma_start3A_508 = arith.constant 0 : i32
        %dma_start3A_509 = tpu.memref_slice %arg2[%dma_start3A_507, %add3A_506, %dma_start3A_508] : memref<2x12544x128xi32, #tpu.memory_space<hbm>> -> memref<1x7x128xi32, #tpu.memory_space<hbm>>
        %dma_start3A_510 = tpu.memref_squeeze %dma_start3A_509 : memref<1x7x128xi32, #tpu.memory_space<hbm>> -> memref<7x128xi32, #tpu.memory_space<hbm>>
        %dma_start3A_511 = arith.constant 0 : i32
        %dma_start3A_512 = tpu.memref_slice %arg2[%dma_start3A_507, %add3A_506, %dma_start3A_511] : memref<2x12544x128xi32, #tpu.memory_space<hbm>> -> memref<1x7x128xi32, #tpu.memory_space<hbm>>
        %dma_start3A_513 = tpu.memref_squeeze %dma_start3A_512 : memref<1x7x128xi32, #tpu.memory_space<hbm>> -> memref<7x128xi32, #tpu.memory_space<hbm>>
        tpu.enqueue_dma source(%dma_start3A_513 : memref<7x128xi32, #tpu.memory_space<hbm>>) target(%arg5 : memref<7x128xi32, #tpu.memory_space<vmem>>) target_semaphore(%arg12 : memref<!tpu.dma_semaphore, #tpu.memory_space<semaphore_mem>>)
      } else {
      }
      %dma_wait3A_301 = arith.constant 0 : i32
      %dma_wait3A_302 = arith.constant 0 : i32
      %dma_wait3A_303 = arith.constant 0 : i32
      %dma_wait3A_304 = tpu.memref_slice %arg2[%dma_wait3A_301, %dma_wait3A_302, %dma_wait3A_303] : memref<2x12544x128xi32, #tpu.memory_space<hbm>> -> memref<1x7x128xi32, #tpu.memory_space<hbm>>
      %dma_wait3A_305 = tpu.memref_squeeze %dma_wait3A_304 : memref<1x7x128xi32, #tpu.memory_space<hbm>> -> memref<7x128xi32, #tpu.memory_space<hbm>>
      %dma_wait3A_306 = arith.constant 0 : i32
      %dma_wait3A_307 = arith.constant 0 : i32
      %dma_wait3A_308 = tpu.memref_slice %arg2[%dma_wait3A_301, %dma_wait3A_306, %dma_wait3A_307] : memref<2x12544x128xi32, #tpu.memory_space<hbm>> -> memref<1x7x128xi32, #tpu.memory_space<hbm>>
      %dma_wait3A_309 = tpu.memref_squeeze %dma_wait3A_308 : memref<1x7x128xi32, #tpu.memory_space<hbm>> -> memref<7x128xi32, #tpu.memory_space<hbm>>
      tpu.wait_dma2 semaphore(%arg13 : memref<!tpu.dma_semaphore, #tpu.memory_space<semaphore_mem>>) src(%dma_wait3A_309 : memref<7x128xi32, #tpu.memory_space<hbm>>) dst(%arg6 : memref<7x128xi32, #tpu.memory_space<vmem>>)
      %dma_start3A_310 = arith.constant 0 : i32
      %dma_start3A_311 = arith.constant 0 : i32
      %dma_start3A_312 = tpu.memref_slice %arg6[%dma_start3A_310, %dma_start3A_311] : memref<7x128xi32, #tpu.memory_space<vmem>> -> memref<1x128xi32, #tpu.memory_space<vmem>>
      %dma_start3A_313 = tpu.memref_squeeze %dma_start3A_312 : memref<1x128xi32, #tpu.memory_space<vmem>> -> memref<128xi32, #tpu.memory_space<vmem>>
      %dma_start3A_314 = arith.constant 0 : i32
      %dma_start3A_315 = tpu.memref_slice %arg10[%dma_start3A_314] : memref<102400xf32, #tpu.memory_space<vmem_shared>> -> memref<102400xf32, #tpu.memory_space<vmem_shared>>
      tpu.enqueue_indirect_dma source(%arg8 : memref<128xf32, #tpu.memory_space<vmem>>) target(%dma_start3A_315 : memref<102400xf32, #tpu.memory_space<vmem_shared>>) offsets(%dma_start3A_313 : memref<128xi32, #tpu.memory_space<vmem>>) semaphore(%arg15 : memref<!tpu.dma_semaphore, #tpu.memory_space<semaphore_mem>>) {add = true}
      %dma_start3A_316 = arith.constant 1 : i32
      %dma_start3A_317 = arith.constant 0 : i32
      %dma_start3A_318 = tpu.memref_slice %arg6[%dma_start3A_316, %dma_start3A_317] : memref<7x128xi32, #tpu.memory_space<vmem>> -> memref<1x128xi32, #tpu.memory_space<vmem>>
      %dma_start3A_319 = tpu.memref_squeeze %dma_start3A_318 : memref<1x128xi32, #tpu.memory_space<vmem>> -> memref<128xi32, #tpu.memory_space<vmem>>
      %dma_start3A_320 = arith.constant 0 : i32
      %dma_start3A_321 = tpu.memref_slice %arg10[%dma_start3A_320] : memref<102400xf32, #tpu.memory_space<vmem_shared>> -> memref<102400xf32, #tpu.memory_space<vmem_shared>>
      tpu.enqueue_indirect_dma source(%arg8 : memref<128xf32, #tpu.memory_space<vmem>>) target(%dma_start3A_321 : memref<102400xf32, #tpu.memory_space<vmem_shared>>) offsets(%dma_start3A_319 : memref<128xi32, #tpu.memory_space<vmem>>) semaphore(%arg15 : memref<!tpu.dma_semaphore, #tpu.memory_space<semaphore_mem>>) {add = true}
      %dma_start3A_322 = arith.constant 2 : i32
      %dma_start3A_323 = arith.constant 0 : i32
      %dma_start3A_324 = tpu.memref_slice %arg6[%dma_start3A_322, %dma_start3A_323] : memref<7x128xi32, #tpu.memory_space<vmem>> -> memref<1x128xi32, #tpu.memory_space<vmem>>
      %dma_start3A_325 = tpu.memref_squeeze %dma_start3A_324 : memref<1x128xi32, #tpu.memory_space<vmem>> -> memref<128xi32, #tpu.memory_space<vmem>>
      %dma_start3A_326 = arith.constant 0 : i32
      %dma_start3A_327 = tpu.memref_slice %arg10[%dma_start3A_326] : memref<102400xf32, #tpu.memory_space<vmem_shared>> -> memref<102400xf32, #tpu.memory_space<vmem_shared>>
      tpu.enqueue_indirect_dma source(%arg8 : memref<128xf32, #tpu.memory_space<vmem>>) target(%dma_start3A_327 : memref<102400xf32, #tpu.memory_space<vmem_shared>>) offsets(%dma_start3A_325 : memref<128xi32, #tpu.memory_space<vmem>>) semaphore(%arg15 : memref<!tpu.dma_semaphore, #tpu.memory_space<semaphore_mem>>) {add = true}
      %dma_start3A_328 = arith.constant 3 : i32
      %dma_start3A_329 = arith.constant 0 : i32
      %dma_start3A_330 = tpu.memref_slice %arg6[%dma_start3A_328, %dma_start3A_329] : memref<7x128xi32, #tpu.memory_space<vmem>> -> memref<1x128xi32, #tpu.memory_space<vmem>>
      %dma_start3A_331 = tpu.memref_squeeze %dma_start3A_330 : memref<1x128xi32, #tpu.memory_space<vmem>> -> memref<128xi32, #tpu.memory_space<vmem>>
      %dma_start3A_332 = arith.constant 0 : i32
      %dma_start3A_333 = tpu.memref_slice %arg10[%dma_start3A_332] : memref<102400xf32, #tpu.memory_space<vmem_shared>> -> memref<102400xf32, #tpu.memory_space<vmem_shared>>
      tpu.enqueue_indirect_dma source(%arg8 : memref<128xf32, #tpu.memory_space<vmem>>) target(%dma_start3A_333 : memref<102400xf32, #tpu.memory_space<vmem_shared>>) offsets(%dma_start3A_331 : memref<128xi32, #tpu.memory_space<vmem>>) semaphore(%arg15 : memref<!tpu.dma_semaphore, #tpu.memory_space<semaphore_mem>>) {add = true}
      %dma_start3A_334 = arith.constant 4 : i32
      %dma_start3A_335 = arith.constant 0 : i32
      %dma_start3A_336 = tpu.memref_slice %arg6[%dma_start3A_334, %dma_start3A_335] : memref<7x128xi32, #tpu.memory_space<vmem>> -> memref<1x128xi32, #tpu.memory_space<vmem>>
      %dma_start3A_337 = tpu.memref_squeeze %dma_start3A_336 : memref<1x128xi32, #tpu.memory_space<vmem>> -> memref<128xi32, #tpu.memory_space<vmem>>
      %dma_start3A_338 = arith.constant 0 : i32
      %dma_start3A_339 = tpu.memref_slice %arg10[%dma_start3A_338] : memref<102400xf32, #tpu.memory_space<vmem_shared>> -> memref<102400xf32, #tpu.memory_space<vmem_shared>>
      tpu.enqueue_indirect_dma source(%arg8 : memref<128xf32, #tpu.memory_space<vmem>>) target(%dma_start3A_339 : memref<102400xf32, #tpu.memory_space<vmem_shared>>) offsets(%dma_start3A_337 : memref<128xi32, #tpu.memory_space<vmem>>) semaphore(%arg15 : memref<!tpu.dma_semaphore, #tpu.memory_space<semaphore_mem>>) {add = true}
      %dma_start3A_340 = arith.constant 5 : i32
      %dma_start3A_341 = arith.constant 0 : i32
      %dma_start3A_342 = tpu.memref_slice %arg6[%dma_start3A_340, %dma_start3A_341] : memref<7x128xi32, #tpu.memory_space<vmem>> -> memref<1x128xi32, #tpu.memory_space<vmem>>
      %dma_start3A_343 = tpu.memref_squeeze %dma_start3A_342 : memref<1x128xi32, #tpu.memory_space<vmem>> -> memref<128xi32, #tpu.memory_space<vmem>>
      %dma_start3A_344 = arith.constant 0 : i32
      %dma_start3A_345 = tpu.memref_slice %arg10[%dma_start3A_344] : memref<102400xf32, #tpu.memory_space<vmem_shared>> -> memref<102400xf32, #tpu.memory_space<vmem_shared>>
      tpu.enqueue_indirect_dma source(%arg8 : memref<128xf32, #tpu.memory_space<vmem>>) target(%dma_start3A_345 : memref<102400xf32, #tpu.memory_space<vmem_shared>>) offsets(%dma_start3A_343 : memref<128xi32, #tpu.memory_space<vmem>>) semaphore(%arg15 : memref<!tpu.dma_semaphore, #tpu.memory_space<semaphore_mem>>) {add = true}
      %dma_start3A_346 = arith.constant 6 : i32
      %dma_start3A_347 = arith.constant 0 : i32
      %dma_start3A_348 = tpu.memref_slice %arg6[%dma_start3A_346, %dma_start3A_347] : memref<7x128xi32, #tpu.memory_space<vmem>> -> memref<1x128xi32, #tpu.memory_space<vmem>>
      %dma_start3A_349 = tpu.memref_squeeze %dma_start3A_348 : memref<1x128xi32, #tpu.memory_space<vmem>> -> memref<128xi32, #tpu.memory_space<vmem>>
      %dma_start3A_350 = arith.constant 0 : i32
      %dma_start3A_351 = tpu.memref_slice %arg10[%dma_start3A_350] : memref<102400xf32, #tpu.memory_space<vmem_shared>> -> memref<102400xf32, #tpu.memory_space<vmem_shared>>
      tpu.enqueue_indirect_dma source(%arg8 : memref<128xf32, #tpu.memory_space<vmem>>) target(%dma_start3A_351 : memref<102400xf32, #tpu.memory_space<vmem_shared>>) offsets(%dma_start3A_349 : memref<128xi32, #tpu.memory_space<vmem>>) semaphore(%arg15 : memref<!tpu.dma_semaphore, #tpu.memory_space<semaphore_mem>>) {add = true}
      %dma_wait3A_352 = arith.constant 0 : i32
      %dma_wait3A_353 = arith.constant 0 : i32
      %dma_wait3A_354 = tpu.memref_slice %arg6[%dma_wait3A_352, %dma_wait3A_353] : memref<7x128xi32, #tpu.memory_space<vmem>> -> memref<1x128xi32, #tpu.memory_space<vmem>>
      %dma_wait3A_355 = tpu.memref_squeeze %dma_wait3A_354 : memref<1x128xi32, #tpu.memory_space<vmem>> -> memref<128xi32, #tpu.memory_space<vmem>>
      %dma_wait3A_356 = arith.constant 0 : i32
      %dma_wait3A_357 = tpu.memref_slice %arg10[%dma_wait3A_356] : memref<102400xf32, #tpu.memory_space<vmem_shared>> -> memref<102400xf32, #tpu.memory_space<vmem_shared>>
      tpu.wait_indirect_dma semaphore(%arg15 : memref<!tpu.dma_semaphore, #tpu.memory_space<semaphore_mem>>) src(%arg8 : memref<128xf32, #tpu.memory_space<vmem>>) dst(%dma_wait3A_357 : memref<102400xf32, #tpu.memory_space<vmem_shared>>)
      %dma_wait3A_358 = arith.constant 1 : i32
      %dma_wait3A_359 = arith.constant 0 : i32
      %dma_wait3A_360 = tpu.memref_slice %arg6[%dma_wait3A_358, %dma_wait3A_359] : memref<7x128xi32, #tpu.memory_space<vmem>> -> memref<1x128xi32, #tpu.memory_space<vmem>>
      %dma_wait3A_361 = tpu.memref_squeeze %dma_wait3A_360 : memref<1x128xi32, #tpu.memory_space<vmem>> -> memref<128xi32, #tpu.memory_space<vmem>>
      %dma_wait3A_362 = arith.constant 0 : i32
      %dma_wait3A_363 = tpu.memref_slice %arg10[%dma_wait3A_362] : memref<102400xf32, #tpu.memory_space<vmem_shared>> -> memref<102400xf32, #tpu.memory_space<vmem_shared>>
      tpu.wait_indirect_dma semaphore(%arg15 : memref<!tpu.dma_semaphore, #tpu.memory_space<semaphore_mem>>) src(%arg8 : memref<128xf32, #tpu.memory_space<vmem>>) dst(%dma_wait3A_363 : memref<102400xf32, #tpu.memory_space<vmem_shared>>)
      %dma_wait3A_364 = arith.constant 2 : i32
      %dma_wait3A_365 = arith.constant 0 : i32
      %dma_wait3A_366 = tpu.memref_slice %arg6[%dma_wait3A_364, %dma_wait3A_365] : memref<7x128xi32, #tpu.memory_space<vmem>> -> memref<1x128xi32, #tpu.memory_space<vmem>>
      %dma_wait3A_367 = tpu.memref_squeeze %dma_wait3A_366 : memref<1x128xi32, #tpu.memory_space<vmem>> -> memref<128xi32, #tpu.memory_space<vmem>>
      %dma_wait3A_368 = arith.constant 0 : i32
      %dma_wait3A_369 = tpu.memref_slice %arg10[%dma_wait3A_368] : memref<102400xf32, #tpu.memory_space<vmem_shared>> -> memref<102400xf32, #tpu.memory_space<vmem_shared>>
      tpu.wait_indirect_dma semaphore(%arg15 : memref<!tpu.dma_semaphore, #tpu.memory_space<semaphore_mem>>) src(%arg8 : memref<128xf32, #tpu.memory_space<vmem>>) dst(%dma_wait3A_369 : memref<102400xf32, #tpu.memory_space<vmem_shared>>)
      %dma_wait3A_370 = arith.constant 3 : i32
      %dma_wait3A_371 = arith.constant 0 : i32
      %dma_wait3A_372 = tpu.memref_slice %arg6[%dma_wait3A_370, %dma_wait3A_371] : memref<7x128xi32, #tpu.memory_space<vmem>> -> memref<1x128xi32, #tpu.memory_space<vmem>>
      %dma_wait3A_373 = tpu.memref_squeeze %dma_wait3A_372 : memref<1x128xi32, #tpu.memory_space<vmem>> -> memref<128xi32, #tpu.memory_space<vmem>>
      %dma_wait3A_374 = arith.constant 0 : i32
      %dma_wait3A_375 = tpu.memref_slice %arg10[%dma_wait3A_374] : memref<102400xf32, #tpu.memory_space<vmem_shared>> -> memref<102400xf32, #tpu.memory_space<vmem_shared>>
      tpu.wait_indirect_dma semaphore(%arg15 : memref<!tpu.dma_semaphore, #tpu.memory_space<semaphore_mem>>) src(%arg8 : memref<128xf32, #tpu.memory_space<vmem>>) dst(%dma_wait3A_375 : memref<102400xf32, #tpu.memory_space<vmem_shared>>)
      %dma_wait3A_376 = arith.constant 4 : i32
      %dma_wait3A_377 = arith.constant 0 : i32
      %dma_wait3A_378 = tpu.memref_slice %arg6[%dma_wait3A_376, %dma_wait3A_377] : memref<7x128xi32, #tpu.memory_space<vmem>> -> memref<1x128xi32, #tpu.memory_space<vmem>>
      %dma_wait3A_379 = tpu.memref_squeeze %dma_wait3A_378 : memref<1x128xi32, #tpu.memory_space<vmem>> -> memref<128xi32, #tpu.memory_space<vmem>>
      %dma_wait3A_380 = arith.constant 0 : i32
      %dma_wait3A_381 = tpu.memref_slice %arg10[%dma_wait3A_380] : memref<102400xf32, #tpu.memory_space<vmem_shared>> -> memref<102400xf32, #tpu.memory_space<vmem_shared>>
      tpu.wait_indirect_dma semaphore(%arg15 : memref<!tpu.dma_semaphore, #tpu.memory_space<semaphore_mem>>) src(%arg8 : memref<128xf32, #tpu.memory_space<vmem>>) dst(%dma_wait3A_381 : memref<102400xf32, #tpu.memory_space<vmem_shared>>)
      %dma_wait3A_382 = arith.constant 5 : i32
      %dma_wait3A_383 = arith.constant 0 : i32
      %dma_wait3A_384 = tpu.memref_slice %arg6[%dma_wait3A_382, %dma_wait3A_383] : memref<7x128xi32, #tpu.memory_space<vmem>> -> memref<1x128xi32, #tpu.memory_space<vmem>>
      %dma_wait3A_385 = tpu.memref_squeeze %dma_wait3A_384 : memref<1x128xi32, #tpu.memory_space<vmem>> -> memref<128xi32, #tpu.memory_space<vmem>>
      %dma_wait3A_386 = arith.constant 0 : i32
      %dma_wait3A_387 = tpu.memref_slice %arg10[%dma_wait3A_386] : memref<102400xf32, #tpu.memory_space<vmem_shared>> -> memref<102400xf32, #tpu.memory_space<vmem_shared>>
      tpu.wait_indirect_dma semaphore(%arg15 : memref<!tpu.dma_semaphore, #tpu.memory_space<semaphore_mem>>) src(%arg8 : memref<128xf32, #tpu.memory_space<vmem>>) dst(%dma_wait3A_387 : memref<102400xf32, #tpu.memory_space<vmem_shared>>)
      %dma_wait3A_388 = arith.constant 6 : i32
      %dma_wait3A_389 = arith.constant 0 : i32
      %dma_wait3A_390 = tpu.memref_slice %arg6[%dma_wait3A_388, %dma_wait3A_389] : memref<7x128xi32, #tpu.memory_space<vmem>> -> memref<1x128xi32, #tpu.memory_space<vmem>>
      %dma_wait3A_391 = tpu.memref_squeeze %dma_wait3A_390 : memref<1x128xi32, #tpu.memory_space<vmem>> -> memref<128xi32, #tpu.memory_space<vmem>>
      %dma_wait3A_392 = arith.constant 0 : i32
      %dma_wait3A_393 = tpu.memref_slice %arg10[%dma_wait3A_392] : memref<102400xf32, #tpu.memory_space<vmem_shared>> -> memref<102400xf32, #tpu.memory_space<vmem_shared>>
      tpu.wait_indirect_dma semaphore(%arg15 : memref<!tpu.dma_semaphore, #tpu.memory_space<semaphore_mem>>) src(%arg8 : memref<128xf32, #tpu.memory_space<vmem>>) dst(%dma_wait3A_393 : memref<102400xf32, #tpu.memory_space<vmem_shared>>)
      %lt3A_394 = arith.constant 13 : i32
      %lt3A_395 = arith.cmpi slt, %scan3A_107, %lt3A_394 : i32
      %convert_element_type3A_396 = arith.extui %lt3A_395 : i1 to i32
      %cond3A_397 = arith.constant 0 : i32
      %cond3A_398 = arith.cmpi ne, %convert_element_type3A_396, %cond3A_397 : i32
      scf.if %cond3A_398 {
        %mul3A_498 = arith.constant 4 : i32
        %mul3A_499 = arith.muli %mul3A_498, %scan3A_107 : i32
        %add3A_500 = arith.constant 2 : i32
        %add3A_501 = arith.addi %mul3A_499, %add3A_500 : i32
        %add3A_502 = arith.constant 4 : i32
        %add3A_503 = arith.addi %add3A_501, %add3A_502 : i32
        %mul3A_504 = arith.constant 7 : i32
        %mul3A_505 = arith.muli %add3A_503, %mul3A_504 : i32
        %add3A_506 = arith.addi %mul3A_56, %mul3A_505 : i32
        %dma_start3A_507 = arith.constant 0 : i32
        %dma_start3A_508 = arith.constant 0 : i32
        %dma_start3A_509 = tpu.memref_slice %arg2[%dma_start3A_507, %add3A_506, %dma_start3A_508] : memref<2x12544x128xi32, #tpu.memory_space<hbm>> -> memref<1x7x128xi32, #tpu.memory_space<hbm>>
        %dma_start3A_510 = tpu.memref_squeeze %dma_start3A_509 : memref<1x7x128xi32, #tpu.memory_space<hbm>> -> memref<7x128xi32, #tpu.memory_space<hbm>>
        %dma_start3A_511 = arith.constant 0 : i32
        %dma_start3A_512 = tpu.memref_slice %arg2[%dma_start3A_507, %add3A_506, %dma_start3A_511] : memref<2x12544x128xi32, #tpu.memory_space<hbm>> -> memref<1x7x128xi32, #tpu.memory_space<hbm>>
        %dma_start3A_513 = tpu.memref_squeeze %dma_start3A_512 : memref<1x7x128xi32, #tpu.memory_space<hbm>> -> memref<7x128xi32, #tpu.memory_space<hbm>>
        tpu.enqueue_dma source(%dma_start3A_513 : memref<7x128xi32, #tpu.memory_space<hbm>>) target(%arg6 : memref<7x128xi32, #tpu.memory_space<vmem>>) target_semaphore(%arg13 : memref<!tpu.dma_semaphore, #tpu.memory_space<semaphore_mem>>)
      } else {
      }
      %dma_wait3A_399 = arith.constant 0 : i32
      %dma_wait3A_400 = arith.constant 0 : i32
      %dma_wait3A_401 = arith.constant 0 : i32
      %dma_wait3A_402 = tpu.memref_slice %arg2[%dma_wait3A_399, %dma_wait3A_400, %dma_wait3A_401] : memref<2x12544x128xi32, #tpu.memory_space<hbm>> -> memref<1x7x128xi32, #tpu.memory_space<hbm>>
      %dma_wait3A_403 = tpu.memref_squeeze %dma_wait3A_402 : memref<1x7x128xi32, #tpu.memory_space<hbm>> -> memref<7x128xi32, #tpu.memory_space<hbm>>
      %dma_wait3A_404 = arith.constant 0 : i32
      %dma_wait3A_405 = arith.constant 0 : i32
      %dma_wait3A_406 = tpu.memref_slice %arg2[%dma_wait3A_399, %dma_wait3A_404, %dma_wait3A_405] : memref<2x12544x128xi32, #tpu.memory_space<hbm>> -> memref<1x7x128xi32, #tpu.memory_space<hbm>>
      %dma_wait3A_407 = tpu.memref_squeeze %dma_wait3A_406 : memref<1x7x128xi32, #tpu.memory_space<hbm>> -> memref<7x128xi32, #tpu.memory_space<hbm>>
      tpu.wait_dma2 semaphore(%arg14 : memref<!tpu.dma_semaphore, #tpu.memory_space<semaphore_mem>>) src(%dma_wait3A_407 : memref<7x128xi32, #tpu.memory_space<hbm>>) dst(%arg7 : memref<7x128xi32, #tpu.memory_space<vmem>>)
      %dma_start3A_408 = arith.constant 0 : i32
      %dma_start3A_409 = arith.constant 0 : i32
      %dma_start3A_410 = tpu.memref_slice %arg7[%dma_start3A_408, %dma_start3A_409] : memref<7x128xi32, #tpu.memory_space<vmem>> -> memref<1x128xi32, #tpu.memory_space<vmem>>
      %dma_start3A_411 = tpu.memref_squeeze %dma_start3A_410 : memref<1x128xi32, #tpu.memory_space<vmem>> -> memref<128xi32, #tpu.memory_space<vmem>>
      %dma_start3A_412 = arith.constant 0 : i32
      %dma_start3A_413 = tpu.memref_slice %arg10[%dma_start3A_412] : memref<102400xf32, #tpu.memory_space<vmem_shared>> -> memref<102400xf32, #tpu.memory_space<vmem_shared>>
      tpu.enqueue_indirect_dma source(%arg8 : memref<128xf32, #tpu.memory_space<vmem>>) target(%dma_start3A_413 : memref<102400xf32, #tpu.memory_space<vmem_shared>>) offsets(%dma_start3A_411 : memref<128xi32, #tpu.memory_space<vmem>>) semaphore(%arg15 : memref<!tpu.dma_semaphore, #tpu.memory_space<semaphore_mem>>) {add = true}
      %dma_start3A_414 = arith.constant 1 : i32
      %dma_start3A_415 = arith.constant 0 : i32
      %dma_start3A_416 = tpu.memref_slice %arg7[%dma_start3A_414, %dma_start3A_415] : memref<7x128xi32, #tpu.memory_space<vmem>> -> memref<1x128xi32, #tpu.memory_space<vmem>>
      %dma_start3A_417 = tpu.memref_squeeze %dma_start3A_416 : memref<1x128xi32, #tpu.memory_space<vmem>> -> memref<128xi32, #tpu.memory_space<vmem>>
      %dma_start3A_418 = arith.constant 0 : i32
      %dma_start3A_419 = tpu.memref_slice %arg10[%dma_start3A_418] : memref<102400xf32, #tpu.memory_space<vmem_shared>> -> memref<102400xf32, #tpu.memory_space<vmem_shared>>
      tpu.enqueue_indirect_dma source(%arg8 : memref<128xf32, #tpu.memory_space<vmem>>) target(%dma_start3A_419 : memref<102400xf32, #tpu.memory_space<vmem_shared>>) offsets(%dma_start3A_417 : memref<128xi32, #tpu.memory_space<vmem>>) semaphore(%arg15 : memref<!tpu.dma_semaphore, #tpu.memory_space<semaphore_mem>>) {add = true}
      %dma_start3A_420 = arith.constant 2 : i32
      %dma_start3A_421 = arith.constant 0 : i32
      %dma_start3A_422 = tpu.memref_slice %arg7[%dma_start3A_420, %dma_start3A_421] : memref<7x128xi32, #tpu.memory_space<vmem>> -> memref<1x128xi32, #tpu.memory_space<vmem>>
      %dma_start3A_423 = tpu.memref_squeeze %dma_start3A_422 : memref<1x128xi32, #tpu.memory_space<vmem>> -> memref<128xi32, #tpu.memory_space<vmem>>
      %dma_start3A_424 = arith.constant 0 : i32
      %dma_start3A_425 = tpu.memref_slice %arg10[%dma_start3A_424] : memref<102400xf32, #tpu.memory_space<vmem_shared>> -> memref<102400xf32, #tpu.memory_space<vmem_shared>>
      tpu.enqueue_indirect_dma source(%arg8 : memref<128xf32, #tpu.memory_space<vmem>>) target(%dma_start3A_425 : memref<102400xf32, #tpu.memory_space<vmem_shared>>) offsets(%dma_start3A_423 : memref<128xi32, #tpu.memory_space<vmem>>) semaphore(%arg15 : memref<!tpu.dma_semaphore, #tpu.memory_space<semaphore_mem>>) {add = true}
      %dma_start3A_426 = arith.constant 3 : i32
      %dma_start3A_427 = arith.constant 0 : i32
      %dma_start3A_428 = tpu.memref_slice %arg7[%dma_start3A_426, %dma_start3A_427] : memref<7x128xi32, #tpu.memory_space<vmem>> -> memref<1x128xi32, #tpu.memory_space<vmem>>
      %dma_start3A_429 = tpu.memref_squeeze %dma_start3A_428 : memref<1x128xi32, #tpu.memory_space<vmem>> -> memref<128xi32, #tpu.memory_space<vmem>>
      %dma_start3A_430 = arith.constant 0 : i32
      %dma_start3A_431 = tpu.memref_slice %arg10[%dma_start3A_430] : memref<102400xf32, #tpu.memory_space<vmem_shared>> -> memref<102400xf32, #tpu.memory_space<vmem_shared>>
      tpu.enqueue_indirect_dma source(%arg8 : memref<128xf32, #tpu.memory_space<vmem>>) target(%dma_start3A_431 : memref<102400xf32, #tpu.memory_space<vmem_shared>>) offsets(%dma_start3A_429 : memref<128xi32, #tpu.memory_space<vmem>>) semaphore(%arg15 : memref<!tpu.dma_semaphore, #tpu.memory_space<semaphore_mem>>) {add = true}
      %dma_start3A_432 = arith.constant 4 : i32
      %dma_start3A_433 = arith.constant 0 : i32
      %dma_start3A_434 = tpu.memref_slice %arg7[%dma_start3A_432, %dma_start3A_433] : memref<7x128xi32, #tpu.memory_space<vmem>> -> memref<1x128xi32, #tpu.memory_space<vmem>>
      %dma_start3A_435 = tpu.memref_squeeze %dma_start3A_434 : memref<1x128xi32, #tpu.memory_space<vmem>> -> memref<128xi32, #tpu.memory_space<vmem>>
      %dma_start3A_436 = arith.constant 0 : i32
      %dma_start3A_437 = tpu.memref_slice %arg10[%dma_start3A_436] : memref<102400xf32, #tpu.memory_space<vmem_shared>> -> memref<102400xf32, #tpu.memory_space<vmem_shared>>
      tpu.enqueue_indirect_dma source(%arg8 : memref<128xf32, #tpu.memory_space<vmem>>) target(%dma_start3A_437 : memref<102400xf32, #tpu.memory_space<vmem_shared>>) offsets(%dma_start3A_435 : memref<128xi32, #tpu.memory_space<vmem>>) semaphore(%arg15 : memref<!tpu.dma_semaphore, #tpu.memory_space<semaphore_mem>>) {add = true}
      %dma_start3A_438 = arith.constant 5 : i32
      %dma_start3A_439 = arith.constant 0 : i32
      %dma_start3A_440 = tpu.memref_slice %arg7[%dma_start3A_438, %dma_start3A_439] : memref<7x128xi32, #tpu.memory_space<vmem>> -> memref<1x128xi32, #tpu.memory_space<vmem>>
      %dma_start3A_441 = tpu.memref_squeeze %dma_start3A_440 : memref<1x128xi32, #tpu.memory_space<vmem>> -> memref<128xi32, #tpu.memory_space<vmem>>
      %dma_start3A_442 = arith.constant 0 : i32
      %dma_start3A_443 = tpu.memref_slice %arg10[%dma_start3A_442] : memref<102400xf32, #tpu.memory_space<vmem_shared>> -> memref<102400xf32, #tpu.memory_space<vmem_shared>>
      tpu.enqueue_indirect_dma source(%arg8 : memref<128xf32, #tpu.memory_space<vmem>>) target(%dma_start3A_443 : memref<102400xf32, #tpu.memory_space<vmem_shared>>) offsets(%dma_start3A_441 : memref<128xi32, #tpu.memory_space<vmem>>) semaphore(%arg15 : memref<!tpu.dma_semaphore, #tpu.memory_space<semaphore_mem>>) {add = true}
      %dma_start3A_444 = arith.constant 6 : i32
      %dma_start3A_445 = arith.constant 0 : i32
      %dma_start3A_446 = tpu.memref_slice %arg7[%dma_start3A_444, %dma_start3A_445] : memref<7x128xi32, #tpu.memory_space<vmem>> -> memref<1x128xi32, #tpu.memory_space<vmem>>
      %dma_start3A_447 = tpu.memref_squeeze %dma_start3A_446 : memref<1x128xi32, #tpu.memory_space<vmem>> -> memref<128xi32, #tpu.memory_space<vmem>>
      %dma_start3A_448 = arith.constant 0 : i32
      %dma_start3A_449 = tpu.memref_slice %arg10[%dma_start3A_448] : memref<102400xf32, #tpu.memory_space<vmem_shared>> -> memref<102400xf32, #tpu.memory_space<vmem_shared>>
      tpu.enqueue_indirect_dma source(%arg8 : memref<128xf32, #tpu.memory_space<vmem>>) target(%dma_start3A_449 : memref<102400xf32, #tpu.memory_space<vmem_shared>>) offsets(%dma_start3A_447 : memref<128xi32, #tpu.memory_space<vmem>>) semaphore(%arg15 : memref<!tpu.dma_semaphore, #tpu.memory_space<semaphore_mem>>) {add = true}
      %dma_wait3A_450 = arith.constant 0 : i32
      %dma_wait3A_451 = arith.constant 0 : i32
      %dma_wait3A_452 = tpu.memref_slice %arg7[%dma_wait3A_450, %dma_wait3A_451] : memref<7x128xi32, #tpu.memory_space<vmem>> -> memref<1x128xi32, #tpu.memory_space<vmem>>
      %dma_wait3A_453 = tpu.memref_squeeze %dma_wait3A_452 : memref<1x128xi32, #tpu.memory_space<vmem>> -> memref<128xi32, #tpu.memory_space<vmem>>
      %dma_wait3A_454 = arith.constant 0 : i32
      %dma_wait3A_455 = tpu.memref_slice %arg10[%dma_wait3A_454] : memref<102400xf32, #tpu.memory_space<vmem_shared>> -> memref<102400xf32, #tpu.memory_space<vmem_shared>>
      tpu.wait_indirect_dma semaphore(%arg15 : memref<!tpu.dma_semaphore, #tpu.memory_space<semaphore_mem>>) src(%arg8 : memref<128xf32, #tpu.memory_space<vmem>>) dst(%dma_wait3A_455 : memref<102400xf32, #tpu.memory_space<vmem_shared>>)
      %dma_wait3A_456 = arith.constant 1 : i32
      %dma_wait3A_457 = arith.constant 0 : i32
      %dma_wait3A_458 = tpu.memref_slice %arg7[%dma_wait3A_456, %dma_wait3A_457] : memref<7x128xi32, #tpu.memory_space<vmem>> -> memref<1x128xi32, #tpu.memory_space<vmem>>
      %dma_wait3A_459 = tpu.memref_squeeze %dma_wait3A_458 : memref<1x128xi32, #tpu.memory_space<vmem>> -> memref<128xi32, #tpu.memory_space<vmem>>
      %dma_wait3A_460 = arith.constant 0 : i32
      %dma_wait3A_461 = tpu.memref_slice %arg10[%dma_wait3A_460] : memref<102400xf32, #tpu.memory_space<vmem_shared>> -> memref<102400xf32, #tpu.memory_space<vmem_shared>>
      tpu.wait_indirect_dma semaphore(%arg15 : memref<!tpu.dma_semaphore, #tpu.memory_space<semaphore_mem>>) src(%arg8 : memref<128xf32, #tpu.memory_space<vmem>>) dst(%dma_wait3A_461 : memref<102400xf32, #tpu.memory_space<vmem_shared>>)
      %dma_wait3A_462 = arith.constant 2 : i32
      %dma_wait3A_463 = arith.constant 0 : i32
      %dma_wait3A_464 = tpu.memref_slice %arg7[%dma_wait3A_462, %dma_wait3A_463] : memref<7x128xi32, #tpu.memory_space<vmem>> -> memref<1x128xi32, #tpu.memory_space<vmem>>
      %dma_wait3A_465 = tpu.memref_squeeze %dma_wait3A_464 : memref<1x128xi32, #tpu.memory_space<vmem>> -> memref<128xi32, #tpu.memory_space<vmem>>
      %dma_wait3A_466 = arith.constant 0 : i32
      %dma_wait3A_467 = tpu.memref_slice %arg10[%dma_wait3A_466] : memref<102400xf32, #tpu.memory_space<vmem_shared>> -> memref<102400xf32, #tpu.memory_space<vmem_shared>>
      tpu.wait_indirect_dma semaphore(%arg15 : memref<!tpu.dma_semaphore, #tpu.memory_space<semaphore_mem>>) src(%arg8 : memref<128xf32, #tpu.memory_space<vmem>>) dst(%dma_wait3A_467 : memref<102400xf32, #tpu.memory_space<vmem_shared>>)
      %dma_wait3A_468 = arith.constant 3 : i32
      %dma_wait3A_469 = arith.constant 0 : i32
      %dma_wait3A_470 = tpu.memref_slice %arg7[%dma_wait3A_468, %dma_wait3A_469] : memref<7x128xi32, #tpu.memory_space<vmem>> -> memref<1x128xi32, #tpu.memory_space<vmem>>
      %dma_wait3A_471 = tpu.memref_squeeze %dma_wait3A_470 : memref<1x128xi32, #tpu.memory_space<vmem>> -> memref<128xi32, #tpu.memory_space<vmem>>
      %dma_wait3A_472 = arith.constant 0 : i32
      %dma_wait3A_473 = tpu.memref_slice %arg10[%dma_wait3A_472] : memref<102400xf32, #tpu.memory_space<vmem_shared>> -> memref<102400xf32, #tpu.memory_space<vmem_shared>>
      tpu.wait_indirect_dma semaphore(%arg15 : memref<!tpu.dma_semaphore, #tpu.memory_space<semaphore_mem>>) src(%arg8 : memref<128xf32, #tpu.memory_space<vmem>>) dst(%dma_wait3A_473 : memref<102400xf32, #tpu.memory_space<vmem_shared>>)
      %dma_wait3A_474 = arith.constant 4 : i32
      %dma_wait3A_475 = arith.constant 0 : i32
      %dma_wait3A_476 = tpu.memref_slice %arg7[%dma_wait3A_474, %dma_wait3A_475] : memref<7x128xi32, #tpu.memory_space<vmem>> -> memref<1x128xi32, #tpu.memory_space<vmem>>
      %dma_wait3A_477 = tpu.memref_squeeze %dma_wait3A_476 : memref<1x128xi32, #tpu.memory_space<vmem>> -> memref<128xi32, #tpu.memory_space<vmem>>
      %dma_wait3A_478 = arith.constant 0 : i32
      %dma_wait3A_479 = tpu.memref_slice %arg10[%dma_wait3A_478] : memref<102400xf32, #tpu.memory_space<vmem_shared>> -> memref<102400xf32, #tpu.memory_space<vmem_shared>>
      tpu.wait_indirect_dma semaphore(%arg15 : memref<!tpu.dma_semaphore, #tpu.memory_space<semaphore_mem>>) src(%arg8 : memref<128xf32, #tpu.memory_space<vmem>>) dst(%dma_wait3A_479 : memref<102400xf32, #tpu.memory_space<vmem_shared>>)
      %dma_wait3A_480 = arith.constant 5 : i32
      %dma_wait3A_481 = arith.constant 0 : i32
      %dma_wait3A_482 = tpu.memref_slice %arg7[%dma_wait3A_480, %dma_wait3A_481] : memref<7x128xi32, #tpu.memory_space<vmem>> -> memref<1x128xi32, #tpu.memory_space<vmem>>
      %dma_wait3A_483 = tpu.memref_squeeze %dma_wait3A_482 : memref<1x128xi32, #tpu.memory_space<vmem>> -> memref<128xi32, #tpu.memory_space<vmem>>
      %dma_wait3A_484 = arith.constant 0 : i32
      %dma_wait3A_485 = tpu.memref_slice %arg10[%dma_wait3A_484] : memref<102400xf32, #tpu.memory_space<vmem_shared>> -> memref<102400xf32, #tpu.memory_space<vmem_shared>>
      tpu.wait_indirect_dma semaphore(%arg15 : memref<!tpu.dma_semaphore, #tpu.memory_space<semaphore_mem>>) src(%arg8 : memref<128xf32, #tpu.memory_space<vmem>>) dst(%dma_wait3A_485 : memref<102400xf32, #tpu.memory_space<vmem_shared>>)
      %dma_wait3A_486 = arith.constant 6 : i32
      %dma_wait3A_487 = arith.constant 0 : i32
      %dma_wait3A_488 = tpu.memref_slice %arg7[%dma_wait3A_486, %dma_wait3A_487] : memref<7x128xi32, #tpu.memory_space<vmem>> -> memref<1x128xi32, #tpu.memory_space<vmem>>
      %dma_wait3A_489 = tpu.memref_squeeze %dma_wait3A_488 : memref<1x128xi32, #tpu.memory_space<vmem>> -> memref<128xi32, #tpu.memory_space<vmem>>
      %dma_wait3A_490 = arith.constant 0 : i32
      %dma_wait3A_491 = tpu.memref_slice %arg10[%dma_wait3A_490] : memref<102400xf32, #tpu.memory_space<vmem_shared>> -> memref<102400xf32, #tpu.memory_space<vmem_shared>>
      tpu.wait_indirect_dma semaphore(%arg15 : memref<!tpu.dma_semaphore, #tpu.memory_space<semaphore_mem>>) src(%arg8 : memref<128xf32, #tpu.memory_space<vmem>>) dst(%dma_wait3A_491 : memref<102400xf32, #tpu.memory_space<vmem_shared>>)
      %lt3A_492 = arith.constant 13 : i32
      %lt3A_493 = arith.cmpi slt, %scan3A_107, %lt3A_492 : i32
      %convert_element_type3A_494 = arith.extui %lt3A_493 : i1 to i32
      %cond3A_495 = arith.constant 0 : i32
      %cond3A_496 = arith.cmpi ne, %convert_element_type3A_494, %cond3A_495 : i32
      scf.if %cond3A_496 {
        %mul3A_498 = arith.constant 4 : i32
        %mul3A_499 = arith.muli %mul3A_498, %scan3A_107 : i32
        %add3A_500 = arith.constant 3 : i32
        %add3A_501 = arith.addi %mul3A_499, %add3A_500 : i32
        %add3A_502 = arith.constant 4 : i32
        %add3A_503 = arith.addi %add3A_501, %add3A_502 : i32
        %mul3A_504 = arith.constant 7 : i32
        %mul3A_505 = arith.muli %add3A_503, %mul3A_504 : i32
        %add3A_506 = arith.addi %mul3A_56, %mul3A_505 : i32
        %dma_start3A_507 = arith.constant 0 : i32
        %dma_start3A_508 = arith.constant 0 : i32
        %dma_start3A_509 = tpu.memref_slice %arg2[%dma_start3A_507, %add3A_506, %dma_start3A_508] : memref<2x12544x128xi32, #tpu.memory_space<hbm>> -> memref<1x7x128xi32, #tpu.memory_space<hbm>>
        %dma_start3A_510 = tpu.memref_squeeze %dma_start3A_509 : memref<1x7x128xi32, #tpu.memory_space<hbm>> -> memref<7x128xi32, #tpu.memory_space<hbm>>
        %dma_start3A_511 = arith.constant 0 : i32
        %dma_start3A_512 = tpu.memref_slice %arg2[%dma_start3A_507, %add3A_506, %dma_start3A_511] : memref<2x12544x128xi32, #tpu.memory_space<hbm>> -> memref<1x7x128xi32, #tpu.memory_space<hbm>>
        %dma_start3A_513 = tpu.memref_squeeze %dma_start3A_512 : memref<1x7x128xi32, #tpu.memory_space<hbm>> -> memref<7x128xi32, #tpu.memory_space<hbm>>
        tpu.enqueue_dma source(%dma_start3A_513 : memref<7x128xi32, #tpu.memory_space<hbm>>) target(%arg7 : memref<7x128xi32, #tpu.memory_space<vmem>>) target_semaphore(%arg14 : memref<!tpu.dma_semaphore, #tpu.memory_space<semaphore_mem>>)
      } else {
      }
      %scan3A_497 = arith.constant 0 : i32
      scf.yield %scan3A_497 : i32
    }
    %scan3A_98 = arith.constant 14 : i32
    %barrier3A_99 = arith.constant 0 : index
    tpu.barrier barrier_id(%barrier3A_99)
    %mul3A_100 = arith.constant 6400 : i32
    %mul3A_101 = arith.muli %arg1, %mul3A_100 : i32
    "tpu.region"() ({
      %run_scoped3A = tpu.sem_alloc : memref<!tpu.dma_semaphore, #tpu.memory_space<semaphore_mem>>
      %dma_start3A_107 = tpu.memref_slice %arg10[%mul3A_101] : memref<102400xf32, #tpu.memory_space<vmem_shared>> -> memref<6400xf32, #tpu.memory_space<vmem_shared>>
      %dma_start3A_108 = tpu.memref_slice %arg10[%mul3A_101] : memref<102400xf32, #tpu.memory_space<vmem_shared>> -> memref<6400xf32, #tpu.memory_space<vmem_shared>>
      tpu.enqueue_dma source(%dma_start3A_108 : memref<6400xf32, #tpu.memory_space<vmem_shared>>) target(%arg9 : memref<6400xf32, #tpu.memory_space<vmem>>) target_semaphore(%run_scoped3A : memref<!tpu.dma_semaphore, #tpu.memory_space<semaphore_mem>>)
      %dma_wait3A = tpu.memref_slice %arg10[%mul3A_101] : memref<102400xf32, #tpu.memory_space<vmem_shared>> -> memref<6400xf32, #tpu.memory_space<vmem_shared>>
      %dma_wait3A_109 = tpu.memref_slice %arg10[%mul3A_101] : memref<102400xf32, #tpu.memory_space<vmem_shared>> -> memref<6400xf32, #tpu.memory_space<vmem_shared>>
      tpu.wait_dma2 semaphore(%run_scoped3A : memref<!tpu.dma_semaphore, #tpu.memory_space<semaphore_mem>>) src(%dma_wait3A_109 : memref<6400xf32, #tpu.memory_space<vmem_shared>>) dst(%arg9 : memref<6400xf32, #tpu.memory_space<vmem>>)
      tpu.yield
    }) : () -> ()
    %mul3A_102 = arith.constant 102400 : i32
    %mul3A_103 = arith.muli %arg0, %mul3A_102 : i32
    %mul3A_104 = arith.constant 6400 : i32
    %mul3A_105 = arith.muli %arg1, %mul3A_104 : i32
    %add3A_106 = arith.addi %mul3A_103, %mul3A_105 : i32
    "tpu.region"() ({
      %run_scoped3A = tpu.sem_alloc : memref<!tpu.dma_semaphore, #tpu.memory_space<semaphore_mem>>
      %dma_start3A_107 = tpu.memref_slice %arg3[%add3A_106] : memref<204800xf32, #tpu.memory_space<hbm>> -> memref<6400xf32, #tpu.memory_space<hbm>>
      %dma_start3A_108 = tpu.memref_slice %arg3[%add3A_106] : memref<204800xf32, #tpu.memory_space<hbm>> -> memref<6400xf32, #tpu.memory_space<hbm>>
      tpu.enqueue_dma source(%arg9 : memref<6400xf32, #tpu.memory_space<vmem>>) target(%dma_start3A_108 : memref<6400xf32, #tpu.memory_space<hbm>>) target_semaphore(%run_scoped3A : memref<!tpu.dma_semaphore, #tpu.memory_space<semaphore_mem>>)
      %dma_wait3A = tpu.memref_slice %arg3[%add3A_106] : memref<204800xf32, #tpu.memory_space<hbm>> -> memref<6400xf32, #tpu.memory_space<hbm>>
      %dma_wait3A_109 = tpu.memref_slice %arg3[%add3A_106] : memref<204800xf32, #tpu.memory_space<hbm>> -> memref<6400xf32, #tpu.memory_space<hbm>>
      tpu.wait_dma2 semaphore(%run_scoped3A : memref<!tpu.dma_semaphore, #tpu.memory_space<semaphore_mem>>) src(%arg9 : memref<6400xf32, #tpu.memory_space<vmem>>) dst(%dma_wait3A_109 : memref<6400xf32, #tpu.memory_space<hbm>>)
      tpu.yield
    }) : () -> ()
    return
  }
}

#map = affine_map<(d0, d1) -> (0, 0, 0)>
#map1 = affine_map<(d0, d1) -> (0)>
module attributes {stable_mosaic.version = 14 : i64} {
  func.func @_agg_kernel(%arg0: i32, %arg1: i32, %arg2: memref<2x102400x16xf32, #tpu.memory_space<hbm>>, %arg3: memref<3211264xi32, #tpu.memory_space<hbm>>, %arg4: memref<2x12544x128xi32, #tpu.memory_space<hbm>>, %arg5: memref<2x102400x16xf32, #tpu.memory_space<hbm>>, %arg6: memref<256xi32, #tpu.memory_space<vmem>>, %arg7: memref<256xi32, #tpu.memory_space<vmem>>, %arg8: memref<256xi32, #tpu.memory_space<vmem>>, %arg9: memref<256xi32, #tpu.memory_space<vmem>>, %arg10: memref<2x128xi32, #tpu.memory_space<vmem>>, %arg11: memref<2x128xi32, #tpu.memory_space<vmem>>, %arg12: memref<2x128xi32, #tpu.memory_space<vmem>>, %arg13: memref<2x128xi32, #tpu.memory_space<vmem>>, %arg14: memref<256x16xf32, #tpu.memory_space<vmem>>, %arg15: memref<256x16xf32, #tpu.memory_space<vmem>>, %arg16: memref<256x16xf32, #tpu.memory_space<vmem>>, %arg17: memref<256x16xf32, #tpu.memory_space<vmem>>, %arg18: memref<102400x16xf32, #tpu.memory_space<vmem_shared>>, %arg19: memref<!tpu.dma_semaphore, #tpu.memory_space<semaphore_mem>>, %arg20: memref<!tpu.dma_semaphore, #tpu.memory_space<semaphore_mem>>, %arg21: memref<!tpu.dma_semaphore, #tpu.memory_space<semaphore_mem>>, %arg22: memref<!tpu.dma_semaphore, #tpu.memory_space<semaphore_mem>>, %arg23: memref<!tpu.dma_semaphore, #tpu.memory_space<semaphore_mem>>, %arg24: memref<!tpu.dma_semaphore, #tpu.memory_space<semaphore_mem>>, %arg25: memref<!tpu.dma_semaphore, #tpu.memory_space<semaphore_mem>>, %arg26: memref<!tpu.dma_semaphore, #tpu.memory_space<semaphore_mem>>, %arg27: memref<!tpu.dma_semaphore, #tpu.memory_space<semaphore_mem>>) attributes {dimension_semantics = [#tpu.dimension_semantics<core_parallel>, #tpu.dimension_semantics<subcore_parallel>], iteration_bounds = array<i64: 2, 16>, scalar_prefetch = 0 : i64, scratch_operands = 22 : i64, tpu.core_type = #tpu.core_type<sc_vector_subcore>, window_params = [{transform_indices = #map}, {transform_indices = #map1}, {transform_indices = #map}, {transform_indices = #map}]} {
    %scan3A = arith.constant 0 : i32
    %scan3A_0 = arith.constant 0 : i32
    %scan3A_1 = arith.constant 256 : i32
    %scan3A_2 = arith.addi %scan3A_0, %scan3A_1 : i32
    %scan3A_3 = arith.constant 1 : i32
    %scan3A_4 = scf.for %scan3A_446 = %scan3A_0 to %scan3A_2 step %scan3A_3 iter_args(%scan3A_447 = %scan3A) -> (i32)  : i32 {
      %broadcast_in_dim3A = arith.constant 0.000000e+00 : f32
      %broadcast_in_dim3A_448 = vector.broadcast %broadcast_in_dim3A : f32 to vector<16xf32>
      %swap3A = arith.index_cast %scan3A_446 : i32 to index
      %swap3A_449 = arith.constant 0 : index
      %swap3A_450 = tpu.vector_load %arg14[%swap3A, %swap3A_449] {strides = array<i32>} : memref<256x16xf32, #tpu.memory_space<vmem>>, vector<1x16xf32>,
      %swap3A_451 = vector.shape_cast %swap3A_450 : vector<1x16xf32> to vector<16xf32>
      %swap3A_452 = vector.shape_cast %broadcast_in_dim3A_448 : vector<16xf32> to vector<1x16xf32>
      tpu.vector_store %arg14[%swap3A, %swap3A_449], %swap3A_452 {strides = array<i32>} : memref<256x16xf32, #tpu.memory_space<vmem>>, vector<1x16xf32>,
      %scan3A_453 = arith.constant 0 : i32
      scf.yield %scan3A_453 : i32
    }
    %scan3A_5 = arith.constant 256 : i32
    %mul3A = arith.constant 6400 : i32
    %mul3A_6 = arith.muli %arg1, %mul3A : i32
    %add3A = arith.constant 0 : i32
    %add3A_7 = arith.addi %mul3A_6, %add3A : i32
    "tpu.region"() ({
      %run_scoped3A = tpu.sem_alloc : memref<!tpu.dma_semaphore, #tpu.memory_space<semaphore_mem>>
      %dma_start3A_446 = arith.constant 0 : i32
      %dma_start3A_447 = tpu.memref_slice %arg18[%add3A_7, %dma_start3A_446] : memref<102400x16xf32, #tpu.memory_space<vmem_shared>> -> memref<256x16xf32, #tpu.memory_space<vmem_shared>>
      %dma_start3A_448 = arith.constant 0 : i32
      %dma_start3A_449 = tpu.memref_slice %arg18[%add3A_7, %dma_start3A_448] : memref<102400x16xf32, #tpu.memory_space<vmem_shared>> -> memref<256x16xf32, #tpu.memory_space<vmem_shared>>
      tpu.enqueue_dma source(%arg14 : memref<256x16xf32, #tpu.memory_space<vmem>>) target(%dma_start3A_449 : memref<256x16xf32, #tpu.memory_space<vmem_shared>>) target_semaphore(%run_scoped3A : memref<!tpu.dma_semaphore, #tpu.memory_space<semaphore_mem>>)
      %dma_wait3A_450 = arith.constant 0 : i32
      %dma_wait3A_451 = tpu.memref_slice %arg18[%add3A_7, %dma_wait3A_450] : memref<102400x16xf32, #tpu.memory_space<vmem_shared>> -> memref<256x16xf32, #tpu.memory_space<vmem_shared>>
      %dma_wait3A_452 = arith.constant 0 : i32
      %dma_wait3A_453 = tpu.memref_slice %arg18[%add3A_7, %dma_wait3A_452] : memref<102400x16xf32, #tpu.memory_space<vmem_shared>> -> memref<256x16xf32, #tpu.memory_space<vmem_shared>>
      tpu.wait_dma2 semaphore(%run_scoped3A : memref<!tpu.dma_semaphore, #tpu.memory_space<semaphore_mem>>) src(%arg14 : memref<256x16xf32, #tpu.memory_space<vmem>>) dst(%dma_wait3A_453 : memref<256x16xf32, #tpu.memory_space<vmem_shared>>)
      tpu.yield
    }) : () -> ()
    %mul3A_8 = arith.constant 6400 : i32
    %mul3A_9 = arith.muli %arg1, %mul3A_8 : i32
    %add3A_10 = arith.constant 256 : i32
    %add3A_11 = arith.addi %mul3A_9, %add3A_10 : i32
    "tpu.region"() ({
      %run_scoped3A = tpu.sem_alloc : memref<!tpu.dma_semaphore, #tpu.memory_space<semaphore_mem>>
      %dma_start3A_446 = arith.constant 0 : i32
      %dma_start3A_447 = tpu.memref_slice %arg18[%add3A_11, %dma_start3A_446] : memref<102400x16xf32, #tpu.memory_space<vmem_shared>> -> memref<256x16xf32, #tpu.memory_space<vmem_shared>>
      %dma_start3A_448 = arith.constant 0 : i32
      %dma_start3A_449 = tpu.memref_slice %arg18[%add3A_11, %dma_start3A_448] : memref<102400x16xf32, #tpu.memory_space<vmem_shared>> -> memref<256x16xf32, #tpu.memory_space<vmem_shared>>
      tpu.enqueue_dma source(%arg14 : memref<256x16xf32, #tpu.memory_space<vmem>>) target(%dma_start3A_449 : memref<256x16xf32, #tpu.memory_space<vmem_shared>>) target_semaphore(%run_scoped3A : memref<!tpu.dma_semaphore, #tpu.memory_space<semaphore_mem>>)
      %dma_wait3A_450 = arith.constant 0 : i32
      %dma_wait3A_451 = tpu.memref_slice %arg18[%add3A_11, %dma_wait3A_450] : memref<102400x16xf32, #tpu.memory_space<vmem_shared>> -> memref<256x16xf32, #tpu.memory_space<vmem_shared>>
      %dma_wait3A_452 = arith.constant 0 : i32
      %dma_wait3A_453 = tpu.memref_slice %arg18[%add3A_11, %dma_wait3A_452] : memref<102400x16xf32, #tpu.memory_space<vmem_shared>> -> memref<256x16xf32, #tpu.memory_space<vmem_shared>>
      tpu.wait_dma2 semaphore(%run_scoped3A : memref<!tpu.dma_semaphore, #tpu.memory_space<semaphore_mem>>) src(%arg14 : memref<256x16xf32, #tpu.memory_space<vmem>>) dst(%dma_wait3A_453 : memref<256x16xf32, #tpu.memory_space<vmem_shared>>)
      tpu.yield
    }) : () -> ()
    %mul3A_12 = arith.constant 6400 : i32
    %mul3A_13 = arith.muli %arg1, %mul3A_12 : i32
    %add3A_14 = arith.constant 512 : i32
    %add3A_15 = arith.addi %mul3A_13, %add3A_14 : i32
    "tpu.region"() ({
      %run_scoped3A = tpu.sem_alloc : memref<!tpu.dma_semaphore, #tpu.memory_space<semaphore_mem>>
      %dma_start3A_446 = arith.constant 0 : i32
      %dma_start3A_447 = tpu.memref_slice %arg18[%add3A_15, %dma_start3A_446] : memref<102400x16xf32, #tpu.memory_space<vmem_shared>> -> memref<256x16xf32, #tpu.memory_space<vmem_shared>>
      %dma_start3A_448 = arith.constant 0 : i32
      %dma_start3A_449 = tpu.memref_slice %arg18[%add3A_15, %dma_start3A_448] : memref<102400x16xf32, #tpu.memory_space<vmem_shared>> -> memref<256x16xf32, #tpu.memory_space<vmem_shared>>
      tpu.enqueue_dma source(%arg14 : memref<256x16xf32, #tpu.memory_space<vmem>>) target(%dma_start3A_449 : memref<256x16xf32, #tpu.memory_space<vmem_shared>>) target_semaphore(%run_scoped3A : memref<!tpu.dma_semaphore, #tpu.memory_space<semaphore_mem>>)
      %dma_wait3A_450 = arith.constant 0 : i32
      %dma_wait3A_451 = tpu.memref_slice %arg18[%add3A_15, %dma_wait3A_450] : memref<102400x16xf32, #tpu.memory_space<vmem_shared>> -> memref<256x16xf32, #tpu.memory_space<vmem_shared>>
      %dma_wait3A_452 = arith.constant 0 : i32
      %dma_wait3A_453 = tpu.memref_slice %arg18[%add3A_15, %dma_wait3A_452] : memref<102400x16xf32, #tpu.memory_space<vmem_shared>> -> memref<256x16xf32, #tpu.memory_space<vmem_shared>>
      tpu.wait_dma2 semaphore(%run_scoped3A : memref<!tpu.dma_semaphore, #tpu.memory_space<semaphore_mem>>) src(%arg14 : memref<256x16xf32, #tpu.memory_space<vmem>>) dst(%dma_wait3A_453 : memref<256x16xf32, #tpu.memory_space<vmem_shared>>)
      tpu.yield
    }) : () -> ()
    %mul3A_16 = arith.constant 6400 : i32
    %mul3A_17 = arith.muli %arg1, %mul3A_16 : i32
    %add3A_18 = arith.constant 768 : i32
    %add3A_19 = arith.addi %mul3A_17, %add3A_18 : i32
    "tpu.region"() ({
      %run_scoped3A = tpu.sem_alloc : memref<!tpu.dma_semaphore, #tpu.memory_space<semaphore_mem>>
      %dma_start3A_446 = arith.constant 0 : i32
      %dma_start3A_447 = tpu.memref_slice %arg18[%add3A_19, %dma_start3A_446] : memref<102400x16xf32, #tpu.memory_space<vmem_shared>> -> memref<256x16xf32, #tpu.memory_space<vmem_shared>>
      %dma_start3A_448 = arith.constant 0 : i32
      %dma_start3A_449 = tpu.memref_slice %arg18[%add3A_19, %dma_start3A_448] : memref<102400x16xf32, #tpu.memory_space<vmem_shared>> -> memref<256x16xf32, #tpu.memory_space<vmem_shared>>
      tpu.enqueue_dma source(%arg14 : memref<256x16xf32, #tpu.memory_space<vmem>>) target(%dma_start3A_449 : memref<256x16xf32, #tpu.memory_space<vmem_shared>>) target_semaphore(%run_scoped3A : memref<!tpu.dma_semaphore, #tpu.memory_space<semaphore_mem>>)
      %dma_wait3A_450 = arith.constant 0 : i32
      %dma_wait3A_451 = tpu.memref_slice %arg18[%add3A_19, %dma_wait3A_450] : memref<102400x16xf32, #tpu.memory_space<vmem_shared>> -> memref<256x16xf32, #tpu.memory_space<vmem_shared>>
      %dma_wait3A_452 = arith.constant 0 : i32
      %dma_wait3A_453 = tpu.memref_slice %arg18[%add3A_19, %dma_wait3A_452] : memref<102400x16xf32, #tpu.memory_space<vmem_shared>> -> memref<256x16xf32, #tpu.memory_space<vmem_shared>>
      tpu.wait_dma2 semaphore(%run_scoped3A : memref<!tpu.dma_semaphore, #tpu.memory_space<semaphore_mem>>) src(%arg14 : memref<256x16xf32, #tpu.memory_space<vmem>>) dst(%dma_wait3A_453 : memref<256x16xf32, #tpu.memory_space<vmem_shared>>)
      tpu.yield
    }) : () -> ()
    %mul3A_20 = arith.constant 6400 : i32
    %mul3A_21 = arith.muli %arg1, %mul3A_20 : i32
    %add3A_22 = arith.constant 1024 : i32
    %add3A_23 = arith.addi %mul3A_21, %add3A_22 : i32
    "tpu.region"() ({
      %run_scoped3A = tpu.sem_alloc : memref<!tpu.dma_semaphore, #tpu.memory_space<semaphore_mem>>
      %dma_start3A_446 = arith.constant 0 : i32
      %dma_start3A_447 = tpu.memref_slice %arg18[%add3A_23, %dma_start3A_446] : memref<102400x16xf32, #tpu.memory_space<vmem_shared>> -> memref<256x16xf32, #tpu.memory_space<vmem_shared>>
      %dma_start3A_448 = arith.constant 0 : i32
      %dma_start3A_449 = tpu.memref_slice %arg18[%add3A_23, %dma_start3A_448] : memref<102400x16xf32, #tpu.memory_space<vmem_shared>> -> memref<256x16xf32, #tpu.memory_space<vmem_shared>>
      tpu.enqueue_dma source(%arg14 : memref<256x16xf32, #tpu.memory_space<vmem>>) target(%dma_start3A_449 : memref<256x16xf32, #tpu.memory_space<vmem_shared>>) target_semaphore(%run_scoped3A : memref<!tpu.dma_semaphore, #tpu.memory_space<semaphore_mem>>)
      %dma_wait3A_450 = arith.constant 0 : i32
      %dma_wait3A_451 = tpu.memref_slice %arg18[%add3A_23, %dma_wait3A_450] : memref<102400x16xf32, #tpu.memory_space<vmem_shared>> -> memref<256x16xf32, #tpu.memory_space<vmem_shared>>
      %dma_wait3A_452 = arith.constant 0 : i32
      %dma_wait3A_453 = tpu.memref_slice %arg18[%add3A_23, %dma_wait3A_452] : memref<102400x16xf32, #tpu.memory_space<vmem_shared>> -> memref<256x16xf32, #tpu.memory_space<vmem_shared>>
      tpu.wait_dma2 semaphore(%run_scoped3A : memref<!tpu.dma_semaphore, #tpu.memory_space<semaphore_mem>>) src(%arg14 : memref<256x16xf32, #tpu.memory_space<vmem>>) dst(%dma_wait3A_453 : memref<256x16xf32, #tpu.memory_space<vmem_shared>>)
      tpu.yield
    }) : () -> ()
    %mul3A_24 = arith.constant 6400 : i32
    %mul3A_25 = arith.muli %arg1, %mul3A_24 : i32
    %add3A_26 = arith.constant 1280 : i32
    %add3A_27 = arith.addi %mul3A_25, %add3A_26 : i32
    "tpu.region"() ({
      %run_scoped3A = tpu.sem_alloc : memref<!tpu.dma_semaphore, #tpu.memory_space<semaphore_mem>>
      %dma_start3A_446 = arith.constant 0 : i32
      %dma_start3A_447 = tpu.memref_slice %arg18[%add3A_27, %dma_start3A_446] : memref<102400x16xf32, #tpu.memory_space<vmem_shared>> -> memref<256x16xf32, #tpu.memory_space<vmem_shared>>
      %dma_start3A_448 = arith.constant 0 : i32
      %dma_start3A_449 = tpu.memref_slice %arg18[%add3A_27, %dma_start3A_448] : memref<102400x16xf32, #tpu.memory_space<vmem_shared>> -> memref<256x16xf32, #tpu.memory_space<vmem_shared>>
      tpu.enqueue_dma source(%arg14 : memref<256x16xf32, #tpu.memory_space<vmem>>) target(%dma_start3A_449 : memref<256x16xf32, #tpu.memory_space<vmem_shared>>) target_semaphore(%run_scoped3A : memref<!tpu.dma_semaphore, #tpu.memory_space<semaphore_mem>>)
      %dma_wait3A_450 = arith.constant 0 : i32
      %dma_wait3A_451 = tpu.memref_slice %arg18[%add3A_27, %dma_wait3A_450] : memref<102400x16xf32, #tpu.memory_space<vmem_shared>> -> memref<256x16xf32, #tpu.memory_space<vmem_shared>>
      %dma_wait3A_452 = arith.constant 0 : i32
      %dma_wait3A_453 = tpu.memref_slice %arg18[%add3A_27, %dma_wait3A_452] : memref<102400x16xf32, #tpu.memory_space<vmem_shared>> -> memref<256x16xf32, #tpu.memory_space<vmem_shared>>
      tpu.wait_dma2 semaphore(%run_scoped3A : memref<!tpu.dma_semaphore, #tpu.memory_space<semaphore_mem>>) src(%arg14 : memref<256x16xf32, #tpu.memory_space<vmem>>) dst(%dma_wait3A_453 : memref<256x16xf32, #tpu.memory_space<vmem_shared>>)
      tpu.yield
    }) : () -> ()
    %mul3A_28 = arith.constant 6400 : i32
    %mul3A_29 = arith.muli %arg1, %mul3A_28 : i32
    %add3A_30 = arith.constant 1536 : i32
    %add3A_31 = arith.addi %mul3A_29, %add3A_30 : i32
    "tpu.region"() ({
      %run_scoped3A = tpu.sem_alloc : memref<!tpu.dma_semaphore, #tpu.memory_space<semaphore_mem>>
      %dma_start3A_446 = arith.constant 0 : i32
      %dma_start3A_447 = tpu.memref_slice %arg18[%add3A_31, %dma_start3A_446] : memref<102400x16xf32, #tpu.memory_space<vmem_shared>> -> memref<256x16xf32, #tpu.memory_space<vmem_shared>>
      %dma_start3A_448 = arith.constant 0 : i32
      %dma_start3A_449 = tpu.memref_slice %arg18[%add3A_31, %dma_start3A_448] : memref<102400x16xf32, #tpu.memory_space<vmem_shared>> -> memref<256x16xf32, #tpu.memory_space<vmem_shared>>
      tpu.enqueue_dma source(%arg14 : memref<256x16xf32, #tpu.memory_space<vmem>>) target(%dma_start3A_449 : memref<256x16xf32, #tpu.memory_space<vmem_shared>>) target_semaphore(%run_scoped3A : memref<!tpu.dma_semaphore, #tpu.memory_space<semaphore_mem>>)
      %dma_wait3A_450 = arith.constant 0 : i32
      %dma_wait3A_451 = tpu.memref_slice %arg18[%add3A_31, %dma_wait3A_450] : memref<102400x16xf32, #tpu.memory_space<vmem_shared>> -> memref<256x16xf32, #tpu.memory_space<vmem_shared>>
      %dma_wait3A_452 = arith.constant 0 : i32
      %dma_wait3A_453 = tpu.memref_slice %arg18[%add3A_31, %dma_wait3A_452] : memref<102400x16xf32, #tpu.memory_space<vmem_shared>> -> memref<256x16xf32, #tpu.memory_space<vmem_shared>>
      tpu.wait_dma2 semaphore(%run_scoped3A : memref<!tpu.dma_semaphore, #tpu.memory_space<semaphore_mem>>) src(%arg14 : memref<256x16xf32, #tpu.memory_space<vmem>>) dst(%dma_wait3A_453 : memref<256x16xf32, #tpu.memory_space<vmem_shared>>)
      tpu.yield
    }) : () -> ()
    %mul3A_32 = arith.constant 6400 : i32
    %mul3A_33 = arith.muli %arg1, %mul3A_32 : i32
    %add3A_34 = arith.constant 1792 : i32
    %add3A_35 = arith.addi %mul3A_33, %add3A_34 : i32
    "tpu.region"() ({
      %run_scoped3A = tpu.sem_alloc : memref<!tpu.dma_semaphore, #tpu.memory_space<semaphore_mem>>
      %dma_start3A_446 = arith.constant 0 : i32
      %dma_start3A_447 = tpu.memref_slice %arg18[%add3A_35, %dma_start3A_446] : memref<102400x16xf32, #tpu.memory_space<vmem_shared>> -> memref<256x16xf32, #tpu.memory_space<vmem_shared>>
      %dma_start3A_448 = arith.constant 0 : i32
      %dma_start3A_449 = tpu.memref_slice %arg18[%add3A_35, %dma_start3A_448] : memref<102400x16xf32, #tpu.memory_space<vmem_shared>> -> memref<256x16xf32, #tpu.memory_space<vmem_shared>>
      tpu.enqueue_dma source(%arg14 : memref<256x16xf32, #tpu.memory_space<vmem>>) target(%dma_start3A_449 : memref<256x16xf32, #tpu.memory_space<vmem_shared>>) target_semaphore(%run_scoped3A : memref<!tpu.dma_semaphore, #tpu.memory_space<semaphore_mem>>)
      %dma_wait3A_450 = arith.constant 0 : i32
      %dma_wait3A_451 = tpu.memref_slice %arg18[%add3A_35, %dma_wait3A_450] : memref<102400x16xf32, #tpu.memory_space<vmem_shared>> -> memref<256x16xf32, #tpu.memory_space<vmem_shared>>
      %dma_wait3A_452 = arith.constant 0 : i32
      %dma_wait3A_453 = tpu.memref_slice %arg18[%add3A_35, %dma_wait3A_452] : memref<102400x16xf32, #tpu.memory_space<vmem_shared>> -> memref<256x16xf32, #tpu.memory_space<vmem_shared>>
      tpu.wait_dma2 semaphore(%run_scoped3A : memref<!tpu.dma_semaphore, #tpu.memory_space<semaphore_mem>>) src(%arg14 : memref<256x16xf32, #tpu.memory_space<vmem>>) dst(%dma_wait3A_453 : memref<256x16xf32, #tpu.memory_space<vmem_shared>>)
      tpu.yield
    }) : () -> ()
    %mul3A_36 = arith.constant 6400 : i32
    %mul3A_37 = arith.muli %arg1, %mul3A_36 : i32
    %add3A_38 = arith.constant 2048 : i32
    %add3A_39 = arith.addi %mul3A_37, %add3A_38 : i32
    "tpu.region"() ({
      %run_scoped3A = tpu.sem_alloc : memref<!tpu.dma_semaphore, #tpu.memory_space<semaphore_mem>>
      %dma_start3A_446 = arith.constant 0 : i32
      %dma_start3A_447 = tpu.memref_slice %arg18[%add3A_39, %dma_start3A_446] : memref<102400x16xf32, #tpu.memory_space<vmem_shared>> -> memref<256x16xf32, #tpu.memory_space<vmem_shared>>
      %dma_start3A_448 = arith.constant 0 : i32
      %dma_start3A_449 = tpu.memref_slice %arg18[%add3A_39, %dma_start3A_448] : memref<102400x16xf32, #tpu.memory_space<vmem_shared>> -> memref<256x16xf32, #tpu.memory_space<vmem_shared>>
      tpu.enqueue_dma source(%arg14 : memref<256x16xf32, #tpu.memory_space<vmem>>) target(%dma_start3A_449 : memref<256x16xf32, #tpu.memory_space<vmem_shared>>) target_semaphore(%run_scoped3A : memref<!tpu.dma_semaphore, #tpu.memory_space<semaphore_mem>>)
      %dma_wait3A_450 = arith.constant 0 : i32
      %dma_wait3A_451 = tpu.memref_slice %arg18[%add3A_39, %dma_wait3A_450] : memref<102400x16xf32, #tpu.memory_space<vmem_shared>> -> memref<256x16xf32, #tpu.memory_space<vmem_shared>>
      %dma_wait3A_452 = arith.constant 0 : i32
      %dma_wait3A_453 = tpu.memref_slice %arg18[%add3A_39, %dma_wait3A_452] : memref<102400x16xf32, #tpu.memory_space<vmem_shared>> -> memref<256x16xf32, #tpu.memory_space<vmem_shared>>
      tpu.wait_dma2 semaphore(%run_scoped3A : memref<!tpu.dma_semaphore, #tpu.memory_space<semaphore_mem>>) src(%arg14 : memref<256x16xf32, #tpu.memory_space<vmem>>) dst(%dma_wait3A_453 : memref<256x16xf32, #tpu.memory_space<vmem_shared>>)
      tpu.yield
    }) : () -> ()
    %mul3A_40 = arith.constant 6400 : i32
    %mul3A_41 = arith.muli %arg1, %mul3A_40 : i32
    %add3A_42 = arith.constant 2304 : i32
    %add3A_43 = arith.addi %mul3A_41, %add3A_42 : i32
    "tpu.region"() ({
      %run_scoped3A = tpu.sem_alloc : memref<!tpu.dma_semaphore, #tpu.memory_space<semaphore_mem>>
      %dma_start3A_446 = arith.constant 0 : i32
      %dma_start3A_447 = tpu.memref_slice %arg18[%add3A_43, %dma_start3A_446] : memref<102400x16xf32, #tpu.memory_space<vmem_shared>> -> memref<256x16xf32, #tpu.memory_space<vmem_shared>>
      %dma_start3A_448 = arith.constant 0 : i32
      %dma_start3A_449 = tpu.memref_slice %arg18[%add3A_43, %dma_start3A_448] : memref<102400x16xf32, #tpu.memory_space<vmem_shared>> -> memref<256x16xf32, #tpu.memory_space<vmem_shared>>
      tpu.enqueue_dma source(%arg14 : memref<256x16xf32, #tpu.memory_space<vmem>>) target(%dma_start3A_449 : memref<256x16xf32, #tpu.memory_space<vmem_shared>>) target_semaphore(%run_scoped3A : memref<!tpu.dma_semaphore, #tpu.memory_space<semaphore_mem>>)
      %dma_wait3A_450 = arith.constant 0 : i32
      %dma_wait3A_451 = tpu.memref_slice %arg18[%add3A_43, %dma_wait3A_450] : memref<102400x16xf32, #tpu.memory_space<vmem_shared>> -> memref<256x16xf32, #tpu.memory_space<vmem_shared>>
      %dma_wait3A_452 = arith.constant 0 : i32
      %dma_wait3A_453 = tpu.memref_slice %arg18[%add3A_43, %dma_wait3A_452] : memref<102400x16xf32, #tpu.memory_space<vmem_shared>> -> memref<256x16xf32, #tpu.memory_space<vmem_shared>>
      tpu.wait_dma2 semaphore(%run_scoped3A : memref<!tpu.dma_semaphore, #tpu.memory_space<semaphore_mem>>) src(%arg14 : memref<256x16xf32, #tpu.memory_space<vmem>>) dst(%dma_wait3A_453 : memref<256x16xf32, #tpu.memory_space<vmem_shared>>)
      tpu.yield
    }) : () -> ()
    %mul3A_44 = arith.constant 6400 : i32
    %mul3A_45 = arith.muli %arg1, %mul3A_44 : i32
    %add3A_46 = arith.constant 2560 : i32
    %add3A_47 = arith.addi %mul3A_45, %add3A_46 : i32
    "tpu.region"() ({
      %run_scoped3A = tpu.sem_alloc : memref<!tpu.dma_semaphore, #tpu.memory_space<semaphore_mem>>
      %dma_start3A_446 = arith.constant 0 : i32
      %dma_start3A_447 = tpu.memref_slice %arg18[%add3A_47, %dma_start3A_446] : memref<102400x16xf32, #tpu.memory_space<vmem_shared>> -> memref<256x16xf32, #tpu.memory_space<vmem_shared>>
      %dma_start3A_448 = arith.constant 0 : i32
      %dma_start3A_449 = tpu.memref_slice %arg18[%add3A_47, %dma_start3A_448] : memref<102400x16xf32, #tpu.memory_space<vmem_shared>> -> memref<256x16xf32, #tpu.memory_space<vmem_shared>>
      tpu.enqueue_dma source(%arg14 : memref<256x16xf32, #tpu.memory_space<vmem>>) target(%dma_start3A_449 : memref<256x16xf32, #tpu.memory_space<vmem_shared>>) target_semaphore(%run_scoped3A : memref<!tpu.dma_semaphore, #tpu.memory_space<semaphore_mem>>)
      %dma_wait3A_450 = arith.constant 0 : i32
      %dma_wait3A_451 = tpu.memref_slice %arg18[%add3A_47, %dma_wait3A_450] : memref<102400x16xf32, #tpu.memory_space<vmem_shared>> -> memref<256x16xf32, #tpu.memory_space<vmem_shared>>
      %dma_wait3A_452 = arith.constant 0 : i32
      %dma_wait3A_453 = tpu.memref_slice %arg18[%add3A_47, %dma_wait3A_452] : memref<102400x16xf32, #tpu.memory_space<vmem_shared>> -> memref<256x16xf32, #tpu.memory_space<vmem_shared>>
      tpu.wait_dma2 semaphore(%run_scoped3A : memref<!tpu.dma_semaphore, #tpu.memory_space<semaphore_mem>>) src(%arg14 : memref<256x16xf32, #tpu.memory_space<vmem>>) dst(%dma_wait3A_453 : memref<256x16xf32, #tpu.memory_space<vmem_shared>>)
      tpu.yield
    }) : () -> ()
    %mul3A_48 = arith.constant 6400 : i32
    %mul3A_49 = arith.muli %arg1, %mul3A_48 : i32
    %add3A_50 = arith.constant 2816 : i32
    %add3A_51 = arith.addi %mul3A_49, %add3A_50 : i32
    "tpu.region"() ({
      %run_scoped3A = tpu.sem_alloc : memref<!tpu.dma_semaphore, #tpu.memory_space<semaphore_mem>>
      %dma_start3A_446 = arith.constant 0 : i32
      %dma_start3A_447 = tpu.memref_slice %arg18[%add3A_51, %dma_start3A_446] : memref<102400x16xf32, #tpu.memory_space<vmem_shared>> -> memref<256x16xf32, #tpu.memory_space<vmem_shared>>
      %dma_start3A_448 = arith.constant 0 : i32
      %dma_start3A_449 = tpu.memref_slice %arg18[%add3A_51, %dma_start3A_448] : memref<102400x16xf32, #tpu.memory_space<vmem_shared>> -> memref<256x16xf32, #tpu.memory_space<vmem_shared>>
      tpu.enqueue_dma source(%arg14 : memref<256x16xf32, #tpu.memory_space<vmem>>) target(%dma_start3A_449 : memref<256x16xf32, #tpu.memory_space<vmem_shared>>) target_semaphore(%run_scoped3A : memref<!tpu.dma_semaphore, #tpu.memory_space<semaphore_mem>>)
      %dma_wait3A_450 = arith.constant 0 : i32
      %dma_wait3A_451 = tpu.memref_slice %arg18[%add3A_51, %dma_wait3A_450] : memref<102400x16xf32, #tpu.memory_space<vmem_shared>> -> memref<256x16xf32, #tpu.memory_space<vmem_shared>>
      %dma_wait3A_452 = arith.constant 0 : i32
      %dma_wait3A_453 = tpu.memref_slice %arg18[%add3A_51, %dma_wait3A_452] : memref<102400x16xf32, #tpu.memory_space<vmem_shared>> -> memref<256x16xf32, #tpu.memory_space<vmem_shared>>
      tpu.wait_dma2 semaphore(%run_scoped3A : memref<!tpu.dma_semaphore, #tpu.memory_space<semaphore_mem>>) src(%arg14 : memref<256x16xf32, #tpu.memory_space<vmem>>) dst(%dma_wait3A_453 : memref<256x16xf32, #tpu.memory_space<vmem_shared>>)
      tpu.yield
    }) : () -> ()
    %mul3A_52 = arith.constant 6400 : i32
    %mul3A_53 = arith.muli %arg1, %mul3A_52 : i32
    %add3A_54 = arith.constant 3072 : i32
    %add3A_55 = arith.addi %mul3A_53, %add3A_54 : i32
    "tpu.region"() ({
      %run_scoped3A = tpu.sem_alloc : memref<!tpu.dma_semaphore, #tpu.memory_space<semaphore_mem>>
      %dma_start3A_446 = arith.constant 0 : i32
      %dma_start3A_447 = tpu.memref_slice %arg18[%add3A_55, %dma_start3A_446] : memref<102400x16xf32, #tpu.memory_space<vmem_shared>> -> memref<256x16xf32, #tpu.memory_space<vmem_shared>>
      %dma_start3A_448 = arith.constant 0 : i32
      %dma_start3A_449 = tpu.memref_slice %arg18[%add3A_55, %dma_start3A_448] : memref<102400x16xf32, #tpu.memory_space<vmem_shared>> -> memref<256x16xf32, #tpu.memory_space<vmem_shared>>
      tpu.enqueue_dma source(%arg14 : memref<256x16xf32, #tpu.memory_space<vmem>>) target(%dma_start3A_449 : memref<256x16xf32, #tpu.memory_space<vmem_shared>>) target_semaphore(%run_scoped3A : memref<!tpu.dma_semaphore, #tpu.memory_space<semaphore_mem>>)
      %dma_wait3A_450 = arith.constant 0 : i32
      %dma_wait3A_451 = tpu.memref_slice %arg18[%add3A_55, %dma_wait3A_450] : memref<102400x16xf32, #tpu.memory_space<vmem_shared>> -> memref<256x16xf32, #tpu.memory_space<vmem_shared>>
      %dma_wait3A_452 = arith.constant 0 : i32
      %dma_wait3A_453 = tpu.memref_slice %arg18[%add3A_55, %dma_wait3A_452] : memref<102400x16xf32, #tpu.memory_space<vmem_shared>> -> memref<256x16xf32, #tpu.memory_space<vmem_shared>>
      tpu.wait_dma2 semaphore(%run_scoped3A : memref<!tpu.dma_semaphore, #tpu.memory_space<semaphore_mem>>) src(%arg14 : memref<256x16xf32, #tpu.memory_space<vmem>>) dst(%dma_wait3A_453 : memref<256x16xf32, #tpu.memory_space<vmem_shared>>)
      tpu.yield
    }) : () -> ()
    %mul3A_56 = arith.constant 6400 : i32
    %mul3A_57 = arith.muli %arg1, %mul3A_56 : i32
    %add3A_58 = arith.constant 3328 : i32
    %add3A_59 = arith.addi %mul3A_57, %add3A_58 : i32
    "tpu.region"() ({
      %run_scoped3A = tpu.sem_alloc : memref<!tpu.dma_semaphore, #tpu.memory_space<semaphore_mem>>
      %dma_start3A_446 = arith.constant 0 : i32
      %dma_start3A_447 = tpu.memref_slice %arg18[%add3A_59, %dma_start3A_446] : memref<102400x16xf32, #tpu.memory_space<vmem_shared>> -> memref<256x16xf32, #tpu.memory_space<vmem_shared>>
      %dma_start3A_448 = arith.constant 0 : i32
      %dma_start3A_449 = tpu.memref_slice %arg18[%add3A_59, %dma_start3A_448] : memref<102400x16xf32, #tpu.memory_space<vmem_shared>> -> memref<256x16xf32, #tpu.memory_space<vmem_shared>>
      tpu.enqueue_dma source(%arg14 : memref<256x16xf32, #tpu.memory_space<vmem>>) target(%dma_start3A_449 : memref<256x16xf32, #tpu.memory_space<vmem_shared>>) target_semaphore(%run_scoped3A : memref<!tpu.dma_semaphore, #tpu.memory_space<semaphore_mem>>)
      %dma_wait3A_450 = arith.constant 0 : i32
      %dma_wait3A_451 = tpu.memref_slice %arg18[%add3A_59, %dma_wait3A_450] : memref<102400x16xf32, #tpu.memory_space<vmem_shared>> -> memref<256x16xf32, #tpu.memory_space<vmem_shared>>
      %dma_wait3A_452 = arith.constant 0 : i32
      %dma_wait3A_453 = tpu.memref_slice %arg18[%add3A_59, %dma_wait3A_452] : memref<102400x16xf32, #tpu.memory_space<vmem_shared>> -> memref<256x16xf32, #tpu.memory_space<vmem_shared>>
      tpu.wait_dma2 semaphore(%run_scoped3A : memref<!tpu.dma_semaphore, #tpu.memory_space<semaphore_mem>>) src(%arg14 : memref<256x16xf32, #tpu.memory_space<vmem>>) dst(%dma_wait3A_453 : memref<256x16xf32, #tpu.memory_space<vmem_shared>>)
      tpu.yield
    }) : () -> ()
    %mul3A_60 = arith.constant 6400 : i32
    %mul3A_61 = arith.muli %arg1, %mul3A_60 : i32
    %add3A_62 = arith.constant 3584 : i32
    %add3A_63 = arith.addi %mul3A_61, %add3A_62 : i32
    "tpu.region"() ({
      %run_scoped3A = tpu.sem_alloc : memref<!tpu.dma_semaphore, #tpu.memory_space<semaphore_mem>>
      %dma_start3A_446 = arith.constant 0 : i32
      %dma_start3A_447 = tpu.memref_slice %arg18[%add3A_63, %dma_start3A_446] : memref<102400x16xf32, #tpu.memory_space<vmem_shared>> -> memref<256x16xf32, #tpu.memory_space<vmem_shared>>
      %dma_start3A_448 = arith.constant 0 : i32
      %dma_start3A_449 = tpu.memref_slice %arg18[%add3A_63, %dma_start3A_448] : memref<102400x16xf32, #tpu.memory_space<vmem_shared>> -> memref<256x16xf32, #tpu.memory_space<vmem_shared>>
      tpu.enqueue_dma source(%arg14 : memref<256x16xf32, #tpu.memory_space<vmem>>) target(%dma_start3A_449 : memref<256x16xf32, #tpu.memory_space<vmem_shared>>) target_semaphore(%run_scoped3A : memref<!tpu.dma_semaphore, #tpu.memory_space<semaphore_mem>>)
      %dma_wait3A_450 = arith.constant 0 : i32
      %dma_wait3A_451 = tpu.memref_slice %arg18[%add3A_63, %dma_wait3A_450] : memref<102400x16xf32, #tpu.memory_space<vmem_shared>> -> memref<256x16xf32, #tpu.memory_space<vmem_shared>>
      %dma_wait3A_452 = arith.constant 0 : i32
      %dma_wait3A_453 = tpu.memref_slice %arg18[%add3A_63, %dma_wait3A_452] : memref<102400x16xf32, #tpu.memory_space<vmem_shared>> -> memref<256x16xf32, #tpu.memory_space<vmem_shared>>
      tpu.wait_dma2 semaphore(%run_scoped3A : memref<!tpu.dma_semaphore, #tpu.memory_space<semaphore_mem>>) src(%arg14 : memref<256x16xf32, #tpu.memory_space<vmem>>) dst(%dma_wait3A_453 : memref<256x16xf32, #tpu.memory_space<vmem_shared>>)
      tpu.yield
    }) : () -> ()
    %mul3A_64 = arith.constant 6400 : i32
    %mul3A_65 = arith.muli %arg1, %mul3A_64 : i32
    %add3A_66 = arith.constant 3840 : i32
    %add3A_67 = arith.addi %mul3A_65, %add3A_66 : i32
    "tpu.region"() ({
      %run_scoped3A = tpu.sem_alloc : memref<!tpu.dma_semaphore, #tpu.memory_space<semaphore_mem>>
      %dma_start3A_446 = arith.constant 0 : i32
      %dma_start3A_447 = tpu.memref_slice %arg18[%add3A_67, %dma_start3A_446] : memref<102400x16xf32, #tpu.memory_space<vmem_shared>> -> memref<256x16xf32, #tpu.memory_space<vmem_shared>>
      %dma_start3A_448 = arith.constant 0 : i32
      %dma_start3A_449 = tpu.memref_slice %arg18[%add3A_67, %dma_start3A_448] : memref<102400x16xf32, #tpu.memory_space<vmem_shared>> -> memref<256x16xf32, #tpu.memory_space<vmem_shared>>
      tpu.enqueue_dma source(%arg14 : memref<256x16xf32, #tpu.memory_space<vmem>>) target(%dma_start3A_449 : memref<256x16xf32, #tpu.memory_space<vmem_shared>>) target_semaphore(%run_scoped3A : memref<!tpu.dma_semaphore, #tpu.memory_space<semaphore_mem>>)
      %dma_wait3A_450 = arith.constant 0 : i32
      %dma_wait3A_451 = tpu.memref_slice %arg18[%add3A_67, %dma_wait3A_450] : memref<102400x16xf32, #tpu.memory_space<vmem_shared>> -> memref<256x16xf32, #tpu.memory_space<vmem_shared>>
      %dma_wait3A_452 = arith.constant 0 : i32
      %dma_wait3A_453 = tpu.memref_slice %arg18[%add3A_67, %dma_wait3A_452] : memref<102400x16xf32, #tpu.memory_space<vmem_shared>> -> memref<256x16xf32, #tpu.memory_space<vmem_shared>>
      tpu.wait_dma2 semaphore(%run_scoped3A : memref<!tpu.dma_semaphore, #tpu.memory_space<semaphore_mem>>) src(%arg14 : memref<256x16xf32, #tpu.memory_space<vmem>>) dst(%dma_wait3A_453 : memref<256x16xf32, #tpu.memory_space<vmem_shared>>)
      tpu.yield
    }) : () -> ()
    %mul3A_68 = arith.constant 6400 : i32
    %mul3A_69 = arith.muli %arg1, %mul3A_68 : i32
    %add3A_70 = arith.constant 4096 : i32
    %add3A_71 = arith.addi %mul3A_69, %add3A_70 : i32
    "tpu.region"() ({
      %run_scoped3A = tpu.sem_alloc : memref<!tpu.dma_semaphore, #tpu.memory_space<semaphore_mem>>
      %dma_start3A_446 = arith.constant 0 : i32
      %dma_start3A_447 = tpu.memref_slice %arg18[%add3A_71, %dma_start3A_446] : memref<102400x16xf32, #tpu.memory_space<vmem_shared>> -> memref<256x16xf32, #tpu.memory_space<vmem_shared>>
      %dma_start3A_448 = arith.constant 0 : i32
      %dma_start3A_449 = tpu.memref_slice %arg18[%add3A_71, %dma_start3A_448] : memref<102400x16xf32, #tpu.memory_space<vmem_shared>> -> memref<256x16xf32, #tpu.memory_space<vmem_shared>>
      tpu.enqueue_dma source(%arg14 : memref<256x16xf32, #tpu.memory_space<vmem>>) target(%dma_start3A_449 : memref<256x16xf32, #tpu.memory_space<vmem_shared>>) target_semaphore(%run_scoped3A : memref<!tpu.dma_semaphore, #tpu.memory_space<semaphore_mem>>)
      %dma_wait3A_450 = arith.constant 0 : i32
      %dma_wait3A_451 = tpu.memref_slice %arg18[%add3A_71, %dma_wait3A_450] : memref<102400x16xf32, #tpu.memory_space<vmem_shared>> -> memref<256x16xf32, #tpu.memory_space<vmem_shared>>
      %dma_wait3A_452 = arith.constant 0 : i32
      %dma_wait3A_453 = tpu.memref_slice %arg18[%add3A_71, %dma_wait3A_452] : memref<102400x16xf32, #tpu.memory_space<vmem_shared>> -> memref<256x16xf32, #tpu.memory_space<vmem_shared>>
      tpu.wait_dma2 semaphore(%run_scoped3A : memref<!tpu.dma_semaphore, #tpu.memory_space<semaphore_mem>>) src(%arg14 : memref<256x16xf32, #tpu.memory_space<vmem>>) dst(%dma_wait3A_453 : memref<256x16xf32, #tpu.memory_space<vmem_shared>>)
      tpu.yield
    }) : () -> ()
    %mul3A_72 = arith.constant 6400 : i32
    %mul3A_73 = arith.muli %arg1, %mul3A_72 : i32
    %add3A_74 = arith.constant 4352 : i32
    %add3A_75 = arith.addi %mul3A_73, %add3A_74 : i32
    "tpu.region"() ({
      %run_scoped3A = tpu.sem_alloc : memref<!tpu.dma_semaphore, #tpu.memory_space<semaphore_mem>>
      %dma_start3A_446 = arith.constant 0 : i32
      %dma_start3A_447 = tpu.memref_slice %arg18[%add3A_75, %dma_start3A_446] : memref<102400x16xf32, #tpu.memory_space<vmem_shared>> -> memref<256x16xf32, #tpu.memory_space<vmem_shared>>
      %dma_start3A_448 = arith.constant 0 : i32
      %dma_start3A_449 = tpu.memref_slice %arg18[%add3A_75, %dma_start3A_448] : memref<102400x16xf32, #tpu.memory_space<vmem_shared>> -> memref<256x16xf32, #tpu.memory_space<vmem_shared>>
      tpu.enqueue_dma source(%arg14 : memref<256x16xf32, #tpu.memory_space<vmem>>) target(%dma_start3A_449 : memref<256x16xf32, #tpu.memory_space<vmem_shared>>) target_semaphore(%run_scoped3A : memref<!tpu.dma_semaphore, #tpu.memory_space<semaphore_mem>>)
      %dma_wait3A_450 = arith.constant 0 : i32
      %dma_wait3A_451 = tpu.memref_slice %arg18[%add3A_75, %dma_wait3A_450] : memref<102400x16xf32, #tpu.memory_space<vmem_shared>> -> memref<256x16xf32, #tpu.memory_space<vmem_shared>>
      %dma_wait3A_452 = arith.constant 0 : i32
      %dma_wait3A_453 = tpu.memref_slice %arg18[%add3A_75, %dma_wait3A_452] : memref<102400x16xf32, #tpu.memory_space<vmem_shared>> -> memref<256x16xf32, #tpu.memory_space<vmem_shared>>
      tpu.wait_dma2 semaphore(%run_scoped3A : memref<!tpu.dma_semaphore, #tpu.memory_space<semaphore_mem>>) src(%arg14 : memref<256x16xf32, #tpu.memory_space<vmem>>) dst(%dma_wait3A_453 : memref<256x16xf32, #tpu.memory_space<vmem_shared>>)
      tpu.yield
    }) : () -> ()
    %mul3A_76 = arith.constant 6400 : i32
    %mul3A_77 = arith.muli %arg1, %mul3A_76 : i32
    %add3A_78 = arith.constant 4608 : i32
    %add3A_79 = arith.addi %mul3A_77, %add3A_78 : i32
    "tpu.region"() ({
      %run_scoped3A = tpu.sem_alloc : memref<!tpu.dma_semaphore, #tpu.memory_space<semaphore_mem>>
      %dma_start3A_446 = arith.constant 0 : i32
      %dma_start3A_447 = tpu.memref_slice %arg18[%add3A_79, %dma_start3A_446] : memref<102400x16xf32, #tpu.memory_space<vmem_shared>> -> memref<256x16xf32, #tpu.memory_space<vmem_shared>>
      %dma_start3A_448 = arith.constant 0 : i32
      %dma_start3A_449 = tpu.memref_slice %arg18[%add3A_79, %dma_start3A_448] : memref<102400x16xf32, #tpu.memory_space<vmem_shared>> -> memref<256x16xf32, #tpu.memory_space<vmem_shared>>
      tpu.enqueue_dma source(%arg14 : memref<256x16xf32, #tpu.memory_space<vmem>>) target(%dma_start3A_449 : memref<256x16xf32, #tpu.memory_space<vmem_shared>>) target_semaphore(%run_scoped3A : memref<!tpu.dma_semaphore, #tpu.memory_space<semaphore_mem>>)
      %dma_wait3A_450 = arith.constant 0 : i32
      %dma_wait3A_451 = tpu.memref_slice %arg18[%add3A_79, %dma_wait3A_450] : memref<102400x16xf32, #tpu.memory_space<vmem_shared>> -> memref<256x16xf32, #tpu.memory_space<vmem_shared>>
      %dma_wait3A_452 = arith.constant 0 : i32
      %dma_wait3A_453 = tpu.memref_slice %arg18[%add3A_79, %dma_wait3A_452] : memref<102400x16xf32, #tpu.memory_space<vmem_shared>> -> memref<256x16xf32, #tpu.memory_space<vmem_shared>>
      tpu.wait_dma2 semaphore(%run_scoped3A : memref<!tpu.dma_semaphore, #tpu.memory_space<semaphore_mem>>) src(%arg14 : memref<256x16xf32, #tpu.memory_space<vmem>>) dst(%dma_wait3A_453 : memref<256x16xf32, #tpu.memory_space<vmem_shared>>)
      tpu.yield
    }) : () -> ()
    %mul3A_80 = arith.constant 6400 : i32
    %mul3A_81 = arith.muli %arg1, %mul3A_80 : i32
    %add3A_82 = arith.constant 4864 : i32
    %add3A_83 = arith.addi %mul3A_81, %add3A_82 : i32
    "tpu.region"() ({
      %run_scoped3A = tpu.sem_alloc : memref<!tpu.dma_semaphore, #tpu.memory_space<semaphore_mem>>
      %dma_start3A_446 = arith.constant 0 : i32
      %dma_start3A_447 = tpu.memref_slice %arg18[%add3A_83, %dma_start3A_446] : memref<102400x16xf32, #tpu.memory_space<vmem_shared>> -> memref<256x16xf32, #tpu.memory_space<vmem_shared>>
      %dma_start3A_448 = arith.constant 0 : i32
      %dma_start3A_449 = tpu.memref_slice %arg18[%add3A_83, %dma_start3A_448] : memref<102400x16xf32, #tpu.memory_space<vmem_shared>> -> memref<256x16xf32, #tpu.memory_space<vmem_shared>>
      tpu.enqueue_dma source(%arg14 : memref<256x16xf32, #tpu.memory_space<vmem>>) target(%dma_start3A_449 : memref<256x16xf32, #tpu.memory_space<vmem_shared>>) target_semaphore(%run_scoped3A : memref<!tpu.dma_semaphore, #tpu.memory_space<semaphore_mem>>)
      %dma_wait3A_450 = arith.constant 0 : i32
      %dma_wait3A_451 = tpu.memref_slice %arg18[%add3A_83, %dma_wait3A_450] : memref<102400x16xf32, #tpu.memory_space<vmem_shared>> -> memref<256x16xf32, #tpu.memory_space<vmem_shared>>
      %dma_wait3A_452 = arith.constant 0 : i32
      %dma_wait3A_453 = tpu.memref_slice %arg18[%add3A_83, %dma_wait3A_452] : memref<102400x16xf32, #tpu.memory_space<vmem_shared>> -> memref<256x16xf32, #tpu.memory_space<vmem_shared>>
      tpu.wait_dma2 semaphore(%run_scoped3A : memref<!tpu.dma_semaphore, #tpu.memory_space<semaphore_mem>>) src(%arg14 : memref<256x16xf32, #tpu.memory_space<vmem>>) dst(%dma_wait3A_453 : memref<256x16xf32, #tpu.memory_space<vmem_shared>>)
      tpu.yield
    }) : () -> ()
    %mul3A_84 = arith.constant 6400 : i32
    %mul3A_85 = arith.muli %arg1, %mul3A_84 : i32
    %add3A_86 = arith.constant 5120 : i32
    %add3A_87 = arith.addi %mul3A_85, %add3A_86 : i32
    "tpu.region"() ({
      %run_scoped3A = tpu.sem_alloc : memref<!tpu.dma_semaphore, #tpu.memory_space<semaphore_mem>>
      %dma_start3A_446 = arith.constant 0 : i32
      %dma_start3A_447 = tpu.memref_slice %arg18[%add3A_87, %dma_start3A_446] : memref<102400x16xf32, #tpu.memory_space<vmem_shared>> -> memref<256x16xf32, #tpu.memory_space<vmem_shared>>
      %dma_start3A_448 = arith.constant 0 : i32
      %dma_start3A_449 = tpu.memref_slice %arg18[%add3A_87, %dma_start3A_448] : memref<102400x16xf32, #tpu.memory_space<vmem_shared>> -> memref<256x16xf32, #tpu.memory_space<vmem_shared>>
      tpu.enqueue_dma source(%arg14 : memref<256x16xf32, #tpu.memory_space<vmem>>) target(%dma_start3A_449 : memref<256x16xf32, #tpu.memory_space<vmem_shared>>) target_semaphore(%run_scoped3A : memref<!tpu.dma_semaphore, #tpu.memory_space<semaphore_mem>>)
      %dma_wait3A_450 = arith.constant 0 : i32
      %dma_wait3A_451 = tpu.memref_slice %arg18[%add3A_87, %dma_wait3A_450] : memref<102400x16xf32, #tpu.memory_space<vmem_shared>> -> memref<256x16xf32, #tpu.memory_space<vmem_shared>>
      %dma_wait3A_452 = arith.constant 0 : i32
      %dma_wait3A_453 = tpu.memref_slice %arg18[%add3A_87, %dma_wait3A_452] : memref<102400x16xf32, #tpu.memory_space<vmem_shared>> -> memref<256x16xf32, #tpu.memory_space<vmem_shared>>
      tpu.wait_dma2 semaphore(%run_scoped3A : memref<!tpu.dma_semaphore, #tpu.memory_space<semaphore_mem>>) src(%arg14 : memref<256x16xf32, #tpu.memory_space<vmem>>) dst(%dma_wait3A_453 : memref<256x16xf32, #tpu.memory_space<vmem_shared>>)
      tpu.yield
    }) : () -> ()
    %mul3A_88 = arith.constant 6400 : i32
    %mul3A_89 = arith.muli %arg1, %mul3A_88 : i32
    %add3A_90 = arith.constant 5376 : i32
    %add3A_91 = arith.addi %mul3A_89, %add3A_90 : i32
    "tpu.region"() ({
      %run_scoped3A = tpu.sem_alloc : memref<!tpu.dma_semaphore, #tpu.memory_space<semaphore_mem>>
      %dma_start3A_446 = arith.constant 0 : i32
      %dma_start3A_447 = tpu.memref_slice %arg18[%add3A_91, %dma_start3A_446] : memref<102400x16xf32, #tpu.memory_space<vmem_shared>> -> memref<256x16xf32, #tpu.memory_space<vmem_shared>>
      %dma_start3A_448 = arith.constant 0 : i32
      %dma_start3A_449 = tpu.memref_slice %arg18[%add3A_91, %dma_start3A_448] : memref<102400x16xf32, #tpu.memory_space<vmem_shared>> -> memref<256x16xf32, #tpu.memory_space<vmem_shared>>
      tpu.enqueue_dma source(%arg14 : memref<256x16xf32, #tpu.memory_space<vmem>>) target(%dma_start3A_449 : memref<256x16xf32, #tpu.memory_space<vmem_shared>>) target_semaphore(%run_scoped3A : memref<!tpu.dma_semaphore, #tpu.memory_space<semaphore_mem>>)
      %dma_wait3A_450 = arith.constant 0 : i32
      %dma_wait3A_451 = tpu.memref_slice %arg18[%add3A_91, %dma_wait3A_450] : memref<102400x16xf32, #tpu.memory_space<vmem_shared>> -> memref<256x16xf32, #tpu.memory_space<vmem_shared>>
      %dma_wait3A_452 = arith.constant 0 : i32
      %dma_wait3A_453 = tpu.memref_slice %arg18[%add3A_91, %dma_wait3A_452] : memref<102400x16xf32, #tpu.memory_space<vmem_shared>> -> memref<256x16xf32, #tpu.memory_space<vmem_shared>>
      tpu.wait_dma2 semaphore(%run_scoped3A : memref<!tpu.dma_semaphore, #tpu.memory_space<semaphore_mem>>) src(%arg14 : memref<256x16xf32, #tpu.memory_space<vmem>>) dst(%dma_wait3A_453 : memref<256x16xf32, #tpu.memory_space<vmem_shared>>)
      tpu.yield
    }) : () -> ()
    %mul3A_92 = arith.constant 6400 : i32
    %mul3A_93 = arith.muli %arg1, %mul3A_92 : i32
    %add3A_94 = arith.constant 5632 : i32
    %add3A_95 = arith.addi %mul3A_93, %add3A_94 : i32
    "tpu.region"() ({
      %run_scoped3A = tpu.sem_alloc : memref<!tpu.dma_semaphore, #tpu.memory_space<semaphore_mem>>
      %dma_start3A_446 = arith.constant 0 : i32
      %dma_start3A_447 = tpu.memref_slice %arg18[%add3A_95, %dma_start3A_446] : memref<102400x16xf32, #tpu.memory_space<vmem_shared>> -> memref<256x16xf32, #tpu.memory_space<vmem_shared>>
      %dma_start3A_448 = arith.constant 0 : i32
      %dma_start3A_449 = tpu.memref_slice %arg18[%add3A_95, %dma_start3A_448] : memref<102400x16xf32, #tpu.memory_space<vmem_shared>> -> memref<256x16xf32, #tpu.memory_space<vmem_shared>>
      tpu.enqueue_dma source(%arg14 : memref<256x16xf32, #tpu.memory_space<vmem>>) target(%dma_start3A_449 : memref<256x16xf32, #tpu.memory_space<vmem_shared>>) target_semaphore(%run_scoped3A : memref<!tpu.dma_semaphore, #tpu.memory_space<semaphore_mem>>)
      %dma_wait3A_450 = arith.constant 0 : i32
      %dma_wait3A_451 = tpu.memref_slice %arg18[%add3A_95, %dma_wait3A_450] : memref<102400x16xf32, #tpu.memory_space<vmem_shared>> -> memref<256x16xf32, #tpu.memory_space<vmem_shared>>
      %dma_wait3A_452 = arith.constant 0 : i32
      %dma_wait3A_453 = tpu.memref_slice %arg18[%add3A_95, %dma_wait3A_452] : memref<102400x16xf32, #tpu.memory_space<vmem_shared>> -> memref<256x16xf32, #tpu.memory_space<vmem_shared>>
      tpu.wait_dma2 semaphore(%run_scoped3A : memref<!tpu.dma_semaphore, #tpu.memory_space<semaphore_mem>>) src(%arg14 : memref<256x16xf32, #tpu.memory_space<vmem>>) dst(%dma_wait3A_453 : memref<256x16xf32, #tpu.memory_space<vmem_shared>>)
      tpu.yield
    }) : () -> ()
    %mul3A_96 = arith.constant 6400 : i32
    %mul3A_97 = arith.muli %arg1, %mul3A_96 : i32
    %add3A_98 = arith.constant 5888 : i32
    %add3A_99 = arith.addi %mul3A_97, %add3A_98 : i32
    "tpu.region"() ({
      %run_scoped3A = tpu.sem_alloc : memref<!tpu.dma_semaphore, #tpu.memory_space<semaphore_mem>>
      %dma_start3A_446 = arith.constant 0 : i32
      %dma_start3A_447 = tpu.memref_slice %arg18[%add3A_99, %dma_start3A_446] : memref<102400x16xf32, #tpu.memory_space<vmem_shared>> -> memref<256x16xf32, #tpu.memory_space<vmem_shared>>
      %dma_start3A_448 = arith.constant 0 : i32
      %dma_start3A_449 = tpu.memref_slice %arg18[%add3A_99, %dma_start3A_448] : memref<102400x16xf32, #tpu.memory_space<vmem_shared>> -> memref<256x16xf32, #tpu.memory_space<vmem_shared>>
      tpu.enqueue_dma source(%arg14 : memref<256x16xf32, #tpu.memory_space<vmem>>) target(%dma_start3A_449 : memref<256x16xf32, #tpu.memory_space<vmem_shared>>) target_semaphore(%run_scoped3A : memref<!tpu.dma_semaphore, #tpu.memory_space<semaphore_mem>>)
      %dma_wait3A_450 = arith.constant 0 : i32
      %dma_wait3A_451 = tpu.memref_slice %arg18[%add3A_99, %dma_wait3A_450] : memref<102400x16xf32, #tpu.memory_space<vmem_shared>> -> memref<256x16xf32, #tpu.memory_space<vmem_shared>>
      %dma_wait3A_452 = arith.constant 0 : i32
      %dma_wait3A_453 = tpu.memref_slice %arg18[%add3A_99, %dma_wait3A_452] : memref<102400x16xf32, #tpu.memory_space<vmem_shared>> -> memref<256x16xf32, #tpu.memory_space<vmem_shared>>
      tpu.wait_dma2 semaphore(%run_scoped3A : memref<!tpu.dma_semaphore, #tpu.memory_space<semaphore_mem>>) src(%arg14 : memref<256x16xf32, #tpu.memory_space<vmem>>) dst(%dma_wait3A_453 : memref<256x16xf32, #tpu.memory_space<vmem_shared>>)
      tpu.yield
    }) : () -> ()
    %mul3A_100 = arith.constant 6400 : i32
    %mul3A_101 = arith.muli %arg1, %mul3A_100 : i32
    %add3A_102 = arith.constant 6144 : i32
    %add3A_103 = arith.addi %mul3A_101, %add3A_102 : i32
    "tpu.region"() ({
      %run_scoped3A = tpu.sem_alloc : memref<!tpu.dma_semaphore, #tpu.memory_space<semaphore_mem>>
      %dma_start3A_446 = arith.constant 0 : i32
      %dma_start3A_447 = tpu.memref_slice %arg18[%add3A_103, %dma_start3A_446] : memref<102400x16xf32, #tpu.memory_space<vmem_shared>> -> memref<256x16xf32, #tpu.memory_space<vmem_shared>>
      %dma_start3A_448 = arith.constant 0 : i32
      %dma_start3A_449 = tpu.memref_slice %arg18[%add3A_103, %dma_start3A_448] : memref<102400x16xf32, #tpu.memory_space<vmem_shared>> -> memref<256x16xf32, #tpu.memory_space<vmem_shared>>
      tpu.enqueue_dma source(%arg14 : memref<256x16xf32, #tpu.memory_space<vmem>>) target(%dma_start3A_449 : memref<256x16xf32, #tpu.memory_space<vmem_shared>>) target_semaphore(%run_scoped3A : memref<!tpu.dma_semaphore, #tpu.memory_space<semaphore_mem>>)
      %dma_wait3A_450 = arith.constant 0 : i32
      %dma_wait3A_451 = tpu.memref_slice %arg18[%add3A_103, %dma_wait3A_450] : memref<102400x16xf32, #tpu.memory_space<vmem_shared>> -> memref<256x16xf32, #tpu.memory_space<vmem_shared>>
      %dma_wait3A_452 = arith.constant 0 : i32
      %dma_wait3A_453 = tpu.memref_slice %arg18[%add3A_103, %dma_wait3A_452] : memref<102400x16xf32, #tpu.memory_space<vmem_shared>> -> memref<256x16xf32, #tpu.memory_space<vmem_shared>>
      tpu.wait_dma2 semaphore(%run_scoped3A : memref<!tpu.dma_semaphore, #tpu.memory_space<semaphore_mem>>) src(%arg14 : memref<256x16xf32, #tpu.memory_space<vmem>>) dst(%dma_wait3A_453 : memref<256x16xf32, #tpu.memory_space<vmem_shared>>)
      tpu.yield
    }) : () -> ()
    %barrier3A = arith.constant 0 : index
    tpu.barrier barrier_id(%barrier3A)
    %mul3A_104 = arith.constant 100352 : i32
    %mul3A_105 = arith.muli %arg1, %mul3A_104 : i32
    %mul3A_106 = arith.constant 784 : i32
    %mul3A_107 = arith.muli %arg1, %mul3A_106 : i32
    %add3A_108 = arith.constant 0 : i32
    %add3A_109 = arith.addi %mul3A_105, %add3A_108 : i32
    %dma_start3A = tpu.memref_slice %arg3[%add3A_109] : memref<3211264xi32, #tpu.memory_space<hbm>> -> memref<256xi32, #tpu.memory_space<hbm>>
    %dma_start3A_110 = tpu.memref_slice %arg3[%add3A_109] : memref<3211264xi32, #tpu.memory_space<hbm>> -> memref<256xi32, #tpu.memory_space<hbm>>
    tpu.enqueue_dma source(%dma_start3A_110 : memref<256xi32, #tpu.memory_space<hbm>>) target(%arg6 : memref<256xi32, #tpu.memory_space<vmem>>) target_semaphore(%arg23 : memref<!tpu.dma_semaphore, #tpu.memory_space<semaphore_mem>>)
    %add3A_111 = arith.constant 0 : i32
    %add3A_112 = arith.addi %mul3A_107, %add3A_111 : i32
    %dma_start3A_113 = arith.constant 1 : i32
    %dma_start3A_114 = arith.constant 0 : i32
    %dma_start3A_115 = tpu.memref_slice %arg4[%dma_start3A_113, %add3A_112, %dma_start3A_114] : memref<2x12544x128xi32, #tpu.memory_space<hbm>> -> memref<1x2x128xi32, #tpu.memory_space<hbm>>
    %dma_start3A_116 = tpu.memref_squeeze %dma_start3A_115 : memref<1x2x128xi32, #tpu.memory_space<hbm>> -> memref<2x128xi32, #tpu.memory_space<hbm>>
    %dma_start3A_117 = arith.constant 0 : i32
    %dma_start3A_118 = tpu.memref_slice %arg4[%dma_start3A_113, %add3A_112, %dma_start3A_117] : memref<2x12544x128xi32, #tpu.memory_space<hbm>> -> memref<1x2x128xi32, #tpu.memory_space<hbm>>
    %dma_start3A_119 = tpu.memref_squeeze %dma_start3A_118 : memref<1x2x128xi32, #tpu.memory_space<hbm>> -> memref<2x128xi32, #tpu.memory_space<hbm>>
    tpu.enqueue_dma source(%dma_start3A_119 : memref<2x128xi32, #tpu.memory_space<hbm>>) target(%arg10 : memref<2x128xi32, #tpu.memory_space<vmem>>) target_semaphore(%arg23 : memref<!tpu.dma_semaphore, #tpu.memory_space<semaphore_mem>>)
    %add3A_120 = arith.constant 256 : i32
    %add3A_121 = arith.addi %mul3A_105, %add3A_120 : i32
    %dma_start3A_122 = tpu.memref_slice %arg3[%add3A_121] : memref<3211264xi32, #tpu.memory_space<hbm>> -> memref<256xi32, #tpu.memory_space<hbm>>
    %dma_start3A_123 = tpu.memref_slice %arg3[%add3A_121] : memref<3211264xi32, #tpu.memory_space<hbm>> -> memref<256xi32, #tpu.memory_space<hbm>>
    tpu.enqueue_dma source(%dma_start3A_123 : memref<256xi32, #tpu.memory_space<hbm>>) target(%arg7 : memref<256xi32, #tpu.memory_space<vmem>>) target_semaphore(%arg24 : memref<!tpu.dma_semaphore, #tpu.memory_space<semaphore_mem>>)
    %add3A_124 = arith.constant 2 : i32
    %add3A_125 = arith.addi %mul3A_107, %add3A_124 : i32
    %dma_start3A_126 = arith.constant 1 : i32
    %dma_start3A_127 = arith.constant 0 : i32
    %dma_start3A_128 = tpu.memref_slice %arg4[%dma_start3A_126, %add3A_125, %dma_start3A_127] : memref<2x12544x128xi32, #tpu.memory_space<hbm>> -> memref<1x2x128xi32, #tpu.memory_space<hbm>>
    %dma_start3A_129 = tpu.memref_squeeze %dma_start3A_128 : memref<1x2x128xi32, #tpu.memory_space<hbm>> -> memref<2x128xi32, #tpu.memory_space<hbm>>
    %dma_start3A_130 = arith.constant 0 : i32
    %dma_start3A_131 = tpu.memref_slice %arg4[%dma_start3A_126, %add3A_125, %dma_start3A_130] : memref<2x12544x128xi32, #tpu.memory_space<hbm>> -> memref<1x2x128xi32, #tpu.memory_space<hbm>>
    %dma_start3A_132 = tpu.memref_squeeze %dma_start3A_131 : memref<1x2x128xi32, #tpu.memory_space<hbm>> -> memref<2x128xi32, #tpu.memory_space<hbm>>
    tpu.enqueue_dma source(%dma_start3A_132 : memref<2x128xi32, #tpu.memory_space<hbm>>) target(%arg11 : memref<2x128xi32, #tpu.memory_space<vmem>>) target_semaphore(%arg24 : memref<!tpu.dma_semaphore, #tpu.memory_space<semaphore_mem>>)
    %add3A_133 = arith.constant 512 : i32
    %add3A_134 = arith.addi %mul3A_105, %add3A_133 : i32
    %dma_start3A_135 = tpu.memref_slice %arg3[%add3A_134] : memref<3211264xi32, #tpu.memory_space<hbm>> -> memref<256xi32, #tpu.memory_space<hbm>>
    %dma_start3A_136 = tpu.memref_slice %arg3[%add3A_134] : memref<3211264xi32, #tpu.memory_space<hbm>> -> memref<256xi32, #tpu.memory_space<hbm>>
    tpu.enqueue_dma source(%dma_start3A_136 : memref<256xi32, #tpu.memory_space<hbm>>) target(%arg8 : memref<256xi32, #tpu.memory_space<vmem>>) target_semaphore(%arg25 : memref<!tpu.dma_semaphore, #tpu.memory_space<semaphore_mem>>)
    %add3A_137 = arith.constant 4 : i32
    %add3A_138 = arith.addi %mul3A_107, %add3A_137 : i32
    %dma_start3A_139 = arith.constant 1 : i32
    %dma_start3A_140 = arith.constant 0 : i32
    %dma_start3A_141 = tpu.memref_slice %arg4[%dma_start3A_139, %add3A_138, %dma_start3A_140] : memref<2x12544x128xi32, #tpu.memory_space<hbm>> -> memref<1x2x128xi32, #tpu.memory_space<hbm>>
    %dma_start3A_142 = tpu.memref_squeeze %dma_start3A_141 : memref<1x2x128xi32, #tpu.memory_space<hbm>> -> memref<2x128xi32, #tpu.memory_space<hbm>>
    %dma_start3A_143 = arith.constant 0 : i32
    %dma_start3A_144 = tpu.memref_slice %arg4[%dma_start3A_139, %add3A_138, %dma_start3A_143] : memref<2x12544x128xi32, #tpu.memory_space<hbm>> -> memref<1x2x128xi32, #tpu.memory_space<hbm>>
    %dma_start3A_145 = tpu.memref_squeeze %dma_start3A_144 : memref<1x2x128xi32, #tpu.memory_space<hbm>> -> memref<2x128xi32, #tpu.memory_space<hbm>>
    tpu.enqueue_dma source(%dma_start3A_145 : memref<2x128xi32, #tpu.memory_space<hbm>>) target(%arg12 : memref<2x128xi32, #tpu.memory_space<vmem>>) target_semaphore(%arg25 : memref<!tpu.dma_semaphore, #tpu.memory_space<semaphore_mem>>)
    %add3A_146 = arith.constant 768 : i32
    %add3A_147 = arith.addi %mul3A_105, %add3A_146 : i32
    %dma_start3A_148 = tpu.memref_slice %arg3[%add3A_147] : memref<3211264xi32, #tpu.memory_space<hbm>> -> memref<256xi32, #tpu.memory_space<hbm>>
    %dma_start3A_149 = tpu.memref_slice %arg3[%add3A_147] : memref<3211264xi32, #tpu.memory_space<hbm>> -> memref<256xi32, #tpu.memory_space<hbm>>
    tpu.enqueue_dma source(%dma_start3A_149 : memref<256xi32, #tpu.memory_space<hbm>>) target(%arg9 : memref<256xi32, #tpu.memory_space<vmem>>) target_semaphore(%arg26 : memref<!tpu.dma_semaphore, #tpu.memory_space<semaphore_mem>>)
    %add3A_150 = arith.constant 6 : i32
    %add3A_151 = arith.addi %mul3A_107, %add3A_150 : i32
    %dma_start3A_152 = arith.constant 1 : i32
    %dma_start3A_153 = arith.constant 0 : i32
    %dma_start3A_154 = tpu.memref_slice %arg4[%dma_start3A_152, %add3A_151, %dma_start3A_153] : memref<2x12544x128xi32, #tpu.memory_space<hbm>> -> memref<1x2x128xi32, #tpu.memory_space<hbm>>
    %dma_start3A_155 = tpu.memref_squeeze %dma_start3A_154 : memref<1x2x128xi32, #tpu.memory_space<hbm>> -> memref<2x128xi32, #tpu.memory_space<hbm>>
    %dma_start3A_156 = arith.constant 0 : i32
    %dma_start3A_157 = tpu.memref_slice %arg4[%dma_start3A_152, %add3A_151, %dma_start3A_156] : memref<2x12544x128xi32, #tpu.memory_space<hbm>> -> memref<1x2x128xi32, #tpu.memory_space<hbm>>
    %dma_start3A_158 = tpu.memref_squeeze %dma_start3A_157 : memref<1x2x128xi32, #tpu.memory_space<hbm>> -> memref<2x128xi32, #tpu.memory_space<hbm>>
    tpu.enqueue_dma source(%dma_start3A_158 : memref<2x128xi32, #tpu.memory_space<hbm>>) target(%arg13 : memref<2x128xi32, #tpu.memory_space<vmem>>) target_semaphore(%arg26 : memref<!tpu.dma_semaphore, #tpu.memory_space<semaphore_mem>>)
    %dma_wait3A = arith.constant 0 : i32
    %dma_wait3A_159 = tpu.memref_slice %arg3[%dma_wait3A] : memref<3211264xi32, #tpu.memory_space<hbm>> -> memref<256xi32, #tpu.memory_space<hbm>>
    %dma_wait3A_160 = arith.constant 0 : i32
    %dma_wait3A_161 = tpu.memref_slice %arg3[%dma_wait3A_160] : memref<3211264xi32, #tpu.memory_space<hbm>> -> memref<256xi32, #tpu.memory_space<hbm>>
    tpu.wait_dma2 semaphore(%arg23 : memref<!tpu.dma_semaphore, #tpu.memory_space<semaphore_mem>>) src(%dma_wait3A_161 : memref<256xi32, #tpu.memory_space<hbm>>) dst(%arg6 : memref<256xi32, #tpu.memory_space<vmem>>)
    %dma_wait3A_162 = arith.constant 1 : i32
    %dma_wait3A_163 = arith.constant 0 : i32
    %dma_wait3A_164 = arith.constant 0 : i32
    %dma_wait3A_165 = tpu.memref_slice %arg4[%dma_wait3A_162, %dma_wait3A_163, %dma_wait3A_164] : memref<2x12544x128xi32, #tpu.memory_space<hbm>> -> memref<1x2x128xi32, #tpu.memory_space<hbm>>
    %dma_wait3A_166 = tpu.memref_squeeze %dma_wait3A_165 : memref<1x2x128xi32, #tpu.memory_space<hbm>> -> memref<2x128xi32, #tpu.memory_space<hbm>>
    %dma_wait3A_167 = arith.constant 0 : i32
    %dma_wait3A_168 = arith.constant 0 : i32
    %dma_wait3A_169 = tpu.memref_slice %arg4[%dma_wait3A_162, %dma_wait3A_167, %dma_wait3A_168] : memref<2x12544x128xi32, #tpu.memory_space<hbm>> -> memref<1x2x128xi32, #tpu.memory_space<hbm>>
    %dma_wait3A_170 = tpu.memref_squeeze %dma_wait3A_169 : memref<1x2x128xi32, #tpu.memory_space<hbm>> -> memref<2x128xi32, #tpu.memory_space<hbm>>
    tpu.wait_dma2 semaphore(%arg23 : memref<!tpu.dma_semaphore, #tpu.memory_space<semaphore_mem>>) src(%dma_wait3A_170 : memref<2x128xi32, #tpu.memory_space<hbm>>) dst(%arg10 : memref<2x128xi32, #tpu.memory_space<vmem>>)
    %dma_start3A_171 = arith.constant 0 : i32
    %dma_start3A_172 = arith.constant 0 : i32
    %dma_start3A_173 = tpu.memref_slice %arg2[%arg0, %dma_start3A_171, %dma_start3A_172] : memref<2x102400x16xf32, #tpu.memory_space<hbm>> -> memref<1x102400x16xf32, #tpu.memory_space<hbm>>
    %dma_start3A_174 = tpu.memref_squeeze %dma_start3A_173 : memref<1x102400x16xf32, #tpu.memory_space<hbm>> -> memref<102400x16xf32, #tpu.memory_space<hbm>>
    %dma_start3A_175 = arith.constant 0 : i32
    %dma_start3A_176 = arith.constant 0 : i32
    %dma_start3A_177 = tpu.memref_slice %dma_start3A_174[%dma_start3A_175, %dma_start3A_176] : memref<102400x16xf32, #tpu.memory_space<hbm>> -> memref<102400x16xf32, #tpu.memory_space<hbm>>
    tpu.enqueue_indirect_dma source(%dma_start3A_177 : memref<102400x16xf32, #tpu.memory_space<hbm>>) target(%arg14 : memref<256x16xf32, #tpu.memory_space<vmem>>) offsets(%arg6 : memref<256xi32, #tpu.memory_space<vmem>>) semaphore(%arg19 : memref<!tpu.dma_semaphore, #tpu.memory_space<semaphore_mem>>)
    %dma_wait3A_178 = arith.constant 0 : i32
    %dma_wait3A_179 = tpu.memref_slice %arg3[%dma_wait3A_178] : memref<3211264xi32, #tpu.memory_space<hbm>> -> memref<256xi32, #tpu.memory_space<hbm>>
    %dma_wait3A_180 = arith.constant 0 : i32
    %dma_wait3A_181 = tpu.memref_slice %arg3[%dma_wait3A_180] : memref<3211264xi32, #tpu.memory_space<hbm>> -> memref<256xi32, #tpu.memory_space<hbm>>
    tpu.wait_dma2 semaphore(%arg24 : memref<!tpu.dma_semaphore, #tpu.memory_space<semaphore_mem>>) src(%dma_wait3A_181 : memref<256xi32, #tpu.memory_space<hbm>>) dst(%arg7 : memref<256xi32, #tpu.memory_space<vmem>>)
    %dma_wait3A_182 = arith.constant 1 : i32
    %dma_wait3A_183 = arith.constant 0 : i32
    %dma_wait3A_184 = arith.constant 0 : i32
    %dma_wait3A_185 = tpu.memref_slice %arg4[%dma_wait3A_182, %dma_wait3A_183, %dma_wait3A_184] : memref<2x12544x128xi32, #tpu.memory_space<hbm>> -> memref<1x2x128xi32, #tpu.memory_space<hbm>>
    %dma_wait3A_186 = tpu.memref_squeeze %dma_wait3A_185 : memref<1x2x128xi32, #tpu.memory_space<hbm>> -> memref<2x128xi32, #tpu.memory_space<hbm>>
    %dma_wait3A_187 = arith.constant 0 : i32
    %dma_wait3A_188 = arith.constant 0 : i32
    %dma_wait3A_189 = tpu.memref_slice %arg4[%dma_wait3A_182, %dma_wait3A_187, %dma_wait3A_188] : memref<2x12544x128xi32, #tpu.memory_space<hbm>> -> memref<1x2x128xi32, #tpu.memory_space<hbm>>
    %dma_wait3A_190 = tpu.memref_squeeze %dma_wait3A_189 : memref<1x2x128xi32, #tpu.memory_space<hbm>> -> memref<2x128xi32, #tpu.memory_space<hbm>>
    tpu.wait_dma2 semaphore(%arg24 : memref<!tpu.dma_semaphore, #tpu.memory_space<semaphore_mem>>) src(%dma_wait3A_190 : memref<2x128xi32, #tpu.memory_space<hbm>>) dst(%arg11 : memref<2x128xi32, #tpu.memory_space<vmem>>)
    %dma_start3A_191 = arith.constant 0 : i32
    %dma_start3A_192 = arith.constant 0 : i32
    %dma_start3A_193 = tpu.memref_slice %arg2[%arg0, %dma_start3A_191, %dma_start3A_192] : memref<2x102400x16xf32, #tpu.memory_space<hbm>> -> memref<1x102400x16xf32, #tpu.memory_space<hbm>>
    %dma_start3A_194 = tpu.memref_squeeze %dma_start3A_193 : memref<1x102400x16xf32, #tpu.memory_space<hbm>> -> memref<102400x16xf32, #tpu.memory_space<hbm>>
    %dma_start3A_195 = arith.constant 0 : i32
    %dma_start3A_196 = arith.constant 0 : i32
    %dma_start3A_197 = tpu.memref_slice %dma_start3A_194[%dma_start3A_195, %dma_start3A_196] : memref<102400x16xf32, #tpu.memory_space<hbm>> -> memref<102400x16xf32, #tpu.memory_space<hbm>>
    tpu.enqueue_indirect_dma source(%dma_start3A_197 : memref<102400x16xf32, #tpu.memory_space<hbm>>) target(%arg15 : memref<256x16xf32, #tpu.memory_space<vmem>>) offsets(%arg7 : memref<256xi32, #tpu.memory_space<vmem>>) semaphore(%arg20 : memref<!tpu.dma_semaphore, #tpu.memory_space<semaphore_mem>>)
    %dma_wait3A_198 = arith.constant 0 : i32
    %dma_wait3A_199 = tpu.memref_slice %arg3[%dma_wait3A_198] : memref<3211264xi32, #tpu.memory_space<hbm>> -> memref<256xi32, #tpu.memory_space<hbm>>
    %dma_wait3A_200 = arith.constant 0 : i32
    %dma_wait3A_201 = tpu.memref_slice %arg3[%dma_wait3A_200] : memref<3211264xi32, #tpu.memory_space<hbm>> -> memref<256xi32, #tpu.memory_space<hbm>>
    tpu.wait_dma2 semaphore(%arg25 : memref<!tpu.dma_semaphore, #tpu.memory_space<semaphore_mem>>) src(%dma_wait3A_201 : memref<256xi32, #tpu.memory_space<hbm>>) dst(%arg8 : memref<256xi32, #tpu.memory_space<vmem>>)
    %dma_wait3A_202 = arith.constant 1 : i32
    %dma_wait3A_203 = arith.constant 0 : i32
    %dma_wait3A_204 = arith.constant 0 : i32
    %dma_wait3A_205 = tpu.memref_slice %arg4[%dma_wait3A_202, %dma_wait3A_203, %dma_wait3A_204] : memref<2x12544x128xi32, #tpu.memory_space<hbm>> -> memref<1x2x128xi32, #tpu.memory_space<hbm>>
    %dma_wait3A_206 = tpu.memref_squeeze %dma_wait3A_205 : memref<1x2x128xi32, #tpu.memory_space<hbm>> -> memref<2x128xi32, #tpu.memory_space<hbm>>
    %dma_wait3A_207 = arith.constant 0 : i32
    %dma_wait3A_208 = arith.constant 0 : i32
    %dma_wait3A_209 = tpu.memref_slice %arg4[%dma_wait3A_202, %dma_wait3A_207, %dma_wait3A_208] : memref<2x12544x128xi32, #tpu.memory_space<hbm>> -> memref<1x2x128xi32, #tpu.memory_space<hbm>>
    %dma_wait3A_210 = tpu.memref_squeeze %dma_wait3A_209 : memref<1x2x128xi32, #tpu.memory_space<hbm>> -> memref<2x128xi32, #tpu.memory_space<hbm>>
    tpu.wait_dma2 semaphore(%arg25 : memref<!tpu.dma_semaphore, #tpu.memory_space<semaphore_mem>>) src(%dma_wait3A_210 : memref<2x128xi32, #tpu.memory_space<hbm>>) dst(%arg12 : memref<2x128xi32, #tpu.memory_space<vmem>>)
    %dma_start3A_211 = arith.constant 0 : i32
    %dma_start3A_212 = arith.constant 0 : i32
    %dma_start3A_213 = tpu.memref_slice %arg2[%arg0, %dma_start3A_211, %dma_start3A_212] : memref<2x102400x16xf32, #tpu.memory_space<hbm>> -> memref<1x102400x16xf32, #tpu.memory_space<hbm>>
    %dma_start3A_214 = tpu.memref_squeeze %dma_start3A_213 : memref<1x102400x16xf32, #tpu.memory_space<hbm>> -> memref<102400x16xf32, #tpu.memory_space<hbm>>
    %dma_start3A_215 = arith.constant 0 : i32
    %dma_start3A_216 = arith.constant 0 : i32
    %dma_start3A_217 = tpu.memref_slice %dma_start3A_214[%dma_start3A_215, %dma_start3A_216] : memref<102400x16xf32, #tpu.memory_space<hbm>> -> memref<102400x16xf32, #tpu.memory_space<hbm>>
    tpu.enqueue_indirect_dma source(%dma_start3A_217 : memref<102400x16xf32, #tpu.memory_space<hbm>>) target(%arg16 : memref<256x16xf32, #tpu.memory_space<vmem>>) offsets(%arg8 : memref<256xi32, #tpu.memory_space<vmem>>) semaphore(%arg21 : memref<!tpu.dma_semaphore, #tpu.memory_space<semaphore_mem>>)
    %dma_wait3A_218 = arith.constant 0 : i32
    %dma_wait3A_219 = tpu.memref_slice %arg3[%dma_wait3A_218] : memref<3211264xi32, #tpu.memory_space<hbm>> -> memref<256xi32, #tpu.memory_space<hbm>>
    %dma_wait3A_220 = arith.constant 0 : i32
    %dma_wait3A_221 = tpu.memref_slice %arg3[%dma_wait3A_220] : memref<3211264xi32, #tpu.memory_space<hbm>> -> memref<256xi32, #tpu.memory_space<hbm>>
    tpu.wait_dma2 semaphore(%arg26 : memref<!tpu.dma_semaphore, #tpu.memory_space<semaphore_mem>>) src(%dma_wait3A_221 : memref<256xi32, #tpu.memory_space<hbm>>) dst(%arg9 : memref<256xi32, #tpu.memory_space<vmem>>)
    %dma_wait3A_222 = arith.constant 1 : i32
    %dma_wait3A_223 = arith.constant 0 : i32
    %dma_wait3A_224 = arith.constant 0 : i32
    %dma_wait3A_225 = tpu.memref_slice %arg4[%dma_wait3A_222, %dma_wait3A_223, %dma_wait3A_224] : memref<2x12544x128xi32, #tpu.memory_space<hbm>> -> memref<1x2x128xi32, #tpu.memory_space<hbm>>
    %dma_wait3A_226 = tpu.memref_squeeze %dma_wait3A_225 : memref<1x2x128xi32, #tpu.memory_space<hbm>> -> memref<2x128xi32, #tpu.memory_space<hbm>>
    %dma_wait3A_227 = arith.constant 0 : i32
    %dma_wait3A_228 = arith.constant 0 : i32
    %dma_wait3A_229 = tpu.memref_slice %arg4[%dma_wait3A_222, %dma_wait3A_227, %dma_wait3A_228] : memref<2x12544x128xi32, #tpu.memory_space<hbm>> -> memref<1x2x128xi32, #tpu.memory_space<hbm>>
    %dma_wait3A_230 = tpu.memref_squeeze %dma_wait3A_229 : memref<1x2x128xi32, #tpu.memory_space<hbm>> -> memref<2x128xi32, #tpu.memory_space<hbm>>
    tpu.wait_dma2 semaphore(%arg26 : memref<!tpu.dma_semaphore, #tpu.memory_space<semaphore_mem>>) src(%dma_wait3A_230 : memref<2x128xi32, #tpu.memory_space<hbm>>) dst(%arg13 : memref<2x128xi32, #tpu.memory_space<vmem>>)
    %dma_start3A_231 = arith.constant 0 : i32
    %dma_start3A_232 = arith.constant 0 : i32
    %dma_start3A_233 = tpu.memref_slice %arg2[%arg0, %dma_start3A_231, %dma_start3A_232] : memref<2x102400x16xf32, #tpu.memory_space<hbm>> -> memref<1x102400x16xf32, #tpu.memory_space<hbm>>
    %dma_start3A_234 = tpu.memref_squeeze %dma_start3A_233 : memref<1x102400x16xf32, #tpu.memory_space<hbm>> -> memref<102400x16xf32, #tpu.memory_space<hbm>>
    %dma_start3A_235 = arith.constant 0 : i32
    %dma_start3A_236 = arith.constant 0 : i32
    %dma_start3A_237 = tpu.memref_slice %dma_start3A_234[%dma_start3A_235, %dma_start3A_236] : memref<102400x16xf32, #tpu.memory_space<hbm>> -> memref<102400x16xf32, #tpu.memory_space<hbm>>
    tpu.enqueue_indirect_dma source(%dma_start3A_237 : memref<102400x16xf32, #tpu.memory_space<hbm>>) target(%arg17 : memref<256x16xf32, #tpu.memory_space<vmem>>) offsets(%arg9 : memref<256xi32, #tpu.memory_space<vmem>>) semaphore(%arg22 : memref<!tpu.dma_semaphore, #tpu.memory_space<semaphore_mem>>)
    %scan3A_238 = arith.constant 0 : i32
    %scan3A_239 = arith.constant 0 : i32
    %scan3A_240 = arith.constant 98 : i32
    %scan3A_241 = arith.addi %scan3A_239, %scan3A_240 : i32
    %scan3A_242 = arith.constant 1 : i32
    %scan3A_243 = scf.for %scan3A_446 = %scan3A_239 to %scan3A_241 step %scan3A_242 iter_args(%scan3A_447 = %scan3A_238) -> (i32)  : i32 {
      %dma_wait3A_448 = arith.constant 0 : i32
      %dma_wait3A_449 = arith.constant 0 : i32
      %dma_wait3A_450 = tpu.memref_slice %arg2[%arg0, %dma_wait3A_448, %dma_wait3A_449] : memref<2x102400x16xf32, #tpu.memory_space<hbm>> -> memref<1x102400x16xf32, #tpu.memory_space<hbm>>
      %dma_wait3A_451 = tpu.memref_squeeze %dma_wait3A_450 : memref<1x102400x16xf32, #tpu.memory_space<hbm>> -> memref<102400x16xf32, #tpu.memory_space<hbm>>
      %dma_wait3A_452 = arith.constant 0 : i32
      %dma_wait3A_453 = arith.constant 0 : i32
      %dma_wait3A_454 = tpu.memref_slice %dma_wait3A_451[%dma_wait3A_452, %dma_wait3A_453] : memref<102400x16xf32, #tpu.memory_space<hbm>> -> memref<256x16xf32, #tpu.memory_space<hbm>>
      %dma_wait3A_455 = arith.constant 0 : i32
      %dma_wait3A_456 = arith.constant 0 : i32
      %dma_wait3A_457 = tpu.memref_slice %arg2[%arg0, %dma_wait3A_455, %dma_wait3A_456] : memref<2x102400x16xf32, #tpu.memory_space<hbm>> -> memref<1x102400x16xf32, #tpu.memory_space<hbm>>
      %dma_wait3A_458 = tpu.memref_squeeze %dma_wait3A_457 : memref<1x102400x16xf32, #tpu.memory_space<hbm>> -> memref<102400x16xf32, #tpu.memory_space<hbm>>
      %dma_wait3A_459 = arith.constant 0 : i32
      %dma_wait3A_460 = arith.constant 0 : i32
      %dma_wait3A_461 = tpu.memref_slice %dma_wait3A_458[%dma_wait3A_459, %dma_wait3A_460] : memref<102400x16xf32, #tpu.memory_space<hbm>> -> memref<256x16xf32, #tpu.memory_space<hbm>>
      tpu.wait_dma2 semaphore(%arg19 : memref<!tpu.dma_semaphore, #tpu.memory_space<semaphore_mem>>) src(%dma_wait3A_461 : memref<256x16xf32, #tpu.memory_space<hbm>>) dst(%arg14 : memref<256x16xf32, #tpu.memory_space<vmem>>)
      %dma_start3A_462 = arith.constant 0 : i32
      %dma_start3A_463 = arith.constant 0 : i32
      %dma_start3A_464 = arith.constant 0 : i32
      %dma_start3A_465 = tpu.memref_slice %arg14[%dma_start3A_463, %dma_start3A_464] : memref<256x16xf32, #tpu.memory_space<vmem>> -> memref<128x16xf32, #tpu.memory_space<vmem>>
      %dma_start3A_466 = arith.constant 0 : i32
      %dma_start3A_467 = tpu.memref_slice %arg10[%dma_start3A_462, %dma_start3A_466] : memref<2x128xi32, #tpu.memory_space<vmem>> -> memref<1x128xi32, #tpu.memory_space<vmem>>
      %dma_start3A_468 = tpu.memref_squeeze %dma_start3A_467 : memref<1x128xi32, #tpu.memory_space<vmem>> -> memref<128xi32, #tpu.memory_space<vmem>>
      %dma_start3A_469 = arith.constant 0 : i32
      %dma_start3A_470 = arith.constant 0 : i32
      %dma_start3A_471 = tpu.memref_slice %arg18[%dma_start3A_469, %dma_start3A_470] : memref<102400x16xf32, #tpu.memory_space<vmem_shared>> -> memref<102400x16xf32, #tpu.memory_space<vmem_shared>>
      tpu.enqueue_indirect_dma source(%dma_start3A_465 : memref<128x16xf32, #tpu.memory_space<vmem>>) target(%dma_start3A_471 : memref<102400x16xf32, #tpu.memory_space<vmem_shared>>) offsets(%dma_start3A_468 : memref<128xi32, #tpu.memory_space<vmem>>) semaphore(%arg27 : memref<!tpu.dma_semaphore, #tpu.memory_space<semaphore_mem>>) {add = true}
      %dma_start3A_472 = arith.constant 1 : i32
      %dma_start3A_473 = arith.constant 128 : i32
      %dma_start3A_474 = arith.constant 0 : i32
      %dma_start3A_475 = tpu.memref_slice %arg14[%dma_start3A_473, %dma_start3A_474] : memref<256x16xf32, #tpu.memory_space<vmem>> -> memref<128x16xf32, #tpu.memory_space<vmem>>
      %dma_start3A_476 = arith.constant 0 : i32
      %dma_start3A_477 = tpu.memref_slice %arg10[%dma_start3A_472, %dma_start3A_476] : memref<2x128xi32, #tpu.memory_space<vmem>> -> memref<1x128xi32, #tpu.memory_space<vmem>>
      %dma_start3A_478 = tpu.memref_squeeze %dma_start3A_477 : memref<1x128xi32, #tpu.memory_space<vmem>> -> memref<128xi32, #tpu.memory_space<vmem>>
      %dma_start3A_479 = arith.constant 0 : i32
      %dma_start3A_480 = arith.constant 0 : i32
      %dma_start3A_481 = tpu.memref_slice %arg18[%dma_start3A_479, %dma_start3A_480] : memref<102400x16xf32, #tpu.memory_space<vmem_shared>> -> memref<102400x16xf32, #tpu.memory_space<vmem_shared>>
      tpu.enqueue_indirect_dma source(%dma_start3A_475 : memref<128x16xf32, #tpu.memory_space<vmem>>) target(%dma_start3A_481 : memref<102400x16xf32, #tpu.memory_space<vmem_shared>>) offsets(%dma_start3A_478 : memref<128xi32, #tpu.memory_space<vmem>>) semaphore(%arg27 : memref<!tpu.dma_semaphore, #tpu.memory_space<semaphore_mem>>) {add = true}
      %dma_wait3A_482 = arith.constant 0 : i32
      %dma_wait3A_483 = arith.constant 0 : i32
      %dma_wait3A_484 = arith.constant 0 : i32
      %dma_wait3A_485 = tpu.memref_slice %arg14[%dma_wait3A_483, %dma_wait3A_484] : memref<256x16xf32, #tpu.memory_space<vmem>> -> memref<128x16xf32, #tpu.memory_space<vmem>>
      %dma_wait3A_486 = arith.constant 0 : i32
      %dma_wait3A_487 = tpu.memref_slice %arg10[%dma_wait3A_482, %dma_wait3A_486] : memref<2x128xi32, #tpu.memory_space<vmem>> -> memref<1x128xi32, #tpu.memory_space<vmem>>
      %dma_wait3A_488 = tpu.memref_squeeze %dma_wait3A_487 : memref<1x128xi32, #tpu.memory_space<vmem>> -> memref<128xi32, #tpu.memory_space<vmem>>
      %dma_wait3A_489 = arith.constant 0 : i32
      %dma_wait3A_490 = arith.constant 0 : i32
      %dma_wait3A_491 = tpu.memref_slice %arg18[%dma_wait3A_489, %dma_wait3A_490] : memref<102400x16xf32, #tpu.memory_space<vmem_shared>> -> memref<102400x16xf32, #tpu.memory_space<vmem_shared>>
      tpu.wait_indirect_dma semaphore(%arg27 : memref<!tpu.dma_semaphore, #tpu.memory_space<semaphore_mem>>) src(%dma_wait3A_485 : memref<128x16xf32, #tpu.memory_space<vmem>>) dst(%dma_wait3A_491 : memref<102400x16xf32, #tpu.memory_space<vmem_shared>>)
      %dma_wait3A_492 = arith.constant 1 : i32
      %dma_wait3A_493 = arith.constant 128 : i32
      %dma_wait3A_494 = arith.constant 0 : i32
      %dma_wait3A_495 = tpu.memref_slice %arg14[%dma_wait3A_493, %dma_wait3A_494] : memref<256x16xf32, #tpu.memory_space<vmem>> -> memref<128x16xf32, #tpu.memory_space<vmem>>
      %dma_wait3A_496 = arith.constant 0 : i32
      %dma_wait3A_497 = tpu.memref_slice %arg10[%dma_wait3A_492, %dma_wait3A_496] : memref<2x128xi32, #tpu.memory_space<vmem>> -> memref<1x128xi32, #tpu.memory_space<vmem>>
      %dma_wait3A_498 = tpu.memref_squeeze %dma_wait3A_497 : memref<1x128xi32, #tpu.memory_space<vmem>> -> memref<128xi32, #tpu.memory_space<vmem>>
      %dma_wait3A_499 = arith.constant 0 : i32
      %dma_wait3A_500 = arith.constant 0 : i32
      %dma_wait3A_501 = tpu.memref_slice %arg18[%dma_wait3A_499, %dma_wait3A_500] : memref<102400x16xf32, #tpu.memory_space<vmem_shared>> -> memref<102400x16xf32, #tpu.memory_space<vmem_shared>>
      tpu.wait_indirect_dma semaphore(%arg27 : memref<!tpu.dma_semaphore, #tpu.memory_space<semaphore_mem>>) src(%dma_wait3A_495 : memref<128x16xf32, #tpu.memory_space<vmem>>) dst(%dma_wait3A_501 : memref<102400x16xf32, #tpu.memory_space<vmem_shared>>)
      %lt3A = arith.constant 97 : i32
      %lt3A_502 = arith.cmpi slt, %scan3A_446, %lt3A : i32
      %convert_element_type3A = arith.extui %lt3A_502 : i1 to i32
      %cond3A = arith.constant 0 : i32
      %cond3A_503 = arith.cmpi ne, %convert_element_type3A, %cond3A : i32
      scf.if %cond3A_503 {
        %mul3A_682 = arith.constant 4 : i32
        %mul3A_683 = arith.muli %mul3A_682, %scan3A_446 : i32
        %add3A_684 = arith.constant 0 : i32
        %add3A_685 = arith.addi %mul3A_683, %add3A_684 : i32
        %add3A_686 = arith.constant 4 : i32
        %add3A_687 = arith.addi %add3A_685, %add3A_686 : i32
        %mul3A_688 = arith.constant 256 : i32
        %mul3A_689 = arith.muli %add3A_687, %mul3A_688 : i32
        %add3A_690 = arith.addi %mul3A_105, %mul3A_689 : i32
        %dma_start3A_691 = tpu.memref_slice %arg3[%add3A_690] : memref<3211264xi32, #tpu.memory_space<hbm>> -> memref<256xi32, #tpu.memory_space<hbm>>
        %dma_start3A_692 = tpu.memref_slice %arg3[%add3A_690] : memref<3211264xi32, #tpu.memory_space<hbm>> -> memref<256xi32, #tpu.memory_space<hbm>>
        tpu.enqueue_dma source(%dma_start3A_692 : memref<256xi32, #tpu.memory_space<hbm>>) target(%arg6 : memref<256xi32, #tpu.memory_space<vmem>>) target_semaphore(%arg23 : memref<!tpu.dma_semaphore, #tpu.memory_space<semaphore_mem>>)
        %mul3A_693 = arith.constant 2 : i32
        %mul3A_694 = arith.muli %add3A_687, %mul3A_693 : i32
        %add3A_695 = arith.addi %mul3A_107, %mul3A_694 : i32
        %dma_start3A_696 = arith.constant 1 : i32
        %dma_start3A_697 = arith.constant 0 : i32
        %dma_start3A_698 = tpu.memref_slice %arg4[%dma_start3A_696, %add3A_695, %dma_start3A_697] : memref<2x12544x128xi32, #tpu.memory_space<hbm>> -> memref<1x2x128xi32, #tpu.memory_space<hbm>>
        %dma_start3A_699 = tpu.memref_squeeze %dma_start3A_698 : memref<1x2x128xi32, #tpu.memory_space<hbm>> -> memref<2x128xi32, #tpu.memory_space<hbm>>
        %dma_start3A_700 = arith.constant 0 : i32
        %dma_start3A_701 = tpu.memref_slice %arg4[%dma_start3A_696, %add3A_695, %dma_start3A_700] : memref<2x12544x128xi32, #tpu.memory_space<hbm>> -> memref<1x2x128xi32, #tpu.memory_space<hbm>>
        %dma_start3A_702 = tpu.memref_squeeze %dma_start3A_701 : memref<1x2x128xi32, #tpu.memory_space<hbm>> -> memref<2x128xi32, #tpu.memory_space<hbm>>
        tpu.enqueue_dma source(%dma_start3A_702 : memref<2x128xi32, #tpu.memory_space<hbm>>) target(%arg10 : memref<2x128xi32, #tpu.memory_space<vmem>>) target_semaphore(%arg23 : memref<!tpu.dma_semaphore, #tpu.memory_space<semaphore_mem>>)
        %dma_wait3A_703 = arith.constant 0 : i32
        %dma_wait3A_704 = tpu.memref_slice %arg3[%dma_wait3A_703] : memref<3211264xi32, #tpu.memory_space<hbm>> -> memref<256xi32, #tpu.memory_space<hbm>>
        %dma_wait3A_705 = arith.constant 0 : i32
        %dma_wait3A_706 = tpu.memref_slice %arg3[%dma_wait3A_705] : memref<3211264xi32, #tpu.memory_space<hbm>> -> memref<256xi32, #tpu.memory_space<hbm>>
        tpu.wait_dma2 semaphore(%arg23 : memref<!tpu.dma_semaphore, #tpu.memory_space<semaphore_mem>>) src(%dma_wait3A_706 : memref<256xi32, #tpu.memory_space<hbm>>) dst(%arg6 : memref<256xi32, #tpu.memory_space<vmem>>)
        %dma_wait3A_707 = arith.constant 1 : i32
        %dma_wait3A_708 = arith.constant 0 : i32
        %dma_wait3A_709 = arith.constant 0 : i32
        %dma_wait3A_710 = tpu.memref_slice %arg4[%dma_wait3A_707, %dma_wait3A_708, %dma_wait3A_709] : memref<2x12544x128xi32, #tpu.memory_space<hbm>> -> memref<1x2x128xi32, #tpu.memory_space<hbm>>
        %dma_wait3A_711 = tpu.memref_squeeze %dma_wait3A_710 : memref<1x2x128xi32, #tpu.memory_space<hbm>> -> memref<2x128xi32, #tpu.memory_space<hbm>>
        %dma_wait3A_712 = arith.constant 0 : i32
        %dma_wait3A_713 = arith.constant 0 : i32
        %dma_wait3A_714 = tpu.memref_slice %arg4[%dma_wait3A_707, %dma_wait3A_712, %dma_wait3A_713] : memref<2x12544x128xi32, #tpu.memory_space<hbm>> -> memref<1x2x128xi32, #tpu.memory_space<hbm>>
        %dma_wait3A_715 = tpu.memref_squeeze %dma_wait3A_714 : memref<1x2x128xi32, #tpu.memory_space<hbm>> -> memref<2x128xi32, #tpu.memory_space<hbm>>
        tpu.wait_dma2 semaphore(%arg23 : memref<!tpu.dma_semaphore, #tpu.memory_space<semaphore_mem>>) src(%dma_wait3A_715 : memref<2x128xi32, #tpu.memory_space<hbm>>) dst(%arg10 : memref<2x128xi32, #tpu.memory_space<vmem>>)
        %dma_start3A_716 = arith.constant 0 : i32
        %dma_start3A_717 = arith.constant 0 : i32
        %dma_start3A_718 = tpu.memref_slice %arg2[%arg0, %dma_start3A_716, %dma_start3A_717] : memref<2x102400x16xf32, #tpu.memory_space<hbm>> -> memref<1x102400x16xf32, #tpu.memory_space<hbm>>
        %dma_start3A_719 = tpu.memref_squeeze %dma_start3A_718 : memref<1x102400x16xf32, #tpu.memory_space<hbm>> -> memref<102400x16xf32, #tpu.memory_space<hbm>>
        %dma_start3A_720 = arith.constant 0 : i32
        %dma_start3A_721 = arith.constant 0 : i32
        %dma_start3A_722 = tpu.memref_slice %dma_start3A_719[%dma_start3A_720, %dma_start3A_721] : memref<102400x16xf32, #tpu.memory_space<hbm>> -> memref<102400x16xf32, #tpu.memory_space<hbm>>
        tpu.enqueue_indirect_dma source(%dma_start3A_722 : memref<102400x16xf32, #tpu.memory_space<hbm>>) target(%arg14 : memref<256x16xf32, #tpu.memory_space<vmem>>) offsets(%arg6 : memref<256xi32, #tpu.memory_space<vmem>>) semaphore(%arg19 : memref<!tpu.dma_semaphore, #tpu.memory_space<semaphore_mem>>)
      } else {
      }
      %dma_wait3A_504 = arith.constant 0 : i32
      %dma_wait3A_505 = arith.constant 0 : i32
      %dma_wait3A_506 = tpu.memref_slice %arg2[%arg0, %dma_wait3A_504, %dma_wait3A_505] : memref<2x102400x16xf32, #tpu.memory_space<hbm>> -> memref<1x102400x16xf32, #tpu.memory_space<hbm>>
      %dma_wait3A_507 = tpu.memref_squeeze %dma_wait3A_506 : memref<1x102400x16xf32, #tpu.memory_space<hbm>> -> memref<102400x16xf32, #tpu.memory_space<hbm>>
      %dma_wait3A_508 = arith.constant 0 : i32
      %dma_wait3A_509 = arith.constant 0 : i32
      %dma_wait3A_510 = tpu.memref_slice %dma_wait3A_507[%dma_wait3A_508, %dma_wait3A_509] : memref<102400x16xf32, #tpu.memory_space<hbm>> -> memref<256x16xf32, #tpu.memory_space<hbm>>
      %dma_wait3A_511 = arith.constant 0 : i32
      %dma_wait3A_512 = arith.constant 0 : i32
      %dma_wait3A_513 = tpu.memref_slice %arg2[%arg0, %dma_wait3A_511, %dma_wait3A_512] : memref<2x102400x16xf32, #tpu.memory_space<hbm>> -> memref<1x102400x16xf32, #tpu.memory_space<hbm>>
      %dma_wait3A_514 = tpu.memref_squeeze %dma_wait3A_513 : memref<1x102400x16xf32, #tpu.memory_space<hbm>> -> memref<102400x16xf32, #tpu.memory_space<hbm>>
      %dma_wait3A_515 = arith.constant 0 : i32
      %dma_wait3A_516 = arith.constant 0 : i32
      %dma_wait3A_517 = tpu.memref_slice %dma_wait3A_514[%dma_wait3A_515, %dma_wait3A_516] : memref<102400x16xf32, #tpu.memory_space<hbm>> -> memref<256x16xf32, #tpu.memory_space<hbm>>
      tpu.wait_dma2 semaphore(%arg20 : memref<!tpu.dma_semaphore, #tpu.memory_space<semaphore_mem>>) src(%dma_wait3A_517 : memref<256x16xf32, #tpu.memory_space<hbm>>) dst(%arg15 : memref<256x16xf32, #tpu.memory_space<vmem>>)
      %dma_start3A_518 = arith.constant 0 : i32
      %dma_start3A_519 = arith.constant 0 : i32
      %dma_start3A_520 = arith.constant 0 : i32
      %dma_start3A_521 = tpu.memref_slice %arg15[%dma_start3A_519, %dma_start3A_520] : memref<256x16xf32, #tpu.memory_space<vmem>> -> memref<128x16xf32, #tpu.memory_space<vmem>>
      %dma_start3A_522 = arith.constant 0 : i32
      %dma_start3A_523 = tpu.memref_slice %arg11[%dma_start3A_518, %dma_start3A_522] : memref<2x128xi32, #tpu.memory_space<vmem>> -> memref<1x128xi32, #tpu.memory_space<vmem>>
      %dma_start3A_524 = tpu.memref_squeeze %dma_start3A_523 : memref<1x128xi32, #tpu.memory_space<vmem>> -> memref<128xi32, #tpu.memory_space<vmem>>
      %dma_start3A_525 = arith.constant 0 : i32
      %dma_start3A_526 = arith.constant 0 : i32
      %dma_start3A_527 = tpu.memref_slice %arg18[%dma_start3A_525, %dma_start3A_526] : memref<102400x16xf32, #tpu.memory_space<vmem_shared>> -> memref<102400x16xf32, #tpu.memory_space<vmem_shared>>
      tpu.enqueue_indirect_dma source(%dma_start3A_521 : memref<128x16xf32, #tpu.memory_space<vmem>>) target(%dma_start3A_527 : memref<102400x16xf32, #tpu.memory_space<vmem_shared>>) offsets(%dma_start3A_524 : memref<128xi32, #tpu.memory_space<vmem>>) semaphore(%arg27 : memref<!tpu.dma_semaphore, #tpu.memory_space<semaphore_mem>>) {add = true}
      %dma_start3A_528 = arith.constant 1 : i32
      %dma_start3A_529 = arith.constant 128 : i32
      %dma_start3A_530 = arith.constant 0 : i32
      %dma_start3A_531 = tpu.memref_slice %arg15[%dma_start3A_529, %dma_start3A_530] : memref<256x16xf32, #tpu.memory_space<vmem>> -> memref<128x16xf32, #tpu.memory_space<vmem>>
      %dma_start3A_532 = arith.constant 0 : i32
      %dma_start3A_533 = tpu.memref_slice %arg11[%dma_start3A_528, %dma_start3A_532] : memref<2x128xi32, #tpu.memory_space<vmem>> -> memref<1x128xi32, #tpu.memory_space<vmem>>
      %dma_start3A_534 = tpu.memref_squeeze %dma_start3A_533 : memref<1x128xi32, #tpu.memory_space<vmem>> -> memref<128xi32, #tpu.memory_space<vmem>>
      %dma_start3A_535 = arith.constant 0 : i32
      %dma_start3A_536 = arith.constant 0 : i32
      %dma_start3A_537 = tpu.memref_slice %arg18[%dma_start3A_535, %dma_start3A_536] : memref<102400x16xf32, #tpu.memory_space<vmem_shared>> -> memref<102400x16xf32, #tpu.memory_space<vmem_shared>>
      tpu.enqueue_indirect_dma source(%dma_start3A_531 : memref<128x16xf32, #tpu.memory_space<vmem>>) target(%dma_start3A_537 : memref<102400x16xf32, #tpu.memory_space<vmem_shared>>) offsets(%dma_start3A_534 : memref<128xi32, #tpu.memory_space<vmem>>) semaphore(%arg27 : memref<!tpu.dma_semaphore, #tpu.memory_space<semaphore_mem>>) {add = true}
      %dma_wait3A_538 = arith.constant 0 : i32
      %dma_wait3A_539 = arith.constant 0 : i32
      %dma_wait3A_540 = arith.constant 0 : i32
      %dma_wait3A_541 = tpu.memref_slice %arg15[%dma_wait3A_539, %dma_wait3A_540] : memref<256x16xf32, #tpu.memory_space<vmem>> -> memref<128x16xf32, #tpu.memory_space<vmem>>
      %dma_wait3A_542 = arith.constant 0 : i32
      %dma_wait3A_543 = tpu.memref_slice %arg11[%dma_wait3A_538, %dma_wait3A_542] : memref<2x128xi32, #tpu.memory_space<vmem>> -> memref<1x128xi32, #tpu.memory_space<vmem>>
      %dma_wait3A_544 = tpu.memref_squeeze %dma_wait3A_543 : memref<1x128xi32, #tpu.memory_space<vmem>> -> memref<128xi32, #tpu.memory_space<vmem>>
      %dma_wait3A_545 = arith.constant 0 : i32
      %dma_wait3A_546 = arith.constant 0 : i32
      %dma_wait3A_547 = tpu.memref_slice %arg18[%dma_wait3A_545, %dma_wait3A_546] : memref<102400x16xf32, #tpu.memory_space<vmem_shared>> -> memref<102400x16xf32, #tpu.memory_space<vmem_shared>>
      tpu.wait_indirect_dma semaphore(%arg27 : memref<!tpu.dma_semaphore, #tpu.memory_space<semaphore_mem>>) src(%dma_wait3A_541 : memref<128x16xf32, #tpu.memory_space<vmem>>) dst(%dma_wait3A_547 : memref<102400x16xf32, #tpu.memory_space<vmem_shared>>)
      %dma_wait3A_548 = arith.constant 1 : i32
      %dma_wait3A_549 = arith.constant 128 : i32
      %dma_wait3A_550 = arith.constant 0 : i32
      %dma_wait3A_551 = tpu.memref_slice %arg15[%dma_wait3A_549, %dma_wait3A_550] : memref<256x16xf32, #tpu.memory_space<vmem>> -> memref<128x16xf32, #tpu.memory_space<vmem>>
      %dma_wait3A_552 = arith.constant 0 : i32
      %dma_wait3A_553 = tpu.memref_slice %arg11[%dma_wait3A_548, %dma_wait3A_552] : memref<2x128xi32, #tpu.memory_space<vmem>> -> memref<1x128xi32, #tpu.memory_space<vmem>>
      %dma_wait3A_554 = tpu.memref_squeeze %dma_wait3A_553 : memref<1x128xi32, #tpu.memory_space<vmem>> -> memref<128xi32, #tpu.memory_space<vmem>>
      %dma_wait3A_555 = arith.constant 0 : i32
      %dma_wait3A_556 = arith.constant 0 : i32
      %dma_wait3A_557 = tpu.memref_slice %arg18[%dma_wait3A_555, %dma_wait3A_556] : memref<102400x16xf32, #tpu.memory_space<vmem_shared>> -> memref<102400x16xf32, #tpu.memory_space<vmem_shared>>
      tpu.wait_indirect_dma semaphore(%arg27 : memref<!tpu.dma_semaphore, #tpu.memory_space<semaphore_mem>>) src(%dma_wait3A_551 : memref<128x16xf32, #tpu.memory_space<vmem>>) dst(%dma_wait3A_557 : memref<102400x16xf32, #tpu.memory_space<vmem_shared>>)
      %lt3A_558 = arith.constant 97 : i32
      %lt3A_559 = arith.cmpi slt, %scan3A_446, %lt3A_558 : i32
      %convert_element_type3A_560 = arith.extui %lt3A_559 : i1 to i32
      %cond3A_561 = arith.constant 0 : i32
      %cond3A_562 = arith.cmpi ne, %convert_element_type3A_560, %cond3A_561 : i32
      scf.if %cond3A_562 {
        %mul3A_682 = arith.constant 4 : i32
        %mul3A_683 = arith.muli %mul3A_682, %scan3A_446 : i32
        %add3A_684 = arith.constant 1 : i32
        %add3A_685 = arith.addi %mul3A_683, %add3A_684 : i32
        %add3A_686 = arith.constant 4 : i32
        %add3A_687 = arith.addi %add3A_685, %add3A_686 : i32
        %mul3A_688 = arith.constant 256 : i32
        %mul3A_689 = arith.muli %add3A_687, %mul3A_688 : i32
        %add3A_690 = arith.addi %mul3A_105, %mul3A_689 : i32
        %dma_start3A_691 = tpu.memref_slice %arg3[%add3A_690] : memref<3211264xi32, #tpu.memory_space<hbm>> -> memref<256xi32, #tpu.memory_space<hbm>>
        %dma_start3A_692 = tpu.memref_slice %arg3[%add3A_690] : memref<3211264xi32, #tpu.memory_space<hbm>> -> memref<256xi32, #tpu.memory_space<hbm>>
        tpu.enqueue_dma source(%dma_start3A_692 : memref<256xi32, #tpu.memory_space<hbm>>) target(%arg7 : memref<256xi32, #tpu.memory_space<vmem>>) target_semaphore(%arg24 : memref<!tpu.dma_semaphore, #tpu.memory_space<semaphore_mem>>)
        %mul3A_693 = arith.constant 2 : i32
        %mul3A_694 = arith.muli %add3A_687, %mul3A_693 : i32
        %add3A_695 = arith.addi %mul3A_107, %mul3A_694 : i32
        %dma_start3A_696 = arith.constant 1 : i32
        %dma_start3A_697 = arith.constant 0 : i32
        %dma_start3A_698 = tpu.memref_slice %arg4[%dma_start3A_696, %add3A_695, %dma_start3A_697] : memref<2x12544x128xi32, #tpu.memory_space<hbm>> -> memref<1x2x128xi32, #tpu.memory_space<hbm>>
        %dma_start3A_699 = tpu.memref_squeeze %dma_start3A_698 : memref<1x2x128xi32, #tpu.memory_space<hbm>> -> memref<2x128xi32, #tpu.memory_space<hbm>>
        %dma_start3A_700 = arith.constant 0 : i32
        %dma_start3A_701 = tpu.memref_slice %arg4[%dma_start3A_696, %add3A_695, %dma_start3A_700] : memref<2x12544x128xi32, #tpu.memory_space<hbm>> -> memref<1x2x128xi32, #tpu.memory_space<hbm>>
        %dma_start3A_702 = tpu.memref_squeeze %dma_start3A_701 : memref<1x2x128xi32, #tpu.memory_space<hbm>> -> memref<2x128xi32, #tpu.memory_space<hbm>>
        tpu.enqueue_dma source(%dma_start3A_702 : memref<2x128xi32, #tpu.memory_space<hbm>>) target(%arg11 : memref<2x128xi32, #tpu.memory_space<vmem>>) target_semaphore(%arg24 : memref<!tpu.dma_semaphore, #tpu.memory_space<semaphore_mem>>)
        %dma_wait3A_703 = arith.constant 0 : i32
        %dma_wait3A_704 = tpu.memref_slice %arg3[%dma_wait3A_703] : memref<3211264xi32, #tpu.memory_space<hbm>> -> memref<256xi32, #tpu.memory_space<hbm>>
        %dma_wait3A_705 = arith.constant 0 : i32
        %dma_wait3A_706 = tpu.memref_slice %arg3[%dma_wait3A_705] : memref<3211264xi32, #tpu.memory_space<hbm>> -> memref<256xi32, #tpu.memory_space<hbm>>
        tpu.wait_dma2 semaphore(%arg24 : memref<!tpu.dma_semaphore, #tpu.memory_space<semaphore_mem>>) src(%dma_wait3A_706 : memref<256xi32, #tpu.memory_space<hbm>>) dst(%arg7 : memref<256xi32, #tpu.memory_space<vmem>>)
        %dma_wait3A_707 = arith.constant 1 : i32
        %dma_wait3A_708 = arith.constant 0 : i32
        %dma_wait3A_709 = arith.constant 0 : i32
        %dma_wait3A_710 = tpu.memref_slice %arg4[%dma_wait3A_707, %dma_wait3A_708, %dma_wait3A_709] : memref<2x12544x128xi32, #tpu.memory_space<hbm>> -> memref<1x2x128xi32, #tpu.memory_space<hbm>>
        %dma_wait3A_711 = tpu.memref_squeeze %dma_wait3A_710 : memref<1x2x128xi32, #tpu.memory_space<hbm>> -> memref<2x128xi32, #tpu.memory_space<hbm>>
        %dma_wait3A_712 = arith.constant 0 : i32
        %dma_wait3A_713 = arith.constant 0 : i32
        %dma_wait3A_714 = tpu.memref_slice %arg4[%dma_wait3A_707, %dma_wait3A_712, %dma_wait3A_713] : memref<2x12544x128xi32, #tpu.memory_space<hbm>> -> memref<1x2x128xi32, #tpu.memory_space<hbm>>
        %dma_wait3A_715 = tpu.memref_squeeze %dma_wait3A_714 : memref<1x2x128xi32, #tpu.memory_space<hbm>> -> memref<2x128xi32, #tpu.memory_space<hbm>>
        tpu.wait_dma2 semaphore(%arg24 : memref<!tpu.dma_semaphore, #tpu.memory_space<semaphore_mem>>) src(%dma_wait3A_715 : memref<2x128xi32, #tpu.memory_space<hbm>>) dst(%arg11 : memref<2x128xi32, #tpu.memory_space<vmem>>)
        %dma_start3A_716 = arith.constant 0 : i32
        %dma_start3A_717 = arith.constant 0 : i32
        %dma_start3A_718 = tpu.memref_slice %arg2[%arg0, %dma_start3A_716, %dma_start3A_717] : memref<2x102400x16xf32, #tpu.memory_space<hbm>> -> memref<1x102400x16xf32, #tpu.memory_space<hbm>>
        %dma_start3A_719 = tpu.memref_squeeze %dma_start3A_718 : memref<1x102400x16xf32, #tpu.memory_space<hbm>> -> memref<102400x16xf32, #tpu.memory_space<hbm>>
        %dma_start3A_720 = arith.constant 0 : i32
        %dma_start3A_721 = arith.constant 0 : i32
        %dma_start3A_722 = tpu.memref_slice %dma_start3A_719[%dma_start3A_720, %dma_start3A_721] : memref<102400x16xf32, #tpu.memory_space<hbm>> -> memref<102400x16xf32, #tpu.memory_space<hbm>>
        tpu.enqueue_indirect_dma source(%dma_start3A_722 : memref<102400x16xf32, #tpu.memory_space<hbm>>) target(%arg15 : memref<256x16xf32, #tpu.memory_space<vmem>>) offsets(%arg7 : memref<256xi32, #tpu.memory_space<vmem>>) semaphore(%arg20 : memref<!tpu.dma_semaphore, #tpu.memory_space<semaphore_mem>>)
      } else {
      }
      %dma_wait3A_563 = arith.constant 0 : i32
      %dma_wait3A_564 = arith.constant 0 : i32
      %dma_wait3A_565 = tpu.memref_slice %arg2[%arg0, %dma_wait3A_563, %dma_wait3A_564] : memref<2x102400x16xf32, #tpu.memory_space<hbm>> -> memref<1x102400x16xf32, #tpu.memory_space<hbm>>
      %dma_wait3A_566 = tpu.memref_squeeze %dma_wait3A_565 : memref<1x102400x16xf32, #tpu.memory_space<hbm>> -> memref<102400x16xf32, #tpu.memory_space<hbm>>
      %dma_wait3A_567 = arith.constant 0 : i32
      %dma_wait3A_568 = arith.constant 0 : i32
      %dma_wait3A_569 = tpu.memref_slice %dma_wait3A_566[%dma_wait3A_567, %dma_wait3A_568] : memref<102400x16xf32, #tpu.memory_space<hbm>> -> memref<256x16xf32, #tpu.memory_space<hbm>>
      %dma_wait3A_570 = arith.constant 0 : i32
      %dma_wait3A_571 = arith.constant 0 : i32
      %dma_wait3A_572 = tpu.memref_slice %arg2[%arg0, %dma_wait3A_570, %dma_wait3A_571] : memref<2x102400x16xf32, #tpu.memory_space<hbm>> -> memref<1x102400x16xf32, #tpu.memory_space<hbm>>
      %dma_wait3A_573 = tpu.memref_squeeze %dma_wait3A_572 : memref<1x102400x16xf32, #tpu.memory_space<hbm>> -> memref<102400x16xf32, #tpu.memory_space<hbm>>
      %dma_wait3A_574 = arith.constant 0 : i32
      %dma_wait3A_575 = arith.constant 0 : i32
      %dma_wait3A_576 = tpu.memref_slice %dma_wait3A_573[%dma_wait3A_574, %dma_wait3A_575] : memref<102400x16xf32, #tpu.memory_space<hbm>> -> memref<256x16xf32, #tpu.memory_space<hbm>>
      tpu.wait_dma2 semaphore(%arg21 : memref<!tpu.dma_semaphore, #tpu.memory_space<semaphore_mem>>) src(%dma_wait3A_576 : memref<256x16xf32, #tpu.memory_space<hbm>>) dst(%arg16 : memref<256x16xf32, #tpu.memory_space<vmem>>)
      %dma_start3A_577 = arith.constant 0 : i32
      %dma_start3A_578 = arith.constant 0 : i32
      %dma_start3A_579 = arith.constant 0 : i32
      %dma_start3A_580 = tpu.memref_slice %arg16[%dma_start3A_578, %dma_start3A_579] : memref<256x16xf32, #tpu.memory_space<vmem>> -> memref<128x16xf32, #tpu.memory_space<vmem>>
      %dma_start3A_581 = arith.constant 0 : i32
      %dma_start3A_582 = tpu.memref_slice %arg12[%dma_start3A_577, %dma_start3A_581] : memref<2x128xi32, #tpu.memory_space<vmem>> -> memref<1x128xi32, #tpu.memory_space<vmem>>
      %dma_start3A_583 = tpu.memref_squeeze %dma_start3A_582 : memref<1x128xi32, #tpu.memory_space<vmem>> -> memref<128xi32, #tpu.memory_space<vmem>>
      %dma_start3A_584 = arith.constant 0 : i32
      %dma_start3A_585 = arith.constant 0 : i32
      %dma_start3A_586 = tpu.memref_slice %arg18[%dma_start3A_584, %dma_start3A_585] : memref<102400x16xf32, #tpu.memory_space<vmem_shared>> -> memref<102400x16xf32, #tpu.memory_space<vmem_shared>>
      tpu.enqueue_indirect_dma source(%dma_start3A_580 : memref<128x16xf32, #tpu.memory_space<vmem>>) target(%dma_start3A_586 : memref<102400x16xf32, #tpu.memory_space<vmem_shared>>) offsets(%dma_start3A_583 : memref<128xi32, #tpu.memory_space<vmem>>) semaphore(%arg27 : memref<!tpu.dma_semaphore, #tpu.memory_space<semaphore_mem>>) {add = true}
      %dma_start3A_587 = arith.constant 1 : i32
      %dma_start3A_588 = arith.constant 128 : i32
      %dma_start3A_589 = arith.constant 0 : i32
      %dma_start3A_590 = tpu.memref_slice %arg16[%dma_start3A_588, %dma_start3A_589] : memref<256x16xf32, #tpu.memory_space<vmem>> -> memref<128x16xf32, #tpu.memory_space<vmem>>
      %dma_start3A_591 = arith.constant 0 : i32
      %dma_start3A_592 = tpu.memref_slice %arg12[%dma_start3A_587, %dma_start3A_591] : memref<2x128xi32, #tpu.memory_space<vmem>> -> memref<1x128xi32, #tpu.memory_space<vmem>>
      %dma_start3A_593 = tpu.memref_squeeze %dma_start3A_592 : memref<1x128xi32, #tpu.memory_space<vmem>> -> memref<128xi32, #tpu.memory_space<vmem>>
      %dma_start3A_594 = arith.constant 0 : i32
      %dma_start3A_595 = arith.constant 0 : i32
      %dma_start3A_596 = tpu.memref_slice %arg18[%dma_start3A_594, %dma_start3A_595] : memref<102400x16xf32, #tpu.memory_space<vmem_shared>> -> memref<102400x16xf32, #tpu.memory_space<vmem_shared>>
      tpu.enqueue_indirect_dma source(%dma_start3A_590 : memref<128x16xf32, #tpu.memory_space<vmem>>) target(%dma_start3A_596 : memref<102400x16xf32, #tpu.memory_space<vmem_shared>>) offsets(%dma_start3A_593 : memref<128xi32, #tpu.memory_space<vmem>>) semaphore(%arg27 : memref<!tpu.dma_semaphore, #tpu.memory_space<semaphore_mem>>) {add = true}
      %dma_wait3A_597 = arith.constant 0 : i32
      %dma_wait3A_598 = arith.constant 0 : i32
      %dma_wait3A_599 = arith.constant 0 : i32
      %dma_wait3A_600 = tpu.memref_slice %arg16[%dma_wait3A_598, %dma_wait3A_599] : memref<256x16xf32, #tpu.memory_space<vmem>> -> memref<128x16xf32, #tpu.memory_space<vmem>>
      %dma_wait3A_601 = arith.constant 0 : i32
      %dma_wait3A_602 = tpu.memref_slice %arg12[%dma_wait3A_597, %dma_wait3A_601] : memref<2x128xi32, #tpu.memory_space<vmem>> -> memref<1x128xi32, #tpu.memory_space<vmem>>
      %dma_wait3A_603 = tpu.memref_squeeze %dma_wait3A_602 : memref<1x128xi32, #tpu.memory_space<vmem>> -> memref<128xi32, #tpu.memory_space<vmem>>
      %dma_wait3A_604 = arith.constant 0 : i32
      %dma_wait3A_605 = arith.constant 0 : i32
      %dma_wait3A_606 = tpu.memref_slice %arg18[%dma_wait3A_604, %dma_wait3A_605] : memref<102400x16xf32, #tpu.memory_space<vmem_shared>> -> memref<102400x16xf32, #tpu.memory_space<vmem_shared>>
      tpu.wait_indirect_dma semaphore(%arg27 : memref<!tpu.dma_semaphore, #tpu.memory_space<semaphore_mem>>) src(%dma_wait3A_600 : memref<128x16xf32, #tpu.memory_space<vmem>>) dst(%dma_wait3A_606 : memref<102400x16xf32, #tpu.memory_space<vmem_shared>>)
      %dma_wait3A_607 = arith.constant 1 : i32
      %dma_wait3A_608 = arith.constant 128 : i32
      %dma_wait3A_609 = arith.constant 0 : i32
      %dma_wait3A_610 = tpu.memref_slice %arg16[%dma_wait3A_608, %dma_wait3A_609] : memref<256x16xf32, #tpu.memory_space<vmem>> -> memref<128x16xf32, #tpu.memory_space<vmem>>
      %dma_wait3A_611 = arith.constant 0 : i32
      %dma_wait3A_612 = tpu.memref_slice %arg12[%dma_wait3A_607, %dma_wait3A_611] : memref<2x128xi32, #tpu.memory_space<vmem>> -> memref<1x128xi32, #tpu.memory_space<vmem>>
      %dma_wait3A_613 = tpu.memref_squeeze %dma_wait3A_612 : memref<1x128xi32, #tpu.memory_space<vmem>> -> memref<128xi32, #tpu.memory_space<vmem>>
      %dma_wait3A_614 = arith.constant 0 : i32
      %dma_wait3A_615 = arith.constant 0 : i32
      %dma_wait3A_616 = tpu.memref_slice %arg18[%dma_wait3A_614, %dma_wait3A_615] : memref<102400x16xf32, #tpu.memory_space<vmem_shared>> -> memref<102400x16xf32, #tpu.memory_space<vmem_shared>>
      tpu.wait_indirect_dma semaphore(%arg27 : memref<!tpu.dma_semaphore, #tpu.memory_space<semaphore_mem>>) src(%dma_wait3A_610 : memref<128x16xf32, #tpu.memory_space<vmem>>) dst(%dma_wait3A_616 : memref<102400x16xf32, #tpu.memory_space<vmem_shared>>)
      %lt3A_617 = arith.constant 97 : i32
      %lt3A_618 = arith.cmpi slt, %scan3A_446, %lt3A_617 : i32
      %convert_element_type3A_619 = arith.extui %lt3A_618 : i1 to i32
      %cond3A_620 = arith.constant 0 : i32
      %cond3A_621 = arith.cmpi ne, %convert_element_type3A_619, %cond3A_620 : i32
      scf.if %cond3A_621 {
        %mul3A_682 = arith.constant 4 : i32
        %mul3A_683 = arith.muli %mul3A_682, %scan3A_446 : i32
        %add3A_684 = arith.constant 2 : i32
        %add3A_685 = arith.addi %mul3A_683, %add3A_684 : i32
        %add3A_686 = arith.constant 4 : i32
        %add3A_687 = arith.addi %add3A_685, %add3A_686 : i32
        %mul3A_688 = arith.constant 256 : i32
        %mul3A_689 = arith.muli %add3A_687, %mul3A_688 : i32
        %add3A_690 = arith.addi %mul3A_105, %mul3A_689 : i32
        %dma_start3A_691 = tpu.memref_slice %arg3[%add3A_690] : memref<3211264xi32, #tpu.memory_space<hbm>> -> memref<256xi32, #tpu.memory_space<hbm>>
        %dma_start3A_692 = tpu.memref_slice %arg3[%add3A_690] : memref<3211264xi32, #tpu.memory_space<hbm>> -> memref<256xi32, #tpu.memory_space<hbm>>
        tpu.enqueue_dma source(%dma_start3A_692 : memref<256xi32, #tpu.memory_space<hbm>>) target(%arg8 : memref<256xi32, #tpu.memory_space<vmem>>) target_semaphore(%arg25 : memref<!tpu.dma_semaphore, #tpu.memory_space<semaphore_mem>>)
        %mul3A_693 = arith.constant 2 : i32
        %mul3A_694 = arith.muli %add3A_687, %mul3A_693 : i32
        %add3A_695 = arith.addi %mul3A_107, %mul3A_694 : i32
        %dma_start3A_696 = arith.constant 1 : i32
        %dma_start3A_697 = arith.constant 0 : i32
        %dma_start3A_698 = tpu.memref_slice %arg4[%dma_start3A_696, %add3A_695, %dma_start3A_697] : memref<2x12544x128xi32, #tpu.memory_space<hbm>> -> memref<1x2x128xi32, #tpu.memory_space<hbm>>
        %dma_start3A_699 = tpu.memref_squeeze %dma_start3A_698 : memref<1x2x128xi32, #tpu.memory_space<hbm>> -> memref<2x128xi32, #tpu.memory_space<hbm>>
        %dma_start3A_700 = arith.constant 0 : i32
        %dma_start3A_701 = tpu.memref_slice %arg4[%dma_start3A_696, %add3A_695, %dma_start3A_700] : memref<2x12544x128xi32, #tpu.memory_space<hbm>> -> memref<1x2x128xi32, #tpu.memory_space<hbm>>
        %dma_start3A_702 = tpu.memref_squeeze %dma_start3A_701 : memref<1x2x128xi32, #tpu.memory_space<hbm>> -> memref<2x128xi32, #tpu.memory_space<hbm>>
        tpu.enqueue_dma source(%dma_start3A_702 : memref<2x128xi32, #tpu.memory_space<hbm>>) target(%arg12 : memref<2x128xi32, #tpu.memory_space<vmem>>) target_semaphore(%arg25 : memref<!tpu.dma_semaphore, #tpu.memory_space<semaphore_mem>>)
        %dma_wait3A_703 = arith.constant 0 : i32
        %dma_wait3A_704 = tpu.memref_slice %arg3[%dma_wait3A_703] : memref<3211264xi32, #tpu.memory_space<hbm>> -> memref<256xi32, #tpu.memory_space<hbm>>
        %dma_wait3A_705 = arith.constant 0 : i32
        %dma_wait3A_706 = tpu.memref_slice %arg3[%dma_wait3A_705] : memref<3211264xi32, #tpu.memory_space<hbm>> -> memref<256xi32, #tpu.memory_space<hbm>>
        tpu.wait_dma2 semaphore(%arg25 : memref<!tpu.dma_semaphore, #tpu.memory_space<semaphore_mem>>) src(%dma_wait3A_706 : memref<256xi32, #tpu.memory_space<hbm>>) dst(%arg8 : memref<256xi32, #tpu.memory_space<vmem>>)
        %dma_wait3A_707 = arith.constant 1 : i32
        %dma_wait3A_708 = arith.constant 0 : i32
        %dma_wait3A_709 = arith.constant 0 : i32
        %dma_wait3A_710 = tpu.memref_slice %arg4[%dma_wait3A_707, %dma_wait3A_708, %dma_wait3A_709] : memref<2x12544x128xi32, #tpu.memory_space<hbm>> -> memref<1x2x128xi32, #tpu.memory_space<hbm>>
        %dma_wait3A_711 = tpu.memref_squeeze %dma_wait3A_710 : memref<1x2x128xi32, #tpu.memory_space<hbm>> -> memref<2x128xi32, #tpu.memory_space<hbm>>
        %dma_wait3A_712 = arith.constant 0 : i32
        %dma_wait3A_713 = arith.constant 0 : i32
        %dma_wait3A_714 = tpu.memref_slice %arg4[%dma_wait3A_707, %dma_wait3A_712, %dma_wait3A_713] : memref<2x12544x128xi32, #tpu.memory_space<hbm>> -> memref<1x2x128xi32, #tpu.memory_space<hbm>>
        %dma_wait3A_715 = tpu.memref_squeeze %dma_wait3A_714 : memref<1x2x128xi32, #tpu.memory_space<hbm>> -> memref<2x128xi32, #tpu.memory_space<hbm>>
        tpu.wait_dma2 semaphore(%arg25 : memref<!tpu.dma_semaphore, #tpu.memory_space<semaphore_mem>>) src(%dma_wait3A_715 : memref<2x128xi32, #tpu.memory_space<hbm>>) dst(%arg12 : memref<2x128xi32, #tpu.memory_space<vmem>>)
        %dma_start3A_716 = arith.constant 0 : i32
        %dma_start3A_717 = arith.constant 0 : i32
        %dma_start3A_718 = tpu.memref_slice %arg2[%arg0, %dma_start3A_716, %dma_start3A_717] : memref<2x102400x16xf32, #tpu.memory_space<hbm>> -> memref<1x102400x16xf32, #tpu.memory_space<hbm>>
        %dma_start3A_719 = tpu.memref_squeeze %dma_start3A_718 : memref<1x102400x16xf32, #tpu.memory_space<hbm>> -> memref<102400x16xf32, #tpu.memory_space<hbm>>
        %dma_start3A_720 = arith.constant 0 : i32
        %dma_start3A_721 = arith.constant 0 : i32
        %dma_start3A_722 = tpu.memref_slice %dma_start3A_719[%dma_start3A_720, %dma_start3A_721] : memref<102400x16xf32, #tpu.memory_space<hbm>> -> memref<102400x16xf32, #tpu.memory_space<hbm>>
        tpu.enqueue_indirect_dma source(%dma_start3A_722 : memref<102400x16xf32, #tpu.memory_space<hbm>>) target(%arg16 : memref<256x16xf32, #tpu.memory_space<vmem>>) offsets(%arg8 : memref<256xi32, #tpu.memory_space<vmem>>) semaphore(%arg21 : memref<!tpu.dma_semaphore, #tpu.memory_space<semaphore_mem>>)
      } else {
      }
      %dma_wait3A_622 = arith.constant 0 : i32
      %dma_wait3A_623 = arith.constant 0 : i32
      %dma_wait3A_624 = tpu.memref_slice %arg2[%arg0, %dma_wait3A_622, %dma_wait3A_623] : memref<2x102400x16xf32, #tpu.memory_space<hbm>> -> memref<1x102400x16xf32, #tpu.memory_space<hbm>>
      %dma_wait3A_625 = tpu.memref_squeeze %dma_wait3A_624 : memref<1x102400x16xf32, #tpu.memory_space<hbm>> -> memref<102400x16xf32, #tpu.memory_space<hbm>>
      %dma_wait3A_626 = arith.constant 0 : i32
      %dma_wait3A_627 = arith.constant 0 : i32
      %dma_wait3A_628 = tpu.memref_slice %dma_wait3A_625[%dma_wait3A_626, %dma_wait3A_627] : memref<102400x16xf32, #tpu.memory_space<hbm>> -> memref<256x16xf32, #tpu.memory_space<hbm>>
      %dma_wait3A_629 = arith.constant 0 : i32
      %dma_wait3A_630 = arith.constant 0 : i32
      %dma_wait3A_631 = tpu.memref_slice %arg2[%arg0, %dma_wait3A_629, %dma_wait3A_630] : memref<2x102400x16xf32, #tpu.memory_space<hbm>> -> memref<1x102400x16xf32, #tpu.memory_space<hbm>>
      %dma_wait3A_632 = tpu.memref_squeeze %dma_wait3A_631 : memref<1x102400x16xf32, #tpu.memory_space<hbm>> -> memref<102400x16xf32, #tpu.memory_space<hbm>>
      %dma_wait3A_633 = arith.constant 0 : i32
      %dma_wait3A_634 = arith.constant 0 : i32
      %dma_wait3A_635 = tpu.memref_slice %dma_wait3A_632[%dma_wait3A_633, %dma_wait3A_634] : memref<102400x16xf32, #tpu.memory_space<hbm>> -> memref<256x16xf32, #tpu.memory_space<hbm>>
      tpu.wait_dma2 semaphore(%arg22 : memref<!tpu.dma_semaphore, #tpu.memory_space<semaphore_mem>>) src(%dma_wait3A_635 : memref<256x16xf32, #tpu.memory_space<hbm>>) dst(%arg17 : memref<256x16xf32, #tpu.memory_space<vmem>>)
      %dma_start3A_636 = arith.constant 0 : i32
      %dma_start3A_637 = arith.constant 0 : i32
      %dma_start3A_638 = arith.constant 0 : i32
      %dma_start3A_639 = tpu.memref_slice %arg17[%dma_start3A_637, %dma_start3A_638] : memref<256x16xf32, #tpu.memory_space<vmem>> -> memref<128x16xf32, #tpu.memory_space<vmem>>
      %dma_start3A_640 = arith.constant 0 : i32
      %dma_start3A_641 = tpu.memref_slice %arg13[%dma_start3A_636, %dma_start3A_640] : memref<2x128xi32, #tpu.memory_space<vmem>> -> memref<1x128xi32, #tpu.memory_space<vmem>>
      %dma_start3A_642 = tpu.memref_squeeze %dma_start3A_641 : memref<1x128xi32, #tpu.memory_space<vmem>> -> memref<128xi32, #tpu.memory_space<vmem>>
      %dma_start3A_643 = arith.constant 0 : i32
      %dma_start3A_644 = arith.constant 0 : i32
      %dma_start3A_645 = tpu.memref_slice %arg18[%dma_start3A_643, %dma_start3A_644] : memref<102400x16xf32, #tpu.memory_space<vmem_shared>> -> memref<102400x16xf32, #tpu.memory_space<vmem_shared>>
      tpu.enqueue_indirect_dma source(%dma_start3A_639 : memref<128x16xf32, #tpu.memory_space<vmem>>) target(%dma_start3A_645 : memref<102400x16xf32, #tpu.memory_space<vmem_shared>>) offsets(%dma_start3A_642 : memref<128xi32, #tpu.memory_space<vmem>>) semaphore(%arg27 : memref<!tpu.dma_semaphore, #tpu.memory_space<semaphore_mem>>) {add = true}
      %dma_start3A_646 = arith.constant 1 : i32
      %dma_start3A_647 = arith.constant 128 : i32
      %dma_start3A_648 = arith.constant 0 : i32
      %dma_start3A_649 = tpu.memref_slice %arg17[%dma_start3A_647, %dma_start3A_648] : memref<256x16xf32, #tpu.memory_space<vmem>> -> memref<128x16xf32, #tpu.memory_space<vmem>>
      %dma_start3A_650 = arith.constant 0 : i32
      %dma_start3A_651 = tpu.memref_slice %arg13[%dma_start3A_646, %dma_start3A_650] : memref<2x128xi32, #tpu.memory_space<vmem>> -> memref<1x128xi32, #tpu.memory_space<vmem>>
      %dma_start3A_652 = tpu.memref_squeeze %dma_start3A_651 : memref<1x128xi32, #tpu.memory_space<vmem>> -> memref<128xi32, #tpu.memory_space<vmem>>
      %dma_start3A_653 = arith.constant 0 : i32
      %dma_start3A_654 = arith.constant 0 : i32
      %dma_start3A_655 = tpu.memref_slice %arg18[%dma_start3A_653, %dma_start3A_654] : memref<102400x16xf32, #tpu.memory_space<vmem_shared>> -> memref<102400x16xf32, #tpu.memory_space<vmem_shared>>
      tpu.enqueue_indirect_dma source(%dma_start3A_649 : memref<128x16xf32, #tpu.memory_space<vmem>>) target(%dma_start3A_655 : memref<102400x16xf32, #tpu.memory_space<vmem_shared>>) offsets(%dma_start3A_652 : memref<128xi32, #tpu.memory_space<vmem>>) semaphore(%arg27 : memref<!tpu.dma_semaphore, #tpu.memory_space<semaphore_mem>>) {add = true}
      %dma_wait3A_656 = arith.constant 0 : i32
      %dma_wait3A_657 = arith.constant 0 : i32
      %dma_wait3A_658 = arith.constant 0 : i32
      %dma_wait3A_659 = tpu.memref_slice %arg17[%dma_wait3A_657, %dma_wait3A_658] : memref<256x16xf32, #tpu.memory_space<vmem>> -> memref<128x16xf32, #tpu.memory_space<vmem>>
      %dma_wait3A_660 = arith.constant 0 : i32
      %dma_wait3A_661 = tpu.memref_slice %arg13[%dma_wait3A_656, %dma_wait3A_660] : memref<2x128xi32, #tpu.memory_space<vmem>> -> memref<1x128xi32, #tpu.memory_space<vmem>>
      %dma_wait3A_662 = tpu.memref_squeeze %dma_wait3A_661 : memref<1x128xi32, #tpu.memory_space<vmem>> -> memref<128xi32, #tpu.memory_space<vmem>>
      %dma_wait3A_663 = arith.constant 0 : i32
      %dma_wait3A_664 = arith.constant 0 : i32
      %dma_wait3A_665 = tpu.memref_slice %arg18[%dma_wait3A_663, %dma_wait3A_664] : memref<102400x16xf32, #tpu.memory_space<vmem_shared>> -> memref<102400x16xf32, #tpu.memory_space<vmem_shared>>
      tpu.wait_indirect_dma semaphore(%arg27 : memref<!tpu.dma_semaphore, #tpu.memory_space<semaphore_mem>>) src(%dma_wait3A_659 : memref<128x16xf32, #tpu.memory_space<vmem>>) dst(%dma_wait3A_665 : memref<102400x16xf32, #tpu.memory_space<vmem_shared>>)
      %dma_wait3A_666 = arith.constant 1 : i32
      %dma_wait3A_667 = arith.constant 128 : i32
      %dma_wait3A_668 = arith.constant 0 : i32
      %dma_wait3A_669 = tpu.memref_slice %arg17[%dma_wait3A_667, %dma_wait3A_668] : memref<256x16xf32, #tpu.memory_space<vmem>> -> memref<128x16xf32, #tpu.memory_space<vmem>>
      %dma_wait3A_670 = arith.constant 0 : i32
      %dma_wait3A_671 = tpu.memref_slice %arg13[%dma_wait3A_666, %dma_wait3A_670] : memref<2x128xi32, #tpu.memory_space<vmem>> -> memref<1x128xi32, #tpu.memory_space<vmem>>
      %dma_wait3A_672 = tpu.memref_squeeze %dma_wait3A_671 : memref<1x128xi32, #tpu.memory_space<vmem>> -> memref<128xi32, #tpu.memory_space<vmem>>
      %dma_wait3A_673 = arith.constant 0 : i32
      %dma_wait3A_674 = arith.constant 0 : i32
      %dma_wait3A_675 = tpu.memref_slice %arg18[%dma_wait3A_673, %dma_wait3A_674] : memref<102400x16xf32, #tpu.memory_space<vmem_shared>> -> memref<102400x16xf32, #tpu.memory_space<vmem_shared>>
      tpu.wait_indirect_dma semaphore(%arg27 : memref<!tpu.dma_semaphore, #tpu.memory_space<semaphore_mem>>) src(%dma_wait3A_669 : memref<128x16xf32, #tpu.memory_space<vmem>>) dst(%dma_wait3A_675 : memref<102400x16xf32, #tpu.memory_space<vmem_shared>>)
      %lt3A_676 = arith.constant 97 : i32
      %lt3A_677 = arith.cmpi slt, %scan3A_446, %lt3A_676 : i32
      %convert_element_type3A_678 = arith.extui %lt3A_677 : i1 to i32
      %cond3A_679 = arith.constant 0 : i32
      %cond3A_680 = arith.cmpi ne, %convert_element_type3A_678, %cond3A_679 : i32
      scf.if %cond3A_680 {
        %mul3A_682 = arith.constant 4 : i32
        %mul3A_683 = arith.muli %mul3A_682, %scan3A_446 : i32
        %add3A_684 = arith.constant 3 : i32
        %add3A_685 = arith.addi %mul3A_683, %add3A_684 : i32
        %add3A_686 = arith.constant 4 : i32
        %add3A_687 = arith.addi %add3A_685, %add3A_686 : i32
        %mul3A_688 = arith.constant 256 : i32
        %mul3A_689 = arith.muli %add3A_687, %mul3A_688 : i32
        %add3A_690 = arith.addi %mul3A_105, %mul3A_689 : i32
        %dma_start3A_691 = tpu.memref_slice %arg3[%add3A_690] : memref<3211264xi32, #tpu.memory_space<hbm>> -> memref<256xi32, #tpu.memory_space<hbm>>
        %dma_start3A_692 = tpu.memref_slice %arg3[%add3A_690] : memref<3211264xi32, #tpu.memory_space<hbm>> -> memref<256xi32, #tpu.memory_space<hbm>>
        tpu.enqueue_dma source(%dma_start3A_692 : memref<256xi32, #tpu.memory_space<hbm>>) target(%arg9 : memref<256xi32, #tpu.memory_space<vmem>>) target_semaphore(%arg26 : memref<!tpu.dma_semaphore, #tpu.memory_space<semaphore_mem>>)
        %mul3A_693 = arith.constant 2 : i32
        %mul3A_694 = arith.muli %add3A_687, %mul3A_693 : i32
        %add3A_695 = arith.addi %mul3A_107, %mul3A_694 : i32
        %dma_start3A_696 = arith.constant 1 : i32
        %dma_start3A_697 = arith.constant 0 : i32
        %dma_start3A_698 = tpu.memref_slice %arg4[%dma_start3A_696, %add3A_695, %dma_start3A_697] : memref<2x12544x128xi32, #tpu.memory_space<hbm>> -> memref<1x2x128xi32, #tpu.memory_space<hbm>>
        %dma_start3A_699 = tpu.memref_squeeze %dma_start3A_698 : memref<1x2x128xi32, #tpu.memory_space<hbm>> -> memref<2x128xi32, #tpu.memory_space<hbm>>
        %dma_start3A_700 = arith.constant 0 : i32
        %dma_start3A_701 = tpu.memref_slice %arg4[%dma_start3A_696, %add3A_695, %dma_start3A_700] : memref<2x12544x128xi32, #tpu.memory_space<hbm>> -> memref<1x2x128xi32, #tpu.memory_space<hbm>>
        %dma_start3A_702 = tpu.memref_squeeze %dma_start3A_701 : memref<1x2x128xi32, #tpu.memory_space<hbm>> -> memref<2x128xi32, #tpu.memory_space<hbm>>
        tpu.enqueue_dma source(%dma_start3A_702 : memref<2x128xi32, #tpu.memory_space<hbm>>) target(%arg13 : memref<2x128xi32, #tpu.memory_space<vmem>>) target_semaphore(%arg26 : memref<!tpu.dma_semaphore, #tpu.memory_space<semaphore_mem>>)
        %dma_wait3A_703 = arith.constant 0 : i32
        %dma_wait3A_704 = tpu.memref_slice %arg3[%dma_wait3A_703] : memref<3211264xi32, #tpu.memory_space<hbm>> -> memref<256xi32, #tpu.memory_space<hbm>>
        %dma_wait3A_705 = arith.constant 0 : i32
        %dma_wait3A_706 = tpu.memref_slice %arg3[%dma_wait3A_705] : memref<3211264xi32, #tpu.memory_space<hbm>> -> memref<256xi32, #tpu.memory_space<hbm>>
        tpu.wait_dma2 semaphore(%arg26 : memref<!tpu.dma_semaphore, #tpu.memory_space<semaphore_mem>>) src(%dma_wait3A_706 : memref<256xi32, #tpu.memory_space<hbm>>) dst(%arg9 : memref<256xi32, #tpu.memory_space<vmem>>)
        %dma_wait3A_707 = arith.constant 1 : i32
        %dma_wait3A_708 = arith.constant 0 : i32
        %dma_wait3A_709 = arith.constant 0 : i32
        %dma_wait3A_710 = tpu.memref_slice %arg4[%dma_wait3A_707, %dma_wait3A_708, %dma_wait3A_709] : memref<2x12544x128xi32, #tpu.memory_space<hbm>> -> memref<1x2x128xi32, #tpu.memory_space<hbm>>
        %dma_wait3A_711 = tpu.memref_squeeze %dma_wait3A_710 : memref<1x2x128xi32, #tpu.memory_space<hbm>> -> memref<2x128xi32, #tpu.memory_space<hbm>>
        %dma_wait3A_712 = arith.constant 0 : i32
        %dma_wait3A_713 = arith.constant 0 : i32
        %dma_wait3A_714 = tpu.memref_slice %arg4[%dma_wait3A_707, %dma_wait3A_712, %dma_wait3A_713] : memref<2x12544x128xi32, #tpu.memory_space<hbm>> -> memref<1x2x128xi32, #tpu.memory_space<hbm>>
        %dma_wait3A_715 = tpu.memref_squeeze %dma_wait3A_714 : memref<1x2x128xi32, #tpu.memory_space<hbm>> -> memref<2x128xi32, #tpu.memory_space<hbm>>
        tpu.wait_dma2 semaphore(%arg26 : memref<!tpu.dma_semaphore, #tpu.memory_space<semaphore_mem>>) src(%dma_wait3A_715 : memref<2x128xi32, #tpu.memory_space<hbm>>) dst(%arg13 : memref<2x128xi32, #tpu.memory_space<vmem>>)
        %dma_start3A_716 = arith.constant 0 : i32
        %dma_start3A_717 = arith.constant 0 : i32
        %dma_start3A_718 = tpu.memref_slice %arg2[%arg0, %dma_start3A_716, %dma_start3A_717] : memref<2x102400x16xf32, #tpu.memory_space<hbm>> -> memref<1x102400x16xf32, #tpu.memory_space<hbm>>
        %dma_start3A_719 = tpu.memref_squeeze %dma_start3A_718 : memref<1x102400x16xf32, #tpu.memory_space<hbm>> -> memref<102400x16xf32, #tpu.memory_space<hbm>>
        %dma_start3A_720 = arith.constant 0 : i32
        %dma_start3A_721 = arith.constant 0 : i32
        %dma_start3A_722 = tpu.memref_slice %dma_start3A_719[%dma_start3A_720, %dma_start3A_721] : memref<102400x16xf32, #tpu.memory_space<hbm>> -> memref<102400x16xf32, #tpu.memory_space<hbm>>
        tpu.enqueue_indirect_dma source(%dma_start3A_722 : memref<102400x16xf32, #tpu.memory_space<hbm>>) target(%arg17 : memref<256x16xf32, #tpu.memory_space<vmem>>) offsets(%arg9 : memref<256xi32, #tpu.memory_space<vmem>>) semaphore(%arg22 : memref<!tpu.dma_semaphore, #tpu.memory_space<semaphore_mem>>)
      } else {
      }
      %scan3A_681 = arith.constant 0 : i32
      scf.yield %scan3A_681 : i32
    }
    %scan3A_244 = arith.constant 98 : i32
    %barrier3A_245 = arith.constant 0 : index
    tpu.barrier barrier_id(%barrier3A_245)
    %mul3A_246 = arith.constant 6400 : i32
    %mul3A_247 = arith.muli %arg1, %mul3A_246 : i32
    %add3A_248 = arith.constant 0 : i32
    %add3A_249 = arith.addi %mul3A_247, %add3A_248 : i32
    "tpu.region"() ({
      %run_scoped3A = tpu.sem_alloc : memref<!tpu.dma_semaphore, #tpu.memory_space<semaphore_mem>>
      %dma_start3A_446 = arith.constant 0 : i32
      %dma_start3A_447 = tpu.memref_slice %arg18[%add3A_249, %dma_start3A_446] : memref<102400x16xf32, #tpu.memory_space<vmem_shared>> -> memref<256x16xf32, #tpu.memory_space<vmem_shared>>
      %dma_start3A_448 = arith.constant 0 : i32
      %dma_start3A_449 = tpu.memref_slice %arg18[%add3A_249, %dma_start3A_448] : memref<102400x16xf32, #tpu.memory_space<vmem_shared>> -> memref<256x16xf32, #tpu.memory_space<vmem_shared>>
      tpu.enqueue_dma source(%dma_start3A_449 : memref<256x16xf32, #tpu.memory_space<vmem_shared>>) target(%arg14 : memref<256x16xf32, #tpu.memory_space<vmem>>) target_semaphore(%run_scoped3A : memref<!tpu.dma_semaphore, #tpu.memory_space<semaphore_mem>>)
      %dma_wait3A_450 = arith.constant 0 : i32
      %dma_wait3A_451 = tpu.memref_slice %arg18[%add3A_249, %dma_wait3A_450] : memref<102400x16xf32, #tpu.memory_space<vmem_shared>> -> memref<256x16xf32, #tpu.memory_space<vmem_shared>>
      %dma_wait3A_452 = arith.constant 0 : i32
      %dma_wait3A_453 = tpu.memref_slice %arg18[%add3A_249, %dma_wait3A_452] : memref<102400x16xf32, #tpu.memory_space<vmem_shared>> -> memref<256x16xf32, #tpu.memory_space<vmem_shared>>
      tpu.wait_dma2 semaphore(%run_scoped3A : memref<!tpu.dma_semaphore, #tpu.memory_space<semaphore_mem>>) src(%dma_wait3A_453 : memref<256x16xf32, #tpu.memory_space<vmem_shared>>) dst(%arg14 : memref<256x16xf32, #tpu.memory_space<vmem>>)
      tpu.yield
    }) : () -> ()
    %mul3A_250 = arith.constant 6400 : i32
    %mul3A_251 = arith.muli %arg1, %mul3A_250 : i32
    %add3A_252 = arith.constant 0 : i32
    %add3A_253 = arith.addi %mul3A_251, %add3A_252 : i32
    "tpu.region"() ({
      %run_scoped3A = tpu.sem_alloc : memref<!tpu.dma_semaphore, #tpu.memory_space<semaphore_mem>>
      %dma_start3A_446 = arith.constant 0 : i32
      %dma_start3A_447 = tpu.memref_slice %arg5[%arg0, %add3A_253, %dma_start3A_446] : memref<2x102400x16xf32, #tpu.memory_space<hbm>> -> memref<1x256x16xf32, #tpu.memory_space<hbm>>
      %dma_start3A_448 = tpu.memref_squeeze %dma_start3A_447 : memref<1x256x16xf32, #tpu.memory_space<hbm>> -> memref<256x16xf32, #tpu.memory_space<hbm>>
      %dma_start3A_449 = arith.constant 0 : i32
      %dma_start3A_450 = tpu.memref_slice %arg5[%arg0, %add3A_253, %dma_start3A_449] : memref<2x102400x16xf32, #tpu.memory_space<hbm>> -> memref<1x256x16xf32, #tpu.memory_space<hbm>>
      %dma_start3A_451 = tpu.memref_squeeze %dma_start3A_450 : memref<1x256x16xf32, #tpu.memory_space<hbm>> -> memref<256x16xf32, #tpu.memory_space<hbm>>
      tpu.enqueue_dma source(%arg14 : memref<256x16xf32, #tpu.memory_space<vmem>>) target(%dma_start3A_451 : memref<256x16xf32, #tpu.memory_space<hbm>>) target_semaphore(%run_scoped3A : memref<!tpu.dma_semaphore, #tpu.memory_space<semaphore_mem>>)
      %dma_wait3A_452 = arith.constant 0 : i32
      %dma_wait3A_453 = tpu.memref_slice %arg5[%arg0, %add3A_253, %dma_wait3A_452] : memref<2x102400x16xf32, #tpu.memory_space<hbm>> -> memref<1x256x16xf32, #tpu.memory_space<hbm>>
      %dma_wait3A_454 = tpu.memref_squeeze %dma_wait3A_453 : memref<1x256x16xf32, #tpu.memory_space<hbm>> -> memref<256x16xf32, #tpu.memory_space<hbm>>
      %dma_wait3A_455 = arith.constant 0 : i32
      %dma_wait3A_456 = tpu.memref_slice %arg5[%arg0, %add3A_253, %dma_wait3A_455] : memref<2x102400x16xf32, #tpu.memory_space<hbm>> -> memref<1x256x16xf32, #tpu.memory_space<hbm>>
      %dma_wait3A_457 = tpu.memref_squeeze %dma_wait3A_456 : memref<1x256x16xf32, #tpu.memory_space<hbm>> -> memref<256x16xf32, #tpu.memory_space<hbm>>
      tpu.wait_dma2 semaphore(%run_scoped3A : memref<!tpu.dma_semaphore, #tpu.memory_space<semaphore_mem>>) src(%arg14 : memref<256x16xf32, #tpu.memory_space<vmem>>) dst(%dma_wait3A_457 : memref<256x16xf32, #tpu.memory_space<hbm>>)
      tpu.yield
    }) : () -> ()
    %mul3A_254 = arith.constant 6400 : i32
    %mul3A_255 = arith.muli %arg1, %mul3A_254 : i32
    %add3A_256 = arith.constant 256 : i32
    %add3A_257 = arith.addi %mul3A_255, %add3A_256 : i32
    "tpu.region"() ({
      %run_scoped3A = tpu.sem_alloc : memref<!tpu.dma_semaphore, #tpu.memory_space<semaphore_mem>>
      %dma_start3A_446 = arith.constant 0 : i32
      %dma_start3A_447 = tpu.memref_slice %arg18[%add3A_257, %dma_start3A_446] : memref<102400x16xf32, #tpu.memory_space<vmem_shared>> -> memref<256x16xf32, #tpu.memory_space<vmem_shared>>
      %dma_start3A_448 = arith.constant 0 : i32
      %dma_start3A_449 = tpu.memref_slice %arg18[%add3A_257, %dma_start3A_448] : memref<102400x16xf32, #tpu.memory_space<vmem_shared>> -> memref<256x16xf32, #tpu.memory_space<vmem_shared>>
      tpu.enqueue_dma source(%dma_start3A_449 : memref<256x16xf32, #tpu.memory_space<vmem_shared>>) target(%arg14 : memref<256x16xf32, #tpu.memory_space<vmem>>) target_semaphore(%run_scoped3A : memref<!tpu.dma_semaphore, #tpu.memory_space<semaphore_mem>>)
      %dma_wait3A_450 = arith.constant 0 : i32
      %dma_wait3A_451 = tpu.memref_slice %arg18[%add3A_257, %dma_wait3A_450] : memref<102400x16xf32, #tpu.memory_space<vmem_shared>> -> memref<256x16xf32, #tpu.memory_space<vmem_shared>>
      %dma_wait3A_452 = arith.constant 0 : i32
      %dma_wait3A_453 = tpu.memref_slice %arg18[%add3A_257, %dma_wait3A_452] : memref<102400x16xf32, #tpu.memory_space<vmem_shared>> -> memref<256x16xf32, #tpu.memory_space<vmem_shared>>
      tpu.wait_dma2 semaphore(%run_scoped3A : memref<!tpu.dma_semaphore, #tpu.memory_space<semaphore_mem>>) src(%dma_wait3A_453 : memref<256x16xf32, #tpu.memory_space<vmem_shared>>) dst(%arg14 : memref<256x16xf32, #tpu.memory_space<vmem>>)
      tpu.yield
    }) : () -> ()
    %mul3A_258 = arith.constant 6400 : i32
    %mul3A_259 = arith.muli %arg1, %mul3A_258 : i32
    %add3A_260 = arith.constant 256 : i32
    %add3A_261 = arith.addi %mul3A_259, %add3A_260 : i32
    "tpu.region"() ({
      %run_scoped3A = tpu.sem_alloc : memref<!tpu.dma_semaphore, #tpu.memory_space<semaphore_mem>>
      %dma_start3A_446 = arith.constant 0 : i32
      %dma_start3A_447 = tpu.memref_slice %arg5[%arg0, %add3A_261, %dma_start3A_446] : memref<2x102400x16xf32, #tpu.memory_space<hbm>> -> memref<1x256x16xf32, #tpu.memory_space<hbm>>
      %dma_start3A_448 = tpu.memref_squeeze %dma_start3A_447 : memref<1x256x16xf32, #tpu.memory_space<hbm>> -> memref<256x16xf32, #tpu.memory_space<hbm>>
      %dma_start3A_449 = arith.constant 0 : i32
      %dma_start3A_450 = tpu.memref_slice %arg5[%arg0, %add3A_261, %dma_start3A_449] : memref<2x102400x16xf32, #tpu.memory_space<hbm>> -> memref<1x256x16xf32, #tpu.memory_space<hbm>>
      %dma_start3A_451 = tpu.memref_squeeze %dma_start3A_450 : memref<1x256x16xf32, #tpu.memory_space<hbm>> -> memref<256x16xf32, #tpu.memory_space<hbm>>
      tpu.enqueue_dma source(%arg14 : memref<256x16xf32, #tpu.memory_space<vmem>>) target(%dma_start3A_451 : memref<256x16xf32, #tpu.memory_space<hbm>>) target_semaphore(%run_scoped3A : memref<!tpu.dma_semaphore, #tpu.memory_space<semaphore_mem>>)
      %dma_wait3A_452 = arith.constant 0 : i32
      %dma_wait3A_453 = tpu.memref_slice %arg5[%arg0, %add3A_261, %dma_wait3A_452] : memref<2x102400x16xf32, #tpu.memory_space<hbm>> -> memref<1x256x16xf32, #tpu.memory_space<hbm>>
      %dma_wait3A_454 = tpu.memref_squeeze %dma_wait3A_453 : memref<1x256x16xf32, #tpu.memory_space<hbm>> -> memref<256x16xf32, #tpu.memory_space<hbm>>
      %dma_wait3A_455 = arith.constant 0 : i32
      %dma_wait3A_456 = tpu.memref_slice %arg5[%arg0, %add3A_261, %dma_wait3A_455] : memref<2x102400x16xf32, #tpu.memory_space<hbm>> -> memref<1x256x16xf32, #tpu.memory_space<hbm>>
      %dma_wait3A_457 = tpu.memref_squeeze %dma_wait3A_456 : memref<1x256x16xf32, #tpu.memory_space<hbm>> -> memref<256x16xf32, #tpu.memory_space<hbm>>
      tpu.wait_dma2 semaphore(%run_scoped3A : memref<!tpu.dma_semaphore, #tpu.memory_space<semaphore_mem>>) src(%arg14 : memref<256x16xf32, #tpu.memory_space<vmem>>) dst(%dma_wait3A_457 : memref<256x16xf32, #tpu.memory_space<hbm>>)
      tpu.yield
    }) : () -> ()
    %mul3A_262 = arith.constant 6400 : i32
    %mul3A_263 = arith.muli %arg1, %mul3A_262 : i32
    %add3A_264 = arith.constant 512 : i32
    %add3A_265 = arith.addi %mul3A_263, %add3A_264 : i32
    "tpu.region"() ({
      %run_scoped3A = tpu.sem_alloc : memref<!tpu.dma_semaphore, #tpu.memory_space<semaphore_mem>>
      %dma_start3A_446 = arith.constant 0 : i32
      %dma_start3A_447 = tpu.memref_slice %arg18[%add3A_265, %dma_start3A_446] : memref<102400x16xf32, #tpu.memory_space<vmem_shared>> -> memref<256x16xf32, #tpu.memory_space<vmem_shared>>
      %dma_start3A_448 = arith.constant 0 : i32
      %dma_start3A_449 = tpu.memref_slice %arg18[%add3A_265, %dma_start3A_448] : memref<102400x16xf32, #tpu.memory_space<vmem_shared>> -> memref<256x16xf32, #tpu.memory_space<vmem_shared>>
      tpu.enqueue_dma source(%dma_start3A_449 : memref<256x16xf32, #tpu.memory_space<vmem_shared>>) target(%arg14 : memref<256x16xf32, #tpu.memory_space<vmem>>) target_semaphore(%run_scoped3A : memref<!tpu.dma_semaphore, #tpu.memory_space<semaphore_mem>>)
      %dma_wait3A_450 = arith.constant 0 : i32
      %dma_wait3A_451 = tpu.memref_slice %arg18[%add3A_265, %dma_wait3A_450] : memref<102400x16xf32, #tpu.memory_space<vmem_shared>> -> memref<256x16xf32, #tpu.memory_space<vmem_shared>>
      %dma_wait3A_452 = arith.constant 0 : i32
      %dma_wait3A_453 = tpu.memref_slice %arg18[%add3A_265, %dma_wait3A_452] : memref<102400x16xf32, #tpu.memory_space<vmem_shared>> -> memref<256x16xf32, #tpu.memory_space<vmem_shared>>
      tpu.wait_dma2 semaphore(%run_scoped3A : memref<!tpu.dma_semaphore, #tpu.memory_space<semaphore_mem>>) src(%dma_wait3A_453 : memref<256x16xf32, #tpu.memory_space<vmem_shared>>) dst(%arg14 : memref<256x16xf32, #tpu.memory_space<vmem>>)
      tpu.yield
    }) : () -> ()
    %mul3A_266 = arith.constant 6400 : i32
    %mul3A_267 = arith.muli %arg1, %mul3A_266 : i32
    %add3A_268 = arith.constant 512 : i32
    %add3A_269 = arith.addi %mul3A_267, %add3A_268 : i32
    "tpu.region"() ({
      %run_scoped3A = tpu.sem_alloc : memref<!tpu.dma_semaphore, #tpu.memory_space<semaphore_mem>>
      %dma_start3A_446 = arith.constant 0 : i32
      %dma_start3A_447 = tpu.memref_slice %arg5[%arg0, %add3A_269, %dma_start3A_446] : memref<2x102400x16xf32, #tpu.memory_space<hbm>> -> memref<1x256x16xf32, #tpu.memory_space<hbm>>
      %dma_start3A_448 = tpu.memref_squeeze %dma_start3A_447 : memref<1x256x16xf32, #tpu.memory_space<hbm>> -> memref<256x16xf32, #tpu.memory_space<hbm>>
      %dma_start3A_449 = arith.constant 0 : i32
      %dma_start3A_450 = tpu.memref_slice %arg5[%arg0, %add3A_269, %dma_start3A_449] : memref<2x102400x16xf32, #tpu.memory_space<hbm>> -> memref<1x256x16xf32, #tpu.memory_space<hbm>>
      %dma_start3A_451 = tpu.memref_squeeze %dma_start3A_450 : memref<1x256x16xf32, #tpu.memory_space<hbm>> -> memref<256x16xf32, #tpu.memory_space<hbm>>
      tpu.enqueue_dma source(%arg14 : memref<256x16xf32, #tpu.memory_space<vmem>>) target(%dma_start3A_451 : memref<256x16xf32, #tpu.memory_space<hbm>>) target_semaphore(%run_scoped3A : memref<!tpu.dma_semaphore, #tpu.memory_space<semaphore_mem>>)
      %dma_wait3A_452 = arith.constant 0 : i32
      %dma_wait3A_453 = tpu.memref_slice %arg5[%arg0, %add3A_269, %dma_wait3A_452] : memref<2x102400x16xf32, #tpu.memory_space<hbm>> -> memref<1x256x16xf32, #tpu.memory_space<hbm>>
      %dma_wait3A_454 = tpu.memref_squeeze %dma_wait3A_453 : memref<1x256x16xf32, #tpu.memory_space<hbm>> -> memref<256x16xf32, #tpu.memory_space<hbm>>
      %dma_wait3A_455 = arith.constant 0 : i32
      %dma_wait3A_456 = tpu.memref_slice %arg5[%arg0, %add3A_269, %dma_wait3A_455] : memref<2x102400x16xf32, #tpu.memory_space<hbm>> -> memref<1x256x16xf32, #tpu.memory_space<hbm>>
      %dma_wait3A_457 = tpu.memref_squeeze %dma_wait3A_456 : memref<1x256x16xf32, #tpu.memory_space<hbm>> -> memref<256x16xf32, #tpu.memory_space<hbm>>
      tpu.wait_dma2 semaphore(%run_scoped3A : memref<!tpu.dma_semaphore, #tpu.memory_space<semaphore_mem>>) src(%arg14 : memref<256x16xf32, #tpu.memory_space<vmem>>) dst(%dma_wait3A_457 : memref<256x16xf32, #tpu.memory_space<hbm>>)
      tpu.yield
    }) : () -> ()
    %mul3A_270 = arith.constant 6400 : i32
    %mul3A_271 = arith.muli %arg1, %mul3A_270 : i32
    %add3A_272 = arith.constant 768 : i32
    %add3A_273 = arith.addi %mul3A_271, %add3A_272 : i32
    "tpu.region"() ({
      %run_scoped3A = tpu.sem_alloc : memref<!tpu.dma_semaphore, #tpu.memory_space<semaphore_mem>>
      %dma_start3A_446 = arith.constant 0 : i32
      %dma_start3A_447 = tpu.memref_slice %arg18[%add3A_273, %dma_start3A_446] : memref<102400x16xf32, #tpu.memory_space<vmem_shared>> -> memref<256x16xf32, #tpu.memory_space<vmem_shared>>
      %dma_start3A_448 = arith.constant 0 : i32
      %dma_start3A_449 = tpu.memref_slice %arg18[%add3A_273, %dma_start3A_448] : memref<102400x16xf32, #tpu.memory_space<vmem_shared>> -> memref<256x16xf32, #tpu.memory_space<vmem_shared>>
      tpu.enqueue_dma source(%dma_start3A_449 : memref<256x16xf32, #tpu.memory_space<vmem_shared>>) target(%arg14 : memref<256x16xf32, #tpu.memory_space<vmem>>) target_semaphore(%run_scoped3A : memref<!tpu.dma_semaphore, #tpu.memory_space<semaphore_mem>>)
      %dma_wait3A_450 = arith.constant 0 : i32
      %dma_wait3A_451 = tpu.memref_slice %arg18[%add3A_273, %dma_wait3A_450] : memref<102400x16xf32, #tpu.memory_space<vmem_shared>> -> memref<256x16xf32, #tpu.memory_space<vmem_shared>>
      %dma_wait3A_452 = arith.constant 0 : i32
      %dma_wait3A_453 = tpu.memref_slice %arg18[%add3A_273, %dma_wait3A_452] : memref<102400x16xf32, #tpu.memory_space<vmem_shared>> -> memref<256x16xf32, #tpu.memory_space<vmem_shared>>
      tpu.wait_dma2 semaphore(%run_scoped3A : memref<!tpu.dma_semaphore, #tpu.memory_space<semaphore_mem>>) src(%dma_wait3A_453 : memref<256x16xf32, #tpu.memory_space<vmem_shared>>) dst(%arg14 : memref<256x16xf32, #tpu.memory_space<vmem>>)
      tpu.yield
    }) : () -> ()
    %mul3A_274 = arith.constant 6400 : i32
    %mul3A_275 = arith.muli %arg1, %mul3A_274 : i32
    %add3A_276 = arith.constant 768 : i32
    %add3A_277 = arith.addi %mul3A_275, %add3A_276 : i32
    "tpu.region"() ({
      %run_scoped3A = tpu.sem_alloc : memref<!tpu.dma_semaphore, #tpu.memory_space<semaphore_mem>>
      %dma_start3A_446 = arith.constant 0 : i32
      %dma_start3A_447 = tpu.memref_slice %arg5[%arg0, %add3A_277, %dma_start3A_446] : memref<2x102400x16xf32, #tpu.memory_space<hbm>> -> memref<1x256x16xf32, #tpu.memory_space<hbm>>
      %dma_start3A_448 = tpu.memref_squeeze %dma_start3A_447 : memref<1x256x16xf32, #tpu.memory_space<hbm>> -> memref<256x16xf32, #tpu.memory_space<hbm>>
      %dma_start3A_449 = arith.constant 0 : i32
      %dma_start3A_450 = tpu.memref_slice %arg5[%arg0, %add3A_277, %dma_start3A_449] : memref<2x102400x16xf32, #tpu.memory_space<hbm>> -> memref<1x256x16xf32, #tpu.memory_space<hbm>>
      %dma_start3A_451 = tpu.memref_squeeze %dma_start3A_450 : memref<1x256x16xf32, #tpu.memory_space<hbm>> -> memref<256x16xf32, #tpu.memory_space<hbm>>
      tpu.enqueue_dma source(%arg14 : memref<256x16xf32, #tpu.memory_space<vmem>>) target(%dma_start3A_451 : memref<256x16xf32, #tpu.memory_space<hbm>>) target_semaphore(%run_scoped3A : memref<!tpu.dma_semaphore, #tpu.memory_space<semaphore_mem>>)
      %dma_wait3A_452 = arith.constant 0 : i32
      %dma_wait3A_453 = tpu.memref_slice %arg5[%arg0, %add3A_277, %dma_wait3A_452] : memref<2x102400x16xf32, #tpu.memory_space<hbm>> -> memref<1x256x16xf32, #tpu.memory_space<hbm>>
      %dma_wait3A_454 = tpu.memref_squeeze %dma_wait3A_453 : memref<1x256x16xf32, #tpu.memory_space<hbm>> -> memref<256x16xf32, #tpu.memory_space<hbm>>
      %dma_wait3A_455 = arith.constant 0 : i32
      %dma_wait3A_456 = tpu.memref_slice %arg5[%arg0, %add3A_277, %dma_wait3A_455] : memref<2x102400x16xf32, #tpu.memory_space<hbm>> -> memref<1x256x16xf32, #tpu.memory_space<hbm>>
      %dma_wait3A_457 = tpu.memref_squeeze %dma_wait3A_456 : memref<1x256x16xf32, #tpu.memory_space<hbm>> -> memref<256x16xf32, #tpu.memory_space<hbm>>
      tpu.wait_dma2 semaphore(%run_scoped3A : memref<!tpu.dma_semaphore, #tpu.memory_space<semaphore_mem>>) src(%arg14 : memref<256x16xf32, #tpu.memory_space<vmem>>) dst(%dma_wait3A_457 : memref<256x16xf32, #tpu.memory_space<hbm>>)
      tpu.yield
    }) : () -> ()
    %mul3A_278 = arith.constant 6400 : i32
    %mul3A_279 = arith.muli %arg1, %mul3A_278 : i32
    %add3A_280 = arith.constant 1024 : i32
    %add3A_281 = arith.addi %mul3A_279, %add3A_280 : i32
    "tpu.region"() ({
      %run_scoped3A = tpu.sem_alloc : memref<!tpu.dma_semaphore, #tpu.memory_space<semaphore_mem>>
      %dma_start3A_446 = arith.constant 0 : i32
      %dma_start3A_447 = tpu.memref_slice %arg18[%add3A_281, %dma_start3A_446] : memref<102400x16xf32, #tpu.memory_space<vmem_shared>> -> memref<256x16xf32, #tpu.memory_space<vmem_shared>>
      %dma_start3A_448 = arith.constant 0 : i32
      %dma_start3A_449 = tpu.memref_slice %arg18[%add3A_281, %dma_start3A_448] : memref<102400x16xf32, #tpu.memory_space<vmem_shared>> -> memref<256x16xf32, #tpu.memory_space<vmem_shared>>
      tpu.enqueue_dma source(%dma_start3A_449 : memref<256x16xf32, #tpu.memory_space<vmem_shared>>) target(%arg14 : memref<256x16xf32, #tpu.memory_space<vmem>>) target_semaphore(%run_scoped3A : memref<!tpu.dma_semaphore, #tpu.memory_space<semaphore_mem>>)
      %dma_wait3A_450 = arith.constant 0 : i32
      %dma_wait3A_451 = tpu.memref_slice %arg18[%add3A_281, %dma_wait3A_450] : memref<102400x16xf32, #tpu.memory_space<vmem_shared>> -> memref<256x16xf32, #tpu.memory_space<vmem_shared>>
      %dma_wait3A_452 = arith.constant 0 : i32
      %dma_wait3A_453 = tpu.memref_slice %arg18[%add3A_281, %dma_wait3A_452] : memref<102400x16xf32, #tpu.memory_space<vmem_shared>> -> memref<256x16xf32, #tpu.memory_space<vmem_shared>>
      tpu.wait_dma2 semaphore(%run_scoped3A : memref<!tpu.dma_semaphore, #tpu.memory_space<semaphore_mem>>) src(%dma_wait3A_453 : memref<256x16xf32, #tpu.memory_space<vmem_shared>>) dst(%arg14 : memref<256x16xf32, #tpu.memory_space<vmem>>)
      tpu.yield
    }) : () -> ()
    %mul3A_282 = arith.constant 6400 : i32
    %mul3A_283 = arith.muli %arg1, %mul3A_282 : i32
    %add3A_284 = arith.constant 1024 : i32
    %add3A_285 = arith.addi %mul3A_283, %add3A_284 : i32
    "tpu.region"() ({
      %run_scoped3A = tpu.sem_alloc : memref<!tpu.dma_semaphore, #tpu.memory_space<semaphore_mem>>
      %dma_start3A_446 = arith.constant 0 : i32
      %dma_start3A_447 = tpu.memref_slice %arg5[%arg0, %add3A_285, %dma_start3A_446] : memref<2x102400x16xf32, #tpu.memory_space<hbm>> -> memref<1x256x16xf32, #tpu.memory_space<hbm>>
      %dma_start3A_448 = tpu.memref_squeeze %dma_start3A_447 : memref<1x256x16xf32, #tpu.memory_space<hbm>> -> memref<256x16xf32, #tpu.memory_space<hbm>>
      %dma_start3A_449 = arith.constant 0 : i32
      %dma_start3A_450 = tpu.memref_slice %arg5[%arg0, %add3A_285, %dma_start3A_449] : memref<2x102400x16xf32, #tpu.memory_space<hbm>> -> memref<1x256x16xf32, #tpu.memory_space<hbm>>
      %dma_start3A_451 = tpu.memref_squeeze %dma_start3A_450 : memref<1x256x16xf32, #tpu.memory_space<hbm>> -> memref<256x16xf32, #tpu.memory_space<hbm>>
      tpu.enqueue_dma source(%arg14 : memref<256x16xf32, #tpu.memory_space<vmem>>) target(%dma_start3A_451 : memref<256x16xf32, #tpu.memory_space<hbm>>) target_semaphore(%run_scoped3A : memref<!tpu.dma_semaphore, #tpu.memory_space<semaphore_mem>>)
      %dma_wait3A_452 = arith.constant 0 : i32
      %dma_wait3A_453 = tpu.memref_slice %arg5[%arg0, %add3A_285, %dma_wait3A_452] : memref<2x102400x16xf32, #tpu.memory_space<hbm>> -> memref<1x256x16xf32, #tpu.memory_space<hbm>>
      %dma_wait3A_454 = tpu.memref_squeeze %dma_wait3A_453 : memref<1x256x16xf32, #tpu.memory_space<hbm>> -> memref<256x16xf32, #tpu.memory_space<hbm>>
      %dma_wait3A_455 = arith.constant 0 : i32
      %dma_wait3A_456 = tpu.memref_slice %arg5[%arg0, %add3A_285, %dma_wait3A_455] : memref<2x102400x16xf32, #tpu.memory_space<hbm>> -> memref<1x256x16xf32, #tpu.memory_space<hbm>>
      %dma_wait3A_457 = tpu.memref_squeeze %dma_wait3A_456 : memref<1x256x16xf32, #tpu.memory_space<hbm>> -> memref<256x16xf32, #tpu.memory_space<hbm>>
      tpu.wait_dma2 semaphore(%run_scoped3A : memref<!tpu.dma_semaphore, #tpu.memory_space<semaphore_mem>>) src(%arg14 : memref<256x16xf32, #tpu.memory_space<vmem>>) dst(%dma_wait3A_457 : memref<256x16xf32, #tpu.memory_space<hbm>>)
      tpu.yield
    }) : () -> ()
    %mul3A_286 = arith.constant 6400 : i32
    %mul3A_287 = arith.muli %arg1, %mul3A_286 : i32
    %add3A_288 = arith.constant 1280 : i32
    %add3A_289 = arith.addi %mul3A_287, %add3A_288 : i32
    "tpu.region"() ({
      %run_scoped3A = tpu.sem_alloc : memref<!tpu.dma_semaphore, #tpu.memory_space<semaphore_mem>>
      %dma_start3A_446 = arith.constant 0 : i32
      %dma_start3A_447 = tpu.memref_slice %arg18[%add3A_289, %dma_start3A_446] : memref<102400x16xf32, #tpu.memory_space<vmem_shared>> -> memref<256x16xf32, #tpu.memory_space<vmem_shared>>
      %dma_start3A_448 = arith.constant 0 : i32
      %dma_start3A_449 = tpu.memref_slice %arg18[%add3A_289, %dma_start3A_448] : memref<102400x16xf32, #tpu.memory_space<vmem_shared>> -> memref<256x16xf32, #tpu.memory_space<vmem_shared>>
      tpu.enqueue_dma source(%dma_start3A_449 : memref<256x16xf32, #tpu.memory_space<vmem_shared>>) target(%arg14 : memref<256x16xf32, #tpu.memory_space<vmem>>) target_semaphore(%run_scoped3A : memref<!tpu.dma_semaphore, #tpu.memory_space<semaphore_mem>>)
      %dma_wait3A_450 = arith.constant 0 : i32
      %dma_wait3A_451 = tpu.memref_slice %arg18[%add3A_289, %dma_wait3A_450] : memref<102400x16xf32, #tpu.memory_space<vmem_shared>> -> memref<256x16xf32, #tpu.memory_space<vmem_shared>>
      %dma_wait3A_452 = arith.constant 0 : i32
      %dma_wait3A_453 = tpu.memref_slice %arg18[%add3A_289, %dma_wait3A_452] : memref<102400x16xf32, #tpu.memory_space<vmem_shared>> -> memref<256x16xf32, #tpu.memory_space<vmem_shared>>
      tpu.wait_dma2 semaphore(%run_scoped3A : memref<!tpu.dma_semaphore, #tpu.memory_space<semaphore_mem>>) src(%dma_wait3A_453 : memref<256x16xf32, #tpu.memory_space<vmem_shared>>) dst(%arg14 : memref<256x16xf32, #tpu.memory_space<vmem>>)
      tpu.yield
    }) : () -> ()
    %mul3A_290 = arith.constant 6400 : i32
    %mul3A_291 = arith.muli %arg1, %mul3A_290 : i32
    %add3A_292 = arith.constant 1280 : i32
    %add3A_293 = arith.addi %mul3A_291, %add3A_292 : i32
    "tpu.region"() ({
      %run_scoped3A = tpu.sem_alloc : memref<!tpu.dma_semaphore, #tpu.memory_space<semaphore_mem>>
      %dma_start3A_446 = arith.constant 0 : i32
      %dma_start3A_447 = tpu.memref_slice %arg5[%arg0, %add3A_293, %dma_start3A_446] : memref<2x102400x16xf32, #tpu.memory_space<hbm>> -> memref<1x256x16xf32, #tpu.memory_space<hbm>>
      %dma_start3A_448 = tpu.memref_squeeze %dma_start3A_447 : memref<1x256x16xf32, #tpu.memory_space<hbm>> -> memref<256x16xf32, #tpu.memory_space<hbm>>
      %dma_start3A_449 = arith.constant 0 : i32
      %dma_start3A_450 = tpu.memref_slice %arg5[%arg0, %add3A_293, %dma_start3A_449] : memref<2x102400x16xf32, #tpu.memory_space<hbm>> -> memref<1x256x16xf32, #tpu.memory_space<hbm>>
      %dma_start3A_451 = tpu.memref_squeeze %dma_start3A_450 : memref<1x256x16xf32, #tpu.memory_space<hbm>> -> memref<256x16xf32, #tpu.memory_space<hbm>>
      tpu.enqueue_dma source(%arg14 : memref<256x16xf32, #tpu.memory_space<vmem>>) target(%dma_start3A_451 : memref<256x16xf32, #tpu.memory_space<hbm>>) target_semaphore(%run_scoped3A : memref<!tpu.dma_semaphore, #tpu.memory_space<semaphore_mem>>)
      %dma_wait3A_452 = arith.constant 0 : i32
      %dma_wait3A_453 = tpu.memref_slice %arg5[%arg0, %add3A_293, %dma_wait3A_452] : memref<2x102400x16xf32, #tpu.memory_space<hbm>> -> memref<1x256x16xf32, #tpu.memory_space<hbm>>
      %dma_wait3A_454 = tpu.memref_squeeze %dma_wait3A_453 : memref<1x256x16xf32, #tpu.memory_space<hbm>> -> memref<256x16xf32, #tpu.memory_space<hbm>>
      %dma_wait3A_455 = arith.constant 0 : i32
      %dma_wait3A_456 = tpu.memref_slice %arg5[%arg0, %add3A_293, %dma_wait3A_455] : memref<2x102400x16xf32, #tpu.memory_space<hbm>> -> memref<1x256x16xf32, #tpu.memory_space<hbm>>
      %dma_wait3A_457 = tpu.memref_squeeze %dma_wait3A_456 : memref<1x256x16xf32, #tpu.memory_space<hbm>> -> memref<256x16xf32, #tpu.memory_space<hbm>>
      tpu.wait_dma2 semaphore(%run_scoped3A : memref<!tpu.dma_semaphore, #tpu.memory_space<semaphore_mem>>) src(%arg14 : memref<256x16xf32, #tpu.memory_space<vmem>>) dst(%dma_wait3A_457 : memref<256x16xf32, #tpu.memory_space<hbm>>)
      tpu.yield
    }) : () -> ()
    %mul3A_294 = arith.constant 6400 : i32
    %mul3A_295 = arith.muli %arg1, %mul3A_294 : i32
    %add3A_296 = arith.constant 1536 : i32
    %add3A_297 = arith.addi %mul3A_295, %add3A_296 : i32
    "tpu.region"() ({
      %run_scoped3A = tpu.sem_alloc : memref<!tpu.dma_semaphore, #tpu.memory_space<semaphore_mem>>
      %dma_start3A_446 = arith.constant 0 : i32
      %dma_start3A_447 = tpu.memref_slice %arg18[%add3A_297, %dma_start3A_446] : memref<102400x16xf32, #tpu.memory_space<vmem_shared>> -> memref<256x16xf32, #tpu.memory_space<vmem_shared>>
      %dma_start3A_448 = arith.constant 0 : i32
      %dma_start3A_449 = tpu.memref_slice %arg18[%add3A_297, %dma_start3A_448] : memref<102400x16xf32, #tpu.memory_space<vmem_shared>> -> memref<256x16xf32, #tpu.memory_space<vmem_shared>>
      tpu.enqueue_dma source(%dma_start3A_449 : memref<256x16xf32, #tpu.memory_space<vmem_shared>>) target(%arg14 : memref<256x16xf32, #tpu.memory_space<vmem>>) target_semaphore(%run_scoped3A : memref<!tpu.dma_semaphore, #tpu.memory_space<semaphore_mem>>)
      %dma_wait3A_450 = arith.constant 0 : i32
      %dma_wait3A_451 = tpu.memref_slice %arg18[%add3A_297, %dma_wait3A_450] : memref<102400x16xf32, #tpu.memory_space<vmem_shared>> -> memref<256x16xf32, #tpu.memory_space<vmem_shared>>
      %dma_wait3A_452 = arith.constant 0 : i32
      %dma_wait3A_453 = tpu.memref_slice %arg18[%add3A_297, %dma_wait3A_452] : memref<102400x16xf32, #tpu.memory_space<vmem_shared>> -> memref<256x16xf32, #tpu.memory_space<vmem_shared>>
      tpu.wait_dma2 semaphore(%run_scoped3A : memref<!tpu.dma_semaphore, #tpu.memory_space<semaphore_mem>>) src(%dma_wait3A_453 : memref<256x16xf32, #tpu.memory_space<vmem_shared>>) dst(%arg14 : memref<256x16xf32, #tpu.memory_space<vmem>>)
      tpu.yield
    }) : () -> ()
    %mul3A_298 = arith.constant 6400 : i32
    %mul3A_299 = arith.muli %arg1, %mul3A_298 : i32
    %add3A_300 = arith.constant 1536 : i32
    %add3A_301 = arith.addi %mul3A_299, %add3A_300 : i32
    "tpu.region"() ({
      %run_scoped3A = tpu.sem_alloc : memref<!tpu.dma_semaphore, #tpu.memory_space<semaphore_mem>>
      %dma_start3A_446 = arith.constant 0 : i32
      %dma_start3A_447 = tpu.memref_slice %arg5[%arg0, %add3A_301, %dma_start3A_446] : memref<2x102400x16xf32, #tpu.memory_space<hbm>> -> memref<1x256x16xf32, #tpu.memory_space<hbm>>
      %dma_start3A_448 = tpu.memref_squeeze %dma_start3A_447 : memref<1x256x16xf32, #tpu.memory_space<hbm>> -> memref<256x16xf32, #tpu.memory_space<hbm>>
      %dma_start3A_449 = arith.constant 0 : i32
      %dma_start3A_450 = tpu.memref_slice %arg5[%arg0, %add3A_301, %dma_start3A_449] : memref<2x102400x16xf32, #tpu.memory_space<hbm>> -> memref<1x256x16xf32, #tpu.memory_space<hbm>>
      %dma_start3A_451 = tpu.memref_squeeze %dma_start3A_450 : memref<1x256x16xf32, #tpu.memory_space<hbm>> -> memref<256x16xf32, #tpu.memory_space<hbm>>
      tpu.enqueue_dma source(%arg14 : memref<256x16xf32, #tpu.memory_space<vmem>>) target(%dma_start3A_451 : memref<256x16xf32, #tpu.memory_space<hbm>>) target_semaphore(%run_scoped3A : memref<!tpu.dma_semaphore, #tpu.memory_space<semaphore_mem>>)
      %dma_wait3A_452 = arith.constant 0 : i32
      %dma_wait3A_453 = tpu.memref_slice %arg5[%arg0, %add3A_301, %dma_wait3A_452] : memref<2x102400x16xf32, #tpu.memory_space<hbm>> -> memref<1x256x16xf32, #tpu.memory_space<hbm>>
      %dma_wait3A_454 = tpu.memref_squeeze %dma_wait3A_453 : memref<1x256x16xf32, #tpu.memory_space<hbm>> -> memref<256x16xf32, #tpu.memory_space<hbm>>
      %dma_wait3A_455 = arith.constant 0 : i32
      %dma_wait3A_456 = tpu.memref_slice %arg5[%arg0, %add3A_301, %dma_wait3A_455] : memref<2x102400x16xf32, #tpu.memory_space<hbm>> -> memref<1x256x16xf32, #tpu.memory_space<hbm>>
      %dma_wait3A_457 = tpu.memref_squeeze %dma_wait3A_456 : memref<1x256x16xf32, #tpu.memory_space<hbm>> -> memref<256x16xf32, #tpu.memory_space<hbm>>
      tpu.wait_dma2 semaphore(%run_scoped3A : memref<!tpu.dma_semaphore, #tpu.memory_space<semaphore_mem>>) src(%arg14 : memref<256x16xf32, #tpu.memory_space<vmem>>) dst(%dma_wait3A_457 : memref<256x16xf32, #tpu.memory_space<hbm>>)
      tpu.yield
    }) : () -> ()
    %mul3A_302 = arith.constant 6400 : i32
    %mul3A_303 = arith.muli %arg1, %mul3A_302 : i32
    %add3A_304 = arith.constant 1792 : i32
    %add3A_305 = arith.addi %mul3A_303, %add3A_304 : i32
    "tpu.region"() ({
      %run_scoped3A = tpu.sem_alloc : memref<!tpu.dma_semaphore, #tpu.memory_space<semaphore_mem>>
      %dma_start3A_446 = arith.constant 0 : i32
      %dma_start3A_447 = tpu.memref_slice %arg18[%add3A_305, %dma_start3A_446] : memref<102400x16xf32, #tpu.memory_space<vmem_shared>> -> memref<256x16xf32, #tpu.memory_space<vmem_shared>>
      %dma_start3A_448 = arith.constant 0 : i32
      %dma_start3A_449 = tpu.memref_slice %arg18[%add3A_305, %dma_start3A_448] : memref<102400x16xf32, #tpu.memory_space<vmem_shared>> -> memref<256x16xf32, #tpu.memory_space<vmem_shared>>
      tpu.enqueue_dma source(%dma_start3A_449 : memref<256x16xf32, #tpu.memory_space<vmem_shared>>) target(%arg14 : memref<256x16xf32, #tpu.memory_space<vmem>>) target_semaphore(%run_scoped3A : memref<!tpu.dma_semaphore, #tpu.memory_space<semaphore_mem>>)
      %dma_wait3A_450 = arith.constant 0 : i32
      %dma_wait3A_451 = tpu.memref_slice %arg18[%add3A_305, %dma_wait3A_450] : memref<102400x16xf32, #tpu.memory_space<vmem_shared>> -> memref<256x16xf32, #tpu.memory_space<vmem_shared>>
      %dma_wait3A_452 = arith.constant 0 : i32
      %dma_wait3A_453 = tpu.memref_slice %arg18[%add3A_305, %dma_wait3A_452] : memref<102400x16xf32, #tpu.memory_space<vmem_shared>> -> memref<256x16xf32, #tpu.memory_space<vmem_shared>>
      tpu.wait_dma2 semaphore(%run_scoped3A : memref<!tpu.dma_semaphore, #tpu.memory_space<semaphore_mem>>) src(%dma_wait3A_453 : memref<256x16xf32, #tpu.memory_space<vmem_shared>>) dst(%arg14 : memref<256x16xf32, #tpu.memory_space<vmem>>)
      tpu.yield
    }) : () -> ()
    %mul3A_306 = arith.constant 6400 : i32
    %mul3A_307 = arith.muli %arg1, %mul3A_306 : i32
    %add3A_308 = arith.constant 1792 : i32
    %add3A_309 = arith.addi %mul3A_307, %add3A_308 : i32
    "tpu.region"() ({
      %run_scoped3A = tpu.sem_alloc : memref<!tpu.dma_semaphore, #tpu.memory_space<semaphore_mem>>
      %dma_start3A_446 = arith.constant 0 : i32
      %dma_start3A_447 = tpu.memref_slice %arg5[%arg0, %add3A_309, %dma_start3A_446] : memref<2x102400x16xf32, #tpu.memory_space<hbm>> -> memref<1x256x16xf32, #tpu.memory_space<hbm>>
      %dma_start3A_448 = tpu.memref_squeeze %dma_start3A_447 : memref<1x256x16xf32, #tpu.memory_space<hbm>> -> memref<256x16xf32, #tpu.memory_space<hbm>>
      %dma_start3A_449 = arith.constant 0 : i32
      %dma_start3A_450 = tpu.memref_slice %arg5[%arg0, %add3A_309, %dma_start3A_449] : memref<2x102400x16xf32, #tpu.memory_space<hbm>> -> memref<1x256x16xf32, #tpu.memory_space<hbm>>
      %dma_start3A_451 = tpu.memref_squeeze %dma_start3A_450 : memref<1x256x16xf32, #tpu.memory_space<hbm>> -> memref<256x16xf32, #tpu.memory_space<hbm>>
      tpu.enqueue_dma source(%arg14 : memref<256x16xf32, #tpu.memory_space<vmem>>) target(%dma_start3A_451 : memref<256x16xf32, #tpu.memory_space<hbm>>) target_semaphore(%run_scoped3A : memref<!tpu.dma_semaphore, #tpu.memory_space<semaphore_mem>>)
      %dma_wait3A_452 = arith.constant 0 : i32
      %dma_wait3A_453 = tpu.memref_slice %arg5[%arg0, %add3A_309, %dma_wait3A_452] : memref<2x102400x16xf32, #tpu.memory_space<hbm>> -> memref<1x256x16xf32, #tpu.memory_space<hbm>>
      %dma_wait3A_454 = tpu.memref_squeeze %dma_wait3A_453 : memref<1x256x16xf32, #tpu.memory_space<hbm>> -> memref<256x16xf32, #tpu.memory_space<hbm>>
      %dma_wait3A_455 = arith.constant 0 : i32
      %dma_wait3A_456 = tpu.memref_slice %arg5[%arg0, %add3A_309, %dma_wait3A_455] : memref<2x102400x16xf32, #tpu.memory_space<hbm>> -> memref<1x256x16xf32, #tpu.memory_space<hbm>>
      %dma_wait3A_457 = tpu.memref_squeeze %dma_wait3A_456 : memref<1x256x16xf32, #tpu.memory_space<hbm>> -> memref<256x16xf32, #tpu.memory_space<hbm>>
      tpu.wait_dma2 semaphore(%run_scoped3A : memref<!tpu.dma_semaphore, #tpu.memory_space<semaphore_mem>>) src(%arg14 : memref<256x16xf32, #tpu.memory_space<vmem>>) dst(%dma_wait3A_457 : memref<256x16xf32, #tpu.memory_space<hbm>>)
      tpu.yield
    }) : () -> ()
    %mul3A_310 = arith.constant 6400 : i32
    %mul3A_311 = arith.muli %arg1, %mul3A_310 : i32
    %add3A_312 = arith.constant 2048 : i32
    %add3A_313 = arith.addi %mul3A_311, %add3A_312 : i32
    "tpu.region"() ({
      %run_scoped3A = tpu.sem_alloc : memref<!tpu.dma_semaphore, #tpu.memory_space<semaphore_mem>>
      %dma_start3A_446 = arith.constant 0 : i32
      %dma_start3A_447 = tpu.memref_slice %arg18[%add3A_313, %dma_start3A_446] : memref<102400x16xf32, #tpu.memory_space<vmem_shared>> -> memref<256x16xf32, #tpu.memory_space<vmem_shared>>
      %dma_start3A_448 = arith.constant 0 : i32
      %dma_start3A_449 = tpu.memref_slice %arg18[%add3A_313, %dma_start3A_448] : memref<102400x16xf32, #tpu.memory_space<vmem_shared>> -> memref<256x16xf32, #tpu.memory_space<vmem_shared>>
      tpu.enqueue_dma source(%dma_start3A_449 : memref<256x16xf32, #tpu.memory_space<vmem_shared>>) target(%arg14 : memref<256x16xf32, #tpu.memory_space<vmem>>) target_semaphore(%run_scoped3A : memref<!tpu.dma_semaphore, #tpu.memory_space<semaphore_mem>>)
      %dma_wait3A_450 = arith.constant 0 : i32
      %dma_wait3A_451 = tpu.memref_slice %arg18[%add3A_313, %dma_wait3A_450] : memref<102400x16xf32, #tpu.memory_space<vmem_shared>> -> memref<256x16xf32, #tpu.memory_space<vmem_shared>>
      %dma_wait3A_452 = arith.constant 0 : i32
      %dma_wait3A_453 = tpu.memref_slice %arg18[%add3A_313, %dma_wait3A_452] : memref<102400x16xf32, #tpu.memory_space<vmem_shared>> -> memref<256x16xf32, #tpu.memory_space<vmem_shared>>
      tpu.wait_dma2 semaphore(%run_scoped3A : memref<!tpu.dma_semaphore, #tpu.memory_space<semaphore_mem>>) src(%dma_wait3A_453 : memref<256x16xf32, #tpu.memory_space<vmem_shared>>) dst(%arg14 : memref<256x16xf32, #tpu.memory_space<vmem>>)
      tpu.yield
    }) : () -> ()
    %mul3A_314 = arith.constant 6400 : i32
    %mul3A_315 = arith.muli %arg1, %mul3A_314 : i32
    %add3A_316 = arith.constant 2048 : i32
    %add3A_317 = arith.addi %mul3A_315, %add3A_316 : i32
    "tpu.region"() ({
      %run_scoped3A = tpu.sem_alloc : memref<!tpu.dma_semaphore, #tpu.memory_space<semaphore_mem>>
      %dma_start3A_446 = arith.constant 0 : i32
      %dma_start3A_447 = tpu.memref_slice %arg5[%arg0, %add3A_317, %dma_start3A_446] : memref<2x102400x16xf32, #tpu.memory_space<hbm>> -> memref<1x256x16xf32, #tpu.memory_space<hbm>>
      %dma_start3A_448 = tpu.memref_squeeze %dma_start3A_447 : memref<1x256x16xf32, #tpu.memory_space<hbm>> -> memref<256x16xf32, #tpu.memory_space<hbm>>
      %dma_start3A_449 = arith.constant 0 : i32
      %dma_start3A_450 = tpu.memref_slice %arg5[%arg0, %add3A_317, %dma_start3A_449] : memref<2x102400x16xf32, #tpu.memory_space<hbm>> -> memref<1x256x16xf32, #tpu.memory_space<hbm>>
      %dma_start3A_451 = tpu.memref_squeeze %dma_start3A_450 : memref<1x256x16xf32, #tpu.memory_space<hbm>> -> memref<256x16xf32, #tpu.memory_space<hbm>>
      tpu.enqueue_dma source(%arg14 : memref<256x16xf32, #tpu.memory_space<vmem>>) target(%dma_start3A_451 : memref<256x16xf32, #tpu.memory_space<hbm>>) target_semaphore(%run_scoped3A : memref<!tpu.dma_semaphore, #tpu.memory_space<semaphore_mem>>)
      %dma_wait3A_452 = arith.constant 0 : i32
      %dma_wait3A_453 = tpu.memref_slice %arg5[%arg0, %add3A_317, %dma_wait3A_452] : memref<2x102400x16xf32, #tpu.memory_space<hbm>> -> memref<1x256x16xf32, #tpu.memory_space<hbm>>
      %dma_wait3A_454 = tpu.memref_squeeze %dma_wait3A_453 : memref<1x256x16xf32, #tpu.memory_space<hbm>> -> memref<256x16xf32, #tpu.memory_space<hbm>>
      %dma_wait3A_455 = arith.constant 0 : i32
      %dma_wait3A_456 = tpu.memref_slice %arg5[%arg0, %add3A_317, %dma_wait3A_455] : memref<2x102400x16xf32, #tpu.memory_space<hbm>> -> memref<1x256x16xf32, #tpu.memory_space<hbm>>
      %dma_wait3A_457 = tpu.memref_squeeze %dma_wait3A_456 : memref<1x256x16xf32, #tpu.memory_space<hbm>> -> memref<256x16xf32, #tpu.memory_space<hbm>>
      tpu.wait_dma2 semaphore(%run_scoped3A : memref<!tpu.dma_semaphore, #tpu.memory_space<semaphore_mem>>) src(%arg14 : memref<256x16xf32, #tpu.memory_space<vmem>>) dst(%dma_wait3A_457 : memref<256x16xf32, #tpu.memory_space<hbm>>)
      tpu.yield
    }) : () -> ()
    %mul3A_318 = arith.constant 6400 : i32
    %mul3A_319 = arith.muli %arg1, %mul3A_318 : i32
    %add3A_320 = arith.constant 2304 : i32
    %add3A_321 = arith.addi %mul3A_319, %add3A_320 : i32
    "tpu.region"() ({
      %run_scoped3A = tpu.sem_alloc : memref<!tpu.dma_semaphore, #tpu.memory_space<semaphore_mem>>
      %dma_start3A_446 = arith.constant 0 : i32
      %dma_start3A_447 = tpu.memref_slice %arg18[%add3A_321, %dma_start3A_446] : memref<102400x16xf32, #tpu.memory_space<vmem_shared>> -> memref<256x16xf32, #tpu.memory_space<vmem_shared>>
      %dma_start3A_448 = arith.constant 0 : i32
      %dma_start3A_449 = tpu.memref_slice %arg18[%add3A_321, %dma_start3A_448] : memref<102400x16xf32, #tpu.memory_space<vmem_shared>> -> memref<256x16xf32, #tpu.memory_space<vmem_shared>>
      tpu.enqueue_dma source(%dma_start3A_449 : memref<256x16xf32, #tpu.memory_space<vmem_shared>>) target(%arg14 : memref<256x16xf32, #tpu.memory_space<vmem>>) target_semaphore(%run_scoped3A : memref<!tpu.dma_semaphore, #tpu.memory_space<semaphore_mem>>)
      %dma_wait3A_450 = arith.constant 0 : i32
      %dma_wait3A_451 = tpu.memref_slice %arg18[%add3A_321, %dma_wait3A_450] : memref<102400x16xf32, #tpu.memory_space<vmem_shared>> -> memref<256x16xf32, #tpu.memory_space<vmem_shared>>
      %dma_wait3A_452 = arith.constant 0 : i32
      %dma_wait3A_453 = tpu.memref_slice %arg18[%add3A_321, %dma_wait3A_452] : memref<102400x16xf32, #tpu.memory_space<vmem_shared>> -> memref<256x16xf32, #tpu.memory_space<vmem_shared>>
      tpu.wait_dma2 semaphore(%run_scoped3A : memref<!tpu.dma_semaphore, #tpu.memory_space<semaphore_mem>>) src(%dma_wait3A_453 : memref<256x16xf32, #tpu.memory_space<vmem_shared>>) dst(%arg14 : memref<256x16xf32, #tpu.memory_space<vmem>>)
      tpu.yield
    }) : () -> ()
    %mul3A_322 = arith.constant 6400 : i32
    %mul3A_323 = arith.muli %arg1, %mul3A_322 : i32
    %add3A_324 = arith.constant 2304 : i32
    %add3A_325 = arith.addi %mul3A_323, %add3A_324 : i32
    "tpu.region"() ({
      %run_scoped3A = tpu.sem_alloc : memref<!tpu.dma_semaphore, #tpu.memory_space<semaphore_mem>>
      %dma_start3A_446 = arith.constant 0 : i32
      %dma_start3A_447 = tpu.memref_slice %arg5[%arg0, %add3A_325, %dma_start3A_446] : memref<2x102400x16xf32, #tpu.memory_space<hbm>> -> memref<1x256x16xf32, #tpu.memory_space<hbm>>
      %dma_start3A_448 = tpu.memref_squeeze %dma_start3A_447 : memref<1x256x16xf32, #tpu.memory_space<hbm>> -> memref<256x16xf32, #tpu.memory_space<hbm>>
      %dma_start3A_449 = arith.constant 0 : i32
      %dma_start3A_450 = tpu.memref_slice %arg5[%arg0, %add3A_325, %dma_start3A_449] : memref<2x102400x16xf32, #tpu.memory_space<hbm>> -> memref<1x256x16xf32, #tpu.memory_space<hbm>>
      %dma_start3A_451 = tpu.memref_squeeze %dma_start3A_450 : memref<1x256x16xf32, #tpu.memory_space<hbm>> -> memref<256x16xf32, #tpu.memory_space<hbm>>
      tpu.enqueue_dma source(%arg14 : memref<256x16xf32, #tpu.memory_space<vmem>>) target(%dma_start3A_451 : memref<256x16xf32, #tpu.memory_space<hbm>>) target_semaphore(%run_scoped3A : memref<!tpu.dma_semaphore, #tpu.memory_space<semaphore_mem>>)
      %dma_wait3A_452 = arith.constant 0 : i32
      %dma_wait3A_453 = tpu.memref_slice %arg5[%arg0, %add3A_325, %dma_wait3A_452] : memref<2x102400x16xf32, #tpu.memory_space<hbm>> -> memref<1x256x16xf32, #tpu.memory_space<hbm>>
      %dma_wait3A_454 = tpu.memref_squeeze %dma_wait3A_453 : memref<1x256x16xf32, #tpu.memory_space<hbm>> -> memref<256x16xf32, #tpu.memory_space<hbm>>
      %dma_wait3A_455 = arith.constant 0 : i32
      %dma_wait3A_456 = tpu.memref_slice %arg5[%arg0, %add3A_325, %dma_wait3A_455] : memref<2x102400x16xf32, #tpu.memory_space<hbm>> -> memref<1x256x16xf32, #tpu.memory_space<hbm>>
      %dma_wait3A_457 = tpu.memref_squeeze %dma_wait3A_456 : memref<1x256x16xf32, #tpu.memory_space<hbm>> -> memref<256x16xf32, #tpu.memory_space<hbm>>
      tpu.wait_dma2 semaphore(%run_scoped3A : memref<!tpu.dma_semaphore, #tpu.memory_space<semaphore_mem>>) src(%arg14 : memref<256x16xf32, #tpu.memory_space<vmem>>) dst(%dma_wait3A_457 : memref<256x16xf32, #tpu.memory_space<hbm>>)
      tpu.yield
    }) : () -> ()
    %mul3A_326 = arith.constant 6400 : i32
    %mul3A_327 = arith.muli %arg1, %mul3A_326 : i32
    %add3A_328 = arith.constant 2560 : i32
    %add3A_329 = arith.addi %mul3A_327, %add3A_328 : i32
    "tpu.region"() ({
      %run_scoped3A = tpu.sem_alloc : memref<!tpu.dma_semaphore, #tpu.memory_space<semaphore_mem>>
      %dma_start3A_446 = arith.constant 0 : i32
      %dma_start3A_447 = tpu.memref_slice %arg18[%add3A_329, %dma_start3A_446] : memref<102400x16xf32, #tpu.memory_space<vmem_shared>> -> memref<256x16xf32, #tpu.memory_space<vmem_shared>>
      %dma_start3A_448 = arith.constant 0 : i32
      %dma_start3A_449 = tpu.memref_slice %arg18[%add3A_329, %dma_start3A_448] : memref<102400x16xf32, #tpu.memory_space<vmem_shared>> -> memref<256x16xf32, #tpu.memory_space<vmem_shared>>
      tpu.enqueue_dma source(%dma_start3A_449 : memref<256x16xf32, #tpu.memory_space<vmem_shared>>) target(%arg14 : memref<256x16xf32, #tpu.memory_space<vmem>>) target_semaphore(%run_scoped3A : memref<!tpu.dma_semaphore, #tpu.memory_space<semaphore_mem>>)
      %dma_wait3A_450 = arith.constant 0 : i32
      %dma_wait3A_451 = tpu.memref_slice %arg18[%add3A_329, %dma_wait3A_450] : memref<102400x16xf32, #tpu.memory_space<vmem_shared>> -> memref<256x16xf32, #tpu.memory_space<vmem_shared>>
      %dma_wait3A_452 = arith.constant 0 : i32
      %dma_wait3A_453 = tpu.memref_slice %arg18[%add3A_329, %dma_wait3A_452] : memref<102400x16xf32, #tpu.memory_space<vmem_shared>> -> memref<256x16xf32, #tpu.memory_space<vmem_shared>>
      tpu.wait_dma2 semaphore(%run_scoped3A : memref<!tpu.dma_semaphore, #tpu.memory_space<semaphore_mem>>) src(%dma_wait3A_453 : memref<256x16xf32, #tpu.memory_space<vmem_shared>>) dst(%arg14 : memref<256x16xf32, #tpu.memory_space<vmem>>)
      tpu.yield
    }) : () -> ()
    %mul3A_330 = arith.constant 6400 : i32
    %mul3A_331 = arith.muli %arg1, %mul3A_330 : i32
    %add3A_332 = arith.constant 2560 : i32
    %add3A_333 = arith.addi %mul3A_331, %add3A_332 : i32
    "tpu.region"() ({
      %run_scoped3A = tpu.sem_alloc : memref<!tpu.dma_semaphore, #tpu.memory_space<semaphore_mem>>
      %dma_start3A_446 = arith.constant 0 : i32
      %dma_start3A_447 = tpu.memref_slice %arg5[%arg0, %add3A_333, %dma_start3A_446] : memref<2x102400x16xf32, #tpu.memory_space<hbm>> -> memref<1x256x16xf32, #tpu.memory_space<hbm>>
      %dma_start3A_448 = tpu.memref_squeeze %dma_start3A_447 : memref<1x256x16xf32, #tpu.memory_space<hbm>> -> memref<256x16xf32, #tpu.memory_space<hbm>>
      %dma_start3A_449 = arith.constant 0 : i32
      %dma_start3A_450 = tpu.memref_slice %arg5[%arg0, %add3A_333, %dma_start3A_449] : memref<2x102400x16xf32, #tpu.memory_space<hbm>> -> memref<1x256x16xf32, #tpu.memory_space<hbm>>
      %dma_start3A_451 = tpu.memref_squeeze %dma_start3A_450 : memref<1x256x16xf32, #tpu.memory_space<hbm>> -> memref<256x16xf32, #tpu.memory_space<hbm>>
      tpu.enqueue_dma source(%arg14 : memref<256x16xf32, #tpu.memory_space<vmem>>) target(%dma_start3A_451 : memref<256x16xf32, #tpu.memory_space<hbm>>) target_semaphore(%run_scoped3A : memref<!tpu.dma_semaphore, #tpu.memory_space<semaphore_mem>>)
      %dma_wait3A_452 = arith.constant 0 : i32
      %dma_wait3A_453 = tpu.memref_slice %arg5[%arg0, %add3A_333, %dma_wait3A_452] : memref<2x102400x16xf32, #tpu.memory_space<hbm>> -> memref<1x256x16xf32, #tpu.memory_space<hbm>>
      %dma_wait3A_454 = tpu.memref_squeeze %dma_wait3A_453 : memref<1x256x16xf32, #tpu.memory_space<hbm>> -> memref<256x16xf32, #tpu.memory_space<hbm>>
      %dma_wait3A_455 = arith.constant 0 : i32
      %dma_wait3A_456 = tpu.memref_slice %arg5[%arg0, %add3A_333, %dma_wait3A_455] : memref<2x102400x16xf32, #tpu.memory_space<hbm>> -> memref<1x256x16xf32, #tpu.memory_space<hbm>>
      %dma_wait3A_457 = tpu.memref_squeeze %dma_wait3A_456 : memref<1x256x16xf32, #tpu.memory_space<hbm>> -> memref<256x16xf32, #tpu.memory_space<hbm>>
      tpu.wait_dma2 semaphore(%run_scoped3A : memref<!tpu.dma_semaphore, #tpu.memory_space<semaphore_mem>>) src(%arg14 : memref<256x16xf32, #tpu.memory_space<vmem>>) dst(%dma_wait3A_457 : memref<256x16xf32, #tpu.memory_space<hbm>>)
      tpu.yield
    }) : () -> ()
    %mul3A_334 = arith.constant 6400 : i32
    %mul3A_335 = arith.muli %arg1, %mul3A_334 : i32
    %add3A_336 = arith.constant 2816 : i32
    %add3A_337 = arith.addi %mul3A_335, %add3A_336 : i32
    "tpu.region"() ({
      %run_scoped3A = tpu.sem_alloc : memref<!tpu.dma_semaphore, #tpu.memory_space<semaphore_mem>>
      %dma_start3A_446 = arith.constant 0 : i32
      %dma_start3A_447 = tpu.memref_slice %arg18[%add3A_337, %dma_start3A_446] : memref<102400x16xf32, #tpu.memory_space<vmem_shared>> -> memref<256x16xf32, #tpu.memory_space<vmem_shared>>
      %dma_start3A_448 = arith.constant 0 : i32
      %dma_start3A_449 = tpu.memref_slice %arg18[%add3A_337, %dma_start3A_448] : memref<102400x16xf32, #tpu.memory_space<vmem_shared>> -> memref<256x16xf32, #tpu.memory_space<vmem_shared>>
      tpu.enqueue_dma source(%dma_start3A_449 : memref<256x16xf32, #tpu.memory_space<vmem_shared>>) target(%arg14 : memref<256x16xf32, #tpu.memory_space<vmem>>) target_semaphore(%run_scoped3A : memref<!tpu.dma_semaphore, #tpu.memory_space<semaphore_mem>>)
      %dma_wait3A_450 = arith.constant 0 : i32
      %dma_wait3A_451 = tpu.memref_slice %arg18[%add3A_337, %dma_wait3A_450] : memref<102400x16xf32, #tpu.memory_space<vmem_shared>> -> memref<256x16xf32, #tpu.memory_space<vmem_shared>>
      %dma_wait3A_452 = arith.constant 0 : i32
      %dma_wait3A_453 = tpu.memref_slice %arg18[%add3A_337, %dma_wait3A_452] : memref<102400x16xf32, #tpu.memory_space<vmem_shared>> -> memref<256x16xf32, #tpu.memory_space<vmem_shared>>
      tpu.wait_dma2 semaphore(%run_scoped3A : memref<!tpu.dma_semaphore, #tpu.memory_space<semaphore_mem>>) src(%dma_wait3A_453 : memref<256x16xf32, #tpu.memory_space<vmem_shared>>) dst(%arg14 : memref<256x16xf32, #tpu.memory_space<vmem>>)
      tpu.yield
    }) : () -> ()
    %mul3A_338 = arith.constant 6400 : i32
    %mul3A_339 = arith.muli %arg1, %mul3A_338 : i32
    %add3A_340 = arith.constant 2816 : i32
    %add3A_341 = arith.addi %mul3A_339, %add3A_340 : i32
    "tpu.region"() ({
      %run_scoped3A = tpu.sem_alloc : memref<!tpu.dma_semaphore, #tpu.memory_space<semaphore_mem>>
      %dma_start3A_446 = arith.constant 0 : i32
      %dma_start3A_447 = tpu.memref_slice %arg5[%arg0, %add3A_341, %dma_start3A_446] : memref<2x102400x16xf32, #tpu.memory_space<hbm>> -> memref<1x256x16xf32, #tpu.memory_space<hbm>>
      %dma_start3A_448 = tpu.memref_squeeze %dma_start3A_447 : memref<1x256x16xf32, #tpu.memory_space<hbm>> -> memref<256x16xf32, #tpu.memory_space<hbm>>
      %dma_start3A_449 = arith.constant 0 : i32
      %dma_start3A_450 = tpu.memref_slice %arg5[%arg0, %add3A_341, %dma_start3A_449] : memref<2x102400x16xf32, #tpu.memory_space<hbm>> -> memref<1x256x16xf32, #tpu.memory_space<hbm>>
      %dma_start3A_451 = tpu.memref_squeeze %dma_start3A_450 : memref<1x256x16xf32, #tpu.memory_space<hbm>> -> memref<256x16xf32, #tpu.memory_space<hbm>>
      tpu.enqueue_dma source(%arg14 : memref<256x16xf32, #tpu.memory_space<vmem>>) target(%dma_start3A_451 : memref<256x16xf32, #tpu.memory_space<hbm>>) target_semaphore(%run_scoped3A : memref<!tpu.dma_semaphore, #tpu.memory_space<semaphore_mem>>)
      %dma_wait3A_452 = arith.constant 0 : i32
      %dma_wait3A_453 = tpu.memref_slice %arg5[%arg0, %add3A_341, %dma_wait3A_452] : memref<2x102400x16xf32, #tpu.memory_space<hbm>> -> memref<1x256x16xf32, #tpu.memory_space<hbm>>
      %dma_wait3A_454 = tpu.memref_squeeze %dma_wait3A_453 : memref<1x256x16xf32, #tpu.memory_space<hbm>> -> memref<256x16xf32, #tpu.memory_space<hbm>>
      %dma_wait3A_455 = arith.constant 0 : i32
      %dma_wait3A_456 = tpu.memref_slice %arg5[%arg0, %add3A_341, %dma_wait3A_455] : memref<2x102400x16xf32, #tpu.memory_space<hbm>> -> memref<1x256x16xf32, #tpu.memory_space<hbm>>
      %dma_wait3A_457 = tpu.memref_squeeze %dma_wait3A_456 : memref<1x256x16xf32, #tpu.memory_space<hbm>> -> memref<256x16xf32, #tpu.memory_space<hbm>>
      tpu.wait_dma2 semaphore(%run_scoped3A : memref<!tpu.dma_semaphore, #tpu.memory_space<semaphore_mem>>) src(%arg14 : memref<256x16xf32, #tpu.memory_space<vmem>>) dst(%dma_wait3A_457 : memref<256x16xf32, #tpu.memory_space<hbm>>)
      tpu.yield
    }) : () -> ()
    %mul3A_342 = arith.constant 6400 : i32
    %mul3A_343 = arith.muli %arg1, %mul3A_342 : i32
    %add3A_344 = arith.constant 3072 : i32
    %add3A_345 = arith.addi %mul3A_343, %add3A_344 : i32
    "tpu.region"() ({
      %run_scoped3A = tpu.sem_alloc : memref<!tpu.dma_semaphore, #tpu.memory_space<semaphore_mem>>
      %dma_start3A_446 = arith.constant 0 : i32
      %dma_start3A_447 = tpu.memref_slice %arg18[%add3A_345, %dma_start3A_446] : memref<102400x16xf32, #tpu.memory_space<vmem_shared>> -> memref<256x16xf32, #tpu.memory_space<vmem_shared>>
      %dma_start3A_448 = arith.constant 0 : i32
      %dma_start3A_449 = tpu.memref_slice %arg18[%add3A_345, %dma_start3A_448] : memref<102400x16xf32, #tpu.memory_space<vmem_shared>> -> memref<256x16xf32, #tpu.memory_space<vmem_shared>>
      tpu.enqueue_dma source(%dma_start3A_449 : memref<256x16xf32, #tpu.memory_space<vmem_shared>>) target(%arg14 : memref<256x16xf32, #tpu.memory_space<vmem>>) target_semaphore(%run_scoped3A : memref<!tpu.dma_semaphore, #tpu.memory_space<semaphore_mem>>)
      %dma_wait3A_450 = arith.constant 0 : i32
      %dma_wait3A_451 = tpu.memref_slice %arg18[%add3A_345, %dma_wait3A_450] : memref<102400x16xf32, #tpu.memory_space<vmem_shared>> -> memref<256x16xf32, #tpu.memory_space<vmem_shared>>
      %dma_wait3A_452 = arith.constant 0 : i32
      %dma_wait3A_453 = tpu.memref_slice %arg18[%add3A_345, %dma_wait3A_452] : memref<102400x16xf32, #tpu.memory_space<vmem_shared>> -> memref<256x16xf32, #tpu.memory_space<vmem_shared>>
      tpu.wait_dma2 semaphore(%run_scoped3A : memref<!tpu.dma_semaphore, #tpu.memory_space<semaphore_mem>>) src(%dma_wait3A_453 : memref<256x16xf32, #tpu.memory_space<vmem_shared>>) dst(%arg14 : memref<256x16xf32, #tpu.memory_space<vmem>>)
      tpu.yield
    }) : () -> ()
    %mul3A_346 = arith.constant 6400 : i32
    %mul3A_347 = arith.muli %arg1, %mul3A_346 : i32
    %add3A_348 = arith.constant 3072 : i32
    %add3A_349 = arith.addi %mul3A_347, %add3A_348 : i32
    "tpu.region"() ({
      %run_scoped3A = tpu.sem_alloc : memref<!tpu.dma_semaphore, #tpu.memory_space<semaphore_mem>>
      %dma_start3A_446 = arith.constant 0 : i32
      %dma_start3A_447 = tpu.memref_slice %arg5[%arg0, %add3A_349, %dma_start3A_446] : memref<2x102400x16xf32, #tpu.memory_space<hbm>> -> memref<1x256x16xf32, #tpu.memory_space<hbm>>
      %dma_start3A_448 = tpu.memref_squeeze %dma_start3A_447 : memref<1x256x16xf32, #tpu.memory_space<hbm>> -> memref<256x16xf32, #tpu.memory_space<hbm>>
      %dma_start3A_449 = arith.constant 0 : i32
      %dma_start3A_450 = tpu.memref_slice %arg5[%arg0, %add3A_349, %dma_start3A_449] : memref<2x102400x16xf32, #tpu.memory_space<hbm>> -> memref<1x256x16xf32, #tpu.memory_space<hbm>>
      %dma_start3A_451 = tpu.memref_squeeze %dma_start3A_450 : memref<1x256x16xf32, #tpu.memory_space<hbm>> -> memref<256x16xf32, #tpu.memory_space<hbm>>
      tpu.enqueue_dma source(%arg14 : memref<256x16xf32, #tpu.memory_space<vmem>>) target(%dma_start3A_451 : memref<256x16xf32, #tpu.memory_space<hbm>>) target_semaphore(%run_scoped3A : memref<!tpu.dma_semaphore, #tpu.memory_space<semaphore_mem>>)
      %dma_wait3A_452 = arith.constant 0 : i32
      %dma_wait3A_453 = tpu.memref_slice %arg5[%arg0, %add3A_349, %dma_wait3A_452] : memref<2x102400x16xf32, #tpu.memory_space<hbm>> -> memref<1x256x16xf32, #tpu.memory_space<hbm>>
      %dma_wait3A_454 = tpu.memref_squeeze %dma_wait3A_453 : memref<1x256x16xf32, #tpu.memory_space<hbm>> -> memref<256x16xf32, #tpu.memory_space<hbm>>
      %dma_wait3A_455 = arith.constant 0 : i32
      %dma_wait3A_456 = tpu.memref_slice %arg5[%arg0, %add3A_349, %dma_wait3A_455] : memref<2x102400x16xf32, #tpu.memory_space<hbm>> -> memref<1x256x16xf32, #tpu.memory_space<hbm>>
      %dma_wait3A_457 = tpu.memref_squeeze %dma_wait3A_456 : memref<1x256x16xf32, #tpu.memory_space<hbm>> -> memref<256x16xf32, #tpu.memory_space<hbm>>
      tpu.wait_dma2 semaphore(%run_scoped3A : memref<!tpu.dma_semaphore, #tpu.memory_space<semaphore_mem>>) src(%arg14 : memref<256x16xf32, #tpu.memory_space<vmem>>) dst(%dma_wait3A_457 : memref<256x16xf32, #tpu.memory_space<hbm>>)
      tpu.yield
    }) : () -> ()
    %mul3A_350 = arith.constant 6400 : i32
    %mul3A_351 = arith.muli %arg1, %mul3A_350 : i32
    %add3A_352 = arith.constant 3328 : i32
    %add3A_353 = arith.addi %mul3A_351, %add3A_352 : i32
    "tpu.region"() ({
      %run_scoped3A = tpu.sem_alloc : memref<!tpu.dma_semaphore, #tpu.memory_space<semaphore_mem>>
      %dma_start3A_446 = arith.constant 0 : i32
      %dma_start3A_447 = tpu.memref_slice %arg18[%add3A_353, %dma_start3A_446] : memref<102400x16xf32, #tpu.memory_space<vmem_shared>> -> memref<256x16xf32, #tpu.memory_space<vmem_shared>>
      %dma_start3A_448 = arith.constant 0 : i32
      %dma_start3A_449 = tpu.memref_slice %arg18[%add3A_353, %dma_start3A_448] : memref<102400x16xf32, #tpu.memory_space<vmem_shared>> -> memref<256x16xf32, #tpu.memory_space<vmem_shared>>
      tpu.enqueue_dma source(%dma_start3A_449 : memref<256x16xf32, #tpu.memory_space<vmem_shared>>) target(%arg14 : memref<256x16xf32, #tpu.memory_space<vmem>>) target_semaphore(%run_scoped3A : memref<!tpu.dma_semaphore, #tpu.memory_space<semaphore_mem>>)
      %dma_wait3A_450 = arith.constant 0 : i32
      %dma_wait3A_451 = tpu.memref_slice %arg18[%add3A_353, %dma_wait3A_450] : memref<102400x16xf32, #tpu.memory_space<vmem_shared>> -> memref<256x16xf32, #tpu.memory_space<vmem_shared>>
      %dma_wait3A_452 = arith.constant 0 : i32
      %dma_wait3A_453 = tpu.memref_slice %arg18[%add3A_353, %dma_wait3A_452] : memref<102400x16xf32, #tpu.memory_space<vmem_shared>> -> memref<256x16xf32, #tpu.memory_space<vmem_shared>>
      tpu.wait_dma2 semaphore(%run_scoped3A : memref<!tpu.dma_semaphore, #tpu.memory_space<semaphore_mem>>) src(%dma_wait3A_453 : memref<256x16xf32, #tpu.memory_space<vmem_shared>>) dst(%arg14 : memref<256x16xf32, #tpu.memory_space<vmem>>)
      tpu.yield
    }) : () -> ()
    %mul3A_354 = arith.constant 6400 : i32
    %mul3A_355 = arith.muli %arg1, %mul3A_354 : i32
    %add3A_356 = arith.constant 3328 : i32
    %add3A_357 = arith.addi %mul3A_355, %add3A_356 : i32
    "tpu.region"() ({
      %run_scoped3A = tpu.sem_alloc : memref<!tpu.dma_semaphore, #tpu.memory_space<semaphore_mem>>
      %dma_start3A_446 = arith.constant 0 : i32
      %dma_start3A_447 = tpu.memref_slice %arg5[%arg0, %add3A_357, %dma_start3A_446] : memref<2x102400x16xf32, #tpu.memory_space<hbm>> -> memref<1x256x16xf32, #tpu.memory_space<hbm>>
      %dma_start3A_448 = tpu.memref_squeeze %dma_start3A_447 : memref<1x256x16xf32, #tpu.memory_space<hbm>> -> memref<256x16xf32, #tpu.memory_space<hbm>>
      %dma_start3A_449 = arith.constant 0 : i32
      %dma_start3A_450 = tpu.memref_slice %arg5[%arg0, %add3A_357, %dma_start3A_449] : memref<2x102400x16xf32, #tpu.memory_space<hbm>> -> memref<1x256x16xf32, #tpu.memory_space<hbm>>
      %dma_start3A_451 = tpu.memref_squeeze %dma_start3A_450 : memref<1x256x16xf32, #tpu.memory_space<hbm>> -> memref<256x16xf32, #tpu.memory_space<hbm>>
      tpu.enqueue_dma source(%arg14 : memref<256x16xf32, #tpu.memory_space<vmem>>) target(%dma_start3A_451 : memref<256x16xf32, #tpu.memory_space<hbm>>) target_semaphore(%run_scoped3A : memref<!tpu.dma_semaphore, #tpu.memory_space<semaphore_mem>>)
      %dma_wait3A_452 = arith.constant 0 : i32
      %dma_wait3A_453 = tpu.memref_slice %arg5[%arg0, %add3A_357, %dma_wait3A_452] : memref<2x102400x16xf32, #tpu.memory_space<hbm>> -> memref<1x256x16xf32, #tpu.memory_space<hbm>>
      %dma_wait3A_454 = tpu.memref_squeeze %dma_wait3A_453 : memref<1x256x16xf32, #tpu.memory_space<hbm>> -> memref<256x16xf32, #tpu.memory_space<hbm>>
      %dma_wait3A_455 = arith.constant 0 : i32
      %dma_wait3A_456 = tpu.memref_slice %arg5[%arg0, %add3A_357, %dma_wait3A_455] : memref<2x102400x16xf32, #tpu.memory_space<hbm>> -> memref<1x256x16xf32, #tpu.memory_space<hbm>>
      %dma_wait3A_457 = tpu.memref_squeeze %dma_wait3A_456 : memref<1x256x16xf32, #tpu.memory_space<hbm>> -> memref<256x16xf32, #tpu.memory_space<hbm>>
      tpu.wait_dma2 semaphore(%run_scoped3A : memref<!tpu.dma_semaphore, #tpu.memory_space<semaphore_mem>>) src(%arg14 : memref<256x16xf32, #tpu.memory_space<vmem>>) dst(%dma_wait3A_457 : memref<256x16xf32, #tpu.memory_space<hbm>>)
      tpu.yield
    }) : () -> ()
    %mul3A_358 = arith.constant 6400 : i32
    %mul3A_359 = arith.muli %arg1, %mul3A_358 : i32
    %add3A_360 = arith.constant 3584 : i32
    %add3A_361 = arith.addi %mul3A_359, %add3A_360 : i32
    "tpu.region"() ({
      %run_scoped3A = tpu.sem_alloc : memref<!tpu.dma_semaphore, #tpu.memory_space<semaphore_mem>>
      %dma_start3A_446 = arith.constant 0 : i32
      %dma_start3A_447 = tpu.memref_slice %arg18[%add3A_361, %dma_start3A_446] : memref<102400x16xf32, #tpu.memory_space<vmem_shared>> -> memref<256x16xf32, #tpu.memory_space<vmem_shared>>
      %dma_start3A_448 = arith.constant 0 : i32
      %dma_start3A_449 = tpu.memref_slice %arg18[%add3A_361, %dma_start3A_448] : memref<102400x16xf32, #tpu.memory_space<vmem_shared>> -> memref<256x16xf32, #tpu.memory_space<vmem_shared>>
      tpu.enqueue_dma source(%dma_start3A_449 : memref<256x16xf32, #tpu.memory_space<vmem_shared>>) target(%arg14 : memref<256x16xf32, #tpu.memory_space<vmem>>) target_semaphore(%run_scoped3A : memref<!tpu.dma_semaphore, #tpu.memory_space<semaphore_mem>>)
      %dma_wait3A_450 = arith.constant 0 : i32
      %dma_wait3A_451 = tpu.memref_slice %arg18[%add3A_361, %dma_wait3A_450] : memref<102400x16xf32, #tpu.memory_space<vmem_shared>> -> memref<256x16xf32, #tpu.memory_space<vmem_shared>>
      %dma_wait3A_452 = arith.constant 0 : i32
      %dma_wait3A_453 = tpu.memref_slice %arg18[%add3A_361, %dma_wait3A_452] : memref<102400x16xf32, #tpu.memory_space<vmem_shared>> -> memref<256x16xf32, #tpu.memory_space<vmem_shared>>
      tpu.wait_dma2 semaphore(%run_scoped3A : memref<!tpu.dma_semaphore, #tpu.memory_space<semaphore_mem>>) src(%dma_wait3A_453 : memref<256x16xf32, #tpu.memory_space<vmem_shared>>) dst(%arg14 : memref<256x16xf32, #tpu.memory_space<vmem>>)
      tpu.yield
    }) : () -> ()
    %mul3A_362 = arith.constant 6400 : i32
    %mul3A_363 = arith.muli %arg1, %mul3A_362 : i32
    %add3A_364 = arith.constant 3584 : i32
    %add3A_365 = arith.addi %mul3A_363, %add3A_364 : i32
    "tpu.region"() ({
      %run_scoped3A = tpu.sem_alloc : memref<!tpu.dma_semaphore, #tpu.memory_space<semaphore_mem>>
      %dma_start3A_446 = arith.constant 0 : i32
      %dma_start3A_447 = tpu.memref_slice %arg5[%arg0, %add3A_365, %dma_start3A_446] : memref<2x102400x16xf32, #tpu.memory_space<hbm>> -> memref<1x256x16xf32, #tpu.memory_space<hbm>>
      %dma_start3A_448 = tpu.memref_squeeze %dma_start3A_447 : memref<1x256x16xf32, #tpu.memory_space<hbm>> -> memref<256x16xf32, #tpu.memory_space<hbm>>
      %dma_start3A_449 = arith.constant 0 : i32
      %dma_start3A_450 = tpu.memref_slice %arg5[%arg0, %add3A_365, %dma_start3A_449] : memref<2x102400x16xf32, #tpu.memory_space<hbm>> -> memref<1x256x16xf32, #tpu.memory_space<hbm>>
      %dma_start3A_451 = tpu.memref_squeeze %dma_start3A_450 : memref<1x256x16xf32, #tpu.memory_space<hbm>> -> memref<256x16xf32, #tpu.memory_space<hbm>>
      tpu.enqueue_dma source(%arg14 : memref<256x16xf32, #tpu.memory_space<vmem>>) target(%dma_start3A_451 : memref<256x16xf32, #tpu.memory_space<hbm>>) target_semaphore(%run_scoped3A : memref<!tpu.dma_semaphore, #tpu.memory_space<semaphore_mem>>)
      %dma_wait3A_452 = arith.constant 0 : i32
      %dma_wait3A_453 = tpu.memref_slice %arg5[%arg0, %add3A_365, %dma_wait3A_452] : memref<2x102400x16xf32, #tpu.memory_space<hbm>> -> memref<1x256x16xf32, #tpu.memory_space<hbm>>
      %dma_wait3A_454 = tpu.memref_squeeze %dma_wait3A_453 : memref<1x256x16xf32, #tpu.memory_space<hbm>> -> memref<256x16xf32, #tpu.memory_space<hbm>>
      %dma_wait3A_455 = arith.constant 0 : i32
      %dma_wait3A_456 = tpu.memref_slice %arg5[%arg0, %add3A_365, %dma_wait3A_455] : memref<2x102400x16xf32, #tpu.memory_space<hbm>> -> memref<1x256x16xf32, #tpu.memory_space<hbm>>
      %dma_wait3A_457 = tpu.memref_squeeze %dma_wait3A_456 : memref<1x256x16xf32, #tpu.memory_space<hbm>> -> memref<256x16xf32, #tpu.memory_space<hbm>>
      tpu.wait_dma2 semaphore(%run_scoped3A : memref<!tpu.dma_semaphore, #tpu.memory_space<semaphore_mem>>) src(%arg14 : memref<256x16xf32, #tpu.memory_space<vmem>>) dst(%dma_wait3A_457 : memref<256x16xf32, #tpu.memory_space<hbm>>)
      tpu.yield
    }) : () -> ()
    %mul3A_366 = arith.constant 6400 : i32
    %mul3A_367 = arith.muli %arg1, %mul3A_366 : i32
    %add3A_368 = arith.constant 3840 : i32
    %add3A_369 = arith.addi %mul3A_367, %add3A_368 : i32
    "tpu.region"() ({
      %run_scoped3A = tpu.sem_alloc : memref<!tpu.dma_semaphore, #tpu.memory_space<semaphore_mem>>
      %dma_start3A_446 = arith.constant 0 : i32
      %dma_start3A_447 = tpu.memref_slice %arg18[%add3A_369, %dma_start3A_446] : memref<102400x16xf32, #tpu.memory_space<vmem_shared>> -> memref<256x16xf32, #tpu.memory_space<vmem_shared>>
      %dma_start3A_448 = arith.constant 0 : i32
      %dma_start3A_449 = tpu.memref_slice %arg18[%add3A_369, %dma_start3A_448] : memref<102400x16xf32, #tpu.memory_space<vmem_shared>> -> memref<256x16xf32, #tpu.memory_space<vmem_shared>>
      tpu.enqueue_dma source(%dma_start3A_449 : memref<256x16xf32, #tpu.memory_space<vmem_shared>>) target(%arg14 : memref<256x16xf32, #tpu.memory_space<vmem>>) target_semaphore(%run_scoped3A : memref<!tpu.dma_semaphore, #tpu.memory_space<semaphore_mem>>)
      %dma_wait3A_450 = arith.constant 0 : i32
      %dma_wait3A_451 = tpu.memref_slice %arg18[%add3A_369, %dma_wait3A_450] : memref<102400x16xf32, #tpu.memory_space<vmem_shared>> -> memref<256x16xf32, #tpu.memory_space<vmem_shared>>
      %dma_wait3A_452 = arith.constant 0 : i32
      %dma_wait3A_453 = tpu.memref_slice %arg18[%add3A_369, %dma_wait3A_452] : memref<102400x16xf32, #tpu.memory_space<vmem_shared>> -> memref<256x16xf32, #tpu.memory_space<vmem_shared>>
      tpu.wait_dma2 semaphore(%run_scoped3A : memref<!tpu.dma_semaphore, #tpu.memory_space<semaphore_mem>>) src(%dma_wait3A_453 : memref<256x16xf32, #tpu.memory_space<vmem_shared>>) dst(%arg14 : memref<256x16xf32, #tpu.memory_space<vmem>>)
      tpu.yield
    }) : () -> ()
    %mul3A_370 = arith.constant 6400 : i32
    %mul3A_371 = arith.muli %arg1, %mul3A_370 : i32
    %add3A_372 = arith.constant 3840 : i32
    %add3A_373 = arith.addi %mul3A_371, %add3A_372 : i32
    "tpu.region"() ({
      %run_scoped3A = tpu.sem_alloc : memref<!tpu.dma_semaphore, #tpu.memory_space<semaphore_mem>>
      %dma_start3A_446 = arith.constant 0 : i32
      %dma_start3A_447 = tpu.memref_slice %arg5[%arg0, %add3A_373, %dma_start3A_446] : memref<2x102400x16xf32, #tpu.memory_space<hbm>> -> memref<1x256x16xf32, #tpu.memory_space<hbm>>
      %dma_start3A_448 = tpu.memref_squeeze %dma_start3A_447 : memref<1x256x16xf32, #tpu.memory_space<hbm>> -> memref<256x16xf32, #tpu.memory_space<hbm>>
      %dma_start3A_449 = arith.constant 0 : i32
      %dma_start3A_450 = tpu.memref_slice %arg5[%arg0, %add3A_373, %dma_start3A_449] : memref<2x102400x16xf32, #tpu.memory_space<hbm>> -> memref<1x256x16xf32, #tpu.memory_space<hbm>>
      %dma_start3A_451 = tpu.memref_squeeze %dma_start3A_450 : memref<1x256x16xf32, #tpu.memory_space<hbm>> -> memref<256x16xf32, #tpu.memory_space<hbm>>
      tpu.enqueue_dma source(%arg14 : memref<256x16xf32, #tpu.memory_space<vmem>>) target(%dma_start3A_451 : memref<256x16xf32, #tpu.memory_space<hbm>>) target_semaphore(%run_scoped3A : memref<!tpu.dma_semaphore, #tpu.memory_space<semaphore_mem>>)
      %dma_wait3A_452 = arith.constant 0 : i32
      %dma_wait3A_453 = tpu.memref_slice %arg5[%arg0, %add3A_373, %dma_wait3A_452] : memref<2x102400x16xf32, #tpu.memory_space<hbm>> -> memref<1x256x16xf32, #tpu.memory_space<hbm>>
      %dma_wait3A_454 = tpu.memref_squeeze %dma_wait3A_453 : memref<1x256x16xf32, #tpu.memory_space<hbm>> -> memref<256x16xf32, #tpu.memory_space<hbm>>
      %dma_wait3A_455 = arith.constant 0 : i32
      %dma_wait3A_456 = tpu.memref_slice %arg5[%arg0, %add3A_373, %dma_wait3A_455] : memref<2x102400x16xf32, #tpu.memory_space<hbm>> -> memref<1x256x16xf32, #tpu.memory_space<hbm>>
      %dma_wait3A_457 = tpu.memref_squeeze %dma_wait3A_456 : memref<1x256x16xf32, #tpu.memory_space<hbm>> -> memref<256x16xf32, #tpu.memory_space<hbm>>
      tpu.wait_dma2 semaphore(%run_scoped3A : memref<!tpu.dma_semaphore, #tpu.memory_space<semaphore_mem>>) src(%arg14 : memref<256x16xf32, #tpu.memory_space<vmem>>) dst(%dma_wait3A_457 : memref<256x16xf32, #tpu.memory_space<hbm>>)
      tpu.yield
    }) : () -> ()
    %mul3A_374 = arith.constant 6400 : i32
    %mul3A_375 = arith.muli %arg1, %mul3A_374 : i32
    %add3A_376 = arith.constant 4096 : i32
    %add3A_377 = arith.addi %mul3A_375, %add3A_376 : i32
    "tpu.region"() ({
      %run_scoped3A = tpu.sem_alloc : memref<!tpu.dma_semaphore, #tpu.memory_space<semaphore_mem>>
      %dma_start3A_446 = arith.constant 0 : i32
      %dma_start3A_447 = tpu.memref_slice %arg18[%add3A_377, %dma_start3A_446] : memref<102400x16xf32, #tpu.memory_space<vmem_shared>> -> memref<256x16xf32, #tpu.memory_space<vmem_shared>>
      %dma_start3A_448 = arith.constant 0 : i32
      %dma_start3A_449 = tpu.memref_slice %arg18[%add3A_377, %dma_start3A_448] : memref<102400x16xf32, #tpu.memory_space<vmem_shared>> -> memref<256x16xf32, #tpu.memory_space<vmem_shared>>
      tpu.enqueue_dma source(%dma_start3A_449 : memref<256x16xf32, #tpu.memory_space<vmem_shared>>) target(%arg14 : memref<256x16xf32, #tpu.memory_space<vmem>>) target_semaphore(%run_scoped3A : memref<!tpu.dma_semaphore, #tpu.memory_space<semaphore_mem>>)
      %dma_wait3A_450 = arith.constant 0 : i32
      %dma_wait3A_451 = tpu.memref_slice %arg18[%add3A_377, %dma_wait3A_450] : memref<102400x16xf32, #tpu.memory_space<vmem_shared>> -> memref<256x16xf32, #tpu.memory_space<vmem_shared>>
      %dma_wait3A_452 = arith.constant 0 : i32
      %dma_wait3A_453 = tpu.memref_slice %arg18[%add3A_377, %dma_wait3A_452] : memref<102400x16xf32, #tpu.memory_space<vmem_shared>> -> memref<256x16xf32, #tpu.memory_space<vmem_shared>>
      tpu.wait_dma2 semaphore(%run_scoped3A : memref<!tpu.dma_semaphore, #tpu.memory_space<semaphore_mem>>) src(%dma_wait3A_453 : memref<256x16xf32, #tpu.memory_space<vmem_shared>>) dst(%arg14 : memref<256x16xf32, #tpu.memory_space<vmem>>)
      tpu.yield
    }) : () -> ()
    %mul3A_378 = arith.constant 6400 : i32
    %mul3A_379 = arith.muli %arg1, %mul3A_378 : i32
    %add3A_380 = arith.constant 4096 : i32
    %add3A_381 = arith.addi %mul3A_379, %add3A_380 : i32
    "tpu.region"() ({
      %run_scoped3A = tpu.sem_alloc : memref<!tpu.dma_semaphore, #tpu.memory_space<semaphore_mem>>
      %dma_start3A_446 = arith.constant 0 : i32
      %dma_start3A_447 = tpu.memref_slice %arg5[%arg0, %add3A_381, %dma_start3A_446] : memref<2x102400x16xf32, #tpu.memory_space<hbm>> -> memref<1x256x16xf32, #tpu.memory_space<hbm>>
      %dma_start3A_448 = tpu.memref_squeeze %dma_start3A_447 : memref<1x256x16xf32, #tpu.memory_space<hbm>> -> memref<256x16xf32, #tpu.memory_space<hbm>>
      %dma_start3A_449 = arith.constant 0 : i32
      %dma_start3A_450 = tpu.memref_slice %arg5[%arg0, %add3A_381, %dma_start3A_449] : memref<2x102400x16xf32, #tpu.memory_space<hbm>> -> memref<1x256x16xf32, #tpu.memory_space<hbm>>
      %dma_start3A_451 = tpu.memref_squeeze %dma_start3A_450 : memref<1x256x16xf32, #tpu.memory_space<hbm>> -> memref<256x16xf32, #tpu.memory_space<hbm>>
      tpu.enqueue_dma source(%arg14 : memref<256x16xf32, #tpu.memory_space<vmem>>) target(%dma_start3A_451 : memref<256x16xf32, #tpu.memory_space<hbm>>) target_semaphore(%run_scoped3A : memref<!tpu.dma_semaphore, #tpu.memory_space<semaphore_mem>>)
      %dma_wait3A_452 = arith.constant 0 : i32
      %dma_wait3A_453 = tpu.memref_slice %arg5[%arg0, %add3A_381, %dma_wait3A_452] : memref<2x102400x16xf32, #tpu.memory_space<hbm>> -> memref<1x256x16xf32, #tpu.memory_space<hbm>>
      %dma_wait3A_454 = tpu.memref_squeeze %dma_wait3A_453 : memref<1x256x16xf32, #tpu.memory_space<hbm>> -> memref<256x16xf32, #tpu.memory_space<hbm>>
      %dma_wait3A_455 = arith.constant 0 : i32
      %dma_wait3A_456 = tpu.memref_slice %arg5[%arg0, %add3A_381, %dma_wait3A_455] : memref<2x102400x16xf32, #tpu.memory_space<hbm>> -> memref<1x256x16xf32, #tpu.memory_space<hbm>>
      %dma_wait3A_457 = tpu.memref_squeeze %dma_wait3A_456 : memref<1x256x16xf32, #tpu.memory_space<hbm>> -> memref<256x16xf32, #tpu.memory_space<hbm>>
      tpu.wait_dma2 semaphore(%run_scoped3A : memref<!tpu.dma_semaphore, #tpu.memory_space<semaphore_mem>>) src(%arg14 : memref<256x16xf32, #tpu.memory_space<vmem>>) dst(%dma_wait3A_457 : memref<256x16xf32, #tpu.memory_space<hbm>>)
      tpu.yield
    }) : () -> ()
    %mul3A_382 = arith.constant 6400 : i32
    %mul3A_383 = arith.muli %arg1, %mul3A_382 : i32
    %add3A_384 = arith.constant 4352 : i32
    %add3A_385 = arith.addi %mul3A_383, %add3A_384 : i32
    "tpu.region"() ({
      %run_scoped3A = tpu.sem_alloc : memref<!tpu.dma_semaphore, #tpu.memory_space<semaphore_mem>>
      %dma_start3A_446 = arith.constant 0 : i32
      %dma_start3A_447 = tpu.memref_slice %arg18[%add3A_385, %dma_start3A_446] : memref<102400x16xf32, #tpu.memory_space<vmem_shared>> -> memref<256x16xf32, #tpu.memory_space<vmem_shared>>
      %dma_start3A_448 = arith.constant 0 : i32
      %dma_start3A_449 = tpu.memref_slice %arg18[%add3A_385, %dma_start3A_448] : memref<102400x16xf32, #tpu.memory_space<vmem_shared>> -> memref<256x16xf32, #tpu.memory_space<vmem_shared>>
      tpu.enqueue_dma source(%dma_start3A_449 : memref<256x16xf32, #tpu.memory_space<vmem_shared>>) target(%arg14 : memref<256x16xf32, #tpu.memory_space<vmem>>) target_semaphore(%run_scoped3A : memref<!tpu.dma_semaphore, #tpu.memory_space<semaphore_mem>>)
      %dma_wait3A_450 = arith.constant 0 : i32
      %dma_wait3A_451 = tpu.memref_slice %arg18[%add3A_385, %dma_wait3A_450] : memref<102400x16xf32, #tpu.memory_space<vmem_shared>> -> memref<256x16xf32, #tpu.memory_space<vmem_shared>>
      %dma_wait3A_452 = arith.constant 0 : i32
      %dma_wait3A_453 = tpu.memref_slice %arg18[%add3A_385, %dma_wait3A_452] : memref<102400x16xf32, #tpu.memory_space<vmem_shared>> -> memref<256x16xf32, #tpu.memory_space<vmem_shared>>
      tpu.wait_dma2 semaphore(%run_scoped3A : memref<!tpu.dma_semaphore, #tpu.memory_space<semaphore_mem>>) src(%dma_wait3A_453 : memref<256x16xf32, #tpu.memory_space<vmem_shared>>) dst(%arg14 : memref<256x16xf32, #tpu.memory_space<vmem>>)
      tpu.yield
    }) : () -> ()
    %mul3A_386 = arith.constant 6400 : i32
    %mul3A_387 = arith.muli %arg1, %mul3A_386 : i32
    %add3A_388 = arith.constant 4352 : i32
    %add3A_389 = arith.addi %mul3A_387, %add3A_388 : i32
    "tpu.region"() ({
      %run_scoped3A = tpu.sem_alloc : memref<!tpu.dma_semaphore, #tpu.memory_space<semaphore_mem>>
      %dma_start3A_446 = arith.constant 0 : i32
      %dma_start3A_447 = tpu.memref_slice %arg5[%arg0, %add3A_389, %dma_start3A_446] : memref<2x102400x16xf32, #tpu.memory_space<hbm>> -> memref<1x256x16xf32, #tpu.memory_space<hbm>>
      %dma_start3A_448 = tpu.memref_squeeze %dma_start3A_447 : memref<1x256x16xf32, #tpu.memory_space<hbm>> -> memref<256x16xf32, #tpu.memory_space<hbm>>
      %dma_start3A_449 = arith.constant 0 : i32
      %dma_start3A_450 = tpu.memref_slice %arg5[%arg0, %add3A_389, %dma_start3A_449] : memref<2x102400x16xf32, #tpu.memory_space<hbm>> -> memref<1x256x16xf32, #tpu.memory_space<hbm>>
      %dma_start3A_451 = tpu.memref_squeeze %dma_start3A_450 : memref<1x256x16xf32, #tpu.memory_space<hbm>> -> memref<256x16xf32, #tpu.memory_space<hbm>>
      tpu.enqueue_dma source(%arg14 : memref<256x16xf32, #tpu.memory_space<vmem>>) target(%dma_start3A_451 : memref<256x16xf32, #tpu.memory_space<hbm>>) target_semaphore(%run_scoped3A : memref<!tpu.dma_semaphore, #tpu.memory_space<semaphore_mem>>)
      %dma_wait3A_452 = arith.constant 0 : i32
      %dma_wait3A_453 = tpu.memref_slice %arg5[%arg0, %add3A_389, %dma_wait3A_452] : memref<2x102400x16xf32, #tpu.memory_space<hbm>> -> memref<1x256x16xf32, #tpu.memory_space<hbm>>
      %dma_wait3A_454 = tpu.memref_squeeze %dma_wait3A_453 : memref<1x256x16xf32, #tpu.memory_space<hbm>> -> memref<256x16xf32, #tpu.memory_space<hbm>>
      %dma_wait3A_455 = arith.constant 0 : i32
      %dma_wait3A_456 = tpu.memref_slice %arg5[%arg0, %add3A_389, %dma_wait3A_455] : memref<2x102400x16xf32, #tpu.memory_space<hbm>> -> memref<1x256x16xf32, #tpu.memory_space<hbm>>
      %dma_wait3A_457 = tpu.memref_squeeze %dma_wait3A_456 : memref<1x256x16xf32, #tpu.memory_space<hbm>> -> memref<256x16xf32, #tpu.memory_space<hbm>>
      tpu.wait_dma2 semaphore(%run_scoped3A : memref<!tpu.dma_semaphore, #tpu.memory_space<semaphore_mem>>) src(%arg14 : memref<256x16xf32, #tpu.memory_space<vmem>>) dst(%dma_wait3A_457 : memref<256x16xf32, #tpu.memory_space<hbm>>)
      tpu.yield
    }) : () -> ()
    %mul3A_390 = arith.constant 6400 : i32
    %mul3A_391 = arith.muli %arg1, %mul3A_390 : i32
    %add3A_392 = arith.constant 4608 : i32
    %add3A_393 = arith.addi %mul3A_391, %add3A_392 : i32
    "tpu.region"() ({
      %run_scoped3A = tpu.sem_alloc : memref<!tpu.dma_semaphore, #tpu.memory_space<semaphore_mem>>
      %dma_start3A_446 = arith.constant 0 : i32
      %dma_start3A_447 = tpu.memref_slice %arg18[%add3A_393, %dma_start3A_446] : memref<102400x16xf32, #tpu.memory_space<vmem_shared>> -> memref<256x16xf32, #tpu.memory_space<vmem_shared>>
      %dma_start3A_448 = arith.constant 0 : i32
      %dma_start3A_449 = tpu.memref_slice %arg18[%add3A_393, %dma_start3A_448] : memref<102400x16xf32, #tpu.memory_space<vmem_shared>> -> memref<256x16xf32, #tpu.memory_space<vmem_shared>>
      tpu.enqueue_dma source(%dma_start3A_449 : memref<256x16xf32, #tpu.memory_space<vmem_shared>>) target(%arg14 : memref<256x16xf32, #tpu.memory_space<vmem>>) target_semaphore(%run_scoped3A : memref<!tpu.dma_semaphore, #tpu.memory_space<semaphore_mem>>)
      %dma_wait3A_450 = arith.constant 0 : i32
      %dma_wait3A_451 = tpu.memref_slice %arg18[%add3A_393, %dma_wait3A_450] : memref<102400x16xf32, #tpu.memory_space<vmem_shared>> -> memref<256x16xf32, #tpu.memory_space<vmem_shared>>
      %dma_wait3A_452 = arith.constant 0 : i32
      %dma_wait3A_453 = tpu.memref_slice %arg18[%add3A_393, %dma_wait3A_452] : memref<102400x16xf32, #tpu.memory_space<vmem_shared>> -> memref<256x16xf32, #tpu.memory_space<vmem_shared>>
      tpu.wait_dma2 semaphore(%run_scoped3A : memref<!tpu.dma_semaphore, #tpu.memory_space<semaphore_mem>>) src(%dma_wait3A_453 : memref<256x16xf32, #tpu.memory_space<vmem_shared>>) dst(%arg14 : memref<256x16xf32, #tpu.memory_space<vmem>>)
      tpu.yield
    }) : () -> ()
    %mul3A_394 = arith.constant 6400 : i32
    %mul3A_395 = arith.muli %arg1, %mul3A_394 : i32
    %add3A_396 = arith.constant 4608 : i32
    %add3A_397 = arith.addi %mul3A_395, %add3A_396 : i32
    "tpu.region"() ({
      %run_scoped3A = tpu.sem_alloc : memref<!tpu.dma_semaphore, #tpu.memory_space<semaphore_mem>>
      %dma_start3A_446 = arith.constant 0 : i32
      %dma_start3A_447 = tpu.memref_slice %arg5[%arg0, %add3A_397, %dma_start3A_446] : memref<2x102400x16xf32, #tpu.memory_space<hbm>> -> memref<1x256x16xf32, #tpu.memory_space<hbm>>
      %dma_start3A_448 = tpu.memref_squeeze %dma_start3A_447 : memref<1x256x16xf32, #tpu.memory_space<hbm>> -> memref<256x16xf32, #tpu.memory_space<hbm>>
      %dma_start3A_449 = arith.constant 0 : i32
      %dma_start3A_450 = tpu.memref_slice %arg5[%arg0, %add3A_397, %dma_start3A_449] : memref<2x102400x16xf32, #tpu.memory_space<hbm>> -> memref<1x256x16xf32, #tpu.memory_space<hbm>>
      %dma_start3A_451 = tpu.memref_squeeze %dma_start3A_450 : memref<1x256x16xf32, #tpu.memory_space<hbm>> -> memref<256x16xf32, #tpu.memory_space<hbm>>
      tpu.enqueue_dma source(%arg14 : memref<256x16xf32, #tpu.memory_space<vmem>>) target(%dma_start3A_451 : memref<256x16xf32, #tpu.memory_space<hbm>>) target_semaphore(%run_scoped3A : memref<!tpu.dma_semaphore, #tpu.memory_space<semaphore_mem>>)
      %dma_wait3A_452 = arith.constant 0 : i32
      %dma_wait3A_453 = tpu.memref_slice %arg5[%arg0, %add3A_397, %dma_wait3A_452] : memref<2x102400x16xf32, #tpu.memory_space<hbm>> -> memref<1x256x16xf32, #tpu.memory_space<hbm>>
      %dma_wait3A_454 = tpu.memref_squeeze %dma_wait3A_453 : memref<1x256x16xf32, #tpu.memory_space<hbm>> -> memref<256x16xf32, #tpu.memory_space<hbm>>
      %dma_wait3A_455 = arith.constant 0 : i32
      %dma_wait3A_456 = tpu.memref_slice %arg5[%arg0, %add3A_397, %dma_wait3A_455] : memref<2x102400x16xf32, #tpu.memory_space<hbm>> -> memref<1x256x16xf32, #tpu.memory_space<hbm>>
      %dma_wait3A_457 = tpu.memref_squeeze %dma_wait3A_456 : memref<1x256x16xf32, #tpu.memory_space<hbm>> -> memref<256x16xf32, #tpu.memory_space<hbm>>
      tpu.wait_dma2 semaphore(%run_scoped3A : memref<!tpu.dma_semaphore, #tpu.memory_space<semaphore_mem>>) src(%arg14 : memref<256x16xf32, #tpu.memory_space<vmem>>) dst(%dma_wait3A_457 : memref<256x16xf32, #tpu.memory_space<hbm>>)
      tpu.yield
    }) : () -> ()
    %mul3A_398 = arith.constant 6400 : i32
    %mul3A_399 = arith.muli %arg1, %mul3A_398 : i32
    %add3A_400 = arith.constant 4864 : i32
    %add3A_401 = arith.addi %mul3A_399, %add3A_400 : i32
    "tpu.region"() ({
      %run_scoped3A = tpu.sem_alloc : memref<!tpu.dma_semaphore, #tpu.memory_space<semaphore_mem>>
      %dma_start3A_446 = arith.constant 0 : i32
      %dma_start3A_447 = tpu.memref_slice %arg18[%add3A_401, %dma_start3A_446] : memref<102400x16xf32, #tpu.memory_space<vmem_shared>> -> memref<256x16xf32, #tpu.memory_space<vmem_shared>>
      %dma_start3A_448 = arith.constant 0 : i32
      %dma_start3A_449 = tpu.memref_slice %arg18[%add3A_401, %dma_start3A_448] : memref<102400x16xf32, #tpu.memory_space<vmem_shared>> -> memref<256x16xf32, #tpu.memory_space<vmem_shared>>
      tpu.enqueue_dma source(%dma_start3A_449 : memref<256x16xf32, #tpu.memory_space<vmem_shared>>) target(%arg14 : memref<256x16xf32, #tpu.memory_space<vmem>>) target_semaphore(%run_scoped3A : memref<!tpu.dma_semaphore, #tpu.memory_space<semaphore_mem>>)
      %dma_wait3A_450 = arith.constant 0 : i32
      %dma_wait3A_451 = tpu.memref_slice %arg18[%add3A_401, %dma_wait3A_450] : memref<102400x16xf32, #tpu.memory_space<vmem_shared>> -> memref<256x16xf32, #tpu.memory_space<vmem_shared>>
      %dma_wait3A_452 = arith.constant 0 : i32
      %dma_wait3A_453 = tpu.memref_slice %arg18[%add3A_401, %dma_wait3A_452] : memref<102400x16xf32, #tpu.memory_space<vmem_shared>> -> memref<256x16xf32, #tpu.memory_space<vmem_shared>>
      tpu.wait_dma2 semaphore(%run_scoped3A : memref<!tpu.dma_semaphore, #tpu.memory_space<semaphore_mem>>) src(%dma_wait3A_453 : memref<256x16xf32, #tpu.memory_space<vmem_shared>>) dst(%arg14 : memref<256x16xf32, #tpu.memory_space<vmem>>)
      tpu.yield
    }) : () -> ()
    %mul3A_402 = arith.constant 6400 : i32
    %mul3A_403 = arith.muli %arg1, %mul3A_402 : i32
    %add3A_404 = arith.constant 4864 : i32
    %add3A_405 = arith.addi %mul3A_403, %add3A_404 : i32
    "tpu.region"() ({
      %run_scoped3A = tpu.sem_alloc : memref<!tpu.dma_semaphore, #tpu.memory_space<semaphore_mem>>
      %dma_start3A_446 = arith.constant 0 : i32
      %dma_start3A_447 = tpu.memref_slice %arg5[%arg0, %add3A_405, %dma_start3A_446] : memref<2x102400x16xf32, #tpu.memory_space<hbm>> -> memref<1x256x16xf32, #tpu.memory_space<hbm>>
      %dma_start3A_448 = tpu.memref_squeeze %dma_start3A_447 : memref<1x256x16xf32, #tpu.memory_space<hbm>> -> memref<256x16xf32, #tpu.memory_space<hbm>>
      %dma_start3A_449 = arith.constant 0 : i32
      %dma_start3A_450 = tpu.memref_slice %arg5[%arg0, %add3A_405, %dma_start3A_449] : memref<2x102400x16xf32, #tpu.memory_space<hbm>> -> memref<1x256x16xf32, #tpu.memory_space<hbm>>
      %dma_start3A_451 = tpu.memref_squeeze %dma_start3A_450 : memref<1x256x16xf32, #tpu.memory_space<hbm>> -> memref<256x16xf32, #tpu.memory_space<hbm>>
      tpu.enqueue_dma source(%arg14 : memref<256x16xf32, #tpu.memory_space<vmem>>) target(%dma_start3A_451 : memref<256x16xf32, #tpu.memory_space<hbm>>) target_semaphore(%run_scoped3A : memref<!tpu.dma_semaphore, #tpu.memory_space<semaphore_mem>>)
      %dma_wait3A_452 = arith.constant 0 : i32
      %dma_wait3A_453 = tpu.memref_slice %arg5[%arg0, %add3A_405, %dma_wait3A_452] : memref<2x102400x16xf32, #tpu.memory_space<hbm>> -> memref<1x256x16xf32, #tpu.memory_space<hbm>>
      %dma_wait3A_454 = tpu.memref_squeeze %dma_wait3A_453 : memref<1x256x16xf32, #tpu.memory_space<hbm>> -> memref<256x16xf32, #tpu.memory_space<hbm>>
      %dma_wait3A_455 = arith.constant 0 : i32
      %dma_wait3A_456 = tpu.memref_slice %arg5[%arg0, %add3A_405, %dma_wait3A_455] : memref<2x102400x16xf32, #tpu.memory_space<hbm>> -> memref<1x256x16xf32, #tpu.memory_space<hbm>>
      %dma_wait3A_457 = tpu.memref_squeeze %dma_wait3A_456 : memref<1x256x16xf32, #tpu.memory_space<hbm>> -> memref<256x16xf32, #tpu.memory_space<hbm>>
      tpu.wait_dma2 semaphore(%run_scoped3A : memref<!tpu.dma_semaphore, #tpu.memory_space<semaphore_mem>>) src(%arg14 : memref<256x16xf32, #tpu.memory_space<vmem>>) dst(%dma_wait3A_457 : memref<256x16xf32, #tpu.memory_space<hbm>>)
      tpu.yield
    }) : () -> ()
    %mul3A_406 = arith.constant 6400 : i32
    %mul3A_407 = arith.muli %arg1, %mul3A_406 : i32
    %add3A_408 = arith.constant 5120 : i32
    %add3A_409 = arith.addi %mul3A_407, %add3A_408 : i32
    "tpu.region"() ({
      %run_scoped3A = tpu.sem_alloc : memref<!tpu.dma_semaphore, #tpu.memory_space<semaphore_mem>>
      %dma_start3A_446 = arith.constant 0 : i32
      %dma_start3A_447 = tpu.memref_slice %arg18[%add3A_409, %dma_start3A_446] : memref<102400x16xf32, #tpu.memory_space<vmem_shared>> -> memref<256x16xf32, #tpu.memory_space<vmem_shared>>
      %dma_start3A_448 = arith.constant 0 : i32
      %dma_start3A_449 = tpu.memref_slice %arg18[%add3A_409, %dma_start3A_448] : memref<102400x16xf32, #tpu.memory_space<vmem_shared>> -> memref<256x16xf32, #tpu.memory_space<vmem_shared>>
      tpu.enqueue_dma source(%dma_start3A_449 : memref<256x16xf32, #tpu.memory_space<vmem_shared>>) target(%arg14 : memref<256x16xf32, #tpu.memory_space<vmem>>) target_semaphore(%run_scoped3A : memref<!tpu.dma_semaphore, #tpu.memory_space<semaphore_mem>>)
      %dma_wait3A_450 = arith.constant 0 : i32
      %dma_wait3A_451 = tpu.memref_slice %arg18[%add3A_409, %dma_wait3A_450] : memref<102400x16xf32, #tpu.memory_space<vmem_shared>> -> memref<256x16xf32, #tpu.memory_space<vmem_shared>>
      %dma_wait3A_452 = arith.constant 0 : i32
      %dma_wait3A_453 = tpu.memref_slice %arg18[%add3A_409, %dma_wait3A_452] : memref<102400x16xf32, #tpu.memory_space<vmem_shared>> -> memref<256x16xf32, #tpu.memory_space<vmem_shared>>
      tpu.wait_dma2 semaphore(%run_scoped3A : memref<!tpu.dma_semaphore, #tpu.memory_space<semaphore_mem>>) src(%dma_wait3A_453 : memref<256x16xf32, #tpu.memory_space<vmem_shared>>) dst(%arg14 : memref<256x16xf32, #tpu.memory_space<vmem>>)
      tpu.yield
    }) : () -> ()
    %mul3A_410 = arith.constant 6400 : i32
    %mul3A_411 = arith.muli %arg1, %mul3A_410 : i32
    %add3A_412 = arith.constant 5120 : i32
    %add3A_413 = arith.addi %mul3A_411, %add3A_412 : i32
    "tpu.region"() ({
      %run_scoped3A = tpu.sem_alloc : memref<!tpu.dma_semaphore, #tpu.memory_space<semaphore_mem>>
      %dma_start3A_446 = arith.constant 0 : i32
      %dma_start3A_447 = tpu.memref_slice %arg5[%arg0, %add3A_413, %dma_start3A_446] : memref<2x102400x16xf32, #tpu.memory_space<hbm>> -> memref<1x256x16xf32, #tpu.memory_space<hbm>>
      %dma_start3A_448 = tpu.memref_squeeze %dma_start3A_447 : memref<1x256x16xf32, #tpu.memory_space<hbm>> -> memref<256x16xf32, #tpu.memory_space<hbm>>
      %dma_start3A_449 = arith.constant 0 : i32
      %dma_start3A_450 = tpu.memref_slice %arg5[%arg0, %add3A_413, %dma_start3A_449] : memref<2x102400x16xf32, #tpu.memory_space<hbm>> -> memref<1x256x16xf32, #tpu.memory_space<hbm>>
      %dma_start3A_451 = tpu.memref_squeeze %dma_start3A_450 : memref<1x256x16xf32, #tpu.memory_space<hbm>> -> memref<256x16xf32, #tpu.memory_space<hbm>>
      tpu.enqueue_dma source(%arg14 : memref<256x16xf32, #tpu.memory_space<vmem>>) target(%dma_start3A_451 : memref<256x16xf32, #tpu.memory_space<hbm>>) target_semaphore(%run_scoped3A : memref<!tpu.dma_semaphore, #tpu.memory_space<semaphore_mem>>)
      %dma_wait3A_452 = arith.constant 0 : i32
      %dma_wait3A_453 = tpu.memref_slice %arg5[%arg0, %add3A_413, %dma_wait3A_452] : memref<2x102400x16xf32, #tpu.memory_space<hbm>> -> memref<1x256x16xf32, #tpu.memory_space<hbm>>
      %dma_wait3A_454 = tpu.memref_squeeze %dma_wait3A_453 : memref<1x256x16xf32, #tpu.memory_space<hbm>> -> memref<256x16xf32, #tpu.memory_space<hbm>>
      %dma_wait3A_455 = arith.constant 0 : i32
      %dma_wait3A_456 = tpu.memref_slice %arg5[%arg0, %add3A_413, %dma_wait3A_455] : memref<2x102400x16xf32, #tpu.memory_space<hbm>> -> memref<1x256x16xf32, #tpu.memory_space<hbm>>
      %dma_wait3A_457 = tpu.memref_squeeze %dma_wait3A_456 : memref<1x256x16xf32, #tpu.memory_space<hbm>> -> memref<256x16xf32, #tpu.memory_space<hbm>>
      tpu.wait_dma2 semaphore(%run_scoped3A : memref<!tpu.dma_semaphore, #tpu.memory_space<semaphore_mem>>) src(%arg14 : memref<256x16xf32, #tpu.memory_space<vmem>>) dst(%dma_wait3A_457 : memref<256x16xf32, #tpu.memory_space<hbm>>)
      tpu.yield
    }) : () -> ()
    %mul3A_414 = arith.constant 6400 : i32
    %mul3A_415 = arith.muli %arg1, %mul3A_414 : i32
    %add3A_416 = arith.constant 5376 : i32
    %add3A_417 = arith.addi %mul3A_415, %add3A_416 : i32
    "tpu.region"() ({
      %run_scoped3A = tpu.sem_alloc : memref<!tpu.dma_semaphore, #tpu.memory_space<semaphore_mem>>
      %dma_start3A_446 = arith.constant 0 : i32
      %dma_start3A_447 = tpu.memref_slice %arg18[%add3A_417, %dma_start3A_446] : memref<102400x16xf32, #tpu.memory_space<vmem_shared>> -> memref<256x16xf32, #tpu.memory_space<vmem_shared>>
      %dma_start3A_448 = arith.constant 0 : i32
      %dma_start3A_449 = tpu.memref_slice %arg18[%add3A_417, %dma_start3A_448] : memref<102400x16xf32, #tpu.memory_space<vmem_shared>> -> memref<256x16xf32, #tpu.memory_space<vmem_shared>>
      tpu.enqueue_dma source(%dma_start3A_449 : memref<256x16xf32, #tpu.memory_space<vmem_shared>>) target(%arg14 : memref<256x16xf32, #tpu.memory_space<vmem>>) target_semaphore(%run_scoped3A : memref<!tpu.dma_semaphore, #tpu.memory_space<semaphore_mem>>)
      %dma_wait3A_450 = arith.constant 0 : i32
      %dma_wait3A_451 = tpu.memref_slice %arg18[%add3A_417, %dma_wait3A_450] : memref<102400x16xf32, #tpu.memory_space<vmem_shared>> -> memref<256x16xf32, #tpu.memory_space<vmem_shared>>
      %dma_wait3A_452 = arith.constant 0 : i32
      %dma_wait3A_453 = tpu.memref_slice %arg18[%add3A_417, %dma_wait3A_452] : memref<102400x16xf32, #tpu.memory_space<vmem_shared>> -> memref<256x16xf32, #tpu.memory_space<vmem_shared>>
      tpu.wait_dma2 semaphore(%run_scoped3A : memref<!tpu.dma_semaphore, #tpu.memory_space<semaphore_mem>>) src(%dma_wait3A_453 : memref<256x16xf32, #tpu.memory_space<vmem_shared>>) dst(%arg14 : memref<256x16xf32, #tpu.memory_space<vmem>>)
      tpu.yield
    }) : () -> ()
    %mul3A_418 = arith.constant 6400 : i32
    %mul3A_419 = arith.muli %arg1, %mul3A_418 : i32
    %add3A_420 = arith.constant 5376 : i32
    %add3A_421 = arith.addi %mul3A_419, %add3A_420 : i32
    "tpu.region"() ({
      %run_scoped3A = tpu.sem_alloc : memref<!tpu.dma_semaphore, #tpu.memory_space<semaphore_mem>>
      %dma_start3A_446 = arith.constant 0 : i32
      %dma_start3A_447 = tpu.memref_slice %arg5[%arg0, %add3A_421, %dma_start3A_446] : memref<2x102400x16xf32, #tpu.memory_space<hbm>> -> memref<1x256x16xf32, #tpu.memory_space<hbm>>
      %dma_start3A_448 = tpu.memref_squeeze %dma_start3A_447 : memref<1x256x16xf32, #tpu.memory_space<hbm>> -> memref<256x16xf32, #tpu.memory_space<hbm>>
      %dma_start3A_449 = arith.constant 0 : i32
      %dma_start3A_450 = tpu.memref_slice %arg5[%arg0, %add3A_421, %dma_start3A_449] : memref<2x102400x16xf32, #tpu.memory_space<hbm>> -> memref<1x256x16xf32, #tpu.memory_space<hbm>>
      %dma_start3A_451 = tpu.memref_squeeze %dma_start3A_450 : memref<1x256x16xf32, #tpu.memory_space<hbm>> -> memref<256x16xf32, #tpu.memory_space<hbm>>
      tpu.enqueue_dma source(%arg14 : memref<256x16xf32, #tpu.memory_space<vmem>>) target(%dma_start3A_451 : memref<256x16xf32, #tpu.memory_space<hbm>>) target_semaphore(%run_scoped3A : memref<!tpu.dma_semaphore, #tpu.memory_space<semaphore_mem>>)
      %dma_wait3A_452 = arith.constant 0 : i32
      %dma_wait3A_453 = tpu.memref_slice %arg5[%arg0, %add3A_421, %dma_wait3A_452] : memref<2x102400x16xf32, #tpu.memory_space<hbm>> -> memref<1x256x16xf32, #tpu.memory_space<hbm>>
      %dma_wait3A_454 = tpu.memref_squeeze %dma_wait3A_453 : memref<1x256x16xf32, #tpu.memory_space<hbm>> -> memref<256x16xf32, #tpu.memory_space<hbm>>
      %dma_wait3A_455 = arith.constant 0 : i32
      %dma_wait3A_456 = tpu.memref_slice %arg5[%arg0, %add3A_421, %dma_wait3A_455] : memref<2x102400x16xf32, #tpu.memory_space<hbm>> -> memref<1x256x16xf32, #tpu.memory_space<hbm>>
      %dma_wait3A_457 = tpu.memref_squeeze %dma_wait3A_456 : memref<1x256x16xf32, #tpu.memory_space<hbm>> -> memref<256x16xf32, #tpu.memory_space<hbm>>
      tpu.wait_dma2 semaphore(%run_scoped3A : memref<!tpu.dma_semaphore, #tpu.memory_space<semaphore_mem>>) src(%arg14 : memref<256x16xf32, #tpu.memory_space<vmem>>) dst(%dma_wait3A_457 : memref<256x16xf32, #tpu.memory_space<hbm>>)
      tpu.yield
    }) : () -> ()
    %mul3A_422 = arith.constant 6400 : i32
    %mul3A_423 = arith.muli %arg1, %mul3A_422 : i32
    %add3A_424 = arith.constant 5632 : i32
    %add3A_425 = arith.addi %mul3A_423, %add3A_424 : i32
    "tpu.region"() ({
      %run_scoped3A = tpu.sem_alloc : memref<!tpu.dma_semaphore, #tpu.memory_space<semaphore_mem>>
      %dma_start3A_446 = arith.constant 0 : i32
      %dma_start3A_447 = tpu.memref_slice %arg18[%add3A_425, %dma_start3A_446] : memref<102400x16xf32, #tpu.memory_space<vmem_shared>> -> memref<256x16xf32, #tpu.memory_space<vmem_shared>>
      %dma_start3A_448 = arith.constant 0 : i32
      %dma_start3A_449 = tpu.memref_slice %arg18[%add3A_425, %dma_start3A_448] : memref<102400x16xf32, #tpu.memory_space<vmem_shared>> -> memref<256x16xf32, #tpu.memory_space<vmem_shared>>
      tpu.enqueue_dma source(%dma_start3A_449 : memref<256x16xf32, #tpu.memory_space<vmem_shared>>) target(%arg14 : memref<256x16xf32, #tpu.memory_space<vmem>>) target_semaphore(%run_scoped3A : memref<!tpu.dma_semaphore, #tpu.memory_space<semaphore_mem>>)
      %dma_wait3A_450 = arith.constant 0 : i32
      %dma_wait3A_451 = tpu.memref_slice %arg18[%add3A_425, %dma_wait3A_450] : memref<102400x16xf32, #tpu.memory_space<vmem_shared>> -> memref<256x16xf32, #tpu.memory_space<vmem_shared>>
      %dma_wait3A_452 = arith.constant 0 : i32
      %dma_wait3A_453 = tpu.memref_slice %arg18[%add3A_425, %dma_wait3A_452] : memref<102400x16xf32, #tpu.memory_space<vmem_shared>> -> memref<256x16xf32, #tpu.memory_space<vmem_shared>>
      tpu.wait_dma2 semaphore(%run_scoped3A : memref<!tpu.dma_semaphore, #tpu.memory_space<semaphore_mem>>) src(%dma_wait3A_453 : memref<256x16xf32, #tpu.memory_space<vmem_shared>>) dst(%arg14 : memref<256x16xf32, #tpu.memory_space<vmem>>)
      tpu.yield
    }) : () -> ()
    %mul3A_426 = arith.constant 6400 : i32
    %mul3A_427 = arith.muli %arg1, %mul3A_426 : i32
    %add3A_428 = arith.constant 5632 : i32
    %add3A_429 = arith.addi %mul3A_427, %add3A_428 : i32
    "tpu.region"() ({
      %run_scoped3A = tpu.sem_alloc : memref<!tpu.dma_semaphore, #tpu.memory_space<semaphore_mem>>
      %dma_start3A_446 = arith.constant 0 : i32
      %dma_start3A_447 = tpu.memref_slice %arg5[%arg0, %add3A_429, %dma_start3A_446] : memref<2x102400x16xf32, #tpu.memory_space<hbm>> -> memref<1x256x16xf32, #tpu.memory_space<hbm>>
      %dma_start3A_448 = tpu.memref_squeeze %dma_start3A_447 : memref<1x256x16xf32, #tpu.memory_space<hbm>> -> memref<256x16xf32, #tpu.memory_space<hbm>>
      %dma_start3A_449 = arith.constant 0 : i32
      %dma_start3A_450 = tpu.memref_slice %arg5[%arg0, %add3A_429, %dma_start3A_449] : memref<2x102400x16xf32, #tpu.memory_space<hbm>> -> memref<1x256x16xf32, #tpu.memory_space<hbm>>
      %dma_start3A_451 = tpu.memref_squeeze %dma_start3A_450 : memref<1x256x16xf32, #tpu.memory_space<hbm>> -> memref<256x16xf32, #tpu.memory_space<hbm>>
      tpu.enqueue_dma source(%arg14 : memref<256x16xf32, #tpu.memory_space<vmem>>) target(%dma_start3A_451 : memref<256x16xf32, #tpu.memory_space<hbm>>) target_semaphore(%run_scoped3A : memref<!tpu.dma_semaphore, #tpu.memory_space<semaphore_mem>>)
      %dma_wait3A_452 = arith.constant 0 : i32
      %dma_wait3A_453 = tpu.memref_slice %arg5[%arg0, %add3A_429, %dma_wait3A_452] : memref<2x102400x16xf32, #tpu.memory_space<hbm>> -> memref<1x256x16xf32, #tpu.memory_space<hbm>>
      %dma_wait3A_454 = tpu.memref_squeeze %dma_wait3A_453 : memref<1x256x16xf32, #tpu.memory_space<hbm>> -> memref<256x16xf32, #tpu.memory_space<hbm>>
      %dma_wait3A_455 = arith.constant 0 : i32
      %dma_wait3A_456 = tpu.memref_slice %arg5[%arg0, %add3A_429, %dma_wait3A_455] : memref<2x102400x16xf32, #tpu.memory_space<hbm>> -> memref<1x256x16xf32, #tpu.memory_space<hbm>>
      %dma_wait3A_457 = tpu.memref_squeeze %dma_wait3A_456 : memref<1x256x16xf32, #tpu.memory_space<hbm>> -> memref<256x16xf32, #tpu.memory_space<hbm>>
      tpu.wait_dma2 semaphore(%run_scoped3A : memref<!tpu.dma_semaphore, #tpu.memory_space<semaphore_mem>>) src(%arg14 : memref<256x16xf32, #tpu.memory_space<vmem>>) dst(%dma_wait3A_457 : memref<256x16xf32, #tpu.memory_space<hbm>>)
      tpu.yield
    }) : () -> ()
    %mul3A_430 = arith.constant 6400 : i32
    %mul3A_431 = arith.muli %arg1, %mul3A_430 : i32
    %add3A_432 = arith.constant 5888 : i32
    %add3A_433 = arith.addi %mul3A_431, %add3A_432 : i32
    "tpu.region"() ({
      %run_scoped3A = tpu.sem_alloc : memref<!tpu.dma_semaphore, #tpu.memory_space<semaphore_mem>>
      %dma_start3A_446 = arith.constant 0 : i32
      %dma_start3A_447 = tpu.memref_slice %arg18[%add3A_433, %dma_start3A_446] : memref<102400x16xf32, #tpu.memory_space<vmem_shared>> -> memref<256x16xf32, #tpu.memory_space<vmem_shared>>
      %dma_start3A_448 = arith.constant 0 : i32
      %dma_start3A_449 = tpu.memref_slice %arg18[%add3A_433, %dma_start3A_448] : memref<102400x16xf32, #tpu.memory_space<vmem_shared>> -> memref<256x16xf32, #tpu.memory_space<vmem_shared>>
      tpu.enqueue_dma source(%dma_start3A_449 : memref<256x16xf32, #tpu.memory_space<vmem_shared>>) target(%arg14 : memref<256x16xf32, #tpu.memory_space<vmem>>) target_semaphore(%run_scoped3A : memref<!tpu.dma_semaphore, #tpu.memory_space<semaphore_mem>>)
      %dma_wait3A_450 = arith.constant 0 : i32
      %dma_wait3A_451 = tpu.memref_slice %arg18[%add3A_433, %dma_wait3A_450] : memref<102400x16xf32, #tpu.memory_space<vmem_shared>> -> memref<256x16xf32, #tpu.memory_space<vmem_shared>>
      %dma_wait3A_452 = arith.constant 0 : i32
      %dma_wait3A_453 = tpu.memref_slice %arg18[%add3A_433, %dma_wait3A_452] : memref<102400x16xf32, #tpu.memory_space<vmem_shared>> -> memref<256x16xf32, #tpu.memory_space<vmem_shared>>
      tpu.wait_dma2 semaphore(%run_scoped3A : memref<!tpu.dma_semaphore, #tpu.memory_space<semaphore_mem>>) src(%dma_wait3A_453 : memref<256x16xf32, #tpu.memory_space<vmem_shared>>) dst(%arg14 : memref<256x16xf32, #tpu.memory_space<vmem>>)
      tpu.yield
    }) : () -> ()
    %mul3A_434 = arith.constant 6400 : i32
    %mul3A_435 = arith.muli %arg1, %mul3A_434 : i32
    %add3A_436 = arith.constant 5888 : i32
    %add3A_437 = arith.addi %mul3A_435, %add3A_436 : i32
    "tpu.region"() ({
      %run_scoped3A = tpu.sem_alloc : memref<!tpu.dma_semaphore, #tpu.memory_space<semaphore_mem>>
      %dma_start3A_446 = arith.constant 0 : i32
      %dma_start3A_447 = tpu.memref_slice %arg5[%arg0, %add3A_437, %dma_start3A_446] : memref<2x102400x16xf32, #tpu.memory_space<hbm>> -> memref<1x256x16xf32, #tpu.memory_space<hbm>>
      %dma_start3A_448 = tpu.memref_squeeze %dma_start3A_447 : memref<1x256x16xf32, #tpu.memory_space<hbm>> -> memref<256x16xf32, #tpu.memory_space<hbm>>
      %dma_start3A_449 = arith.constant 0 : i32
      %dma_start3A_450 = tpu.memref_slice %arg5[%arg0, %add3A_437, %dma_start3A_449] : memref<2x102400x16xf32, #tpu.memory_space<hbm>> -> memref<1x256x16xf32, #tpu.memory_space<hbm>>
      %dma_start3A_451 = tpu.memref_squeeze %dma_start3A_450 : memref<1x256x16xf32, #tpu.memory_space<hbm>> -> memref<256x16xf32, #tpu.memory_space<hbm>>
      tpu.enqueue_dma source(%arg14 : memref<256x16xf32, #tpu.memory_space<vmem>>) target(%dma_start3A_451 : memref<256x16xf32, #tpu.memory_space<hbm>>) target_semaphore(%run_scoped3A : memref<!tpu.dma_semaphore, #tpu.memory_space<semaphore_mem>>)
      %dma_wait3A_452 = arith.constant 0 : i32
      %dma_wait3A_453 = tpu.memref_slice %arg5[%arg0, %add3A_437, %dma_wait3A_452] : memref<2x102400x16xf32, #tpu.memory_space<hbm>> -> memref<1x256x16xf32, #tpu.memory_space<hbm>>
      %dma_wait3A_454 = tpu.memref_squeeze %dma_wait3A_453 : memref<1x256x16xf32, #tpu.memory_space<hbm>> -> memref<256x16xf32, #tpu.memory_space<hbm>>
      %dma_wait3A_455 = arith.constant 0 : i32
      %dma_wait3A_456 = tpu.memref_slice %arg5[%arg0, %add3A_437, %dma_wait3A_455] : memref<2x102400x16xf32, #tpu.memory_space<hbm>> -> memref<1x256x16xf32, #tpu.memory_space<hbm>>
      %dma_wait3A_457 = tpu.memref_squeeze %dma_wait3A_456 : memref<1x256x16xf32, #tpu.memory_space<hbm>> -> memref<256x16xf32, #tpu.memory_space<hbm>>
      tpu.wait_dma2 semaphore(%run_scoped3A : memref<!tpu.dma_semaphore, #tpu.memory_space<semaphore_mem>>) src(%arg14 : memref<256x16xf32, #tpu.memory_space<vmem>>) dst(%dma_wait3A_457 : memref<256x16xf32, #tpu.memory_space<hbm>>)
      tpu.yield
    }) : () -> ()
    %mul3A_438 = arith.constant 6400 : i32
    %mul3A_439 = arith.muli %arg1, %mul3A_438 : i32
    %add3A_440 = arith.constant 6144 : i32
    %add3A_441 = arith.addi %mul3A_439, %add3A_440 : i32
    "tpu.region"() ({
      %run_scoped3A = tpu.sem_alloc : memref<!tpu.dma_semaphore, #tpu.memory_space<semaphore_mem>>
      %dma_start3A_446 = arith.constant 0 : i32
      %dma_start3A_447 = tpu.memref_slice %arg18[%add3A_441, %dma_start3A_446] : memref<102400x16xf32, #tpu.memory_space<vmem_shared>> -> memref<256x16xf32, #tpu.memory_space<vmem_shared>>
      %dma_start3A_448 = arith.constant 0 : i32
      %dma_start3A_449 = tpu.memref_slice %arg18[%add3A_441, %dma_start3A_448] : memref<102400x16xf32, #tpu.memory_space<vmem_shared>> -> memref<256x16xf32, #tpu.memory_space<vmem_shared>>
      tpu.enqueue_dma source(%dma_start3A_449 : memref<256x16xf32, #tpu.memory_space<vmem_shared>>) target(%arg14 : memref<256x16xf32, #tpu.memory_space<vmem>>) target_semaphore(%run_scoped3A : memref<!tpu.dma_semaphore, #tpu.memory_space<semaphore_mem>>)
      %dma_wait3A_450 = arith.constant 0 : i32
      %dma_wait3A_451 = tpu.memref_slice %arg18[%add3A_441, %dma_wait3A_450] : memref<102400x16xf32, #tpu.memory_space<vmem_shared>> -> memref<256x16xf32, #tpu.memory_space<vmem_shared>>
      %dma_wait3A_452 = arith.constant 0 : i32
      %dma_wait3A_453 = tpu.memref_slice %arg18[%add3A_441, %dma_wait3A_452] : memref<102400x16xf32, #tpu.memory_space<vmem_shared>> -> memref<256x16xf32, #tpu.memory_space<vmem_shared>>
      tpu.wait_dma2 semaphore(%run_scoped3A : memref<!tpu.dma_semaphore, #tpu.memory_space<semaphore_mem>>) src(%dma_wait3A_453 : memref<256x16xf32, #tpu.memory_space<vmem_shared>>) dst(%arg14 : memref<256x16xf32, #tpu.memory_space<vmem>>)
      tpu.yield
    }) : () -> ()
    %mul3A_442 = arith.constant 6400 : i32
    %mul3A_443 = arith.muli %arg1, %mul3A_442 : i32
    %add3A_444 = arith.constant 6144 : i32
    %add3A_445 = arith.addi %mul3A_443, %add3A_444 : i32
    "tpu.region"() ({
      %run_scoped3A = tpu.sem_alloc : memref<!tpu.dma_semaphore, #tpu.memory_space<semaphore_mem>>
      %dma_start3A_446 = arith.constant 0 : i32
      %dma_start3A_447 = tpu.memref_slice %arg5[%arg0, %add3A_445, %dma_start3A_446] : memref<2x102400x16xf32, #tpu.memory_space<hbm>> -> memref<1x256x16xf32, #tpu.memory_space<hbm>>
      %dma_start3A_448 = tpu.memref_squeeze %dma_start3A_447 : memref<1x256x16xf32, #tpu.memory_space<hbm>> -> memref<256x16xf32, #tpu.memory_space<hbm>>
      %dma_start3A_449 = arith.constant 0 : i32
      %dma_start3A_450 = tpu.memref_slice %arg5[%arg0, %add3A_445, %dma_start3A_449] : memref<2x102400x16xf32, #tpu.memory_space<hbm>> -> memref<1x256x16xf32, #tpu.memory_space<hbm>>
      %dma_start3A_451 = tpu.memref_squeeze %dma_start3A_450 : memref<1x256x16xf32, #tpu.memory_space<hbm>> -> memref<256x16xf32, #tpu.memory_space<hbm>>
      tpu.enqueue_dma source(%arg14 : memref<256x16xf32, #tpu.memory_space<vmem>>) target(%dma_start3A_451 : memref<256x16xf32, #tpu.memory_space<hbm>>) target_semaphore(%run_scoped3A : memref<!tpu.dma_semaphore, #tpu.memory_space<semaphore_mem>>)
      %dma_wait3A_452 = arith.constant 0 : i32
      %dma_wait3A_453 = tpu.memref_slice %arg5[%arg0, %add3A_445, %dma_wait3A_452] : memref<2x102400x16xf32, #tpu.memory_space<hbm>> -> memref<1x256x16xf32, #tpu.memory_space<hbm>>
      %dma_wait3A_454 = tpu.memref_squeeze %dma_wait3A_453 : memref<1x256x16xf32, #tpu.memory_space<hbm>> -> memref<256x16xf32, #tpu.memory_space<hbm>>
      %dma_wait3A_455 = arith.constant 0 : i32
      %dma_wait3A_456 = tpu.memref_slice %arg5[%arg0, %add3A_445, %dma_wait3A_455] : memref<2x102400x16xf32, #tpu.memory_space<hbm>> -> memref<1x256x16xf32, #tpu.memory_space<hbm>>
      %dma_wait3A_457 = tpu.memref_squeeze %dma_wait3A_456 : memref<1x256x16xf32, #tpu.memory_space<hbm>> -> memref<256x16xf32, #tpu.memory_space<hbm>>
      tpu.wait_dma2 semaphore(%run_scoped3A : memref<!tpu.dma_semaphore, #tpu.memory_space<semaphore_mem>>) src(%arg14 : memref<256x16xf32, #tpu.memory_space<vmem>>) dst(%dma_wait3A_457 : memref<256x16xf32, #tpu.memory_space<hbm>>)
      tpu.yield
    }) : () -> ()
    return
  }
}

module attributes {stable_mosaic.version = 14 : i64} {
  func.func @_xbuild_body(%arg0: i32, %arg1: memref<2000x30xf32, #tpu.memory_space<vmem>>, %arg2: memref<2000x2xf32, #tpu.memory_space<vmem>>, %arg3: memref<2x2000x16xf32, #tpu.memory_space<vmem>>) attributes {dimension_semantics = [#tpu.dimension_semantics<arbitrary>], iteration_bounds = array<i64: 50>, scalar_prefetch = 0 : i64, scratch_operands = 0 : i64, tpu.core_type = #tpu.core_type<tc>, window_params = [{transform_indices = @transform_0, window_bounds = array<i64: 2000, 30>}, {transform_indices = @transform_1, window_bounds = array<i64: 2000, 2>}, {transform_indices = @transform_2, window_bounds = array<i64: 2, 2000, 16>}]} {
    %get3A = arith.constant 0 : index
    %get3A_0 = arith.constant 0 : index
    %get3A_1 = vector.load %arg2[%get3A, %get3A_0] : memref<2000x2xf32, #tpu.memory_space<vmem>>, vector<2000x2xf32>
    %slice3A = vector.extract_strided_slice %get3A_1 {offsets = [0, 0], sizes = [2000, 1], strides = [1, 1]} : vector<2000x2xf32> to vector<2000x1xf32>
    %slice3A_2 = vector.extract_strided_slice %get3A_1 {offsets = [0, 1], sizes = [2000, 1], strides = [1, 1]} : vector<2000x2xf32> to vector<2000x1xf32>
    %add3A = arith.addf %slice3A, %slice3A_2 : vector<2000x1xf32>
    %max3A = arith.constant 1.000000e+00 : f32
    %max3A_3 = vector.broadcast %max3A : f32 to vector<2000x1xf32>
    %max3A_4 = arith.maximumf %add3A, %max3A_3 : vector<2000x1xf32>
    %rsqrt3A = math.rsqrt %max3A_4 : vector<2000x1xf32>
    %get3A_5 = arith.constant 0 : index
    %get3A_6 = arith.constant 0 : index
    %get3A_7 = vector.load %arg1[%get3A_5, %get3A_6] : memref<2000x30xf32, #tpu.memory_space<vmem>>, vector<2000x30xf32>
    %mul3A = vector.broadcast %rsqrt3A : vector<2000x1xf32> to vector<2000x30xf32>
    %mul3A_8 = arith.mulf %get3A_7, %mul3A : vector<2000x30xf32>
    %broadcast_in_dim3A = arith.constant 1.000000e+00 : f32
    %broadcast_in_dim3A_9 = vector.broadcast %broadcast_in_dim3A : f32 to vector<2000x1xf32>
    %broadcast_in_dim3A_10 = arith.constant 0.000000e+00 : f32
    %broadcast_in_dim3A_11 = vector.broadcast %broadcast_in_dim3A_10 : f32 to vector<2000x1xf32>
    %slice3A_12 = vector.extract_strided_slice %mul3A_8 {offsets = [0, 0], sizes = [2000, 15], strides = [1, 1]} : vector<2000x30xf32> to vector<2000x15xf32>
    %concatenate3A = tpu.concatenate %slice3A_12, %broadcast_in_dim3A_9 in 1 : vector<2000x15xf32>, vector<2000x1xf32> -> vector<2000x16xf32>
    %swap3A = arith.constant 0 : index
    %swap3A_13 = arith.constant 0 : index
    %swap3A_14 = arith.constant 0 : index
    %swap3A_15 = vector.load %arg3[%swap3A, %swap3A_13, %swap3A_14] : memref<2x2000x16xf32, #tpu.memory_space<vmem>>, vector<1x2000x16xf32>
    %swap3A_16 = vector.shape_cast %swap3A_15 : vector<1x2000x16xf32> to vector<2000x16xf32>
    %swap3A_17 = vector.shape_cast %concatenate3A : vector<2000x16xf32> to vector<1x2000x16xf32>
    tpu.vector_store %arg3[%swap3A, %swap3A_13, %swap3A_14], %swap3A_17 {strides = array<i32>} : memref<2x2000x16xf32, #tpu.memory_space<vmem>>, vector<1x2000x16xf32>,
    %slice3A_18 = vector.extract_strided_slice %mul3A_8 {offsets = [0, 15], sizes = [2000, 15], strides = [1, 1]} : vector<2000x30xf32> to vector<2000x15xf32>
    %concatenate3A_19 = tpu.concatenate %slice3A_18, %broadcast_in_dim3A_11 in 1 : vector<2000x15xf32>, vector<2000x1xf32> -> vector<2000x16xf32>
    %swap3A_20 = arith.constant 1 : index
    %swap3A_21 = arith.constant 0 : index
    %swap3A_22 = arith.constant 0 : index
    %swap3A_23 = vector.load %arg3[%swap3A_20, %swap3A_21, %swap3A_22] : memref<2x2000x16xf32, #tpu.memory_space<vmem>>, vector<1x2000x16xf32>
    %swap3A_24 = vector.shape_cast %swap3A_23 : vector<1x2000x16xf32> to vector<2000x16xf32>
    %swap3A_25 = vector.shape_cast %concatenate3A_19 : vector<2000x16xf32> to vector<1x2000x16xf32>
    tpu.vector_store %arg3[%swap3A_20, %swap3A_21, %swap3A_22], %swap3A_25 {strides = array<i32>} : memref<2x2000x16xf32, #tpu.memory_space<vmem>>, vector<1x2000x16xf32>,
    return
  }
  func.func @transform_0(%arg0: i32) -> (i32, i32) {
    %c0_i32 = arith.constant 0 : i32
    %c0_i32_0 = arith.constant 0 : i32
    return %arg0, %c0_i32 : i32, i32
  }
  func.func @transform_1(%arg0: i32) -> (i32, i32) {
    %c0_i32 = arith.constant 0 : i32
    %c0_i32_0 = arith.constant 0 : i32
    return %arg0, %c0_i32 : i32, i32
  }
  func.func @transform_2(%arg0: i32) -> (i32, i32, i32) {
    %c0_i32 = arith.constant 0 : i32
    %c0_i32_0 = arith.constant 0 : i32
    %c0_i32_1 = arith.constant 0 : i32
    return %c0_i32, %arg0, %c0_i32_0 : i32, i32, i32
  }
}

module attributes {stable_mosaic.version = 14 : i64} {
  func.func @_head_body(%arg0: i32, %arg1: memref<2x2048x16xf32, #tpu.memory_space<vmem>>, %arg2: memref<32x500xf32, #tpu.memory_space<vmem>>, %arg3: memref<1x500xf32, #tpu.memory_space<vmem>>, %arg4: memref<500x20xf32, #tpu.memory_space<vmem>>, %arg5: memref<1x20xf32, #tpu.memory_space<vmem>>, %arg6: memref<20x4xf32, #tpu.memory_space<vmem>>, %arg7: memref<1x4xf32, #tpu.memory_space<vmem>>, %arg8: memref<1x4xf32, #tpu.memory_space<vmem>>, %arg9: memref<1x500xf32, #tpu.memory_space<vmem>>, %arg10: memref<1x500xf32, #tpu.memory_space<vmem>>) attributes {dimension_semantics = [#tpu.dimension_semantics<arbitrary>], iteration_bounds = array<i64: 50>, scalar_prefetch = 0 : i64, scratch_operands = 2 : i64, tpu.core_type = #tpu.core_type<tc>, window_params = [{transform_indices = @transform_0, window_bounds = array<i64: 2, 2048, 16>}, {pipeline_mode = #tpu.pipeline_mode<synchronous>, transform_indices = @transform_1, window_bounds = array<i64: 32, 500>}, {pipeline_mode = #tpu.pipeline_mode<synchronous>, transform_indices = @transform_2, window_bounds = array<i64: 1, 500>}, {pipeline_mode = #tpu.pipeline_mode<synchronous>, transform_indices = @transform_3, window_bounds = array<i64: 500, 20>}, {pipeline_mode = #tpu.pipeline_mode<synchronous>, transform_indices = @transform_4, window_bounds = array<i64: 1, 20>}, {pipeline_mode = #tpu.pipeline_mode<synchronous>, transform_indices = @transform_5, window_bounds = array<i64: 20, 4>}, {pipeline_mode = #tpu.pipeline_mode<synchronous>, transform_indices = @transform_6, window_bounds = array<i64: 1, 4>}, {pipeline_mode = #tpu.pipeline_mode<synchronous>, transform_indices = @transform_7, window_bounds = array<i64: 1, 4>}]} {
    %eq3A = arith.constant 0 : i32
    %eq3A_0 = arith.cmpi eq, %arg0, %eq3A : i32
    %convert_element_type3A = arith.extui %eq3A_0 : i1 to i32
    %cond3A = arith.constant 0 : i32
    %cond3A_1 = arith.cmpi ne, %convert_element_type3A, %cond3A : i32
    scf.if %cond3A_1 {
      %broadcast_in_dim3A_58 = arith.constant 0x7F800000 : f32
      %broadcast_in_dim3A_59 = vector.broadcast %broadcast_in_dim3A_58 : f32 to vector<1x500xf32>
      %swap3A_60 = arith.constant 0 : index
      %swap3A_61 = arith.constant 0 : index
      %swap3A_62 = vector.load %arg9[%swap3A_60, %swap3A_61] : memref<1x500xf32, #tpu.memory_space<vmem>>, vector<1x500xf32>
      tpu.vector_store %arg9[%swap3A_60, %swap3A_61], %broadcast_in_dim3A_59 {strides = array<i32>} : memref<1x500xf32, #tpu.memory_space<vmem>>, vector<1x500xf32>,
      %broadcast_in_dim3A_63 = arith.constant 0xFF800000 : f32
      %broadcast_in_dim3A_64 = vector.broadcast %broadcast_in_dim3A_63 : f32 to vector<1x500xf32>
      %swap3A_65 = arith.constant 0 : index
      %swap3A_66 = arith.constant 0 : index
      %swap3A_67 = vector.load %arg10[%swap3A_65, %swap3A_66] : memref<1x500xf32, #tpu.memory_space<vmem>>, vector<1x500xf32>
      tpu.vector_store %arg10[%swap3A_65, %swap3A_66], %broadcast_in_dim3A_64 {strides = array<i32>} : memref<1x500xf32, #tpu.memory_space<vmem>>, vector<1x500xf32>,
    } else {
    }
    %get3A = arith.constant 0 : index
    %get3A_2 = arith.constant 0 : index
    %get3A_3 = arith.constant 0 : index
    %get3A_4 = vector.load %arg1[%get3A, %get3A_2, %get3A_3] : memref<2x2048x16xf32, #tpu.memory_space<vmem>>, vector<1x2048x16xf32>
    %get3A_5 = vector.shape_cast %get3A_4 : vector<1x2048x16xf32> to vector<2048x16xf32>
    %get3A_6 = arith.constant 1 : index
    %get3A_7 = arith.constant 0 : index
    %get3A_8 = arith.constant 0 : index
    %get3A_9 = vector.load %arg1[%get3A_6, %get3A_7, %get3A_8] : memref<2x2048x16xf32, #tpu.memory_space<vmem>>, vector<1x2048x16xf32>
    %get3A_10 = vector.shape_cast %get3A_9 : vector<1x2048x16xf32> to vector<2048x16xf32>
    %slice3A = vector.extract_strided_slice %get3A_5 {offsets = [0, 15], sizes = [2048, 1], strides = [1, 1]} : vector<2048x16xf32> to vector<2048x1xf32>
    %max3A = arith.constant 1.000000e+00 : f32
    %max3A_11 = vector.broadcast %max3A : f32 to vector<2048x1xf32>
    %max3A_12 = arith.maximumf %slice3A, %max3A_11 : vector<2048x1xf32>
    %rsqrt3A = math.rsqrt %max3A_12 : vector<2048x1xf32>
    %mul3A = vector.broadcast %rsqrt3A : vector<2048x1xf32> to vector<2048x16xf32>
    %mul3A_13 = arith.mulf %get3A_5, %mul3A : vector<2048x16xf32>
    %mul3A_14 = vector.broadcast %rsqrt3A : vector<2048x1xf32> to vector<2048x16xf32>
    %mul3A_15 = arith.mulf %get3A_10, %mul3A_14 : vector<2048x16xf32>
    %concatenate3A = tpu.concatenate %mul3A_13, %mul3A_15 in 1 : vector<2048x16xf32>, vector<2048x16xf32> -> vector<2048x32xf32>
    %get3A_16 = arith.constant 0 : index
    %get3A_17 = arith.constant 0 : index
    %get3A_18 = vector.load %arg2[%get3A_16, %get3A_17] : memref<32x500xf32, #tpu.memory_space<vmem>>, vector<32x500xf32>
    %dot_general3A = arith.constant dense<0.000000e+00> : vector<2048x500xf32>
    %dot_general3A_19 = tpu.matmul %concatenate3A, %get3A_18, %dot_general3A {dimension_numbers = #tpu.dot_dimension_numbers<[1], [0], [0], [1], [0, 0, 1, 1], [], []>, transpose_lhs_hint = false} : vector<2048x32xf32>, vector<32x500xf32>, vector<2048x500xf32> -> vector<2048x500xf32>
    %get3A_20 = arith.constant 0 : index
    %get3A_21 = arith.constant 0 : index
    %get3A_22 = vector.load %arg3[%get3A_20, %get3A_21] : memref<1x500xf32, #tpu.memory_space<vmem>>, vector<1x500xf32>
    %add3A = vector.broadcast %get3A_22 : vector<1x500xf32> to vector<2048x500xf32>
    %add3A_23 = arith.addf %dot_general3A_19, %add3A : vector<2048x500xf32>
    %iota3A = tpu.iota {dimensions = array<i32: 0>} : vector<2048x1xi32>
    %mul3A_24 = arith.constant 2048 : i32
    %mul3A_25 = arith.muli %arg0, %mul3A_24 : i32
    %add3A_26 = vector.broadcast %mul3A_25 : i32 to vector<2048x1xi32>
    %add3A_27 = arith.addi %iota3A, %add3A_26 : vector<2048x1xi32>
    %lt3A = arith.constant 100000 : i32
    %lt3A_28 = vector.broadcast %lt3A : i32 to vector<2048x1xi32>
    %lt3A_29 = arith.cmpi slt, %add3A_27, %lt3A_28 : vector<2048x1xi32>
    %jit3A = arith.constant 0x7F800000 : f32
    %broadcast_in_dim3A = vector.shape_cast %lt3A_29 : vector<2048x1xi1> to vector<2048x1xi1>
    %broadcast_in_dim3A_30 = vector.broadcast %broadcast_in_dim3A : vector<2048x1xi1> to vector<2048x500xi1>
    %broadcast_in_dim3A_31 = vector.broadcast %jit3A : f32 to vector<2048x500xf32>
    %select_n3A = arith.select %broadcast_in_dim3A_30, %add3A_23, %broadcast_in_dim3A_31 : vector<2048x500xi1>, vector<2048x500xf32>
    %jit3A_32 = arith.constant 0xFF800000 : f32
    %broadcast_in_dim3A_33 = vector.shape_cast %lt3A_29 : vector<2048x1xi1> to vector<2048x1xi1>
    %broadcast_in_dim3A_34 = vector.broadcast %broadcast_in_dim3A_33 : vector<2048x1xi1> to vector<2048x500xi1>
    %broadcast_in_dim3A_35 = vector.broadcast %jit3A_32 : f32 to vector<2048x500xf32>
    %select_n3A_36 = arith.select %broadcast_in_dim3A_34, %add3A_23, %broadcast_in_dim3A_35 : vector<2048x500xi1>, vector<2048x500xf32>
    %get3A_37 = arith.constant 0 : index
    %get3A_38 = arith.constant 0 : index
    %get3A_39 = vector.load %arg9[%get3A_37, %get3A_38] : memref<1x500xf32, #tpu.memory_space<vmem>>, vector<1x500xf32>
    %reduce_min3A = arith.constant dense<0x7F800000> : vector<500xf32>
    %reduce_min3A_40 = vector.multi_reduction <minimumf>, %select_n3A, %reduce_min3A [0] : vector<2048x500xf32> to vector<500xf32>
    %broadcast_in_dim3A_41 = vector.shape_cast %reduce_min3A_40 : vector<500xf32> to vector<1x500xf32>
    %min3A = arith.minimumf %get3A_39, %broadcast_in_dim3A_41 : vector<1x500xf32>
    %swap3A = arith.constant 0 : index
    %swap3A_42 = arith.constant 0 : index
    %swap3A_43 = vector.load %arg9[%swap3A, %swap3A_42] : memref<1x500xf32, #tpu.memory_space<vmem>>, vector<1x500xf32>
    tpu.vector_store %arg9[%swap3A, %swap3A_42], %min3A {strides = array<i32>} : memref<1x500xf32, #tpu.memory_space<vmem>>, vector<1x500xf32>,
    %get3A_44 = arith.constant 0 : index
    %get3A_45 = arith.constant 0 : index
    %get3A_46 = vector.load %arg10[%get3A_44, %get3A_45] : memref<1x500xf32, #tpu.memory_space<vmem>>, vector<1x500xf32>
    %reduce_max3A = arith.constant dense<0xFF800000> : vector<500xf32>
    %reduce_max3A_47 = vector.multi_reduction <maximumf>, %select_n3A_36, %reduce_max3A [0] : vector<2048x500xf32> to vector<500xf32>
    %broadcast_in_dim3A_48 = vector.shape_cast %reduce_max3A_47 : vector<500xf32> to vector<1x500xf32>
    %max3A_49 = arith.maximumf %get3A_46, %broadcast_in_dim3A_48 : vector<1x500xf32>
    %swap3A_50 = arith.constant 0 : index
    %swap3A_51 = arith.constant 0 : index
    %swap3A_52 = vector.load %arg10[%swap3A_50, %swap3A_51] : memref<1x500xf32, #tpu.memory_space<vmem>>, vector<1x500xf32>
    tpu.vector_store %arg10[%swap3A_50, %swap3A_51], %max3A_49 {strides = array<i32>} : memref<1x500xf32, #tpu.memory_space<vmem>>, vector<1x500xf32>,
    %eq3A_53 = arith.constant 49 : i32
    %eq3A_54 = arith.cmpi eq, %arg0, %eq3A_53 : i32
    %convert_element_type3A_55 = arith.extui %eq3A_54 : i1 to i32
    %cond3A_56 = arith.constant 0 : i32
    %cond3A_57 = arith.cmpi ne, %convert_element_type3A_55, %cond3A_56 : i32
    scf.if %cond3A_57 {
      %get3A_58 = arith.constant 0 : index
      %get3A_59 = arith.constant 0 : index
      %get3A_60 = vector.load %arg9[%get3A_58, %get3A_59] : memref<1x500xf32, #tpu.memory_space<vmem>>, vector<1x500xf32>
      %logistic3A = arith.negf %get3A_60 : vector<1x500xf32>
      %logistic3A_61 = math.exp %logistic3A : vector<1x500xf32>
      %logistic3A_62 = arith.constant 1.000000e+00 : f32
      %logistic3A_63 = vector.broadcast %logistic3A_62 : f32 to vector<1x500xf32>
      %logistic3A_64 = arith.addf %logistic3A_63, %logistic3A_61 : vector<1x500xf32>
      %logistic3A_65 = arith.divf %logistic3A_63, %logistic3A_64 : vector<1x500xf32>
      %mul3A_66 = arith.mulf %get3A_60, %logistic3A_65 : vector<1x500xf32>
      %get3A_67 = arith.constant 0 : index
      %get3A_68 = arith.constant 0 : index
      %get3A_69 = vector.load %arg10[%get3A_67, %get3A_68] : memref<1x500xf32, #tpu.memory_space<vmem>>, vector<1x500xf32>
      %logistic3A_70 = arith.negf %get3A_69 : vector<1x500xf32>
      %logistic3A_71 = math.exp %logistic3A_70 : vector<1x500xf32>
      %logistic3A_72 = arith.constant 1.000000e+00 : f32
      %logistic3A_73 = vector.broadcast %logistic3A_72 : f32 to vector<1x500xf32>
      %logistic3A_74 = arith.addf %logistic3A_73, %logistic3A_71 : vector<1x500xf32>
      %logistic3A_75 = arith.divf %logistic3A_73, %logistic3A_74 : vector<1x500xf32>
      %mul3A_76 = arith.mulf %get3A_69, %logistic3A_75 : vector<1x500xf32>
      %max3A_77 = arith.maximumf %mul3A_66, %mul3A_76 : vector<1x500xf32>
      %get3A_78 = arith.constant 0 : index
      %get3A_79 = arith.constant 0 : index
      %get3A_80 = vector.load %arg4[%get3A_78, %get3A_79] : memref<500x20xf32, #tpu.memory_space<vmem>>, vector<500x20xf32>
      %dot_general3A_81 = arith.constant dense<0.000000e+00> : vector<1x20xf32>
      %dot_general3A_82 = tpu.matmul %max3A_77, %get3A_80, %dot_general3A_81 {dimension_numbers = #tpu.dot_dimension_numbers<[1], [0], [0], [1], [0, 0, 1, 1], [], []>, transpose_lhs_hint = false} : vector<1x500xf32>, vector<500x20xf32>, vector<1x20xf32> -> vector<1x20xf32>
      %get3A_83 = arith.constant 0 : index
      %get3A_84 = arith.constant 0 : index
      %get3A_85 = vector.load %arg5[%get3A_83, %get3A_84] : memref<1x20xf32, #tpu.memory_space<vmem>>, vector<1x20xf32>
      %add3A_86 = arith.addf %dot_general3A_82, %get3A_85 : vector<1x20xf32>
      %logistic3A_87 = arith.negf %add3A_86 : vector<1x20xf32>
      %logistic3A_88 = math.exp %logistic3A_87 : vector<1x20xf32>
      %logistic3A_89 = arith.constant 1.000000e+00 : f32
      %logistic3A_90 = vector.broadcast %logistic3A_89 : f32 to vector<1x20xf32>
      %logistic3A_91 = arith.addf %logistic3A_90, %logistic3A_88 : vector<1x20xf32>
      %logistic3A_92 = arith.divf %logistic3A_90, %logistic3A_91 : vector<1x20xf32>
      %mul3A_93 = arith.mulf %add3A_86, %logistic3A_92 : vector<1x20xf32>
      %get3A_94 = arith.constant 0 : index
      %get3A_95 = arith.constant 0 : index
      %get3A_96 = vector.load %arg6[%get3A_94, %get3A_95] : memref<20x4xf32, #tpu.memory_space<vmem>>, vector<20x4xf32>
      %dot_general3A_97 = arith.constant dense<0.000000e+00> : vector<1x4xf32>
      %dot_general3A_98 = tpu.matmul %mul3A_93, %get3A_96, %dot_general3A_97 {dimension_numbers = #tpu.dot_dimension_numbers<[1], [0], [0], [1], [0, 0, 1, 1], [], []>, transpose_lhs_hint = false} : vector<1x20xf32>, vector<20x4xf32>, vector<1x4xf32> -> vector<1x4xf32>
      %get3A_99 = arith.constant 0 : index
      %get3A_100 = arith.constant 0 : index
      %get3A_101 = vector.load %arg7[%get3A_99, %get3A_100] : memref<1x4xf32, #tpu.memory_space<vmem>>, vector<1x4xf32>
      %add3A_102 = arith.addf %dot_general3A_98, %get3A_101 : vector<1x4xf32>
      %logistic3A_103 = arith.negf %add3A_102 : vector<1x4xf32>
      %logistic3A_104 = math.exp %logistic3A_103 : vector<1x4xf32>
      %logistic3A_105 = arith.constant 1.000000e+00 : f32
      %logistic3A_106 = vector.broadcast %logistic3A_105 : f32 to vector<1x4xf32>
      %logistic3A_107 = arith.addf %logistic3A_106, %logistic3A_104 : vector<1x4xf32>
      %logistic3A_108 = arith.divf %logistic3A_106, %logistic3A_107 : vector<1x4xf32>
      %swap3A_109 = arith.constant 0 : index
      %swap3A_110 = arith.constant 0 : index
      %swap3A_111 = vector.load %arg8[%swap3A_109, %swap3A_110] : memref<1x4xf32, #tpu.memory_space<vmem>>, vector<1x4xf32>
      tpu.vector_store %arg8[%swap3A_109, %swap3A_110], %logistic3A_108 {strides = array<i32>} : memref<1x4xf32, #tpu.memory_space<vmem>>, vector<1x4xf32>,
    } else {
    }
    return
  }
  func.func @transform_0(%arg0: i32) -> (i32, i32, i32) {
    %c0_i32 = arith.constant 0 : i32
    %c0_i32_0 = arith.constant 0 : i32
    %c0_i32_1 = arith.constant 0 : i32
    return %c0_i32, %arg0, %c0_i32_0 : i32, i32, i32
  }
  func.func @transform_1(%arg0: i32) -> (i32, i32) {
    %c0_i32 = arith.constant 0 : i32
    %c0_i32_0 = arith.constant 0 : i32
    %c0_i32_1 = arith.constant 0 : i32
    return %c0_i32, %c0_i32_0 : i32, i32
  }
  func.func @transform_2(%arg0: i32) -> (i32, i32) {
    %c0_i32 = arith.constant 0 : i32
    %c0_i32_0 = arith.constant 0 : i32
    %c0_i32_1 = arith.constant 0 : i32
    return %c0_i32, %c0_i32_0 : i32, i32
  }
  func.func @transform_3(%arg0: i32) -> (i32, i32) {
    %c0_i32 = arith.constant 0 : i32
    %c0_i32_0 = arith.constant 0 : i32
    %c0_i32_1 = arith.constant 0 : i32
    return %c0_i32, %c0_i32_0 : i32, i32
  }
  func.func @transform_4(%arg0: i32) -> (i32, i32) {
    %c0_i32 = arith.constant 0 : i32
    %c0_i32_0 = arith.constant 0 : i32
    %c0_i32_1 = arith.constant 0 : i32
    return %c0_i32, %c0_i32_0 : i32, i32
  }
  func.func @transform_5(%arg0: i32) -> (i32, i32) {
    %c0_i32 = arith.constant 0 : i32
    %c0_i32_0 = arith.constant 0 : i32
    %c0_i32_1 = arith.constant 0 : i32
    return %c0_i32, %c0_i32_0 : i32, i32
  }
  func.func @transform_6(%arg0: i32) -> (i32, i32) {
    %c0_i32 = arith.constant 0 : i32
    %c0_i32_0 = arith.constant 0 : i32
    %c0_i32_1 = arith.constant 0 : i32
    return %c0_i32, %c0_i32_0 : i32, i32
  }
  func.func @transform_7(%arg0: i32) -> (i32, i32) {
    %c0_i32 = arith.constant 0 : i32
    %c0_i32_0 = arith.constant 0 : i32
    %c0_i32_1 = arith.constant 0 : i32
    return %c0_i32, %c0_i32_0 : i32, i32
  }
}

</mosaic_0001>

<sc_bundles>
// kernel: kernel.6.cloned.1.call-start
scs
__scs_entry_jumppad:
0x0: {  	(pc) =	sbr.rel $0x88, $3  }
0x1: {  	(tag) =	ssettag $0x0;
	lr =	simm.s32 $0x1  }
0x2: {  	[smem:$0x3F99] =	sst lr;
	_ =	strace $0xD0000000  }
0x3: {  	_ = 	snop  }
0x4: {  	_ = 	snop  }
0x5: {  	_ = 	snop  }
0x6: {  	_ = 	snop  }
0x7: {  	_ = 	snop  }
__scs_overlays_trampoline_lowered:
0x8: {  	[smem:$0x3FA8] =	sst s0  }
0x9: {  	[smem:$0x3FA9] =	sst s1  }
0xa: {  	[smem:$0x3FAA] =	sst s2  }
0xb: {  	[smem:$0x3FAB] =	sst s3  }
0xc: {  	[smem:$0x3FAC] =	sst s4  }
0xd: {  	[smem:$0x3FAD] =	sst s5  }
0xe: {  	[smem:$0x3FAE] =	sst s6  }
0xf: {  	[smem:$0x3FAF] =	sst s7  }
0x10: {  	[smem:$0x3FB0] =	sst s8  }
0x11: {  	[smem:$0x3FB1] =	sst s9;
	s0 =	simm.s32 @!p0 $0x0  }
0x12: {  	s1 =	sld [smem:$0x3F97];
	s0 =	simm.s32 @p0 $0x1  }
0x13: {  	[smem:$0x3FB2] =	sst s0;
	s0 =	simm.s32 @!p1 $0x0  }
0x14: {  	s2 =	sld [smem:$0x3F96];
	s0 =	simm.s32 @p1 $0x1  }
0x15: {  	[smem:$0x3FB3] =	sst s0;
	s0 =	simm.s32 @!p2 $0x0  }
0x16: {  	s3 =	sld [smem:$0x3FDB];
	s0 =	simm.s32 @p2 $0x1  }
0x17: {  	s4 =	simm.s32 $0x1BF5;
	[smem:$0x3FB5] =	sst s0  }
0x18: {  	s0 =	sld [smem:$0x3F98];
	_ =	swait.ge [sflag:s4], $0x0  }
0x19: {  	s7 =	sld [smem:$0x3F99]  }
0x1a: {  	s8 =	sadd.s32 $0xFFFFE003, lr  }
0x1b: {  	s9 =	sadd.s32 $0xFFFFFEF7, lr;
	s5 =	simm.s32 $0xFFFFFFFF;
	p2 =	slt.u32 s8, $0xFFFFF086  }
0x1c: {  	p1 =	slt.u32 s9, $0xF7A;
	s5 =	simm.s32 @!p2 $0x0  }
0x1d: {  	s5 =	simm.s32 @p1 $0x1;
	p0 =	seq.s32 s7, s2  }
0x1e: {  	s7 =	smul.u32 @!p0 $0xF7A, s2;
	p2 =	seq.s32 @!p0 s5, $0x0  }
0x1f: {  	s9 =	smul.u32 $0xF7A, s1;
	s8 =	simm.s32 @!p0 $0x1BF5;
	p2 =	por !p2, p0  }
0x20: {  	[sflag:s8] =	ssyncset.s32 @!p0 $0xFFFFF086;
	s6 =	sadd.s32 @!p0 s3, s7;
	s7 =	simm.s32 @!p0 $0x108  }
0x21: {  	s3 =	sadd.s32 s3, s9;
	s6 =	sadd.s32 @!p0 $0x88, s6;
	s7 =	simm.s32 @p2 $0x1082  }
0x22: {  	[simem:s7], [sflag:s8] =	dma.local @!p0 [hbm:s6], $0xF7A  }
0x23: {  	s9 =	sor.u32 $0xD0000000, s2;
	s6 =	simm.s32 $0x108;
	_ =	swait.ge @!p0 [sflag:s8], $0x0  }
0x24: {  	s3 =	sadd.s32 $0x88, s3;
	s6 =	simm.s32 @!p1 $0x1082;
	[sflag:s4] =	ssyncset.s32 $0xFFFFF086  }
0x25: {  	[simem:s6], [sflag:s4] =	dma.local [hbm:s3], $0xF7A  }
0x26: {  	[smem:$0x3F99] =	sst s1;
	(tag) =	ssettag s2;
	_ =	strace s9  }
0x27: {  	s1 =	sld [smem:$0x3FA9]  }
0x28: {  	s2 =	sld [smem:$0x3FAA]  }
0x29: {  	s4 =	sld [smem:$0x3FAC]  }
0x2a: {  	p0 =	seq.s32 s5, $0x0;
	s5 =	sld [smem:$0x3FAD]  }
0x2b: {  	s6 =	sld [smem:$0x3FAE]  }
0x2c: {  	s7 =	sld [smem:$0x3FAF]  }
0x2d: {  	s3 =	simm.s32 $0x108;
	s8 =	sld [smem:$0x3FB0]  }
0x2e: {  	s3 =	simm.s32 @!p0 $0x1082;
	s9 =	sld [smem:$0x3FB1]  }
0x2f: {  	lr =	sadd.s32 s0, s3;
	s0 =	sld [smem:$0x3FA8]  }
0x30: {  	s3 =	sld [smem:$0x3FAB]  }
0x31: {  	[smem:$0x3FB4] =	sst s10  }
0x32: {  	s10 =	sld [smem:$0x3FB2];
	_ =	sdelay $0x3  }
0x33: {  	p0 =	seq.s32 s10, $0x1;
	s10 =	sld [smem:$0x3FB4];
	_ =	sdelay $0x3  }
0x34: {  	[smem:$0x3FB4] =	sst s10  }
0x35: {  	s10 =	sld [smem:$0x3FB3];
	_ =	sdelay $0x3  }
0x36: {  	p1 =	seq.s32 s10, $0x1;
	s10 =	sld [smem:$0x3FB4];
	_ =	sdelay $0x3  }
0x37: {  	[smem:$0x3FB4] =	sst s10  }
0x38: {  	s10 =	sld [smem:$0x3FB5]  }
0x39: {  	_ = 	snop;
	(pc) =	sbr.ind lr, $3  }
0x3a: {  	_ = 	snop  }
0x3b: {  	_ = 	snop  }
0x3c: {  	p2 =	seq.s32 s10, $0x1;
	s10 =	sld [smem:$0x3FB4]  }
0x3d: {  	_ =	shalt  }
0x3e: {  	_ =	shalt  }
0x3f: {  	_ =	shalt  }
0x40: {  	_ =	shalt  }
0x41: {  	_ =	shalt  }
0x42: {  	_ =	shalt  }
0x43: {  	_ =	shalt  }
0x44: {  	_ =	shalt  }
0x45: {  	_ =	shalt  }
0x46: {  	_ =	shalt  }
0x47: {  	_ =	shalt  }
0x48: {  	_ =	shalt  }
0x49: {  	_ =	shalt  }
0x4a: {  	_ =	shalt  }
0x4b: {  	_ =	shalt  }
0x4c: {  	_ =	shalt  }
0x4d: {  	_ =	shalt  }
0x4e: {  	_ =	shalt  }
0x4f: {  	_ =	shalt  }
0x50: {  	_ =	shalt  }
0x51: {  	_ =	shalt  }
0x52: {  	_ =	shalt  }
0x53: {  	_ =	shalt  }
0x54: {  	_ =	shalt  }
0x55: {  	_ =	shalt  }
0x56: {  	_ =	shalt  }
0x57: {  	_ =	shalt  }
0x58: {  	_ =	shalt  }
0x59: {  	_ =	shalt  }
0x5a: {  	_ =	shalt  }
0x5b: {  	_ =	shalt  }
0x5c: {  	_ =	shalt  }
0x5d: {  	_ =	shalt  }
0x5e: {  	_ =	shalt  }
0x5f: {  	_ =	shalt  }
0x60: {  	_ =	shalt  }
0x61: {  	_ =	shalt  }
0x62: {  	_ =	shalt  }
0x63: {  	_ =	shalt  }
0x64: {  	_ =	shalt  }
0x65: {  	_ =	shalt  }
0x66: {  	_ =	shalt  }
0x67: {  	_ =	shalt  }
0x68: {  	_ =	shalt  }
0x69: {  	_ =	shalt  }
0x6a: {  	_ =	shalt  }
0x6b: {  	_ =	shalt  }
0x6c: {  	_ =	shalt  }
0x6d: {  	_ =	shalt  }
0x6e: {  	_ =	shalt  }
0x6f: {  	_ =	shalt  }
0x70: {  	_ =	shalt  }
0x71: {  	_ =	shalt  }
0x72: {  	_ =	shalt  }
0x73: {  	_ =	shalt  }
0x74: {  	_ =	shalt  }
0x75: {  	_ =	shalt  }
0x76: {  	_ =	shalt  }
0x77: {  	_ =	shalt  }
0x78: {  	_ =	shalt  }
0x79: {  	_ =	shalt  }
0x7a: {  	_ =	shalt  }
0x7b: {  	_ =	shalt  }
0x7c: {  	_ =	shalt  }
0x7d: {  	_ =	shalt  }
0x7e: {  	_ =	shalt  }
0x7f: {  	_ =	shalt  }
0x80: {  	_ =	shalt  }
0x81: {  	_ =	shalt  }
0x82: {  	_ =	shalt  }
0x83: {  	_ =	shalt  }
0x84: {  	_ =	shalt  }
0x85: {  	_ =	shalt  }
0x86: {  	_ =	shalt  }
0x87: {  	_ =	shalt  }
.Lfunc_end0:
.L_simem_size_0:
called_computation_lowered:
.L_overlay_start_0:
0x88: {  	s2 =	sld [smem:$0x3FD9]  }
0x89: {  	s3 =	sld [smem:$0x3FFE];
	_ =	sdelay $0x1  }
0x8a: {  	s1 =	srdreg.scid  }
0x8b: {  	s0 =	sand.u32 $0x1, s1  }
0x8c: {  	s16 =	sshll.u32 s0, $0xA;
	s2 =	sadd.s32 s3, s2  }
0x8d: {  	s2 =	sadd.s32 s2, s16  }
0x8e: {  	[smem:$0x3FC0] =	sst s2  }
0x8f: {  	_ = 	snop  }
0x90: {  	(tm) =	ssettm $0x1  }
0x91: {  	s17 =	sld [smem:$0x3FFB];
	_ =	sdelay $0x3  }
0x92: {  	_ =	strace s17  }
0x93: {  	s2 =	sld [smem:$0x3FFC];
	_ =	sdelay $0x3  }
0x94: {  	_ =	strace s2  }
0x95: {  	s2 =	sld [smem:$0x3FFD];
	_ =	sdelay $0x3  }
0x96: {  	_ =	strace s2  }
0x97: {  	_ =	strace $0x8FFFFFFF  }
0x98: {  	s18 =	sld [smem:$0x3FDB];
	_ =	sdelay $0x1  }
0x99: {  	s19 =	simm.s32 $_scs_section_size  }
0x9a: {  	s4 =	simm.s32 $_size__tile_overlayer_lowered;
	s5 =	simm.s32 $_tile_overlayer_lowered  }
0x9b: {  	s22 =	simm.s32 $0x1BFF;
	s21 =	sshll.u32 s5, $0x1;
	s2 =	sadd.s32 s19, s18  }
0x9c: {  	s6 =	simm.s32 $0x0;
	s20 =	sshll.u32 s4, $0x1;
	s4 =	sadd.s32 s21, s2  }
0x9d: {  	[timem:s6], [sflag:s22] =	dma.local [hbm:s4], s20  }
0x9e: {  	_ =	swait.ge [sflag:s22], s20  }
0x9f: {  	s3 =	ssub.s32 $0x0, s20;
	[sflag:s22] =	ssyncset.done $0x0  }
0xa0: {  	[sflag:s22] =	ssyncadd.s32 s3;
	_ =	sdelay $0x1  }
0xa1: {  	s23 =	simm.s32 $0x1B8B  }
0xa2: {  	_ =	swait.ge [sflag:s23], $0x1  }
0xa3: {  	[sflag:s23] =	ssyncset.done $0x0  }
0xa4: {  	s25 =	simm.s32 $0x1B8E;
	s24 =	sld [smem:$0x3FFE];
	[sflag:s23] =	ssyncadd.s32 $0xFFFFFFFF  }
0xa5: {  	s26 =	simm.s32 $execute0_lowered;
	[smem:$0x3FD2] =	sst s25  }
0xa6: {  	s4 =	sshll.u32 s26, $0x1;
	_ =	strace $0x80000046;
	[dreg:$0x1] =	wrdreg $0xFFFFFFFF  }
0xa7: {  	s28 =	simm.s32 $_size_execute0_lowered;
	s2 =	sadd.s32 s2, s4;
	[dreg:$0x0] =	wrdreg $0x0  }
0xa8: {  	s4 =	sshll.u32 s28, $0x1;
	[dreg:$0x2] =	wrdreg s2  }
0xa9: {  	[dreg:$0x3] =	wrdreg s4  }
0xaa: {  	[dreg:$0x4] =	wrdreg $0xC0  }
0xab: {  	_ =	task [dreg:s6], $0x5FFFF  }
0xac: {  	[dreg:$0x1] =	wrdreg $0xFFFFFFFF  }
0xad: {  	[dreg:$0x0] =	wrdreg $0x60  }
0xae: {  	[dreg:$0x2] =	wrdreg s24  }
0xaf: {  	[dreg:$0x3] =	wrdreg $0x27800  }
0xb0: {  	[dreg:$0x4] =	wrdreg $0x9  }
0xb1: {  	_ =	task.clear_ibuf [dreg:s6], $0x5FFFF;
	_ =	strace $0x90000046  }
0xb2: {  	s29 =	simm.s32 $0x9;
	_ =	strace $0x80000048  }
0xb3: {  	_ =	swait.ge [sflag:s29], $0x1  }
0xb4: {  	[sflag:s29] =	ssyncadd.s32 $0xFFFFFFFF  }
0xb5: {  	_ =	strace $0x90000048  }
0xb6: {  	_ =	sfence  }
0xb7: {  	s30 =	sld [smem:$0x0];
	_ =	sdelay $0x2  }
0xb8: {  	s31 =	sshll.u32 s1, $0xD;
	s1 =	sshrl.u32 s1, $0x2  }
0xb9: {  	s3 =	sand.u32 $0x4000, s31;
	s1 =	sadd.s32 s1, s30  }
0xba: {  	s0 =	sor.u32 s3, s0;
	s1 =	sshll.u32 s1, $0x11  }
0xbb: {  	s0 =	sor.u32 s1, s0  }
0xbc: {  	s0 =	sadd.s32 $0x8F2B, s0  }
0xbd: {  	[sflag:s0] =	ssyncadd.remote.s32 $0x1  }
0xbe: {  	_ =	sfence.sel $0xFFFF  }
0xbf: {  	[dreg:$0x0] =	wrdreg $0xFFFFFFFF;
	(pc) =	sbr.abs _section_cstart, $3  }
0xc0: {  	[dreg:$0x1] =	wrdreg $0xFFFFFFFF  }
0xc1: {  	_ =	task.clear_ibuf [dreg:s6], $0x2FFFF;
	_ =	strace $0x9FFFFFFF  }
0xc2: {  	(tm) =	ssettm $0x7FFFFFFF  }
0xc3: {  	_ =	shalt  }
tec
execute0_lowered:
.L_overlay_start_1:
0x0: {  	(tag) =	ssettag $0x1  }
0x1: {  	s0 =	rddreg [dreg:$0x0];
	s1 =	srdreg.scid  }
0x2: {  	s2 =	rddreg [dreg:$0x1];
	s11 =	stileid.u32;
	s3 =	simm.s32 $0x0  }
0x3: {  	s19 =	simm.s32 $0xA80;
	s20 =	simm.s32 $0x1;
	s21 =	simm.s32 $0x80  }
0x4: {  	s29 =	simm.s32 $0x5;
	s30 =	simm.s32 $0x2;
	s15 =	simm.s32 $0x880  }
0x5: {  	s16 =	simm.s32 $0x980;
	s17 =	simm.s32 $0xB00;
	s18 =	simm.s32 $0xC00  }
0x6: {  	s28 =	simm.s32 $0xD00;
	s1 =	sand.u32 $0x1, s1;
	s4 =	smul.u32 $0x1900, s11  }
0x7: {  	s31 =	simm.s32 $0xD80;
	[smem:$0x7FF] =	sst s3;
	s6 =	smul.u32 $0x19000, s1  }
0x8: {  	s5 =	sshll.u32 s1, $0x4;
	s9 =	ssub.s32 $0x2, s1;
	s1 =	smul.u32 $0x1880, s1  }
0x9: {  	s8 =	sadd.s32 $0x2800, s0;
	s5 =	sor.u32 s11, s5;
	s11 =	smul.u32 $0x188, s11  }
0xa: {  	_ =	strace $0x80000047;
	s10 =	sshrl.u32 s9, $0x1;
	s7 =	smul.u32 $0x1880, s5  }
0xb: {  	s5 =	smul.u32 $0xC400, s5;
	s6 =	sadd.s32 s4, s6;
	s22 =	ssub.s32 s9, s10  }
0xc: {  	s4 =	sadd.s32 s4, s2;
	s9 =	simm.s32 $0x780;
	s10 =	simm.s32 $0x800  }
0xd: {  	s6 =	sshrl.u32 s6, $0x3;
	[dreg:$0x3] =	wrdreg s4;
	s1 =	sadd.s32 s11, s1  }
0xe: {  	s26 =	smax.u32 s22, $0x1;
	s22 =	simm.s32 $0xE00;
	s0 =	sadd.s32 s6, s0  }
0xf: {  	s7 =	sadd.s32 s8, s7;
	s23 =	sshrl.u32 s5, $0x3;
	s1 =	sshll.u32 s1, $0x4  }
0x10: {  	[dreg:$0x9] =	wrdreg s26;
	s6 =	simm.s32 $0xE80;
	s5 =	simm.s32 $0x3  }
0x11: {  	s26 =	simm.s32 $0xC80;
	[dreg:$0x4] =	wrdreg s7;
	s24 =	sadd.s32 $0x70, s7  }
0x12: {  	s4 =	sadd.s32 s8, s23;
	s1 =	sadd.s32 s8, s1;
	s0 =	sadd.s32 $0x64800, s0  }
0x13: {  	s7 =	simm.s32 $0x6;
	s8 =	simm.s32 $0x680;
	s23 =	simm.s32 $0xA00  }
.Ltmp0:
0x14: {  	[dreg:$0x5] =	wrdreg s24;
	s25 =	sadd.s32 $0xE0, s4;
	(pc) =	sbr.rel .LBB2_1-.Ltmp0, $4  }
0x15: {  	s4 =	sadd.s32 $0x150, s4;
	[dreg:$0x8] =	wrdreg s0;
	s11 =	sadd.s32 $0x310, s1  }
0x16: {  	s12 =	sadd.s32 $0x2A0, s1;
	s13 =	sadd.s32 $0x230, s1;
	s14 =	sadd.s32 $0x1C0, s1  }
0x17: {  	s24 =	simm.s32 $0x4;
	s1 =	simm.s32 $0x0;
	[dreg:$0x6] =	wrdreg s25  }
0x18: {  	v0 =	vimm.f32 $0.0e+00;
	v1 =	vimm.f32 $1.000000000e+00;
	[dreg:$0x7] =	wrdreg s4;
	s4 =	simm.s32 $0x900;
	s25 =	simm.s32 $0xB80  }
.LBB2_6:
0x19: {  	[bflag:$0x0] =	sbarrier.arrive $0xFFFF  }
0x1a: {  	s6 =	simm.s32 $0xE80;
	s7 =	simm.s32 $0x6;
	s0 =	rddreg [dreg:$0x3]  }
0x1b: {  	[tilespmem:s6], [sflag:$0x6] =	stream.linear.gather [spmem:s0], $0x1900, $0x38;
	[tilespmem:$0x4080] =	vst v63  }
0x1c: {  	_ =	swait.ge [sflag:s7], $0x1900  }
0x1d: {  	[sflag:s7] =	ssyncset.done $0x0  }
0x1e: {  	s1 =	rddreg [dreg:$0x8];
	[sflag:s7] =	ssyncadd.s32 $0xFFFFE700  }
0x1f: {  	[hbm4b:s1+s3] =	stream.linear.scatter [tilespmem:s6], [sflag:$0x6], $0x1900, $0x38;
	[tilespmem:$0x4080] =	vst v63  }
0x20: {  	_ =	swait.ge [sflag:s7], $0x1900  }
0x21: {  	s1 =	rddreg [dreg:$0xa]  }
0x22: {  	s0 =	rddreg [dreg:$0x9];
	s1 =	sadd.s32 $0x1, s1  }
0x23: {  	p0 =	sne.s32 s1, s0  }
.Ltmp1:
0x24: {  	_ = 	snop;
	(pc) =	sbr.rel @!p0 .LBB2_7-.Ltmp1, $3  }
0x25: {  	_ =	sdelay $0x1  }
0x26: {  	[sflag:s7] =	ssyncset.done $0x0  }
0x27: {  	[sflag:s7] =	ssyncadd.s32 $0xFFFFE700  }
.LBB2_1:
0x28: {  	[dreg:$0xa] =	wrdreg s1;
	s0 =	simm.s32 $0x40;
	s1 =	simm.s32 $0x0  }
.LBB2_2:
0x29: {  	p0 =	sne.s32 s0, $0x63C0;
	[tilespmem:s1+$0xE80] =	vst v0;
	s1 =	smov.u32 s0;
	s0 =	sadd.s32 $0x40, s0  }
.Ltmp2:
0x2a: {  	(pc) =	sbr.rel @p0 .LBB2_2-.Ltmp2, $2  }
0x2b: {  	_ =	sdelay $0x2  }
0x2c: {  	s1 =	sshra.s32 s1, $0x2  }
0x2d: {  	[tilespmem:s1+$0xE80] =	vst v0  }
0x2e: {  	[tilespmem:$0xE00] =	vst v1  }
0x2f: {  	[tilespmem:$0xE10] =	vst v1  }
0x30: {  	[tilespmem:$0xE20] =	vst v1  }
0x31: {  	[tilespmem:$0xE30] =	vst v1  }
0x32: {  	[tilespmem:$0xE40] =	vst v1  }
0x33: {  	[tilespmem:$0xE50] =	vst v1  }
0x34: {  	[tilespmem:$0xE60] =	vst v1  }
0x35: {  	s0 =	rddreg [dreg:$0x3];
	[tilespmem:$0xE70] =	vst v1  }
0x36: {  	[spmem:s0] =	stream.linear.scatter [tilespmem:s6], [sflag:$0x6], $0x1900, $0x38;
	[tilespmem:$0x4080] =	vst v63  }
0x37: {  	_ =	swait.ge [sflag:s7], $0x1900  }
0x38: {  	[sflag:s7] =	ssyncset.done $0x0  }
0x39: {  	[sflag:s7] =	ssyncadd.s32 $0xFFFFE700  }
0x3a: {  	[bflag:$0x0] =	sbarrier.arrive $0xFFFF  }
0x3b: {  	s0 =	simm.s32 $0x0;
	s7 =	rddreg [dreg:$0x4]  }
0x3c: {  	[tilespmem:s0], [sflag:$0x1] =	stream.linear.gather [hbm4b:s7+s0], $0x380, $0x38;
	[tilespmem:$0x4080] =	vst v63  }
0x3d: {  	s6 =	rddreg [dreg:$0x5];
	s7 =	simm.s32 $0x380  }
0x3e: {  	[tilespmem:s7], [sflag:$0x2] =	stream.linear.gather [hbm4b:s6+s0], $0x380, $0x38;
	[tilespmem:$0x4080] =	vst v63  }
0x3f: {  	s6 =	rddreg [dreg:$0x6];
	s7 =	simm.s32 $0x700  }
0x40: {  	[tilespmem:s7], [sflag:$0x3] =	stream.linear.gather [hbm4b:s6+s0], $0x380, $0x38;
	[tilespmem:$0x4080] =	vst v63  }
0x41: {  	s7 =	rddreg [dreg:$0x7]  }
0x42: {  	[tilespmem:s19], [sflag:$0x4] =	stream.linear.gather [hbm4b:s7+s0], $0x380, $0x38;
	[tilespmem:$0x4080] =	vst v63  }
.LBB2_4:
0x43: {  	_ =	swait.ge [sflag:s20], $0x380  }
0x44: {  	[sflag:s20] =	ssyncset.done $0x0  }
0x45: {  	[sflag:s20] =	ssyncadd.s32 $0xFFFFFC80  }
0x46: {  	[spmem:s2] =	stream.indirect.scatter.add.f32 [tilespmem:s22], [sflag:$0x5], $0x1, s3, s21, $0xb8;
	[tilespmem:$0x4080] =	vst v63  }
0x47: {  	_ = 	snop  }
0x48: {  	[spmem:s2] =	stream.indirect.scatter.add.f32 [tilespmem:s22], [sflag:$0x5], $0x1, s21, s21, $0xb8;
	[tilespmem:$0x4080] =	vst v63  }
0x49: {  	s1 =	simm.s32 $0x100  }
0x4a: {  	[spmem:s2] =	stream.indirect.scatter.add.f32 [tilespmem:s22], [sflag:$0x5], $0x1, s1, s21, $0xb8;
	[tilespmem:$0x4080] =	vst v63  }
0x4b: {  	s7 =	simm.s32 $0x180  }
0x4c: {  	[spmem:s2] =	stream.indirect.scatter.add.f32 [tilespmem:s22], [sflag:$0x5], $0x1, s7, s21, $0xb8;
	[tilespmem:$0x4080] =	vst v63  }
0x4d: {  	s6 =	simm.s32 $0x200  }
0x4e: {  	[spmem:s2] =	stream.indirect.scatter.add.f32 [tilespmem:s22], [sflag:$0x5], $0x1, s6, s21, $0xb8;
	[tilespmem:$0x4080] =	vst v63  }
0x4f: {  	s7 =	simm.s32 $0x280  }
0x50: {  	[spmem:s2] =	stream.indirect.scatter.add.f32 [tilespmem:s22], [sflag:$0x5], $0x1, s7, s21, $0xb8;
	[tilespmem:$0x4080] =	vst v63  }
0x51: {  	s6 =	simm.s32 $0x300  }
0x52: {  	[spmem:s2] =	stream.indirect.scatter.add.f32 [tilespmem:s22], [sflag:$0x5], $0x1, s6, s21, $0xb8;
	[tilespmem:$0x4080] =	vst v63  }
0x53: {  	_ =	swait.ge [sflag:s29], $0x80  }
0x54: {  	[sflag:s29] =	ssyncset.done $0x0  }
0x55: {  	[sflag:s29] =	ssyncadd.s32 $0xFFFFFF80  }
0x56: {  	_ =	swait.ge [sflag:s29], $0x80  }
0x57: {  	[sflag:s29] =	ssyncset.done $0x0  }
0x58: {  	[sflag:s29] =	ssyncadd.s32 $0xFFFFFF80  }
0x59: {  	_ =	swait.ge [sflag:s29], $0x80  }
0x5a: {  	[sflag:s29] =	ssyncset.done $0x0  }
0x5b: {  	[sflag:s29] =	ssyncadd.s32 $0xFFFFFF80  }
0x5c: {  	_ =	swait.ge [sflag:s29], $0x80  }
0x5d: {  	[sflag:s29] =	ssyncset.done $0x0  }
0x5e: {  	[sflag:s29] =	ssyncadd.s32 $0xFFFFFF80  }
0x5f: {  	_ =	swait.ge [sflag:s29], $0x80  }
0x60: {  	[sflag:s29] =	ssyncset.done $0x0  }
0x61: {  	[sflag:s29] =	ssyncadd.s32 $0xFFFFFF80  }
0x62: {  	_ =	swait.ge [sflag:s29], $0x80  }
0x63: {  	[sflag:s29] =	ssyncset.done $0x0  }
0x64: {  	[sflag:s29] =	ssyncadd.s32 $0xFFFFFF80  }
0x65: {  	_ =	swait.ge [sflag:s29], $0x80  }
0x66: {  	p0 =	seq.s32 s0, $0x16C0;
	[sflag:s29] =	ssyncset.done $0x0  }
0x67: {  	s1 =	simm.s32 @!p0 $0x0;
	s6 =	sadd.s32 @!p0 s0, s14;
	[sflag:s29] =	ssyncadd.s32 $0xFFFFFF80  }
0x68: {  	[tilespmem:s1], [sflag:$0x1] =	stream.linear.gather @!p0 [hbm4b:s6+s1], $0x380, $0x38;
	[tilespmem:$0x4080] =	vst v63  }
0x69: {  	_ =	swait.ge [sflag:s30], $0x380  }
0x6a: {  	[sflag:s30] =	ssyncset.done $0x0  }
0x6b: {  	s7 =	simm.s32 $0x380;
	[sflag:s30] =	ssyncadd.s32 $0xFFFFFC80  }
0x6c: {  	[spmem:s2] =	stream.indirect.scatter.add.f32 [tilespmem:s22], [sflag:$0x5], $0x1, s7, s21, $0xb8;
	[tilespmem:$0x4080] =	vst v63  }
0x6d: {  	s7 =	simm.s32 $0x400  }
0x6e: {  	[spmem:s2] =	stream.indirect.scatter.add.f32 [tilespmem:s22], [sflag:$0x5], $0x1, s7, s21, $0xb8;
	[tilespmem:$0x4080] =	vst v63  }
0x6f: {  	s7 =	simm.s32 $0x480  }
0x70: {  	[spmem:s2] =	stream.indirect.scatter.add.f32 [tilespmem:s22], [sflag:$0x5], $0x1, s7, s21, $0xb8;
	[tilespmem:$0x4080] =	vst v63  }
0x71: {  	s7 =	simm.s32 $0x500  }
0x72: {  	[spmem:s2] =	stream.indirect.scatter.add.f32 [tilespmem:s22], [sflag:$0x5], $0x1, s7, s21, $0xb8;
	[tilespmem:$0x4080] =	vst v63  }
0x73: {  	s7 =	simm.s32 $0x580  }
0x74: {  	[spmem:s2] =	stream.indirect.scatter.add.f32 [tilespmem:s22], [sflag:$0x5], $0x1, s7, s21, $0xb8;
	[tilespmem:$0x4080] =	vst v63  }
0x75: {  	s7 =	simm.s32 $0x600  }
0x76: {  	[spmem:s2] =	stream.indirect.scatter.add.f32 [tilespmem:s22], [sflag:$0x5], $0x1, s7, s21, $0xb8;
	[tilespmem:$0x4080] =	vst v63  }
0x77: {  	_ = 	snop  }
0x78: {  	[spmem:s2] =	stream.indirect.scatter.add.f32 [tilespmem:s22], [sflag:$0x5], $0x1, s8, s21, $0xb8;
	[tilespmem:$0x4080] =	vst v63  }
0x79: {  	_ =	swait.ge [sflag:s29], $0x80  }
0x7a: {  	[sflag:s29] =	ssyncset.done $0x0  }
0x7b: {  	[sflag:s29] =	ssyncadd.s32 $0xFFFFFF80  }
0x7c: {  	_ =	swait.ge [sflag:s29], $0x80  }
0x7d: {  	[sflag:s29] =	ssyncset.done $0x0  }
0x7e: {  	[sflag:s29] =	ssyncadd.s32 $0xFFFFFF80  }
0x7f: {  	_ =	swait.ge [sflag:s29], $0x80  }
0x80: {  	[sflag:s29] =	ssyncset.done $0x0  }
0x81: {  	[sflag:s29] =	ssyncadd.s32 $0xFFFFFF80  }
0x82: {  	_ =	swait.ge [sflag:s29], $0x80  }
0x83: {  	[sflag:s29] =	ssyncset.done $0x0  }
0x84: {  	[sflag:s29] =	ssyncadd.s32 $0xFFFFFF80  }
0x85: {  	_ =	swait.ge [sflag:s29], $0x80  }
0x86: {  	[sflag:s29] =	ssyncset.done $0x0  }
0x87: {  	[sflag:s29] =	ssyncadd.s32 $0xFFFFFF80  }
0x88: {  	_ =	swait.ge [sflag:s29], $0x80  }
0x89: {  	[sflag:s29] =	ssyncset.done $0x0  }
0x8a: {  	[sflag:s29] =	ssyncadd.s32 $0xFFFFFF80  }
0x8b: {  	_ =	swait.ge [sflag:s29], $0x80  }
0x8c: {  	[sflag:s29] =	ssyncset.done $0x0  }
0x8d: {  	s6 =	sadd.s32 @!p0 s0, s13;
	s7 =	simm.s32 @!p0 $0x380;
	[sflag:s29] =	ssyncadd.s32 $0xFFFFFF80  }
0x8e: {  	[tilespmem:s7], [sflag:$0x2] =	stream.linear.gather @!p0 [hbm4b:s6+s1], $0x380, $0x38;
	[tilespmem:$0x4080] =	vst v63  }
0x8f: {  	_ =	swait.ge [sflag:s5], $0x380  }
0x90: {  	[sflag:s5] =	ssyncset.done $0x0  }
0x91: {  	s7 =	simm.s32 $0x700;
	[sflag:s5] =	ssyncadd.s32 $0xFFFFFC80  }
0x92: {  	[spmem:s2] =	stream.indirect.scatter.add.f32 [tilespmem:s22], [sflag:$0x5], $0x1, s7, s21, $0xb8;
	[tilespmem:$0x4080] =	vst v63  }
0x93: {  	_ = 	snop  }
0x94: {  	[spmem:s2] =	stream.indirect.scatter.add.f32 [tilespmem:s22], [sflag:$0x5], $0x1, s9, s21, $0xb8;
	[tilespmem:$0x4080] =	vst v63  }
0x95: {  	_ = 	snop  }
0x96: {  	[spmem:s2] =	stream.indirect.scatter.add.f32 [tilespmem:s22], [sflag:$0x5], $0x1, s10, s21, $0xb8;
	[tilespmem:$0x4080] =	vst v63  }
0x97: {  	_ = 	snop  }
0x98: {  	[spmem:s2] =	stream.indirect.scatter.add.f32 [tilespmem:s22], [sflag:$0x5], $0x1, s15, s21, $0xb8;
	[tilespmem:$0x4080] =	vst v63  }
0x99: {  	_ = 	snop  }
0x9a: {  	[spmem:s2] =	stream.indirect.scatter.add.f32 [tilespmem:s22], [sflag:$0x5], $0x1, s4, s21, $0xb8;
	[tilespmem:$0x4080] =	vst v63  }
0x9b: {  	_ = 	snop  }
0x9c: {  	[spmem:s2] =	stream.indirect.scatter.add.f32 [tilespmem:s22], [sflag:$0x5], $0x1, s16, s21, $0xb8;
	[tilespmem:$0x4080] =	vst v63  }
0x9d: {  	_ = 	snop  }
0x9e: {  	[spmem:s2] =	stream.indirect.scatter.add.f32 [tilespmem:s22], [sflag:$0x5], $0x1, s23, s21, $0xb8;
	[tilespmem:$0x4080] =	vst v63  }
0x9f: {  	_ =	swait.ge [sflag:s29], $0x80  }
0xa0: {  	[sflag:s29] =	ssyncset.done $0x0  }
0xa1: {  	[sflag:s29] =	ssyncadd.s32 $0xFFFFFF80  }
0xa2: {  	_ =	swait.ge [sflag:s29], $0x80  }
0xa3: {  	[sflag:s29] =	ssyncset.done $0x0  }
0xa4: {  	[sflag:s29] =	ssyncadd.s32 $0xFFFFFF80  }
0xa5: {  	_ =	swait.ge [sflag:s29], $0x80  }
0xa6: {  	[sflag:s29] =	ssyncset.done $0x0  }
0xa7: {  	[sflag:s29] =	ssyncadd.s32 $0xFFFFFF80  }
0xa8: {  	_ =	swait.ge [sflag:s29], $0x80  }
0xa9: {  	[sflag:s29] =	ssyncset.done $0x0  }
0xaa: {  	[sflag:s29] =	ssyncadd.s32 $0xFFFFFF80  }
0xab: {  	_ =	swait.ge [sflag:s29], $0x80  }
0xac: {  	[sflag:s29] =	ssyncset.done $0x0  }
0xad: {  	[sflag:s29] =	ssyncadd.s32 $0xFFFFFF80  }
0xae: {  	_ =	swait.ge [sflag:s29], $0x80  }
0xaf: {  	[sflag:s29] =	ssyncset.done $0x0  }
0xb0: {  	[sflag:s29] =	ssyncadd.s32 $0xFFFFFF80  }
0xb1: {  	_ =	swait.ge [sflag:s29], $0x80  }
0xb2: {  	[sflag:s29] =	ssyncset.done $0x0  }
0xb3: {  	s6 =	sadd.s32 @!p0 s0, s12;
	s7 =	simm.s32 @!p0 $0x700;
	[sflag:s29] =	ssyncadd.s32 $0xFFFFFF80  }
0xb4: {  	[tilespmem:s7], [sflag:$0x3] =	stream.linear.gather @!p0 [hbm4b:s6+s1], $0x380, $0x38;
	[tilespmem:$0x4080] =	vst v63  }
0xb5: {  	_ =	swait.ge [sflag:s24], $0x380  }
0xb6: {  	[sflag:s24] =	ssyncset.done $0x0  }
0xb7: {  	[sflag:s24] =	ssyncadd.s32 $0xFFFFFC80  }
0xb8: {  	[spmem:s2] =	stream.indirect.scatter.add.f32 [tilespmem:s22], [sflag:$0x5], $0x1, s19, s21, $0xb8;
	[tilespmem:$0x4080] =	vst v63  }
0xb9: {  	_ = 	snop  }
0xba: {  	[spmem:s2] =	stream.indirect.scatter.add.f32 [tilespmem:s22], [sflag:$0x5], $0x1, s17, s21, $0xb8;
	[tilespmem:$0x4080] =	vst v63  }
0xbb: {  	_ = 	snop  }
0xbc: {  	[spmem:s2] =	stream.indirect.scatter.add.f32 [tilespmem:s22], [sflag:$0x5], $0x1, s25, s21, $0xb8;
	[tilespmem:$0x4080] =	vst v63  }
0xbd: {  	_ = 	snop  }
0xbe: {  	[spmem:s2] =	stream.indirect.scatter.add.f32 [tilespmem:s22], [sflag:$0x5], $0x1, s18, s21, $0xb8;
	[tilespmem:$0x4080] =	vst v63  }
0xbf: {  	_ = 	snop  }
0xc0: {  	[spmem:s2] =	stream.indirect.scatter.add.f32 [tilespmem:s22], [sflag:$0x5], $0x1, s26, s21, $0xb8;
	[tilespmem:$0x4080] =	vst v63  }
0xc1: {  	_ = 	snop  }
0xc2: {  	[spmem:s2] =	stream.indirect.scatter.add.f32 [tilespmem:s22], [sflag:$0x5], $0x1, s28, s21, $0xb8;
	[tilespmem:$0x4080] =	vst v63  }
0xc3: {  	_ = 	snop  }
0xc4: {  	[spmem:s2] =	stream.indirect.scatter.add.f32 [tilespmem:s22], [sflag:$0x5], $0x1, s31, s21, $0xb8;
	[tilespmem:$0x4080] =	vst v63  }
0xc5: {  	_ =	swait.ge [sflag:s29], $0x80  }
0xc6: {  	[sflag:s29] =	ssyncset.done $0x0  }
0xc7: {  	[sflag:s29] =	ssyncadd.s32 $0xFFFFFF80  }
0xc8: {  	_ =	swait.ge [sflag:s29], $0x80  }
0xc9: {  	[sflag:s29] =	ssyncset.done $0x0  }
0xca: {  	[sflag:s29] =	ssyncadd.s32 $0xFFFFFF80  }
0xcb: {  	_ =	swait.ge [sflag:s29], $0x80  }
0xcc: {  	[sflag:s29] =	ssyncset.done $0x0  }
0xcd: {  	[sflag:s29] =	ssyncadd.s32 $0xFFFFFF80  }
0xce: {  	_ =	swait.ge [sflag:s29], $0x80  }
0xcf: {  	[sflag:s29] =	ssyncset.done $0x0  }
0xd0: {  	[sflag:s29] =	ssyncadd.s32 $0xFFFFFF80  }
0xd1: {  	_ =	swait.ge [sflag:s29], $0x80  }
0xd2: {  	[sflag:s29] =	ssyncset.done $0x0  }
0xd3: {  	[sflag:s29] =	ssyncadd.s32 $0xFFFFFF80  }
0xd4: {  	_ =	swait.ge [sflag:s29], $0x80  }
.Ltmp3:
0xd5: {  	[sflag:s29] =	ssyncset.done $0x0;
	(pc) =	sbr.rel @p0 .LBB2_6-.Ltmp3, $4  }
0xd6: {  	[sflag:s29] =	ssyncadd.s32 $0xFFFFFF80  }
0xd7: {  	_ =	swait.ge [sflag:s29], $0x80  }
0xd8: {  	[sflag:s29] =	ssyncset.done $0x0  }
0xd9: {  	[sflag:s29] =	ssyncadd.s32 $0xFFFFFF80  }
.Ltmp4:
0xda: {  	(pc) =	sbr.rel .LBB2_4-.Ltmp4, $3  }
0xdb: {  	_ =	sdelay $0x1  }
0xdc: {  	s1 =	sadd.s32 s0, s11;
	s0 =	sadd.s32 $0x1C0, s0  }
0xdd: {  	[tilespmem:s19], [sflag:$0x4] =	stream.linear.gather [hbm4b:s1+s3], $0x380, $0x38;
	[tilespmem:$0x4080] =	vst v63  }
.LBB2_7:
0xde: {  	_ =	sfence.sel $0x180000  }
0xdf: {  	[bflag:$0x0] =	sbarrier.arrive $0xFFFF  }
0xe0: {  	_ =	strace $0x90000047  }
0xe1: {  	s0 =	stileid.u32;
	[bflag:$0x2] =	sbarrier.arrive $0xFFFF  }
0xe2: {  	p0 =	sne.s32 s0, $0x0;
	s0 =	rddreg [dreg:$0x2]  }
0xe3: {  	s0 =	sadd.s32 @!p0 $0x100000, s0  }
0xe4: {  	[sflag:s0] =	ssyncadd.tile.s32 @!p0 $0x1;
	_ =	shalt  }
.Lfunc_end2:
_tile_overlayer_lowered:
.L_overlay_start_2:
0xe5: {  	(tag) =	ssettag $0x2  }
0xe6: {  	s0 =	rddreg [dreg:$0x0];
	s2 =	stileid.u32  }
0xe7: {  	s1 =	rddreg [dreg:$0x1];
	p0 =	sne.s32 s2, $0x0  }
0xe8: {  	s3 =	rddreg [dreg:$0x2];
	[bflag:$0x3] =	sbarrier.arrive $0xFFFF;
	s2 =	simm.s32 @!p0 $0x1C06  }
0xe9: {  	[timem:s3], [sflag:s2] =	dma.local @!p0 [hbm:s0], s1  }
0xea: {  	s0 =	simm.s32 @!p0 $0x6  }
0xeb: {  	_ =	swait.ge @!p0 [sflag:s0], s1  }
0xec: {  	s1 =	ssub.s32 @!p0 $0x0, s1;
	[sflag:s0] =	ssyncset.done @!p0 $0x0  }
0xed: {  	[sflag:s0] =	ssyncadd.s32 @!p0 s1  }
0xee: {  	[bflag:$0x3] =	sbarrier.arrive $0xFFFF  }
0xef: {  	_ =	shalt  }

// kernel: kernel.9.cloned.1.call-start
scs
__scs_entry_jumppad:
0x0: {  	(pc) =	sbr.rel $0x88, $3  }
0x1: {  	(tag) =	ssettag $0x0;
	lr =	simm.s32 $0x1  }
0x2: {  	[smem:$0x3F99] =	sst lr;
	_ =	strace $0xD0000000  }
0x3: {  	_ = 	snop  }
0x4: {  	_ = 	snop  }
0x5: {  	_ = 	snop  }
0x6: {  	_ = 	snop  }
0x7: {  	_ = 	snop  }
__scs_overlays_trampoline_lowered:
0x8: {  	[smem:$0x3FA8] =	sst s0  }
0x9: {  	[smem:$0x3FA9] =	sst s1  }
0xa: {  	[smem:$0x3FAA] =	sst s2  }
0xb: {  	[smem:$0x3FAB] =	sst s3  }
0xc: {  	[smem:$0x3FAC] =	sst s4  }
0xd: {  	[smem:$0x3FAD] =	sst s5  }
0xe: {  	[smem:$0x3FAE] =	sst s6  }
0xf: {  	[smem:$0x3FAF] =	sst s7  }
0x10: {  	[smem:$0x3FB0] =	sst s8  }
0x11: {  	[smem:$0x3FB1] =	sst s9;
	s0 =	simm.s32 @!p0 $0x0  }
0x12: {  	s1 =	sld [smem:$0x3F97];
	s0 =	simm.s32 @p0 $0x1  }
0x13: {  	[smem:$0x3FB2] =	sst s0;
	s0 =	simm.s32 @!p1 $0x0  }
0x14: {  	s2 =	sld [smem:$0x3F96];
	s0 =	simm.s32 @p1 $0x1  }
0x15: {  	[smem:$0x3FB3] =	sst s0;
	s0 =	simm.s32 @!p2 $0x0  }
0x16: {  	s3 =	sld [smem:$0x3FDB];
	s0 =	simm.s32 @p2 $0x1  }
0x17: {  	s4 =	simm.s32 $0x1BF5;
	[smem:$0x3FB5] =	sst s0  }
0x18: {  	s0 =	sld [smem:$0x3F98];
	_ =	swait.ge [sflag:s4], $0x0  }
0x19: {  	s7 =	sld [smem:$0x3F99]  }
0x1a: {  	s8 =	sadd.s32 $0xFFFFE003, lr  }
0x1b: {  	s9 =	sadd.s32 $0xFFFFFEF7, lr;
	s5 =	simm.s32 $0xFFFFFFFF;
	p2 =	slt.u32 s8, $0xFFFFF086  }
0x1c: {  	p1 =	slt.u32 s9, $0xF7A;
	s5 =	simm.s32 @!p2 $0x0  }
0x1d: {  	s5 =	simm.s32 @p1 $0x1;
	p0 =	seq.s32 s7, s2  }
0x1e: {  	s7 =	smul.u32 @!p0 $0xF7A, s2;
	p2 =	seq.s32 @!p0 s5, $0x0  }
0x1f: {  	s9 =	smul.u32 $0xF7A, s1;
	s8 =	simm.s32 @!p0 $0x1BF5;
	p2 =	por !p2, p0  }
0x20: {  	[sflag:s8] =	ssyncset.s32 @!p0 $0xFFFFF086;
	s6 =	sadd.s32 @!p0 s3, s7;
	s7 =	simm.s32 @!p0 $0x108  }
0x21: {  	s3 =	sadd.s32 s3, s9;
	s6 =	sadd.s32 @!p0 $0x88, s6;
	s7 =	simm.s32 @p2 $0x1082  }
0x22: {  	[simem:s7], [sflag:s8] =	dma.local @!p0 [hbm:s6], $0xF7A  }
0x23: {  	s9 =	sor.u32 $0xD0000000, s2;
	s6 =	simm.s32 $0x108;
	_ =	swait.ge @!p0 [sflag:s8], $0x0  }
0x24: {  	s3 =	sadd.s32 $0x88, s3;
	s6 =	simm.s32 @!p1 $0x1082;
	[sflag:s4] =	ssyncset.s32 $0xFFFFF086  }
0x25: {  	[simem:s6], [sflag:s4] =	dma.local [hbm:s3], $0xF7A  }
0x26: {  	[smem:$0x3F99] =	sst s1;
	(tag) =	ssettag s2;
	_ =	strace s9  }
0x27: {  	s1 =	sld [smem:$0x3FA9]  }
0x28: {  	s2 =	sld [smem:$0x3FAA]  }
0x29: {  	s4 =	sld [smem:$0x3FAC]  }
0x2a: {  	p0 =	seq.s32 s5, $0x0;
	s5 =	sld [smem:$0x3FAD]  }
0x2b: {  	s6 =	sld [smem:$0x3FAE]  }
0x2c: {  	s7 =	sld [smem:$0x3FAF]  }
0x2d: {  	s3 =	simm.s32 $0x108;
	s8 =	sld [smem:$0x3FB0]  }
0x2e: {  	s3 =	simm.s32 @!p0 $0x1082;
	s9 =	sld [smem:$0x3FB1]  }
0x2f: {  	lr =	sadd.s32 s0, s3;
	s0 =	sld [smem:$0x3FA8]  }
0x30: {  	s3 =	sld [smem:$0x3FAB]  }
0x31: {  	[smem:$0x3FB4] =	sst s10  }
0x32: {  	s10 =	sld [smem:$0x3FB2];
	_ =	sdelay $0x3  }
0x33: {  	p0 =	seq.s32 s10, $0x1;
	s10 =	sld [smem:$0x3FB4];
	_ =	sdelay $0x3  }
0x34: {  	[smem:$0x3FB4] =	sst s10  }
0x35: {  	s10 =	sld [smem:$0x3FB3];
	_ =	sdelay $0x3  }
0x36: {  	p1 =	seq.s32 s10, $0x1;
	s10 =	sld [smem:$0x3FB4];
	_ =	sdelay $0x3  }
0x37: {  	[smem:$0x3FB4] =	sst s10  }
0x38: {  	s10 =	sld [smem:$0x3FB5]  }
0x39: {  	_ = 	snop;
	(pc) =	sbr.ind lr, $3  }
0x3a: {  	_ = 	snop  }
0x3b: {  	_ = 	snop  }
0x3c: {  	p2 =	seq.s32 s10, $0x1;
	s10 =	sld [smem:$0x3FB4]  }
0x3d: {  	_ =	shalt  }
0x3e: {  	_ =	shalt  }
0x3f: {  	_ =	shalt  }
0x40: {  	_ =	shalt  }
0x41: {  	_ =	shalt  }
0x42: {  	_ =	shalt  }
0x43: {  	_ =	shalt  }
0x44: {  	_ =	shalt  }
0x45: {  	_ =	shalt  }
0x46: {  	_ =	shalt  }
0x47: {  	_ =	shalt  }
0x48: {  	_ =	shalt  }
0x49: {  	_ =	shalt  }
0x4a: {  	_ =	shalt  }
0x4b: {  	_ =	shalt  }
0x4c: {  	_ =	shalt  }
0x4d: {  	_ =	shalt  }
0x4e: {  	_ =	shalt  }
0x4f: {  	_ =	shalt  }
0x50: {  	_ =	shalt  }
0x51: {  	_ =	shalt  }
0x52: {  	_ =	shalt  }
0x53: {  	_ =	shalt  }
0x54: {  	_ =	shalt  }
0x55: {  	_ =	shalt  }
0x56: {  	_ =	shalt  }
0x57: {  	_ =	shalt  }
0x58: {  	_ =	shalt  }
0x59: {  	_ =	shalt  }
0x5a: {  	_ =	shalt  }
0x5b: {  	_ =	shalt  }
0x5c: {  	_ =	shalt  }
0x5d: {  	_ =	shalt  }
0x5e: {  	_ =	shalt  }
0x5f: {  	_ =	shalt  }
0x60: {  	_ =	shalt  }
0x61: {  	_ =	shalt  }
0x62: {  	_ =	shalt  }
0x63: {  	_ =	shalt  }
0x64: {  	_ =	shalt  }
0x65: {  	_ =	shalt  }
0x66: {  	_ =	shalt  }
0x67: {  	_ =	shalt  }
0x68: {  	_ =	shalt  }
0x69: {  	_ =	shalt  }
0x6a: {  	_ =	shalt  }
0x6b: {  	_ =	shalt  }
0x6c: {  	_ =	shalt  }
0x6d: {  	_ =	shalt  }
0x6e: {  	_ =	shalt  }
0x6f: {  	_ =	shalt  }
0x70: {  	_ =	shalt  }
0x71: {  	_ =	shalt  }
0x72: {  	_ =	shalt  }
0x73: {  	_ =	shalt  }
0x74: {  	_ =	shalt  }
0x75: {  	_ =	shalt  }
0x76: {  	_ =	shalt  }
0x77: {  	_ =	shalt  }
0x78: {  	_ =	shalt  }
0x79: {  	_ =	shalt  }
0x7a: {  	_ =	shalt  }
0x7b: {  	_ =	shalt  }
0x7c: {  	_ =	shalt  }
0x7d: {  	_ =	shalt  }
0x7e: {  	_ =	shalt  }
0x7f: {  	_ =	shalt  }
0x80: {  	_ =	shalt  }
0x81: {  	_ =	shalt  }
0x82: {  	_ =	shalt  }
0x83: {  	_ =	shalt  }
0x84: {  	_ =	shalt  }
0x85: {  	_ =	shalt  }
0x86: {  	_ =	shalt  }
0x87: {  	_ =	shalt  }
.Lfunc_end0:
.L_simem_size_0:
called_computation.1_lowered:
.L_overlay_start_0:
0x88: {  	s2 =	sld [smem:$0x3FD9]  }
0x89: {  	s3 =	sld [smem:$0x3FFE];
	_ =	sdelay $0x1  }
0x8a: {  	s1 =	srdreg.scid  }
0x8b: {  	s0 =	sand.u32 $0x1, s1  }
0x8c: {  	s16 =	sshll.u32 s0, $0xA;
	s2 =	sadd.s32 s3, s2  }
0x8d: {  	s2 =	sadd.s32 s2, s16  }
0x8e: {  	[smem:$0x3FC0] =	sst s2  }
0x8f: {  	_ = 	snop  }
0x90: {  	(tm) =	ssettm $0x1  }
0x91: {  	s17 =	sld [smem:$0x3FFB];
	_ =	sdelay $0x3  }
0x92: {  	_ =	strace s17  }
0x93: {  	s2 =	sld [smem:$0x3FFC];
	_ =	sdelay $0x3  }
0x94: {  	_ =	strace s2  }
0x95: {  	s2 =	sld [smem:$0x3FFD];
	_ =	sdelay $0x3  }
0x96: {  	_ =	strace s2  }
0x97: {  	_ =	strace $0x8FFFFFFF  }
0x98: {  	s18 =	sld [smem:$0x3FDB];
	_ =	sdelay $0x1  }
0x99: {  	s19 =	simm.s32 $_scs_section_size  }
0x9a: {  	s4 =	simm.s32 $_size__tile_overlayer_lowered;
	s5 =	simm.s32 $_tile_overlayer_lowered  }
0x9b: {  	s22 =	simm.s32 $0x1BFF;
	s21 =	sshll.u32 s5, $0x1;
	s2 =	sadd.s32 s19, s18  }
0x9c: {  	s6 =	simm.s32 $0x0;
	s20 =	sshll.u32 s4, $0x1;
	s4 =	sadd.s32 s21, s2  }
0x9d: {  	[timem:s6], [sflag:s22] =	dma.local [hbm:s4], s20  }
0x9e: {  	_ =	swait.ge [sflag:s22], s20  }
0x9f: {  	s3 =	ssub.s32 $0x0, s20;
	[sflag:s22] =	ssyncset.done $0x0  }
0xa0: {  	[sflag:s22] =	ssyncadd.s32 s3;
	_ =	sdelay $0x1  }
0xa1: {  	s23 =	simm.s32 $0x1B8B  }
0xa2: {  	_ =	swait.ge [sflag:s23], $0x1  }
0xa3: {  	[sflag:s23] =	ssyncset.done $0x0  }
0xa4: {  	s25 =	simm.s32 $0x1B8E;
	s24 =	sld [smem:$0x3FFE];
	[sflag:s23] =	ssyncadd.s32 $0xFFFFFFFF  }
0xa5: {  	s26 =	simm.s32 $execute0_lowered;
	[smem:$0x3FD2] =	sst s25  }
0xa6: {  	s4 =	sshll.u32 s26, $0x1;
	_ =	strace $0x80000049;
	[dreg:$0x1] =	wrdreg $0xFFFFFFFF  }
0xa7: {  	s28 =	simm.s32 $_size_execute0_lowered;
	s2 =	sadd.s32 s2, s4;
	[dreg:$0x0] =	wrdreg $0x0  }
0xa8: {  	s4 =	sshll.u32 s28, $0x1;
	[dreg:$0x2] =	wrdreg s2  }
0xa9: {  	[dreg:$0x3] =	wrdreg s4  }
0xaa: {  	[dreg:$0x4] =	wrdreg $0xC0  }
0xab: {  	_ =	task [dreg:s6], $0x5FFFF  }
0xac: {  	[dreg:$0x1] =	wrdreg $0xFFFFFFFF  }
0xad: {  	[dreg:$0x0] =	wrdreg $0x60  }
0xae: {  	[dreg:$0x2] =	wrdreg s24  }
0xaf: {  	[dreg:$0x3] =	wrdreg $0x48000  }
0xb0: {  	[dreg:$0x4] =	wrdreg $0x9  }
0xb1: {  	_ =	task.clear_ibuf [dreg:s6], $0x5FFFF;
	_ =	strace $0x90000049  }
0xb2: {  	s29 =	simm.s32 $0x9;
	_ =	strace $0x8000004B  }
0xb3: {  	_ =	swait.ge [sflag:s29], $0x1  }
0xb4: {  	[sflag:s29] =	ssyncadd.s32 $0xFFFFFFFF  }
0xb5: {  	_ =	strace $0x9000004B  }
0xb6: {  	_ =	sfence  }
0xb7: {  	s30 =	sld [smem:$0x0];
	_ =	sdelay $0x2  }
0xb8: {  	s31 =	sshll.u32 s1, $0xD;
	s1 =	sshrl.u32 s1, $0x2  }
0xb9: {  	s3 =	sand.u32 $0x4000, s31;
	s1 =	sadd.s32 s1, s30  }
0xba: {  	s0 =	sor.u32 s3, s0;
	s1 =	sshll.u32 s1, $0x11  }
0xbb: {  	s0 =	sor.u32 s1, s0  }
0xbc: {  	s0 =	sadd.s32 $0x8F2B, s0  }
0xbd: {  	[sflag:s0] =	ssyncadd.remote.s32 $0x1  }
0xbe: {  	_ =	sfence.sel $0xFFFF  }
0xbf: {  	[dreg:$0x0] =	wrdreg $0xFFFFFFFF;
	(pc) =	sbr.abs _section_cstart, $3  }
0xc0: {  	[dreg:$0x1] =	wrdreg $0xFFFFFFFF  }
0xc1: {  	_ =	task.clear_ibuf [dreg:s6], $0x2FFFF;
	_ =	strace $0x9FFFFFFF  }
0xc2: {  	(tm) =	ssettm $0x7FFFFFFF  }
0xc3: {  	_ =	shalt  }
tec
execute0_lowered:
.L_overlay_start_1:
0x0: {  	(tag) =	ssettag $0x1  }
0x1: {  	s0 =	srdreg.scid;
	s1 =	stileid.u32  }
0x2: {  	s30 =	rddreg [dreg:$0x0];
	s0 =	sand.u32 $0x1, s0;
	s1 =	smul.u32 $0x19000, s1  }
0x3: {  	s14 =	sadd.s32 $0xC8800, s30;
	s2 =	ssub.s32 $0x2, s0  }
0x4: {  	s13 =	smul.u32 $0x190000, s0;
	s3 =	sshrl.u32 s2, $0x1;
	s19 =	sadd.s32 $0x1000, s1  }
0x5: {  	s20 =	sadd.s32 $0x2000, s1;
	s4 =	sadd.s32 $0x3000, s1;
	s5 =	sadd.s32 $0x4000, s1  }
0x6: {  	s6 =	sadd.s32 $0x5000, s1;
	s7 =	sadd.s32 $0x6000, s1;
	s8 =	sadd.s32 $0x7000, s1  }
0x7: {  	s9 =	sadd.s32 $0x8000, s1;
	s10 =	sadd.s32 $0x9000, s1;
	[smem:$0x7DD] =	sst s19  }
0x8: {  	s11 =	sadd.s32 $0xA000, s1;
	s18 =	ssub.s32 s2, s3;
	[smem:$0x7DE] =	sst s20  }
0x9: {  	s15 =	sadd.s32 s1, s13;
	s22 =	sadd.s32 s13, s19;
	s16 =	sadd.s32 s13, s20  }
0xa: {  	s17 =	sadd.s32 s13, s4;
	s2 =	sadd.s32 s13, s5;
	s3 =	sadd.s32 s13, s6  }
0xb: {  	s12 =	sadd.s32 s13, s7;
	[smem:$0x7F4] =	sst s18;
	s15 =	sshrl.u32 s15, $0x3  }
0xc: {  	s16 =	sshrl.u32 s16, $0x3;
	s25 =	sshrl.u32 s17, $0x3;
	s20 =	sshrl.u32 s12, $0x3  }
0xd: {  	s12 =	sadd.s32 s13, s11;
	s21 =	sadd.s32 s14, s15;
	s15 =	sshrl.u32 s22, $0x3  }
0xe: {  	s24 =	sadd.s32 s14, s16;
	s26 =	sadd.s32 s14, s25;
	[dreg:$0x3] =	wrdreg s21  }
0xf: {  	s16 =	sshrl.u32 s3, $0x3;
	s22 =	sadd.s32 s13, s8;
	[dreg:$0x5] =	wrdreg s24  }
0x10: {  	s17 =	sshrl.u32 s12, $0x3;
	s23 =	sadd.s32 s14, s15;
	[dreg:$0x6] =	wrdreg s26  }
0x11: {  	s15 =	sshrl.u32 s2, $0x3;
	s19 =	sadd.s32 s14, s16;
	[dreg:$0x4] =	wrdreg s23  }
0x12: {  	s21 =	sadd.s32 s14, s20;
	s24 =	sadd.s32 s13, s10;
	[dreg:$0x8] =	wrdreg s19  }
0x13: {  	s17 =	sadd.s32 s14, s17;
	s18 =	sadd.s32 s14, s15;
	[dreg:$0x9] =	wrdreg s21  }
0x14: {  	s23 =	sadd.s32 s13, s9;
	s15 =	sshrl.u32 s22, $0x3;
	[dreg:$0xd] =	wrdreg s17  }
0x15: {  	s2 =	sshrl.u32 s24, $0x3;
	s17 =	sadd.s32 $0xD000, s1;
	[dreg:$0x7] =	wrdreg s18  }
0x16: {  	s16 =	sshrl.u32 s23, $0x3;
	s25 =	sadd.s32 s14, s15;
	s3 =	sadd.s32 s14, s2  }
0x17: {  	s15 =	sadd.s32 $0xB000, s1;
	s20 =	sadd.s32 s13, s17;
	[dreg:$0xa] =	wrdreg s25  }
0x18: {  	s26 =	sadd.s32 s14, s16;
	[dreg:$0xc] =	wrdreg s3;
	s16 =	sadd.s32 $0xC000, s1  }
0x19: {  	s18 =	sadd.s32 s13, s15;
	s20 =	sshrl.u32 s20, $0x3;
	[dreg:$0xb] =	wrdreg s26  }
0x1a: {  	s19 =	sadd.s32 s13, s16;
	s18 =	sshrl.u32 s18, $0x3;
	s20 =	sadd.s32 s14, s20  }
0x1b: {  	s19 =	sshrl.u32 s19, $0x3;
	s18 =	sadd.s32 s14, s18;
	[dreg:$0x10] =	wrdreg s20  }
0x1c: {  	s20 =	sadd.s32 $0x10000, s1;
	[dreg:$0xe] =	wrdreg s18;
	s19 =	sadd.s32 s14, s19  }
0x1d: {  	s18 =	sadd.s32 $0xE000, s1;
	s23 =	sadd.s32 s13, s20;
	[dreg:$0xf] =	wrdreg s19  }
0x1e: {  	s19 =	sadd.s32 $0xF000, s1;
	s21 =	sadd.s32 s13, s18;
	s23 =	sshrl.u32 s23, $0x3  }
0x1f: {  	s22 =	sadd.s32 s13, s19;
	s21 =	sshrl.u32 s21, $0x3;
	s23 =	sadd.s32 s14, s23  }
0x20: {  	s22 =	sshrl.u32 s22, $0x3;
	s21 =	sadd.s32 s14, s21;
	[dreg:$0x13] =	wrdreg s23  }
0x21: {  	[dreg:$0x11] =	wrdreg s21;
	s22 =	sadd.s32 s14, s22;
	s21 =	sadd.s32 $0x11000, s1  }
0x22: {  	[dreg:$0x12] =	wrdreg s22;
	s22 =	sadd.s32 $0x12000, s1;
	s24 =	sadd.s32 s13, s21  }
0x23: {  	s23 =	sadd.s32 $0x13000, s1;
	s25 =	sadd.s32 s13, s22;
	s24 =	sshrl.u32 s24, $0x3  }
0x24: {  	s25 =	sshrl.u32 s25, $0x3;
	s26 =	sadd.s32 s14, s24;
	s24 =	sadd.s32 $0x14000, s1  }
0x25: {  	[dreg:$0x14] =	wrdreg s26;
	s2 =	sadd.s32 s14, s25;
	s26 =	sadd.s32 s13, s23  }
0x26: {  	s25 =	sadd.s32 $0x15000, s1;
	s28 =	sadd.s32 s13, s24;
	s26 =	sshrl.u32 s26, $0x3  }
0x27: {  	[dreg:$0x15] =	wrdreg s2;
	s28 =	sshrl.u32 s28, $0x3;
	s3 =	sadd.s32 s14, s26  }
0x28: {  	s29 =	sadd.s32 s13, s25;
	s12 =	sadd.s32 s14, s28;
	[dreg:$0x16] =	wrdreg s3  }
0x29: {  	s29 =	sshrl.u32 s29, $0x3;
	[dreg:$0x17] =	wrdreg s12  }
0x2a: {  	s26 =	sadd.s32 s14, s29;
	s29 =	sadd.s32 $0x16000, s1;
	s3 =	sadd.s32 $0x17000, s1  }
0x2b: {  	s12 =	sadd.s32 $0x18000, s1;
	[dreg:$0x18] =	wrdreg s26;
	s2 =	sadd.s32 s13, s29  }
0x2c: {  	s28 =	sadd.s32 s13, s3;
	s31 =	sadd.s32 s13, s12;
	s26 =	sshrl.u32 s2, $0x3  }
0x2d: {  	s13 =	sshrl.u32 s13, $0x3;
	s28 =	sshrl.u32 s28, $0x3;
	s26 =	sadd.s32 s14, s26  }
0x2e: {  	s31 =	sshrl.u32 s31, $0x3;
	s2 =	sadd.s32 s14, s28;
	[dreg:$0x19] =	wrdreg s26  }
0x2f: {  	s13 =	sadd.s32 s13, s30;
	s28 =	sadd.s32 $0x1F1600, s30;
	[dreg:$0x1a] =	wrdreg s2  }
0x30: {  	s26 =	sadd.s32 s14, s31;
	s31 =	sadd.s32 $0x2800, s30;
	s30 =	rddreg [dreg:$0x1]  }
0x31: {  	[dreg:$0x1b] =	wrdreg s26;
	s26 =	simm.s32 $0x0  }
0x32: {  	s1 =	sadd.s32 s1, s30;
	[smem:$0x7FF] =	sst s26  }
0x33: {  	s5 =	sadd.s32 s5, s30;
	_ =	strace $0x8000004A;
	[dreg:$0x1d] =	wrdreg s1  }
0x34: {  	s6 =	sadd.s32 s6, s30;
	[smem:$0x7DF] =	sst s5  }
0x35: {  	s7 =	sadd.s32 s7, s30;
	[smem:$0x7E0] =	sst s6  }
0x36: {  	s8 =	sadd.s32 s8, s30;
	[smem:$0x7E1] =	sst s7  }
0x37: {  	s9 =	sadd.s32 s9, s30;
	[smem:$0x7E2] =	sst s8  }
0x38: {  	s10 =	sadd.s32 s10, s30;
	[smem:$0x7E3] =	sst s9  }
0x39: {  	s11 =	sadd.s32 s11, s30;
	[smem:$0x7E4] =	sst s10  }
0x3a: {  	s15 =	sadd.s32 s15, s30;
	[smem:$0x7E5] =	sst s11  }
0x3b: {  	s16 =	sadd.s32 s16, s30;
	[smem:$0x7E6] =	sst s15  }
0x3c: {  	s4 =	sadd.s32 s4, s30;
	[smem:$0x7E7] =	sst s16  }
0x3d: {  	s17 =	sadd.s32 s17, s30;
	[smem:$0x7F9] =	sst s4  }
0x3e: {  	s20 =	sadd.s32 s20, s30;
	[smem:$0x7FA] =	sst s17  }
0x3f: {  	s21 =	sadd.s32 s21, s30;
	[smem:$0x7FB] =	sst s20  }
0x40: {  	s3 =	sadd.s32 s3, s30;
	[smem:$0x7FC] =	sst s21  }
0x41: {  	s0 =	stileid.u32;
	[smem:$0x7FD] =	sst s3  }
0x42: {  	s2 =	smul.u32 $0x18800, s0;
	s5 =	sadd.s32 s19, s30;
	s1 =	sld [smem:$0x7DD]  }
0x43: {  	s0 =	smul.u32 $0x3100, s0;
	s6 =	sadd.s32 s22, s30;
	[smem:$0x7E9] =	sst s5  }
0x44: {  	s14 =	sshrl.u32 s2, $0x3;
	s7 =	sadd.s32 s23, s30;
	[smem:$0x7EA] =	sst s6  }
0x45: {  	s2 =	sadd.s32 s28, s14;
	s8 =	sadd.s32 s24, s30;
	[smem:$0x7EB] =	sst s7  }
0x46: {  	s14 =	sadd.s32 s31, s14;
	s9 =	sadd.s32 s25, s30;
	[smem:$0x7EC] =	sst s8  }
0x47: {  	s31 =	sadd.s32 s0, s31;
	s10 =	sadd.s32 s29, s30;
	[smem:$0x7ED] =	sst s9  }
0x48: {  	s28 =	sadd.s32 s0, s28;
	s11 =	sadd.s32 s12, s30;
	[smem:$0x7EE] =	sst s10  }
0x49: {  	s25 =	sadd.s32 $0x64800, s13;
	s29 =	simm.s32 $0x800;
	[smem:$0x7EF] =	sst s11  }
0x4a: {  	s13 =	simm.s32 $0x3800;
	s12 =	sadd.s32 $0x31000, s14;
	s19 =	sld [smem:$0x7F4]  }
0x4b: {  	s15 =	sadd.s32 $0x31020, s14;
	s16 =	sadd.s32 $0x31040, s14;
	[dreg:$0x1c] =	wrdreg s2  }
0x4c: {  	s22 =	sadd.s32 $0x20, s2;
	s23 =	sadd.s32 $0x40, s2;
	[smem:$0x7F0] =	sst s12  }
0x4d: {  	s24 =	sadd.s32 $0x60, s2;
	s2 =	simm.s32 $0x100;
	[smem:$0x7F1] =	sst s15  }
0x4e: {  	s5 =	simm.s32 $0x300;
	s6 =	simm.s32 $0x700;
	[smem:$0x7F2] =	sst s16  }
0x4f: {  	s9 =	simm.s32 $0x1800;
	s11 =	simm.s32 $0x2800;
	[smem:$0x7F6] =	sst s22  }
0x50: {  	s7 =	simm.s32 $0x4;
	s8 =	simm.s32 $0x780;
	[smem:$0x7F7] =	sst s23  }
0x51: {  	s10 =	simm.s32 $0x4000;
	s0 =	sadd.s32 s1, s30;
	s1 =	sld [smem:$0x7DE]  }
0x52: {  	[smem:$0x7F8] =	sst s24;
	s12 =	simm.s32 $0x8;
	s15 =	simm.s32 $0x80  }
0x53: {  	s22 =	simm.s32 $0x3;
	s23 =	simm.s32 $0x680;
	s24 =	simm.s32 $0x3000  }
.Ltmp0:
0x54: {  	[dreg:$0x1e] =	wrdreg s0;
	s0 =	sadd.s32 s1, s30;
	(pc) =	sbr.rel .LBB2_1-.Ltmp0, $4  }
0x55: {  	s16 =	simm.s32 $0x0;
	s1 =	sadd.s32 s18, s30;
	[dreg:$0x1f] =	wrdreg s0  }
0x56: {  	s18 =	sadd.s32 $0x31060, s14;
	s14 =	simm.s32 $0x1;
	[smem:$0x7E8] =	sst s1  }
0x57: {  	[smem:$0x7F3] =	sst s18;
	s0 =	smax.u32 s19, $0x1;
	s18 =	simm.s32 $0x9  }
0x58: {  	v0 =	vimm.f32 $0.0e+00;
	s19 =	simm.s32 $0x2;
	[smem:$0x7F5] =	sst s0;
	s0 =	simm.s32 $0xA  }
.LBB2_6:
0x59: {  	[bflag:$0x0] =	sbarrier.arrive $0xFFFF  }
0x5a: {  	s1 =	rddreg [dreg:$0x1d]  }
0x5b: {  	[tilespmem:s29], [sflag:$0xA] =	stream.linear.gather [spmem:s1], $0x1000, $0x38;
	[tilespmem:$0x1D800] =	vst v63  }
0x5c: {  	_ =	swait.ge [sflag:s0], $0x1000  }
0x5d: {  	[sflag:s0] =	ssyncset.done $0x0  }
0x5e: {  	s3 =	rddreg [dreg:$0x3];
	[sflag:s0] =	ssyncadd.s32 $0xFFFFF000  }
0x5f: {  	[hbm4b:s3+s26] =	stream.linear.scatter [tilespmem:s29], [sflag:$0xA], $0x1000, $0x38;
	[tilespmem:$0x1D800] =	vst v63  }
0x60: {  	_ =	swait.ge [sflag:s0], $0x1000  }
0x61: {  	[sflag:s0] =	ssyncset.done $0x0  }
0x62: {  	s4 =	rddreg [dreg:$0x1e];
	[sflag:s0] =	ssyncadd.s32 $0xFFFFF000  }
0x63: {  	[tilespmem:s29], [sflag:$0xA] =	stream.linear.gather [spmem:s4], $0x1000, $0x38;
	[tilespmem:$0x1D800] =	vst v63  }
0x64: {  	_ =	swait.ge [sflag:s0], $0x1000  }
0x65: {  	[sflag:s0] =	ssyncset.done $0x0  }
0x66: {  	s16 =	rddreg [dreg:$0x4];
	[sflag:s0] =	ssyncadd.s32 $0xFFFFF000  }
0x67: {  	[hbm4b:s16+s26] =	stream.linear.scatter [tilespmem:s29], [sflag:$0xA], $0x1000, $0x38;
	[tilespmem:$0x1D800] =	vst v63  }
0x68: {  	_ =	swait.ge [sflag:s0], $0x1000  }
0x69: {  	[sflag:s0] =	ssyncset.done $0x0  }
0x6a: {  	s17 =	rddreg [dreg:$0x1f];
	[sflag:s0] =	ssyncadd.s32 $0xFFFFF000  }
0x6b: {  	[tilespmem:s29], [sflag:$0xA] =	stream.linear.gather [spmem:s17], $0x1000, $0x38;
	[tilespmem:$0x1D800] =	vst v63  }
0x6c: {  	_ =	swait.ge [sflag:s0], $0x1000  }
0x6d: {  	[sflag:s0] =	ssyncset.done $0x0  }
0x6e: {  	s20 =	rddreg [dreg:$0x5];
	[sflag:s0] =	ssyncadd.s32 $0xFFFFF000  }
0x6f: {  	[hbm4b:s20+s26] =	stream.linear.scatter [tilespmem:s29], [sflag:$0xA], $0x1000, $0x38;
	[tilespmem:$0x1D800] =	vst v63  }
0x70: {  	_ =	swait.ge [sflag:s0], $0x1000  }
0x71: {  	s4 =	sld [smem:$0x7F9]  }
0x72: {  	[sflag:s0] =	ssyncset.done $0x0  }
0x73: {  	[sflag:s0] =	ssyncadd.s32 $0xFFFFF000  }
0x74: {  	[tilespmem:s29], [sflag:$0xA] =	stream.linear.gather [spmem:s4], $0x1000, $0x38;
	[tilespmem:$0x1D800] =	vst v63  }
0x75: {  	_ =	swait.ge [sflag:s0], $0x1000  }
0x76: {  	[sflag:s0] =	ssyncset.done $0x0  }
0x77: {  	s21 =	rddreg [dreg:$0x6];
	[sflag:s0] =	ssyncadd.s32 $0xFFFFF000  }
0x78: {  	[hbm4b:s21+s26] =	stream.linear.scatter [tilespmem:s29], [sflag:$0xA], $0x1000, $0x38;
	[tilespmem:$0x1D800] =	vst v63  }
0x79: {  	_ =	swait.ge [sflag:s0], $0x1000  }
0x7a: {  	s3 =	sld [smem:$0x7DF]  }
0x7b: {  	[sflag:s0] =	ssyncset.done $0x0  }
0x7c: {  	[sflag:s0] =	ssyncadd.s32 $0xFFFFF000  }
0x7d: {  	[tilespmem:s29], [sflag:$0xA] =	stream.linear.gather [spmem:s3], $0x1000, $0x38;
	[tilespmem:$0x1D800] =	vst v63  }
0x7e: {  	_ =	swait.ge [sflag:s0], $0x1000  }
0x7f: {  	[sflag:s0] =	ssyncset.done $0x0  }
0x80: {  	s16 =	rddreg [dreg:$0x7];
	[sflag:s0] =	ssyncadd.s32 $0xFFFFF000  }
0x81: {  	[hbm4b:s16+s26] =	stream.linear.scatter [tilespmem:s29], [sflag:$0xA], $0x1000, $0x38;
	[tilespmem:$0x1D800] =	vst v63  }
0x82: {  	_ =	swait.ge [sflag:s0], $0x1000  }
0x83: {  	s17 =	sld [smem:$0x7E0]  }
0x84: {  	[sflag:s0] =	ssyncset.done $0x0  }
0x85: {  	[sflag:s0] =	ssyncadd.s32 $0xFFFFF000  }
0x86: {  	[tilespmem:s29], [sflag:$0xA] =	stream.linear.gather [spmem:s17], $0x1000, $0x38;
	[tilespmem:$0x1D800] =	vst v63  }
0x87: {  	_ =	swait.ge [sflag:s0], $0x1000  }
0x88: {  	[sflag:s0] =	ssyncset.done $0x0  }
0x89: {  	s20 =	rddreg [dreg:$0x8];
	[sflag:s0] =	ssyncadd.s32 $0xFFFFF000  }
0x8a: {  	[hbm4b:s20+s26] =	stream.linear.scatter [tilespmem:s29], [sflag:$0xA], $0x1000, $0x38;
	[tilespmem:$0x1D800] =	vst v63  }
0x8b: {  	_ =	swait.ge [sflag:s0], $0x1000  }
0x8c: {  	s21 =	sld [smem:$0x7E1]  }
0x8d: {  	[sflag:s0] =	ssyncset.done $0x0  }
0x8e: {  	[sflag:s0] =	ssyncadd.s32 $0xFFFFF000  }
0x8f: {  	[tilespmem:s29], [sflag:$0xA] =	stream.linear.gather [spmem:s21], $0x1000, $0x38;
	[tilespmem:$0x1D800] =	vst v63  }
0x90: {  	_ =	swait.ge [sflag:s0], $0x1000  }
0x91: {  	[sflag:s0] =	ssyncset.done $0x0  }
0x92: {  	s3 =	rddreg [dreg:$0x9];
	[sflag:s0] =	ssyncadd.s32 $0xFFFFF000  }
0x93: {  	[hbm4b:s3+s26] =	stream.linear.scatter [tilespmem:s29], [sflag:$0xA], $0x1000, $0x38;
	[tilespmem:$0x1D800] =	vst v63  }
0x94: {  	_ =	swait.ge [sflag:s0], $0x1000  }
0x95: {  	s16 =	sld [smem:$0x7E2]  }
0x96: {  	[sflag:s0] =	ssyncset.done $0x0  }
0x97: {  	[sflag:s0] =	ssyncadd.s32 $0xFFFFF000  }
0x98: {  	[tilespmem:s29], [sflag:$0xA] =	stream.linear.gather [spmem:s16], $0x1000, $0x38;
	[tilespmem:$0x1D800] =	vst v63  }
0x99: {  	_ =	swait.ge [sflag:s0], $0x1000  }
0x9a: {  	[sflag:s0] =	ssyncset.done $0x0  }
0x9b: {  	s17 =	rddreg [dreg:$0xa];
	[sflag:s0] =	ssyncadd.s32 $0xFFFFF000  }
0x9c: {  	[hbm4b:s17+s26] =	stream.linear.scatter [tilespmem:s29], [sflag:$0xA], $0x1000, $0x38;
	[tilespmem:$0x1D800] =	vst v63  }
0x9d: {  	_ =	swait.ge [sflag:s0], $0x1000  }
0x9e: {  	s20 =	sld [smem:$0x7E3]  }
0x9f: {  	[sflag:s0] =	ssyncset.done $0x0  }
0xa0: {  	[sflag:s0] =	ssyncadd.s32 $0xFFFFF000  }
0xa1: {  	[tilespmem:s29], [sflag:$0xA] =	stream.linear.gather [spmem:s20], $0x1000, $0x38;
	[tilespmem:$0x1D800] =	vst v63  }
0xa2: {  	_ =	swait.ge [sflag:s0], $0x1000  }
0xa3: {  	[sflag:s0] =	ssyncset.done $0x0  }
0xa4: {  	s21 =	rddreg [dreg:$0xb];
	[sflag:s0] =	ssyncadd.s32 $0xFFFFF000  }
0xa5: {  	[hbm4b:s21+s26] =	stream.linear.scatter [tilespmem:s29], [sflag:$0xA], $0x1000, $0x38;
	[tilespmem:$0x1D800] =	vst v63  }
0xa6: {  	_ =	swait.ge [sflag:s0], $0x1000  }
0xa7: {  	s3 =	sld [smem:$0x7E4]  }
0xa8: {  	[sflag:s0] =	ssyncset.done $0x0  }
0xa9: {  	[sflag:s0] =	ssyncadd.s32 $0xFFFFF000  }
0xaa: {  	[tilespmem:s29], [sflag:$0xA] =	stream.linear.gather [spmem:s3], $0x1000, $0x38;
	[tilespmem:$0x1D800] =	vst v63  }
0xab: {  	_ =	swait.ge [sflag:s0], $0x1000  }
0xac: {  	[sflag:s0] =	ssyncset.done $0x0  }
0xad: {  	s16 =	rddreg [dreg:$0xc];
	[sflag:s0] =	ssyncadd.s32 $0xFFFFF000  }
0xae: {  	[hbm4b:s16+s26] =	stream.linear.scatter [tilespmem:s29], [sflag:$0xA], $0x1000, $0x38;
	[tilespmem:$0x1D800] =	vst v63  }
0xaf: {  	_ =	swait.ge [sflag:s0], $0x1000  }
0xb0: {  	s17 =	sld [smem:$0x7E5]  }
0xb1: {  	[sflag:s0] =	ssyncset.done $0x0  }
0xb2: {  	[sflag:s0] =	ssyncadd.s32 $0xFFFFF000  }
0xb3: {  	[tilespmem:s29], [sflag:$0xA] =	stream.linear.gather [spmem:s17], $0x1000, $0x38;
	[tilespmem:$0x1D800] =	vst v63  }
0xb4: {  	_ =	swait.ge [sflag:s0], $0x1000  }
0xb5: {  	[sflag:s0] =	ssyncset.done $0x0  }
0xb6: {  	s20 =	rddreg [dreg:$0xd];
	[sflag:s0] =	ssyncadd.s32 $0xFFFFF000  }
0xb7: {  	[hbm4b:s20+s26] =	stream.linear.scatter [tilespmem:s29], [sflag:$0xA], $0x1000, $0x38;
	[tilespmem:$0x1D800] =	vst v63  }
0xb8: {  	_ =	swait.ge [sflag:s0], $0x1000  }
0xb9: {  	s21 =	sld [smem:$0x7E6]  }
0xba: {  	[sflag:s0] =	ssyncset.done $0x0  }
0xbb: {  	[sflag:s0] =	ssyncadd.s32 $0xFFFFF000  }
0xbc: {  	[tilespmem:s29], [sflag:$0xA] =	stream.linear.gather [spmem:s21], $0x1000, $0x38;
	[tilespmem:$0x1D800] =	vst v63  }
0xbd: {  	_ =	swait.ge [sflag:s0], $0x1000  }
0xbe: {  	[sflag:s0] =	ssyncset.done $0x0  }
0xbf: {  	s3 =	rddreg [dreg:$0xe];
	[sflag:s0] =	ssyncadd.s32 $0xFFFFF000  }
0xc0: {  	[hbm4b:s3+s26] =	stream.linear.scatter [tilespmem:s29], [sflag:$0xA], $0x1000, $0x38;
	[tilespmem:$0x1D800] =	vst v63  }
0xc1: {  	_ =	swait.ge [sflag:s0], $0x1000  }
0xc2: {  	s16 =	sld [smem:$0x7E7]  }
0xc3: {  	[sflag:s0] =	ssyncset.done $0x0  }
0xc4: {  	[sflag:s0] =	ssyncadd.s32 $0xFFFFF000  }
0xc5: {  	[tilespmem:s29], [sflag:$0xA] =	stream.linear.gather [spmem:s16], $0x1000, $0x38;
	[tilespmem:$0x1D800] =	vst v63  }
0xc6: {  	_ =	swait.ge [sflag:s0], $0x1000  }
0xc7: {  	[sflag:s0] =	ssyncset.done $0x0  }
0xc8: {  	s17 =	rddreg [dreg:$0xf];
	[sflag:s0] =	ssyncadd.s32 $0xFFFFF000  }
0xc9: {  	[hbm4b:s17+s26] =	stream.linear.scatter [tilespmem:s29], [sflag:$0xA], $0x1000, $0x38;
	[tilespmem:$0x1D800] =	vst v63  }
0xca: {  	_ =	swait.ge [sflag:s0], $0x1000  }
0xcb: {  	s17 =	sld [smem:$0x7FA]  }
0xcc: {  	[sflag:s0] =	ssyncset.done $0x0  }
0xcd: {  	[sflag:s0] =	ssyncadd.s32 $0xFFFFF000  }
0xce: {  	[tilespmem:s29], [sflag:$0xA] =	stream.linear.gather [spmem:s17], $0x1000, $0x38;
	[tilespmem:$0x1D800] =	vst v63  }
0xcf: {  	_ =	swait.ge [sflag:s0], $0x1000  }
0xd0: {  	[sflag:s0] =	ssyncset.done $0x0  }
0xd1: {  	s20 =	rddreg [dreg:$0x10];
	[sflag:s0] =	ssyncadd.s32 $0xFFFFF000  }
0xd2: {  	[hbm4b:s20+s26] =	stream.linear.scatter [tilespmem:s29], [sflag:$0xA], $0x1000, $0x38;
	[tilespmem:$0x1D800] =	vst v63  }
0xd3: {  	_ =	swait.ge [sflag:s0], $0x1000  }
0xd4: {  	s21 =	sld [smem:$0x7E8]  }
0xd5: {  	[sflag:s0] =	ssyncset.done $0x0  }
0xd6: {  	[sflag:s0] =	ssyncadd.s32 $0xFFFFF000  }
0xd7: {  	[tilespmem:s29], [sflag:$0xA] =	stream.linear.gather [spmem:s21], $0x1000, $0x38;
	[tilespmem:$0x1D800] =	vst v63  }
0xd8: {  	_ =	swait.ge [sflag:s0], $0x1000  }
0xd9: {  	[sflag:s0] =	ssyncset.done $0x0  }
0xda: {  	s3 =	rddreg [dreg:$0x11];
	[sflag:s0] =	ssyncadd.s32 $0xFFFFF000  }
0xdb: {  	[hbm4b:s3+s26] =	stream.linear.scatter [tilespmem:s29], [sflag:$0xA], $0x1000, $0x38;
	[tilespmem:$0x1D800] =	vst v63  }
0xdc: {  	_ =	swait.ge [sflag:s0], $0x1000  }
0xdd: {  	s16 =	sld [smem:$0x7E9]  }
0xde: {  	[sflag:s0] =	ssyncset.done $0x0  }
0xdf: {  	[sflag:s0] =	ssyncadd.s32 $0xFFFFF000  }
0xe0: {  	[tilespmem:s29], [sflag:$0xA] =	stream.linear.gather [spmem:s16], $0x1000, $0x38;
	[tilespmem:$0x1D800] =	vst v63  }
0xe1: {  	_ =	swait.ge [sflag:s0], $0x1000  }
0xe2: {  	[sflag:s0] =	ssyncset.done $0x0  }
0xe3: {  	s20 =	rddreg [dreg:$0x12];
	[sflag:s0] =	ssyncadd.s32 $0xFFFFF000  }
0xe4: {  	[hbm4b:s20+s26] =	stream.linear.scatter [tilespmem:s29], [sflag:$0xA], $0x1000, $0x38;
	[tilespmem:$0x1D800] =	vst v63  }
0xe5: {  	_ =	swait.ge [sflag:s0], $0x1000  }
0xe6: {  	s20 =	sld [smem:$0x7FB]  }
0xe7: {  	[sflag:s0] =	ssyncset.done $0x0  }
0xe8: {  	[sflag:s0] =	ssyncadd.s32 $0xFFFFF000  }
0xe9: {  	[tilespmem:s29], [sflag:$0xA] =	stream.linear.gather [spmem:s20], $0x1000, $0x38;
	[tilespmem:$0x1D800] =	vst v63  }
0xea: {  	_ =	swait.ge [sflag:s0], $0x1000  }
0xeb: {  	[sflag:s0] =	ssyncset.done $0x0  }
0xec: {  	s21 =	rddreg [dreg:$0x13];
	[sflag:s0] =	ssyncadd.s32 $0xFFFFF000  }
0xed: {  	[hbm4b:s21+s26] =	stream.linear.scatter [tilespmem:s29], [sflag:$0xA], $0x1000, $0x38;
	[tilespmem:$0x1D800] =	vst v63  }
0xee: {  	_ =	swait.ge [sflag:s0], $0x1000  }
0xef: {  	s21 =	sld [smem:$0x7FC]  }
0xf0: {  	[sflag:s0] =	ssyncset.done $0x0  }
0xf1: {  	[sflag:s0] =	ssyncadd.s32 $0xFFFFF000  }
0xf2: {  	[tilespmem:s29], [sflag:$0xA] =	stream.linear.gather [spmem:s21], $0x1000, $0x38;
	[tilespmem:$0x1D800] =	vst v63  }
0xf3: {  	_ =	swait.ge [sflag:s0], $0x1000  }
0xf4: {  	[sflag:s0] =	ssyncset.done $0x0  }
0xf5: {  	s3 =	rddreg [dreg:$0x14];
	[sflag:s0] =	ssyncadd.s32 $0xFFFFF000  }
0xf6: {  	[hbm4b:s3+s26] =	stream.linear.scatter [tilespmem:s29], [sflag:$0xA], $0x1000, $0x38;
	[tilespmem:$0x1D800] =	vst v63  }
0xf7: {  	_ =	swait.ge [sflag:s0], $0x1000  }
0xf8: {  	s16 =	sld [smem:$0x7EA]  }
0xf9: {  	[sflag:s0] =	ssyncset.done $0x0  }
0xfa: {  	[sflag:s0] =	ssyncadd.s32 $0xFFFFF000  }
0xfb: {  	[tilespmem:s29], [sflag:$0xA] =	stream.linear.gather [spmem:s16], $0x1000, $0x38;
	[tilespmem:$0x1D800] =	vst v63  }
0xfc: {  	_ =	swait.ge [sflag:s0], $0x1000  }
0xfd: {  	[sflag:s0] =	ssyncset.done $0x0  }
0xfe: {  	s3 =	rddreg [dreg:$0x15];
	[sflag:s0] =	ssyncadd.s32 $0xFFFFF000  }
0xff: {  	[hbm4b:s3+s26] =	stream.linear.scatter [tilespmem:s29], [sflag:$0xA], $0x1000, $0x38;
	[tilespmem:$0x1D800] =	vst v63  }
0x100: {  	_ =	swait.ge [sflag:s0], $0x1000  }
0x101: {  	s16 =	sld [smem:$0x7EB]  }
0x102: {  	[sflag:s0] =	ssyncset.done $0x0  }
0x103: {  	[sflag:s0] =	ssyncadd.s32 $0xFFFFF000  }
0x104: {  	[tilespmem:s29], [sflag:$0xA] =	stream.linear.gather [spmem:s16], $0x1000, $0x38;
	[tilespmem:$0x1D800] =	vst v63  }
0x105: {  	_ =	swait.ge [sflag:s0], $0x1000  }
0x106: {  	[sflag:s0] =	ssyncset.done $0x0  }
0x107: {  	s3 =	rddreg [dreg:$0x16];
	[sflag:s0] =	ssyncadd.s32 $0xFFFFF000  }
0x108: {  	[hbm4b:s3+s26] =	stream.linear.scatter [tilespmem:s29], [sflag:$0xA], $0x1000, $0x38;
	[tilespmem:$0x1D800] =	vst v63  }
0x109: {  	_ =	swait.ge [sflag:s0], $0x1000  }
0x10a: {  	s16 =	sld [smem:$0x7EC]  }
0x10b: {  	[sflag:s0] =	ssyncset.done $0x0  }
0x10c: {  	[sflag:s0] =	ssyncadd.s32 $0xFFFFF000  }
0x10d: {  	[tilespmem:s29], [sflag:$0xA] =	stream.linear.gather [spmem:s16], $0x1000, $0x38;
	[tilespmem:$0x1D800] =	vst v63  }
0x10e: {  	_ =	swait.ge [sflag:s0], $0x1000  }
0x10f: {  	[sflag:s0] =	ssyncset.done $0x0  }
0x110: {  	s3 =	rddreg [dreg:$0x17];
	[sflag:s0] =	ssyncadd.s32 $0xFFFFF000  }
0x111: {  	[hbm4b:s3+s26] =	stream.linear.scatter [tilespmem:s29], [sflag:$0xA], $0x1000, $0x38;
	[tilespmem:$0x1D800] =	vst v63  }
0x112: {  	_ =	swait.ge [sflag:s0], $0x1000  }
0x113: {  	s16 =	sld [smem:$0x7ED]  }
0x114: {  	[sflag:s0] =	ssyncset.done $0x0  }
0x115: {  	[sflag:s0] =	ssyncadd.s32 $0xFFFFF000  }
0x116: {  	[tilespmem:s29], [sflag:$0xA] =	stream.linear.gather [spmem:s16], $0x1000, $0x38;
	[tilespmem:$0x1D800] =	vst v63  }
0x117: {  	_ =	swait.ge [sflag:s0], $0x1000  }
0x118: {  	[sflag:s0] =	ssyncset.done $0x0  }
0x119: {  	s3 =	rddreg [dreg:$0x18];
	[sflag:s0] =	ssyncadd.s32 $0xFFFFF000  }
0x11a: {  	[hbm4b:s3+s26] =	stream.linear.scatter [tilespmem:s29], [sflag:$0xA], $0x1000, $0x38;
	[tilespmem:$0x1D800] =	vst v63  }
0x11b: {  	_ =	swait.ge [sflag:s0], $0x1000  }
0x11c: {  	s16 =	sld [smem:$0x7EE]  }
0x11d: {  	[sflag:s0] =	ssyncset.done $0x0  }
0x11e: {  	[sflag:s0] =	ssyncadd.s32 $0xFFFFF000  }
0x11f: {  	[tilespmem:s29], [sflag:$0xA] =	stream.linear.gather [spmem:s16], $0x1000, $0x38;
	[tilespmem:$0x1D800] =	vst v63  }
0x120: {  	_ =	swait.ge [sflag:s0], $0x1000  }
0x121: {  	[sflag:s0] =	ssyncset.done $0x0  }
0x122: {  	s3 =	rddreg [dreg:$0x19];
	[sflag:s0] =	ssyncadd.s32 $0xFFFFF000  }
0x123: {  	[hbm4b:s3+s26] =	stream.linear.scatter [tilespmem:s29], [sflag:$0xA], $0x1000, $0x38;
	[tilespmem:$0x1D800] =	vst v63  }
0x124: {  	_ =	swait.ge [sflag:s0], $0x1000  }
0x125: {  	s3 =	sld [smem:$0x7FD]  }
0x126: {  	[sflag:s0] =	ssyncset.done $0x0  }
0x127: {  	[sflag:s0] =	ssyncadd.s32 $0xFFFFF000  }
0x128: {  	[tilespmem:s29], [sflag:$0xA] =	stream.linear.gather [spmem:s3], $0x1000, $0x38;
	[tilespmem:$0x1D800] =	vst v63  }
0x129: {  	_ =	swait.ge [sflag:s0], $0x1000  }
0x12a: {  	[sflag:s0] =	ssyncset.done $0x0  }
0x12b: {  	s16 =	rddreg [dreg:$0x1a];
	[sflag:s0] =	ssyncadd.s32 $0xFFFFF000  }
0x12c: {  	[hbm4b:s16+s26] =	stream.linear.scatter [tilespmem:s29], [sflag:$0xA], $0x1000, $0x38;
	[tilespmem:$0x1D800] =	vst v63  }
0x12d: {  	_ =	swait.ge [sflag:s0], $0x1000  }
0x12e: {  	s16 =	sld [smem:$0x7EF]  }
0x12f: {  	[sflag:s0] =	ssyncset.done $0x0  }
0x130: {  	[sflag:s0] =	ssyncadd.s32 $0xFFFFF000  }
0x131: {  	[tilespmem:s29], [sflag:$0xA] =	stream.linear.gather [spmem:s16], $0x1000, $0x38;
	[tilespmem:$0x1D800] =	vst v63  }
0x132: {  	_ =	swait.ge [sflag:s0], $0x1000  }
0x133: {  	[sflag:s0] =	ssyncset.done $0x0  }
0x134: {  	s16 =	rddreg [dreg:$0x1b];
	[sflag:s0] =	ssyncadd.s32 $0xFFFFF000  }
0x135: {  	[hbm4b:s16+s26] =	stream.linear.scatter [tilespmem:s29], [sflag:$0xA], $0x1000, $0x38;
	[tilespmem:$0x1D800] =	vst v63  }
0x136: {  	_ =	swait.ge [sflag:s0], $0x1000  }
0x137: {  	s16 =	sld [smem:$0x7DC]  }
0x138: {  	s1 =	sld [smem:$0x7F5];
	_ =	sdelay $0x1  }
0x139: {  	s16 =	sadd.s32 $0x1, s16  }
0x13a: {  	p0 =	sne.s32 s16, s1  }
.Ltmp1:
0x13b: {  	_ = 	snop;
	(pc) =	sbr.rel @!p0 .LBB2_7-.Ltmp1, $3  }
0x13c: {  	_ =	sdelay $0x1  }
0x13d: {  	[sflag:s0] =	ssyncset.done $0x0  }
0x13e: {  	[sflag:s0] =	ssyncadd.s32 $0xFFFFF000  }
.LBB2_1:
0x13f: {  	[smem:$0x7DC] =	sst s16;
	s16 =	simm.s32 $0x40;
	s1 =	simm.s32 $0x0  }
.LBB2_2:
0x140: {  	p0 =	sne.s32 s16, $0x3FC0;
	[tilespmem:s1+$0x800] =	vst v0;
	s1 =	smov.u32 s16;
	s16 =	sadd.s32 $0x40, s16  }
.Ltmp2:
0x141: {  	(pc) =	sbr.rel @p0 .LBB2_2-.Ltmp2, $2  }
0x142: {  	_ =	sdelay $0x2  }
0x143: {  	s1 =	sshra.s32 s1, $0x2  }
0x144: {  	[tilespmem:s1+$0x800] =	vst v0;
	s16 =	rddreg [dreg:$0x1d]  }
0x145: {  	[spmem:s16] =	stream.linear.scatter [tilespmem:s29], [sflag:$0xA], $0x1000, $0x38;
	[tilespmem:$0x1D800] =	vst v63  }
0x146: {  	_ =	swait.ge [sflag:s0], $0x1000  }
0x147: {  	[sflag:s0] =	ssyncset.done $0x0  }
0x148: {  	s16 =	rddreg [dreg:$0x1e];
	[sflag:s0] =	ssyncadd.s32 $0xFFFFF000  }
0x149: {  	[spmem:s16] =	stream.linear.scatter [tilespmem:s29], [sflag:$0xA], $0x1000, $0x38;
	[tilespmem:$0x1D800] =	vst v63  }
0x14a: {  	_ =	swait.ge [sflag:s0], $0x1000  }
0x14b: {  	[sflag:s0] =	ssyncset.done $0x0  }
0x14c: {  	s16 =	rddreg [dreg:$0x1f];
	[sflag:s0] =	ssyncadd.s32 $0xFFFFF000  }
0x14d: {  	[spmem:s16] =	stream.linear.scatter [tilespmem:s29], [sflag:$0xA], $0x1000, $0x38;
	[tilespmem:$0x1D800] =	vst v63  }
0x14e: {  	_ =	swait.ge [sflag:s0], $0x1000  }
0x14f: {  	[sflag:s0] =	ssyncset.done $0x0  }
0x150: {  	[sflag:s0] =	ssyncadd.s32 $0xFFFFF000  }
0x151: {  	[spmem:s4] =	stream.linear.scatter [tilespmem:s29], [sflag:$0xA], $0x1000, $0x38;
	[tilespmem:$0x1D800] =	vst v63  }
0x152: {  	_ =	swait.ge [sflag:s0], $0x1000  }
0x153: {  	s4 =	sld [smem:$0x7DF]  }
0x154: {  	[sflag:s0] =	ssyncset.done $0x0  }
0x155: {  	[sflag:s0] =	ssyncadd.s32 $0xFFFFF000  }
0x156: {  	[spmem:s4] =	stream.linear.scatter [tilespmem:s29], [sflag:$0xA], $0x1000, $0x38;
	[tilespmem:$0x1D800] =	vst v63  }
0x157: {  	_ =	swait.ge [sflag:s0], $0x1000  }
0x158: {  	s16 =	sld [smem:$0x7E0]  }
0x159: {  	[sflag:s0] =	ssyncset.done $0x0  }
0x15a: {  	[sflag:s0] =	ssyncadd.s32 $0xFFFFF000  }
0x15b: {  	[spmem:s16] =	stream.linear.scatter [tilespmem:s29], [sflag:$0xA], $0x1000, $0x38;
	[tilespmem:$0x1D800] =	vst v63  }
0x15c: {  	_ =	swait.ge [sflag:s0], $0x1000  }
0x15d: {  	s4 =	sld [smem:$0x7E1]  }
0x15e: {  	[sflag:s0] =	ssyncset.done $0x0  }
0x15f: {  	[sflag:s0] =	ssyncadd.s32 $0xFFFFF000  }
0x160: {  	[spmem:s4] =	stream.linear.scatter [tilespmem:s29], [sflag:$0xA], $0x1000, $0x38;
	[tilespmem:$0x1D800] =	vst v63  }
0x161: {  	_ =	swait.ge [sflag:s0], $0x1000  }
0x162: {  	s16 =	sld [smem:$0x7E2]  }
0x163: {  	[sflag:s0] =	ssyncset.done $0x0  }
0x164: {  	[sflag:s0] =	ssyncadd.s32 $0xFFFFF000  }
0x165: {  	[spmem:s16] =	stream.linear.scatter [tilespmem:s29], [sflag:$0xA], $0x1000, $0x38;
	[tilespmem:$0x1D800] =	vst v63  }
0x166: {  	_ =	swait.ge [sflag:s0], $0x1000  }
0x167: {  	s4 =	sld [smem:$0x7E3]  }
0x168: {  	[sflag:s0] =	ssyncset.done $0x0  }
0x169: {  	[sflag:s0] =	ssyncadd.s32 $0xFFFFF000  }
0x16a: {  	[spmem:s4] =	stream.linear.scatter [tilespmem:s29], [sflag:$0xA], $0x1000, $0x38;
	[tilespmem:$0x1D800] =	vst v63  }
0x16b: {  	_ =	swait.ge [sflag:s0], $0x1000  }
0x16c: {  	s16 =	sld [smem:$0x7E4]  }
0x16d: {  	[sflag:s0] =	ssyncset.done $0x0  }
0x16e: {  	[sflag:s0] =	ssyncadd.s32 $0xFFFFF000  }
0x16f: {  	[spmem:s16] =	stream.linear.scatter [tilespmem:s29], [sflag:$0xA], $0x1000, $0x38;
	[tilespmem:$0x1D800] =	vst v63  }
0x170: {  	_ =	swait.ge [sflag:s0], $0x1000  }
0x171: {  	s4 =	sld [smem:$0x7E5]  }
0x172: {  	[sflag:s0] =	ssyncset.done $0x0  }
0x173: {  	[sflag:s0] =	ssyncadd.s32 $0xFFFFF000  }
0x174: {  	[spmem:s4] =	stream.linear.scatter [tilespmem:s29], [sflag:$0xA], $0x1000, $0x38;
	[tilespmem:$0x1D800] =	vst v63  }
0x175: {  	_ =	swait.ge [sflag:s0], $0x1000  }
0x176: {  	s16 =	sld [smem:$0x7E6]  }
0x177: {  	[sflag:s0] =	ssyncset.done $0x0  }
0x178: {  	[sflag:s0] =	ssyncadd.s32 $0xFFFFF000  }
0x179: {  	[spmem:s16] =	stream.linear.scatter [tilespmem:s29], [sflag:$0xA], $0x1000, $0x38;
	[tilespmem:$0x1D800] =	vst v63  }
0x17a: {  	_ =	swait.ge [sflag:s0], $0x1000  }
0x17b: {  	s4 =	sld [smem:$0x7E7]  }
0x17c: {  	[sflag:s0] =	ssyncset.done $0x0  }
0x17d: {  	[sflag:s0] =	ssyncadd.s32 $0xFFFFF000  }
0x17e: {  	[spmem:s4] =	stream.linear.scatter [tilespmem:s29], [sflag:$0xA], $0x1000, $0x38;
	[tilespmem:$0x1D800] =	vst v63  }
0x17f: {  	_ =	swait.ge [sflag:s0], $0x1000  }
0x180: {  	[sflag:s0] =	ssyncset.done $0x0  }
0x181: {  	[sflag:s0] =	ssyncadd.s32 $0xFFFFF000  }
0x182: {  	[spmem:s17] =	stream.linear.scatter [tilespmem:s29], [sflag:$0xA], $0x1000, $0x38;
	[tilespmem:$0x1D800] =	vst v63  }
0x183: {  	_ =	swait.ge [sflag:s0], $0x1000  }
0x184: {  	s16 =	sld [smem:$0x7E8]  }
0x185: {  	[sflag:s0] =	ssyncset.done $0x0  }
0x186: {  	[sflag:s0] =	ssyncadd.s32 $0xFFFFF000  }
0x187: {  	[spmem:s16] =	stream.linear.scatter [tilespmem:s29], [sflag:$0xA], $0x1000, $0x38;
	[tilespmem:$0x1D800] =	vst v63  }
0x188: {  	_ =	swait.ge [sflag:s0], $0x1000  }
0x189: {  	s17 =	sld [smem:$0x7E9]  }
0x18a: {  	[sflag:s0] =	ssyncset.done $0x0  }
0x18b: {  	[sflag:s0] =	ssyncadd.s32 $0xFFFFF000  }
0x18c: {  	[spmem:s17] =	stream.linear.scatter [tilespmem:s29], [sflag:$0xA], $0x1000, $0x38;
	[tilespmem:$0x1D800] =	vst v63  }
0x18d: {  	_ =	swait.ge [sflag:s0], $0x1000  }
0x18e: {  	[sflag:s0] =	ssyncset.done $0x0  }
0x18f: {  	[sflag:s0] =	ssyncadd.s32 $0xFFFFF000  }
0x190: {  	[spmem:s20] =	stream.linear.scatter [tilespmem:s29], [sflag:$0xA], $0x1000, $0x38;
	[tilespmem:$0x1D800] =	vst v63  }
0x191: {  	_ =	swait.ge [sflag:s0], $0x1000  }
0x192: {  	[sflag:s0] =	ssyncset.done $0x0  }
0x193: {  	[sflag:s0] =	ssyncadd.s32 $0xFFFFF000  }
0x194: {  	[spmem:s21] =	stream.linear.scatter [tilespmem:s29], [sflag:$0xA], $0x1000, $0x38;
	[tilespmem:$0x1D800] =	vst v63  }
0x195: {  	_ =	swait.ge [sflag:s0], $0x1000  }
0x196: {  	s20 =	sld [smem:$0x7EA]  }
0x197: {  	[sflag:s0] =	ssyncset.done $0x0  }
0x198: {  	[sflag:s0] =	ssyncadd.s32 $0xFFFFF000  }
0x199: {  	[spmem:s20] =	stream.linear.scatter [tilespmem:s29], [sflag:$0xA], $0x1000, $0x38;
	[tilespmem:$0x1D800] =	vst v63  }
0x19a: {  	_ =	swait.ge [sflag:s0], $0x1000  }
0x19b: {  	s21 =	sld [smem:$0x7EB]  }
0x19c: {  	[sflag:s0] =	ssyncset.done $0x0  }
0x19d: {  	[sflag:s0] =	ssyncadd.s32 $0xFFFFF000  }
0x19e: {  	[spmem:s21] =	stream.linear.scatter [tilespmem:s29], [sflag:$0xA], $0x1000, $0x38;
	[tilespmem:$0x1D800] =	vst v63  }
0x19f: {  	_ =	swait.ge [sflag:s0], $0x1000  }
0x1a0: {  	s4 =	sld [smem:$0x7EC]  }
0x1a1: {  	[sflag:s0] =	ssyncset.done $0x0  }
0x1a2: {  	[sflag:s0] =	ssyncadd.s32 $0xFFFFF000  }
0x1a3: {  	[spmem:s4] =	stream.linear.scatter [tilespmem:s29], [sflag:$0xA], $0x1000, $0x38;
	[tilespmem:$0x1D800] =	vst v63  }
0x1a4: {  	_ =	swait.ge [sflag:s0], $0x1000  }
0x1a5: {  	s16 =	sld [smem:$0x7ED]  }
0x1a6: {  	[sflag:s0] =	ssyncset.done $0x0  }
0x1a7: {  	[sflag:s0] =	ssyncadd.s32 $0xFFFFF000  }
0x1a8: {  	[spmem:s16] =	stream.linear.scatter [tilespmem:s29], [sflag:$0xA], $0x1000, $0x38;
	[tilespmem:$0x1D800] =	vst v63  }
0x1a9: {  	_ =	swait.ge [sflag:s0], $0x1000  }
0x1aa: {  	s17 =	sld [smem:$0x7EE]  }
0x1ab: {  	[sflag:s0] =	ssyncset.done $0x0  }
0x1ac: {  	[sflag:s0] =	ssyncadd.s32 $0xFFFFF000  }
0x1ad: {  	[spmem:s17] =	stream.linear.scatter [tilespmem:s29], [sflag:$0xA], $0x1000, $0x38;
	[tilespmem:$0x1D800] =	vst v63  }
0x1ae: {  	_ =	swait.ge [sflag:s0], $0x1000  }
0x1af: {  	[sflag:s0] =	ssyncset.done $0x0  }
0x1b0: {  	[sflag:s0] =	ssyncadd.s32 $0xFFFFF000  }
0x1b1: {  	[spmem:s3] =	stream.linear.scatter [tilespmem:s29], [sflag:$0xA], $0x1000, $0x38;
	[tilespmem:$0x1D800] =	vst v63  }
0x1b2: {  	_ =	swait.ge [sflag:s0], $0x1000  }
0x1b3: {  	s20 =	sld [smem:$0x7EF]  }
0x1b4: {  	[sflag:s0] =	ssyncset.done $0x0  }
0x1b5: {  	[sflag:s0] =	ssyncadd.s32 $0xFFFFF000  }
0x1b6: {  	[spmem:s20] =	stream.linear.scatter [tilespmem:s29], [sflag:$0xA], $0x1000, $0x38;
	[tilespmem:$0x1D800] =	vst v63  }
0x1b7: {  	_ =	swait.ge [sflag:s0], $0x1000  }
0x1b8: {  	[sflag:s0] =	ssyncset.done $0x0  }
0x1b9: {  	[sflag:s0] =	ssyncadd.s32 $0xFFFFF000  }
0x1ba: {  	[bflag:$0x0] =	sbarrier.arrive $0xFFFF  }
0x1bb: {  	s21 =	rddreg [dreg:$0x1c]  }
0x1bc: {  	s16 =	simm.s32 $0x0;
	s3 =	sld [smem:$0x7F0]  }
0x1bd: {  	[tilespmem:s16], [sflag:$0x5] =	stream.linear.gather [hbm4b:s21+s16], $0x100, $0x38;
	[tilespmem:$0x1D800] =	vst v63  }
0x1be: {  	s4 =	simm.s32 $0x400;
	s17 =	sld [smem:$0x7F6]  }
0x1bf: {  	[tilespmem:s4], [sflag:$0x5] =	stream.linear.gather [hbm4b:s3+s16], $0x100, $0x38;
	[tilespmem:$0x1D800] =	vst v63  }
0x1c0: {  	s20 =	sld [smem:$0x7F1]  }
0x1c1: {  	[tilespmem:s2], [sflag:$0x6] =	stream.linear.gather [hbm4b:s17+s16], $0x100, $0x38;
	[tilespmem:$0x1D800] =	vst v63  }
0x1c2: {  	s21 =	simm.s32 $0x500;
	s4 =	sld [smem:$0x7F7]  }
0x1c3: {  	[tilespmem:s21], [sflag:$0x6] =	stream.linear.gather [hbm4b:s20+s16], $0x100, $0x38;
	[tilespmem:$0x1D800] =	vst v63  }
0x1c4: {  	s3 =	simm.s32 $0x200;
	s17 =	sld [smem:$0x7F2]  }
0x1c5: {  	[tilespmem:s3], [sflag:$0x7] =	stream.linear.gather [hbm4b:s4+s16], $0x100, $0x38;
	[tilespmem:$0x1D800] =	vst v63  }
0x1c6: {  	s20 =	simm.s32 $0x600;
	s21 =	sld [smem:$0x7F8]  }
0x1c7: {  	[tilespmem:s20], [sflag:$0x7] =	stream.linear.gather [hbm4b:s17+s16], $0x100, $0x38;
	[tilespmem:$0x1D800] =	vst v63  }
0x1c8: {  	s4 =	sld [smem:$0x7F3]  }
0x1c9: {  	[tilespmem:s5], [sflag:$0x8] =	stream.linear.gather [hbm4b:s21+s16], $0x100, $0x38;
	[tilespmem:$0x1D800] =	vst v63  }
0x1ca: {  	s17 =	simm.s32 $0x5  }
0x1cb: {  	[tilespmem:s6], [sflag:$0x8] =	stream.linear.gather [hbm4b:s4+s16], $0x100, $0x38;
	[tilespmem:$0x1D800] =	vst v63  }
0x1cc: {  	_ =	swait.ge [sflag:s17], $0x100  }
0x1cd: {  	[sflag:s17] =	ssyncset.done $0x0  }
0x1ce: {  	[sflag:s17] =	ssyncadd.s32 $0xFFFFFF00  }
0x1cf: {  	_ =	swait.ge [sflag:s17], $0x100  }
0x1d0: {  	[sflag:s17] =	ssyncset.done $0x0  }
0x1d1: {  	s20 =	simm.s32 $0x6;
	[sflag:s17] =	ssyncadd.s32 $0xFFFFFF00  }
0x1d2: {  	[tilespmem:s29], [sflag:$0x1] =	stream.indirect.gather [hbm4b:s25+s2], $0x10, s16, s2, $0xb8;
	[tilespmem:$0x1D800] =	vst v63  }
0x1d3: {  	_ =	swait.ge [sflag:s20], $0x100  }
0x1d4: {  	[sflag:s20] =	ssyncset.done $0x0  }
0x1d5: {  	[sflag:s20] =	ssyncadd.s32 $0xFFFFFF00  }
0x1d6: {  	_ =	swait.ge [sflag:s20], $0x100  }
0x1d7: {  	[sflag:s20] =	ssyncset.done $0x0  }
0x1d8: {  	s21 =	simm.s32 $0x7;
	[sflag:s20] =	ssyncadd.s32 $0xFFFFFF00  }
0x1d9: {  	[tilespmem:s9], [sflag:$0x2] =	stream.indirect.gather [hbm4b:s25+s2], $0x10, s2, s2, $0xb8;
	[tilespmem:$0x1D800] =	vst v63  }
0x1da: {  	_ =	swait.ge [sflag:s21], $0x100  }
0x1db: {  	[sflag:s21] =	ssyncset.done $0x0  }
0x1dc: {  	[sflag:s21] =	ssyncadd.s32 $0xFFFFFF00  }
0x1dd: {  	_ =	swait.ge [sflag:s21], $0x100  }
0x1de: {  	[sflag:s21] =	ssyncset.done $0x0  }
0x1df: {  	[sflag:s21] =	ssyncadd.s32 $0xFFFFFF00  }
0x1e0: {  	[tilespmem:s11], [sflag:$0x3] =	stream.indirect.gather [hbm4b:s25+s2], $0x10, s3, s2, $0xb8;
	[tilespmem:$0x1D800] =	vst v63  }
0x1e1: {  	_ =	swait.ge [sflag:s12], $0x100  }
0x1e2: {  	[sflag:s12] =	ssyncset.done $0x0  }
0x1e3: {  	[sflag:s12] =	ssyncadd.s32 $0xFFFFFF00  }
0x1e4: {  	_ =	swait.ge [sflag:s12], $0x100  }
0x1e5: {  	[sflag:s12] =	ssyncset.done $0x0  }
0x1e6: {  	[sflag:s12] =	ssyncadd.s32 $0xFFFFFF00  }
0x1e7: {  	[tilespmem:s13], [sflag:$0x4] =	stream.indirect.gather [hbm4b:s25+s2], $0x10, s5, s2, $0xb8;
	[tilespmem:$0x1D800] =	vst v63  }
.LBB2_4:
0x1e8: {  	_ =	swait.ge [sflag:s14], $0x1000  }
0x1e9: {  	[sflag:s14] =	ssyncset.done $0x0  }
0x1ea: {  	s1 =	simm.s32 $0x400;
	[sflag:s14] =	ssyncadd.s32 $0xFFFFF000  }
0x1eb: {  	[spmem:s30] =	stream.indirect.scatter.add.f32 [tilespmem:s29], [sflag:$0x9], $0x10, s1, s15, $0xb8;
	[tilespmem:$0x1D800] =	vst v63  }
0x1ec: {  	s20 =	simm.s32 $0x480;
	s3 =	simm.s32 $0x1000  }
0x1ed: {  	[spmem:s30] =	stream.indirect.scatter.add.f32 [tilespmem:s3], [sflag:$0x9], $0x10, s20, s15, $0xb8;
	[tilespmem:$0x1D800] =	vst v63  }
0x1ee: {  	_ =	swait.ge [sflag:s18], $0x800  }
0x1ef: {  	[sflag:s18] =	ssyncset.done $0x0  }
0x1f0: {  	[sflag:s18] =	ssyncadd.s32 $0xFFFFF800  }
0x1f1: {  	p0 =	seq.s32 s16, $0x3080;
	_ =	swait.ge [sflag:s18], $0x800  }
0x1f2: {  	s1 =	sadd.s32 @!p0 s16, s28;
	[sflag:s18] =	ssyncset.done $0x0  }
0x1f3: {  	s17 =	sadd.s32 @!p0 $0x80, s1;
	s3 =	simm.s32 @!p0 $0x0;
	[sflag:s18] =	ssyncadd.s32 $0xFFFFF800  }
0x1f4: {  	[tilespmem:s3], [sflag:$0x5] =	stream.linear.gather @!p0 [hbm4b:s17+s3], $0x100, $0x38;
	[tilespmem:$0x1D800] =	vst v63  }
0x1f5: {  	s17 =	sadd.s32 @!p0 s16, s31  }
0x1f6: {  	s20 =	simm.s32 @!p0 $0x400;
	s4 =	sadd.s32 @!p0 $0x31080, s17  }
0x1f7: {  	[tilespmem:s20], [sflag:$0x5] =	stream.linear.gather @!p0 [hbm4b:s4+s3], $0x100, $0x38;
	[tilespmem:$0x1D800] =	vst v63  }
0x1f8: {  	s4 =	simm.s32 @!p0 $0x5  }
0x1f9: {  	_ =	swait.ge @!p0 [sflag:s4], $0x100  }
0x1fa: {  	[sflag:s4] =	ssyncset.done @!p0 $0x0  }
0x1fb: {  	[sflag:s4] =	ssyncadd.s32 @!p0 $0xFFFFFF00  }
0x1fc: {  	_ =	swait.ge @!p0 [sflag:s4], $0x100  }
0x1fd: {  	[sflag:s4] =	ssyncset.done @!p0 $0x0  }
0x1fe: {  	s20 =	simm.s32 @!p0 $0x800;
	[sflag:s4] =	ssyncadd.s32 @!p0 $0xFFFFFF00;
	s4 =	simm.s32 @!p0 $0x100  }
0x1ff: {  	[tilespmem:s20], [sflag:$0x1] =	stream.indirect.gather @!p0 [hbm4b:s25+s4], $0x10, s3, s4, $0xb8;
	[tilespmem:$0x1D800] =	vst v63  }
0x200: {  	_ =	swait.ge [sflag:s19], $0x1000  }
0x201: {  	[sflag:s19] =	ssyncset.done $0x0  }
0x202: {  	s21 =	simm.s32 $0x500;
	[sflag:s19] =	ssyncadd.s32 $0xFFFFF000  }
0x203: {  	[spmem:s30] =	stream.indirect.scatter.add.f32 [tilespmem:s9], [sflag:$0x9], $0x10, s21, s15, $0xb8;
	[tilespmem:$0x1D800] =	vst v63  }
0x204: {  	s20 =	simm.s32 $0x580;
	s21 =	simm.s32 $0x2000  }
0x205: {  	[spmem:s30] =	stream.indirect.scatter.add.f32 [tilespmem:s21], [sflag:$0x9], $0x10, s20, s15, $0xb8;
	[tilespmem:$0x1D800] =	vst v63  }
0x206: {  	_ =	swait.ge [sflag:s18], $0x800  }
0x207: {  	[sflag:s18] =	ssyncset.done $0x0  }
0x208: {  	[sflag:s18] =	ssyncadd.s32 $0xFFFFF800  }
0x209: {  	_ =	swait.ge [sflag:s18], $0x800  }
0x20a: {  	[sflag:s18] =	ssyncset.done $0x0  }
0x20b: {  	s20 =	sadd.s32 @!p0 $0xA0, s1;
	[sflag:s18] =	ssyncadd.s32 $0xFFFFF800  }
0x20c: {  	[tilespmem:s4], [sflag:$0x6] =	stream.linear.gather @!p0 [hbm4b:s20+s3], $0x100, $0x38;
	[tilespmem:$0x1D800] =	vst v63  }
0x20d: {  	s21 =	simm.s32 @!p0 $0x500;
	s20 =	sadd.s32 @!p0 $0x310A0, s17  }
0x20e: {  	[tilespmem:s21], [sflag:$0x6] =	stream.linear.gather @!p0 [hbm4b:s20+s3], $0x100, $0x38;
	[tilespmem:$0x1D800] =	vst v63  }
0x20f: {  	s20 =	simm.s32 @!p0 $0x6  }
0x210: {  	_ =	swait.ge @!p0 [sflag:s20], $0x100  }
0x211: {  	[sflag:s20] =	ssyncset.done @!p0 $0x0  }
0x212: {  	[sflag:s20] =	ssyncadd.s32 @!p0 $0xFFFFFF00  }
0x213: {  	_ =	swait.ge @!p0 [sflag:s20], $0x100  }
0x214: {  	[sflag:s20] =	ssyncset.done @!p0 $0x0  }
0x215: {  	[sflag:s20] =	ssyncadd.s32 @!p0 $0xFFFFFF00;
	s20 =	simm.s32 @!p0 $0x1800  }
0x216: {  	[tilespmem:s20], [sflag:$0x2] =	stream.indirect.gather @!p0 [hbm4b:s25+s4], $0x10, s4, s4, $0xb8;
	[tilespmem:$0x1D800] =	vst v63  }
0x217: {  	_ =	swait.ge [sflag:s22], $0x1000  }
0x218: {  	[sflag:s22] =	ssyncset.done $0x0  }
0x219: {  	s21 =	simm.s32 $0x600;
	[sflag:s22] =	ssyncadd.s32 $0xFFFFF000  }
0x21a: {  	[spmem:s30] =	stream.indirect.scatter.add.f32 [tilespmem:s11], [sflag:$0x9], $0x10, s21, s15, $0xb8;
	[tilespmem:$0x1D800] =	vst v63  }
0x21b: {  	_ = 	snop  }
0x21c: {  	[spmem:s30] =	stream.indirect.scatter.add.f32 [tilespmem:s24], [sflag:$0x9], $0x10, s23, s15, $0xb8;
	[tilespmem:$0x1D800] =	vst v63  }
0x21d: {  	_ =	swait.ge [sflag:s18], $0x800  }
0x21e: {  	[sflag:s18] =	ssyncset.done $0x0  }
0x21f: {  	[sflag:s18] =	ssyncadd.s32 $0xFFFFF800  }
0x220: {  	_ =	swait.ge [sflag:s18], $0x800  }
0x221: {  	[sflag:s18] =	ssyncset.done $0x0  }
0x222: {  	s1 =	sadd.s32 @!p0 $0xC0, s1;
	s20 =	simm.s32 @!p0 $0x200;
	[sflag:s18] =	ssyncadd.s32 $0xFFFFF800  }
0x223: {  	[tilespmem:s20], [sflag:$0x7] =	stream.linear.gather @!p0 [hbm4b:s1+s3], $0x100, $0x38;
	[tilespmem:$0x1D800] =	vst v63  }
0x224: {  	s1 =	sadd.s32 @!p0 $0x310C0, s17;
	s17 =	simm.s32 @!p0 $0x600  }
0x225: {  	[tilespmem:s17], [sflag:$0x7] =	stream.linear.gather @!p0 [hbm4b:s1+s3], $0x100, $0x38;
	[tilespmem:$0x1D800] =	vst v63  }
0x226: {  	s1 =	simm.s32 @!p0 $0x7  }
0x227: {  	_ =	swait.ge @!p0 [sflag:s1], $0x100  }
0x228: {  	[sflag:s1] =	ssyncset.done @!p0 $0x0  }
0x229: {  	[sflag:s1] =	ssyncadd.s32 @!p0 $0xFFFFFF00  }
0x22a: {  	_ =	swait.ge @!p0 [sflag:s1], $0x100  }
0x22b: {  	[sflag:s1] =	ssyncset.done @!p0 $0x0  }
0x22c: {  	[sflag:s1] =	ssyncadd.s32 @!p0 $0xFFFFFF00;
	s1 =	simm.s32 @!p0 $0x2800  }
0x22d: {  	[tilespmem:s1], [sflag:$0x3] =	stream.indirect.gather @!p0 [hbm4b:s25+s4], $0x10, s20, s4, $0xb8;
	[tilespmem:$0x1D800] =	vst v63  }
0x22e: {  	_ =	swait.ge [sflag:s7], $0x1000  }
0x22f: {  	[sflag:s7] =	ssyncset.done $0x0  }
0x230: {  	[sflag:s7] =	ssyncadd.s32 $0xFFFFF000  }
0x231: {  	[spmem:s30] =	stream.indirect.scatter.add.f32 [tilespmem:s13], [sflag:$0x9], $0x10, s6, s15, $0xb8;
	[tilespmem:$0x1D800] =	vst v63  }
0x232: {  	_ = 	snop  }
0x233: {  	[spmem:s30] =	stream.indirect.scatter.add.f32 [tilespmem:s10], [sflag:$0x9], $0x10, s8, s15, $0xb8;
	[tilespmem:$0x1D800] =	vst v63  }
0x234: {  	_ =	swait.ge [sflag:s18], $0x800  }
.Ltmp3:
0x235: {  	[sflag:s18] =	ssyncset.done $0x0;
	(pc) =	sbr.rel @p0 .LBB2_6-.Ltmp3, $4  }
0x236: {  	[sflag:s18] =	ssyncadd.s32 $0xFFFFF800  }
0x237: {  	_ =	swait.ge [sflag:s18], $0x800  }
0x238: {  	[sflag:s18] =	ssyncset.done $0x0  }
0x239: {  	[sflag:s18] =	ssyncadd.s32 $0xFFFFF800  }
0x23a: {  	s1 =	sadd.s32 s16, s28  }
0x23b: {  	s21 =	sadd.s32 s16, s31;
	s1 =	sadd.s32 $0xE0, s1  }
0x23c: {  	[tilespmem:s5], [sflag:$0x8] =	stream.linear.gather [hbm4b:s1+s26], $0x100, $0x38;
	[tilespmem:$0x1D800] =	vst v63  }
0x23d: {  	s1 =	sadd.s32 $0x310E0, s21  }
0x23e: {  	[tilespmem:s6], [sflag:$0x8] =	stream.linear.gather [hbm4b:s1+s26], $0x100, $0x38;
	[tilespmem:$0x1D800] =	vst v63  }
0x23f: {  	_ =	swait.ge [sflag:s12], $0x100  }
0x240: {  	[sflag:s12] =	ssyncset.done $0x0  }
.Ltmp4:
0x241: {  	[sflag:s12] =	ssyncadd.s32 $0xFFFFFF00;
	(pc) =	sbr.rel .LBB2_4-.Ltmp4, $4  }
0x242: {  	_ =	swait.ge [sflag:s12], $0x100  }
0x243: {  	[sflag:s12] =	ssyncset.done $0x0  }
0x244: {  	s16 =	sadd.s32 $0x80, s16;
	[sflag:s12] =	ssyncadd.s32 $0xFFFFFF00  }
0x245: {  	[tilespmem:s13], [sflag:$0x4] =	stream.indirect.gather [hbm4b:s25+s2], $0x10, s5, s2, $0xb8;
	[tilespmem:$0x1D800] =	vst v63  }
.LBB2_7:
0x246: {  	_ =	sfence.sel $0x180000  }
0x247: {  	[bflag:$0x0] =	sbarrier.arrive $0xFFFF  }
0x248: {  	_ =	strace $0x9000004A  }
0x249: {  	s0 =	stileid.u32;
	[bflag:$0x2] =	sbarrier.arrive $0xFFFF  }
0x24a: {  	p0 =	sne.s32 s0, $0x0;
	s0 =	rddreg [dreg:$0x2]  }
0x24b: {  	s0 =	sadd.s32 @!p0 $0x100000, s0  }
0x24c: {  	[sflag:s0] =	ssyncadd.tile.s32 @!p0 $0x1;
	_ =	shalt  }
.Lfunc_end2:
_tile_overlayer_lowered:
.L_overlay_start_2:
0x24d: {  	(tag) =	ssettag $0x2  }
0x24e: {  	s0 =	rddreg [dreg:$0x0];
	s2 =	stileid.u32  }
0x24f: {  	s1 =	rddreg [dreg:$0x1];
	p0 =	sne.s32 s2, $0x0  }
0x250: {  	s3 =	rddreg [dreg:$0x2];
	[bflag:$0x3] =	sbarrier.arrive $0xFFFF;
	s2 =	simm.s32 @!p0 $0x1C0A  }
0x251: {  	[timem:s3], [sflag:s2] =	dma.local @!p0 [hbm:s0], s1  }
0x252: {  	s0 =	simm.s32 @!p0 $0xA  }
0x253: {  	_ =	swait.ge @!p0 [sflag:s0], s1  }
0x254: {  	s1 =	ssub.s32 @!p0 $0x0, s1;
	[sflag:s0] =	ssyncset.done @!p0 $0x0  }
0x255: {  	[sflag:s0] =	ssyncadd.s32 @!p0 s1  }
0x256: {  	[bflag:$0x3] =	sbarrier.arrive $0xFFFF  }
0x257: {  	_ =	shalt  }

</sc_bundles>
